<compile_context>
chip_gen: v7x
topology: tpu7x:2x2x1
jax: 0.10.2.dev20260603
libtpu: 0.0.44.dev20260713+nightly
codegen_flags: <defaults>
</compile_context>

<pallas_src>
import functools

import jax
import jax.numpy as jnp
from jax import lax
from jax.experimental import pallas as pl
from jax.experimental.pallas import tpu as pltpu
from jax.experimental.pallas import tpu_sc as plsc

_N = 10000
_E = 320000
_D_IN = 128
_H1, _C1 = 8, 8
_H2, _C2 = 1, 128
_EPS = 1e-16
_SLOPE = 0.2
_NT = 16



def _attn_table(a_s, a_d, hh):
    n = a_s.shape[0]
    pad = jnp.full((n, 16 - 2 * hh), -1e30, jnp.float32)
    return jnp.concatenate([a_s, a_d, pad], axis=1)


def _tc_pre_body(x_ref, w_ref, as_ref, ad_ref, h_out, at_out):
    h = jnp.dot(x_ref[...], w_ref[...], preferred_element_type=jnp.float32)
    a_s = jnp.dot(h, as_ref[...], preferred_element_type=jnp.float32)
    a_d = jnp.dot(h, ad_ref[...], preferred_element_type=jnp.float32)
    d = h.shape[1] // 2
    hh = a_s.shape[1] // 2
    h_out[...] = jnp.stack([h[:, :d], h[:, d:]])
    at_out[...] = jnp.stack(
        [_attn_table(a_s[:, :hh], a_d[:, :hh], hh),
         _attn_table(a_s[:, hh:], a_d[:, hh:], hh)])


def _row_block(n):
    for b in (2000, 2500, 1250, 1000, 500, 250, 200, 100):
        if n % b == 0:
            return b
    return n


def _tc_pre(x, w1, as_mat, ad_mat):
    n = x.shape[0]
    d = w1.shape[1]
    bn = _row_block(n)
    h = as_mat.shape[1]
    return pl.pallas_call(
        _tc_pre_body,
        grid=(n // bn,),
        in_specs=[
            pl.BlockSpec((bn, x.shape[1]), lambda i: (i, 0)),
            pl.BlockSpec((x.shape[1], d), lambda i: (0, 0)),
            pl.BlockSpec((d, h), lambda i: (0, 0)),
            pl.BlockSpec((d, h), lambda i: (0, 0)),
        ],
        out_specs=[
            pl.BlockSpec((2, bn, d // 2), lambda i: (0, i, 0)),
            pl.BlockSpec((2, bn, 16), lambda i: (0, i, 0)),
        ],
        out_shape=[
            jax.ShapeDtypeStruct((2, n, d // 2), jnp.float32),
            jax.ShapeDtypeStruct((2, n, 16), jnp.float32),
        ],
    )(x, w1, as_mat, ad_mat)


def _tc_mid_body(o1_ref, b1_ref, w2_ref, a2s_ref, a2d_ref,
                 h2_out, at2_out, *, dh, hh, cc):
    parts = []
    for c in (0, 1):
        o = o1_ref[c, :, :dh]
        den = o1_ref[c, :, dh:dh + hh]
        n = o.shape[0]
        o3 = o.reshape(n, hh, cc)
        den3 = den[:, :, None] + _EPS
        parts.append((o3 / den3).reshape(n, dh))
    hraw = jnp.concatenate(parts, axis=1) + b1_ref[...][None, :]
    h1 = jnp.where(hraw > 0, hraw, jnp.exp(jnp.minimum(hraw, 0.0)) - 1.0)
    h2 = jnp.dot(h1, w2_ref[...], preferred_element_type=jnp.float32)
    a2s = jnp.dot(h2, a2s_ref[...], preferred_element_type=jnp.float32)
    a2d = jnp.dot(h2, a2d_ref[...], preferred_element_type=jnp.float32)
    d2 = h2.shape[1] // 2
    h2_out[...] = jnp.stack([h2[:, :d2], h2[:, d2:]])
    at2 = _attn_table(a2s, a2d, 1)
    at2_out[...] = jnp.stack([at2, at2])


def _tc_mid(o1, b1, w2, a2s_mat, a2d_mat, dh, hh, cc):
    n = o1.shape[1]
    d2 = w2.shape[1]
    bn = _row_block(n)
    dhp = o1.shape[2]
    return pl.pallas_call(
        functools.partial(_tc_mid_body, dh=dh, hh=hh, cc=cc),
        grid=(n // bn,),
        in_specs=[
            pl.BlockSpec((2, bn, dhp), lambda i: (0, i, 0)),
            pl.BlockSpec((2 * dh,), lambda i: (0,)),
            pl.BlockSpec((2 * dh, d2), lambda i: (0, 0)),
            pl.BlockSpec((d2, 1), lambda i: (0, 0)),
            pl.BlockSpec((d2, 1), lambda i: (0, 0)),
        ],
        out_specs=[
            pl.BlockSpec((2, bn, d2 // 2), lambda i: (0, i, 0)),
            pl.BlockSpec((2, bn, 16), lambda i: (0, i, 0)),
        ],
        out_shape=[
            jax.ShapeDtypeStruct((2, n, d2 // 2), jnp.float32),
            jax.ShapeDtypeStruct((2, n, 16), jnp.float32),
        ],
    )(o1, b1, w2, a2s_mat, a2d_mat)


def _tc_fin_body(o2_ref, b2_ref, out_ref, *, dh):
    parts = []
    for c in (0, 1):
        o = o2_ref[c, :, :dh]
        den = o2_ref[c, :, dh:dh + 1] + _EPS
        parts.append(o / den)
    out_ref[...] = jnp.concatenate(parts, axis=1) + b2_ref[...][None, :]


def _tc_fin(o2, b2, dh):
    n = o2.shape[1]
    bn = _row_block(n)
    dhp = o2.shape[2]
    return pl.pallas_call(
        functools.partial(_tc_fin_body, dh=dh),
        grid=(n // bn,),
        in_specs=[
            pl.BlockSpec((2, bn, dhp), lambda i: (0, i, 0)),
            pl.BlockSpec((2 * dh,), lambda i: (0,)),
        ],
        out_specs=pl.BlockSpec((bn, 2 * dh), lambda i: (i, 0)),
        out_shape=jax.ShapeDtypeStruct((n, 2 * dh), jnp.float32),
    )(o2, b2)



_GDN = lax.GatherDimensionNumbers(
    offset_dims=(), collapsed_slice_dims=(0,), start_index_map=(0,))


def _take16(v, idx16):
    return lax.gather(v, idx16[:, None], _GDN, (1,),
                      mode=lax.GatherScatterMode.PROMISE_IN_BOUNDS)

def _make_sc_edge(n, e_real, e_pad, dh, hh, cc, k):
    dhp = dh + 16
    per_tile = e_pad // _NT
    nchunks = per_tile // k
    rpt = n // _NT // 8 * 8
    tail = n - _NT * rpt
    zr = 24
    mesh = plsc.VectorSubcoreMesh(core_axis_name="c", subcore_axis_name="s",
                                  num_cores=2, num_subcores=_NT)

    @functools.partial(
        pl.kernel,
        out_type=jax.ShapeDtypeStruct((2, n, dhp), jnp.float32),
        mesh=mesh,
        compiler_params=pltpu.CompilerParams(needs_layout_passes=False,
                                             use_tc_tiling_on_sc=False),
        scratch_types=[
            pltpu.VMEM_SHARED((n, dh), jnp.float32),
            pltpu.VMEM_SHARED((n, dhp), jnp.float32),
            pltpu.VMEM_SHARED((n, 16), jnp.float32),
            pltpu.VMEM((k,), jnp.int32),
            pltpu.VMEM((k,), jnp.int32),
            pltpu.VMEM((k, 16), jnp.float32),
            pltpu.VMEM((k, 16), jnp.float32),
            pltpu.VMEM((k, dh), jnp.float32),
            pltpu.VMEM((k, dhp), jnp.float32),
            pltpu.VMEM((zr, dhp), jnp.float32),
        ],
    )
    def edge_kernel(h_hbm, at_hbm, src_hbm, dst_hbm, out_hbm,
                    h_s, out_s, a_s, src_i, dst_i, asr, adr, rows, msg,
                    zb):
        c = lax.axis_index("c")
        s = lax.axis_index("s")
        iota16 = lax.broadcasted_iota(jnp.int32, (16,), 0)
        zv = jnp.zeros((16,), jnp.float32)
        shift_idx = jnp.minimum(iota16 + hh, 15)
        seg_idx = [(iota16 + j2 * 16) // cc for j2 in range(dh // 16)]

        for r in range(zr):
            for j in range(dhp // 16):
                zb[r, pl.ds(j * 16, 16)] = zv

        row0 = s * rpt
        nz, rem = divmod(rpt, zr)
        for z in range(nz):
            pltpu.sync_copy(zb, out_s.at[pl.ds(row0 + z * zr, zr)])
        if rem:
            pltpu.sync_copy(zb.at[pl.ds(0, rem)],
                            out_s.at[pl.ds(row0 + nz * zr, rem)])
        pltpu.sync_copy(h_hbm.at[c, pl.ds(row0, rpt)],
                        h_s.at[pl.ds(row0, rpt)])
        pltpu.sync_copy(at_hbm.at[c, pl.ds(row0, rpt)],
                        a_s.at[pl.ds(row0, rpt)])
        if tail:
            @pl.when(s == _NT - 1)
            def _tail_init():
                t0 = _NT * rpt
                pltpu.sync_copy(zb.at[pl.ds(0, tail)],
                                out_s.at[pl.ds(t0, tail)])
                pltpu.sync_copy(h_hbm.at[c, pl.ds(t0, tail)],
                                h_s.at[pl.ds(t0, tail)])
                pltpu.sync_copy(at_hbm.at[c, pl.ds(t0, tail)],
                                a_s.at[pl.ds(t0, tail)])
        plsc.subcore_barrier()

        tile_base = s * per_tile

        def chunk_body(g, carry):
            base = tile_base + g * k
            pltpu.sync_copy(src_hbm.at[pl.ds(base, k)], src_i)
            pltpu.sync_copy(dst_hbm.at[pl.ds(base, k)], dst_i)
            pltpu.sync_copy(a_s.at[src_i], asr)
            pltpu.sync_copy(a_s.at[dst_i], adr)
            pltpu.sync_copy(h_s.at[src_i], rows)

            def edge_body(ei, gc):
                sv = asr[ei, pl.ds(0, 16)]
                dv = adr[ei, pl.ds(0, 16)]
                al = sv + _take16(dv, shift_idx)
                al = jnp.where(al > 0, al, _SLOPE * al)
                ex = jnp.exp(al)
                if e_pad != e_real:
                    ex = ex * (base + ei < e_real).astype(jnp.float32)
                msg[ei, pl.ds(dh, 16)] = ex
                for j2 in range(dh // 16):
                    sc16 = _take16(ex, seg_idx[j2])
                    msg[ei, pl.ds(j2 * 16, 16)] = (
                        rows[ei, pl.ds(j2 * 16, 16)] * sc16)
                return gc
            lax.fori_loop(0, k, edge_body, 0)
            pltpu.sync_copy(msg, out_s.at[dst_i], add=True)
            return carry
        lax.fori_loop(0, nchunks, chunk_body, 0)
        plsc.subcore_barrier()

        pltpu.sync_copy(out_s.at[pl.ds(row0, rpt)],
                        out_hbm.at[c, pl.ds(row0, rpt)])
        if tail:
            @pl.when(s == _NT - 1)
            def _tail_out():
                t0 = _NT * rpt
                pltpu.sync_copy(out_s.at[pl.ds(t0, tail)],
                                out_hbm.at[c, pl.ds(t0, tail)])

    return edge_kernel


def _pick_k(e_pad, pref):
    per_tile = e_pad // _NT
    for k in (pref, 160, 80, 48, 16):
        if k % 16 == 0 and per_tile % k == 0:
            return k
    return 16



def kernel(x, edge_index, W1, att_src1, att_dst1, b1, W2, att_src2,
           att_dst2, b2):
    n = x.shape[0]
    e = edge_index.shape[1]
    h1, c1 = att_src1.shape[1], att_src1.shape[2]
    h2, c2 = att_src2.shape[1], att_src2.shape[2]
    d1, d2 = h1 * c1, h2 * c2

    src = edge_index[0].astype(jnp.int32)
    dst = edge_index[1].astype(jnp.int32)
    e_pad = e
    quant = _NT * 16
    if e_pad % quant:
        e_pad = (e // quant + 1) * quant
    if e_pad != e:
        src = jnp.concatenate([src, jnp.zeros((e_pad - e,), jnp.int32)])
        dst = jnp.concatenate([dst, jnp.zeros((e_pad - e,), jnp.int32)])

    eye1 = jnp.eye(h1, dtype=jnp.float32)
    as1 = (att_src1[0][:, :, None] * eye1[:, None, :]).reshape(d1, h1)
    ad1 = (att_dst1[0][:, :, None] * eye1[:, None, :]).reshape(d1, h1)
    a2s_mat = att_src2.reshape(d2, h2)
    a2d_mat = att_dst2.reshape(d2, h2)

    h1s, at1 = _tc_pre(x, W1, as1, ad1)

    k1 = _pick_k(e_pad, 160)
    sc1 = _make_sc_edge(n, e, e_pad, d1 // 2, h1 // 2, c1, k1)
    o1 = sc1(h1s, at1, src, dst)

    h2s, at2 = _tc_mid(o1, b1, W2, a2s_mat, a2d_mat,
                       d1 // 2, h1 // 2, c1)

    k2 = _pick_k(e_pad, 80)
    sc2 = _make_sc_edge(n, e, e_pad, d2 // 2, max(h2 // 2, 1),
                        d2 // 2 // max(h2 // 2, 1), k2)
    o2 = sc2(h2s, at2, src, dst)

    return _tc_fin(o2, b2, d2 // 2)

# --- scband reference (transcript-rebuilt; emitter-appended) ---
"""Pipeline reference for scband-gat-69544110457527 (READ-ONLY COPY).

The authoritative reference and input builder live on the scoring server;
editing this copy changes nothing except your own understanding.
"""

import jax, jax.numpy as jnp
import numpy as np

N = 10000
E = 320000
D_IN = 128
H1, C1 = 8, 8
H2, C2 = 1, 128


def gat_conv(x, edge_index, W, att_src, att_dst, bias, heads, out_ch, negative_slope=0.2):
    n = x.shape[0]
    h = (x @ W).reshape(n, heads, out_ch)
    a_src = (h * att_src).sum(-1)
    a_dst = (h * att_dst).sum(-1)
    src = edge_index[0]
    dst = edge_index[1]
    alpha = a_src[src] + a_dst[dst]
    alpha = jnp.where(alpha > 0, alpha, negative_slope * alpha)
    amax = jax.ops.segment_max(alpha, dst, num_segments=n)
    amax = jnp.where(jnp.isfinite(amax), amax, 0.0)
    ex = jnp.exp(alpha - amax[dst])
    denom = jax.ops.segment_sum(ex, dst, num_segments=n)
    attn = ex / (denom[dst] + 1e-16)
    msg = h[src] * attn[:, :, None]
    out = jax.ops.segment_sum(msg, dst, num_segments=n)
    return out.reshape(n, heads * out_ch) + bias


def setup_inputs(seed: int = 0):
    key = jax.random.key(seed)
    ks = jax.random.split(key, 10)
    x = jax.random.normal(ks[0], (N, D_IN), dtype=jnp.float32)
    edge_index = jax.random.randint(ks[1], (2, E), 0, N)
    W1 = jax.random.normal(ks[2], (D_IN, H1 * C1), dtype=jnp.float32) * (1.0 / np.sqrt(D_IN))
    att_src1 = jax.random.normal(ks[3], (1, H1, C1), dtype=jnp.float32) * (1.0 / np.sqrt(C1))
    att_dst1 = jax.random.normal(ks[4], (1, H1, C1), dtype=jnp.float32) * (1.0 / np.sqrt(C1))
    b1 = jnp.zeros((H1 * C1,), dtype=jnp.float32)
    W2 = jax.random.normal(ks[5], (H1 * C1, H2 * C2), dtype=jnp.float32) * (1.0 / np.sqrt(H1 * C1))
    att_src2 = jax.random.normal(ks[6], (1, H2, C2), dtype=jnp.float32) * (1.0 / np.sqrt(C2))
    att_dst2 = jax.random.normal(ks[7], (1, H2, C2), dtype=jnp.float32) * (1.0 / np.sqrt(C2))
    b2 = jnp.zeros((H2 * C2,), dtype=jnp.float32)
    return {"x": x, "edge_index": edge_index, "W1": W1, "att_src1": att_src1, "att_dst1": att_dst1, "b1": b1, "W2": W2, "att_src2": att_src2, "att_dst2": att_dst2, "b2": b2}


def reference(x, edge_index, W1, att_src1, att_dst1, b1, W2, att_src2, att_dst2, b2):
    h = gat_conv(x, edge_index, W1, att_src1, att_dst1, b1, H1, C1)
    h = jax.nn.elu(h)
    out = gat_conv(h, edge_index, W2, att_src2, att_dst2, b2, H2, C2)
    return out

if __name__ == "__main__":
    import jax
    _d = setup_inputs()
    print(jax.jit(kernel)(*tuple(_d.values())))

</pallas_src>

<mosaic_0001>
#map = affine_map<(d0, d1) -> (0, 0, 0)>
#map1 = affine_map<(d0, d1) -> (0)>
module attributes {stable_mosaic.version = 14 : i64} {
  func.func @edge_kernel(%arg0: i32, %arg1: i32, %arg2: memref<2x10000x32xf32, #tpu.memory_space<hbm>>, %arg3: memref<2x10000x16xf32, #tpu.memory_space<hbm>>, %arg4: memref<320000xi32, #tpu.memory_space<hbm>>, %arg5: memref<320000xi32, #tpu.memory_space<hbm>>, %arg6: memref<2x10000x48xf32, #tpu.memory_space<hbm>>, %arg7: memref<10000x32xf32, #tpu.memory_space<vmem_shared>>, %arg8: memref<10000x48xf32, #tpu.memory_space<vmem_shared>>, %arg9: memref<10000x16xf32, #tpu.memory_space<vmem_shared>>, %arg10: memref<160xi32, #tpu.memory_space<vmem>>, %arg11: memref<160xi32, #tpu.memory_space<vmem>>, %arg12: memref<160x16xf32, #tpu.memory_space<vmem>>, %arg13: memref<160x16xf32, #tpu.memory_space<vmem>>, %arg14: memref<160x32xf32, #tpu.memory_space<vmem>>, %arg15: memref<160x48xf32, #tpu.memory_space<vmem>>, %arg16: memref<24x48xf32, #tpu.memory_space<vmem>>) attributes {dimension_semantics = [#tpu.dimension_semantics<core_parallel>, #tpu.dimension_semantics<subcore_parallel>], iteration_bounds = array<i64: 2, 16>, scalar_prefetch = 0 : i64, scratch_operands = 10 : i64, tpu.core_type = #tpu.core_type<sc_vector_subcore>, window_params = [{transform_indices = #map}, {transform_indices = #map}, {transform_indices = #map1}, {transform_indices = #map1}, {transform_indices = #map}]} {
    %iota3A = tpu.iota {dimensions = array<i32: 0>} : vector<16xi32>
    %broadcast_in_dim3A = arith.constant 0.000000e+00 : f32
    %broadcast_in_dim3A_0 = vector.broadcast %broadcast_in_dim3A : f32 to vector<16xf32>
    %add3A = arith.constant 4 : i32
    %add3A_1 = vector.broadcast %add3A : i32 to vector<16xi32>
    %add3A_2 = arith.addi %iota3A, %add3A_1 : vector<16xi32>
    %min3A = arith.constant 15 : i32
    %min3A_3 = vector.broadcast %min3A : i32 to vector<16xi32>
    %min3A_4 = arith.minsi %add3A_2, %min3A_3 : vector<16xi32>
    %add3A_5 = arith.constant 0 : i32
    %add3A_6 = vector.broadcast %add3A_5 : i32 to vector<16xi32>
    %add3A_7 = arith.addi %iota3A, %add3A_6 : vector<16xi32>
    %jit3A = arith.constant 8 : i32
    %div3A = vector.broadcast %jit3A : i32 to vector<16xi32>
    %div3A_8 = arith.divsi %add3A_7, %div3A : vector<16xi32>
    %sign3A = arith.constant 0 : i32
    %sign3A_9 = vector.broadcast %sign3A : i32 to vector<16xi32>
    %sign3A_10 = arith.cmpi sgt, %add3A_7, %sign3A_9 : vector<16xi32>
    %sign3A_11 = arith.extui %sign3A_10 : vector<16xi1> to vector<16xi32>
    %sign3A_12 = arith.constant 0 : i32
    %sign3A_13 = vector.broadcast %sign3A_12 : i32 to vector<16xi32>
    %sign3A_14 = arith.cmpi slt, %add3A_7, %sign3A_13 : vector<16xi32>
    %sign3A_15 = arith.extui %sign3A_14 : vector<16xi1> to vector<16xi32>
    %sign3A_16 = arith.subi %sign3A_11, %sign3A_15 : vector<16xi32>
    %sign3A_17 = arith.constant 0 : i32
    %sign3A_18 = arith.cmpi sgt, %jit3A, %sign3A_17 : i32
    %sign3A_19 = arith.extui %sign3A_18 : i1 to i32
    %sign3A_20 = arith.constant 0 : i32
    %sign3A_21 = arith.cmpi slt, %jit3A, %sign3A_20 : i32
    %sign3A_22 = arith.extui %sign3A_21 : i1 to i32
    %sign3A_23 = arith.subi %sign3A_19, %sign3A_22 : i32
    %ne3A = vector.broadcast %sign3A_23 : i32 to vector<16xi32>
    %ne3A_24 = arith.cmpi ne, %sign3A_16, %ne3A : vector<16xi32>
    %rem3A = vector.broadcast %jit3A : i32 to vector<16xi32>
    %rem3A_25 = arith.remsi %add3A_7, %rem3A : vector<16xi32>
    %ne3A_26 = arith.constant 0 : i32
    %ne3A_27 = vector.broadcast %ne3A_26 : i32 to vector<16xi32>
    %ne3A_28 = arith.cmpi ne, %rem3A_25, %ne3A_27 : vector<16xi32>
    %and3A = arith.andi %ne3A_24, %ne3A_28 : vector<16xi1>
    %sub3A = arith.constant 1 : i32
    %sub3A_29 = vector.broadcast %sub3A : i32 to vector<16xi32>
    %sub3A_30 = arith.subi %div3A_8, %sub3A_29 : vector<16xi32>
    %select_n3A = arith.select %and3A, %sub3A_30, %div3A_8 : vector<16xi1>, vector<16xi32>
    %add3A_31 = arith.constant 16 : i32
    %add3A_32 = vector.broadcast %add3A_31 : i32 to vector<16xi32>
    %add3A_33 = arith.addi %iota3A, %add3A_32 : vector<16xi32>
    %jit3A_34 = arith.constant 8 : i32
    %div3A_35 = vector.broadcast %jit3A_34 : i32 to vector<16xi32>
    %div3A_36 = arith.divsi %add3A_33, %div3A_35 : vector<16xi32>
    %sign3A_37 = arith.constant 0 : i32
    %sign3A_38 = vector.broadcast %sign3A_37 : i32 to vector<16xi32>
    %sign3A_39 = arith.cmpi sgt, %add3A_33, %sign3A_38 : vector<16xi32>
    %sign3A_40 = arith.extui %sign3A_39 : vector<16xi1> to vector<16xi32>
    %sign3A_41 = arith.constant 0 : i32
    %sign3A_42 = vector.broadcast %sign3A_41 : i32 to vector<16xi32>
    %sign3A_43 = arith.cmpi slt, %add3A_33, %sign3A_42 : vector<16xi32>
    %sign3A_44 = arith.extui %sign3A_43 : vector<16xi1> to vector<16xi32>
    %sign3A_45 = arith.subi %sign3A_40, %sign3A_44 : vector<16xi32>
    %sign3A_46 = arith.constant 0 : i32
    %sign3A_47 = arith.cmpi sgt, %jit3A_34, %sign3A_46 : i32
    %sign3A_48 = arith.extui %sign3A_47 : i1 to i32
    %sign3A_49 = arith.constant 0 : i32
    %sign3A_50 = arith.cmpi slt, %jit3A_34, %sign3A_49 : i32
    %sign3A_51 = arith.extui %sign3A_50 : i1 to i32
    %sign3A_52 = arith.subi %sign3A_48, %sign3A_51 : i32
    %ne3A_53 = vector.broadcast %sign3A_52 : i32 to vector<16xi32>
    %ne3A_54 = arith.cmpi ne, %sign3A_45, %ne3A_53 : vector<16xi32>
    %rem3A_55 = vector.broadcast %jit3A_34 : i32 to vector<16xi32>
    %rem3A_56 = arith.remsi %add3A_33, %rem3A_55 : vector<16xi32>
    %ne3A_57 = arith.constant 0 : i32
    %ne3A_58 = vector.broadcast %ne3A_57 : i32 to vector<16xi32>
    %ne3A_59 = arith.cmpi ne, %rem3A_56, %ne3A_58 : vector<16xi32>
    %and3A_60 = arith.andi %ne3A_54, %ne3A_59 : vector<16xi1>
    %sub3A_61 = arith.constant 1 : i32
    %sub3A_62 = vector.broadcast %sub3A_61 : i32 to vector<16xi32>
    %sub3A_63 = arith.subi %div3A_36, %sub3A_62 : vector<16xi32>
    %select_n3A_64 = arith.select %and3A_60, %sub3A_63, %div3A_36 : vector<16xi1>, vector<16xi32>
    %swap3A = arith.constant 0 : i32
    %swap3A_65 = arith.index_cast %swap3A : i32 to index
    %swap3A_66 = arith.constant 0 : index
    %swap3A_67 = tpu.vector_load %arg16[%swap3A_65, %swap3A_66] {strides = array<i32>} : memref<24x48xf32, #tpu.memory_space<vmem>>, vector<16xf32>,
    tpu.vector_store %arg16[%swap3A_65, %swap3A_66], %broadcast_in_dim3A_0 {strides = array<i32>} : memref<24x48xf32, #tpu.memory_space<vmem>>, vector<16xf32>,
    %swap3A_68 = arith.constant 0 : i32
    %swap3A_69 = arith.index_cast %swap3A_68 : i32 to index
    %swap3A_70 = arith.constant 16 : index
    %swap3A_71 = tpu.vector_load %arg16[%swap3A_69, %swap3A_70] {strides = array<i32>} : memref<24x48xf32, #tpu.memory_space<vmem>>, vector<16xf32>,
    tpu.vector_store %arg16[%swap3A_69, %swap3A_70], %broadcast_in_dim3A_0 {strides = array<i32>} : memref<24x48xf32, #tpu.memory_space<vmem>>, vector<16xf32>,
    %swap3A_72 = arith.constant 0 : i32
    %swap3A_73 = arith.index_cast %swap3A_72 : i32 to index
    %swap3A_74 = arith.constant 32 : index
    %swap3A_75 = tpu.vector_load %arg16[%swap3A_73, %swap3A_74] {strides = array<i32>} : memref<24x48xf32, #tpu.memory_space<vmem>>, vector<16xf32>,
    tpu.vector_store %arg16[%swap3A_73, %swap3A_74], %broadcast_in_dim3A_0 {strides = array<i32>} : memref<24x48xf32, #tpu.memory_space<vmem>>, vector<16xf32>,
    %swap3A_76 = arith.constant 1 : i32
    %swap3A_77 = arith.index_cast %swap3A_76 : i32 to index
    %swap3A_78 = arith.constant 0 : index
    %swap3A_79 = tpu.vector_load %arg16[%swap3A_77, %swap3A_78] {strides = array<i32>} : memref<24x48xf32, #tpu.memory_space<vmem>>, vector<16xf32>,
    tpu.vector_store %arg16[%swap3A_77, %swap3A_78], %broadcast_in_dim3A_0 {strides = array<i32>} : memref<24x48xf32, #tpu.memory_space<vmem>>, vector<16xf32>,
    %swap3A_80 = arith.constant 1 : i32
    %swap3A_81 = arith.index_cast %swap3A_80 : i32 to index
    %swap3A_82 = arith.constant 16 : index
    %swap3A_83 = tpu.vector_load %arg16[%swap3A_81, %swap3A_82] {strides = array<i32>} : memref<24x48xf32, #tpu.memory_space<vmem>>, vector<16xf32>,
    tpu.vector_store %arg16[%swap3A_81, %swap3A_82], %broadcast_in_dim3A_0 {strides = array<i32>} : memref<24x48xf32, #tpu.memory_space<vmem>>, vector<16xf32>,
    %swap3A_84 = arith.constant 1 : i32
    %swap3A_85 = arith.index_cast %swap3A_84 : i32 to index
    %swap3A_86 = arith.constant 32 : index
    %swap3A_87 = tpu.vector_load %arg16[%swap3A_85, %swap3A_86] {strides = array<i32>} : memref<24x48xf32, #tpu.memory_space<vmem>>, vector<16xf32>,
    tpu.vector_store %arg16[%swap3A_85, %swap3A_86], %broadcast_in_dim3A_0 {strides = array<i32>} : memref<24x48xf32, #tpu.memory_space<vmem>>, vector<16xf32>,
    %swap3A_88 = arith.constant 2 : i32
    %swap3A_89 = arith.index_cast %swap3A_88 : i32 to index
    %swap3A_90 = arith.constant 0 : index
    %swap3A_91 = tpu.vector_load %arg16[%swap3A_89, %swap3A_90] {strides = array<i32>} : memref<24x48xf32, #tpu.memory_space<vmem>>, vector<16xf32>,
    tpu.vector_store %arg16[%swap3A_89, %swap3A_90], %broadcast_in_dim3A_0 {strides = array<i32>} : memref<24x48xf32, #tpu.memory_space<vmem>>, vector<16xf32>,
    %swap3A_92 = arith.constant 2 : i32
    %swap3A_93 = arith.index_cast %swap3A_92 : i32 to index
    %swap3A_94 = arith.constant 16 : index
    %swap3A_95 = tpu.vector_load %arg16[%swap3A_93, %swap3A_94] {strides = array<i32>} : memref<24x48xf32, #tpu.memory_space<vmem>>, vector<16xf32>,
    tpu.vector_store %arg16[%swap3A_93, %swap3A_94], %broadcast_in_dim3A_0 {strides = array<i32>} : memref<24x48xf32, #tpu.memory_space<vmem>>, vector<16xf32>,
    %swap3A_96 = arith.constant 2 : i32
    %swap3A_97 = arith.index_cast %swap3A_96 : i32 to index
    %swap3A_98 = arith.constant 32 : index
    %swap3A_99 = tpu.vector_load %arg16[%swap3A_97, %swap3A_98] {strides = array<i32>} : memref<24x48xf32, #tpu.memory_space<vmem>>, vector<16xf32>,
    tpu.vector_store %arg16[%swap3A_97, %swap3A_98], %broadcast_in_dim3A_0 {strides = array<i32>} : memref<24x48xf32, #tpu.memory_space<vmem>>, vector<16xf32>,
    %swap3A_100 = arith.constant 3 : i32
    %swap3A_101 = arith.index_cast %swap3A_100 : i32 to index
    %swap3A_102 = arith.constant 0 : index
    %swap3A_103 = tpu.vector_load %arg16[%swap3A_101, %swap3A_102] {strides = array<i32>} : memref<24x48xf32, #tpu.memory_space<vmem>>, vector<16xf32>,
    tpu.vector_store %arg16[%swap3A_101, %swap3A_102], %broadcast_in_dim3A_0 {strides = array<i32>} : memref<24x48xf32, #tpu.memory_space<vmem>>, vector<16xf32>,
    %swap3A_104 = arith.constant 3 : i32
    %swap3A_105 = arith.index_cast %swap3A_104 : i32 to index
    %swap3A_106 = arith.constant 16 : index
    %swap3A_107 = tpu.vector_load %arg16[%swap3A_105, %swap3A_106] {strides = array<i32>} : memref<24x48xf32, #tpu.memory_space<vmem>>, vector<16xf32>,
    tpu.vector_store %arg16[%swap3A_105, %swap3A_106], %broadcast_in_dim3A_0 {strides = array<i32>} : memref<24x48xf32, #tpu.memory_space<vmem>>, vector<16xf32>,
    %swap3A_108 = arith.constant 3 : i32
    %swap3A_109 = arith.index_cast %swap3A_108 : i32 to index
    %swap3A_110 = arith.constant 32 : index
    %swap3A_111 = tpu.vector_load %arg16[%swap3A_109, %swap3A_110] {strides = array<i32>} : memref<24x48xf32, #tpu.memory_space<vmem>>, vector<16xf32>,
    tpu.vector_store %arg16[%swap3A_109, %swap3A_110], %broadcast_in_dim3A_0 {strides = array<i32>} : memref<24x48xf32, #tpu.memory_space<vmem>>, vector<16xf32>,
    %swap3A_112 = arith.constant 4 : i32
    %swap3A_113 = arith.index_cast %swap3A_112 : i32 to index
    %swap3A_114 = arith.constant 0 : index
    %swap3A_115 = tpu.vector_load %arg16[%swap3A_113, %swap3A_114] {strides = array<i32>} : memref<24x48xf32, #tpu.memory_space<vmem>>, vector<16xf32>,
    tpu.vector_store %arg16[%swap3A_113, %swap3A_114], %broadcast_in_dim3A_0 {strides = array<i32>} : memref<24x48xf32, #tpu.memory_space<vmem>>, vector<16xf32>,
    %swap3A_116 = arith.constant 4 : i32
    %swap3A_117 = arith.index_cast %swap3A_116 : i32 to index
    %swap3A_118 = arith.constant 16 : index
    %swap3A_119 = tpu.vector_load %arg16[%swap3A_117, %swap3A_118] {strides = array<i32>} : memref<24x48xf32, #tpu.memory_space<vmem>>, vector<16xf32>,
    tpu.vector_store %arg16[%swap3A_117, %swap3A_118], %broadcast_in_dim3A_0 {strides = array<i32>} : memref<24x48xf32, #tpu.memory_space<vmem>>, vector<16xf32>,
    %swap3A_120 = arith.constant 4 : i32
    %swap3A_121 = arith.index_cast %swap3A_120 : i32 to index
    %swap3A_122 = arith.constant 32 : index
    %swap3A_123 = tpu.vector_load %arg16[%swap3A_121, %swap3A_122] {strides = array<i32>} : memref<24x48xf32, #tpu.memory_space<vmem>>, vector<16xf32>,
    tpu.vector_store %arg16[%swap3A_121, %swap3A_122], %broadcast_in_dim3A_0 {strides = array<i32>} : memref<24x48xf32, #tpu.memory_space<vmem>>, vector<16xf32>,
    %swap3A_124 = arith.constant 5 : i32
    %swap3A_125 = arith.index_cast %swap3A_124 : i32 to index
    %swap3A_126 = arith.constant 0 : index
    %swap3A_127 = tpu.vector_load %arg16[%swap3A_125, %swap3A_126] {strides = array<i32>} : memref<24x48xf32, #tpu.memory_space<vmem>>, vector<16xf32>,
    tpu.vector_store %arg16[%swap3A_125, %swap3A_126], %broadcast_in_dim3A_0 {strides = array<i32>} : memref<24x48xf32, #tpu.memory_space<vmem>>, vector<16xf32>,
    %swap3A_128 = arith.constant 5 : i32
    %swap3A_129 = arith.index_cast %swap3A_128 : i32 to index
    %swap3A_130 = arith.constant 16 : index
    %swap3A_131 = tpu.vector_load %arg16[%swap3A_129, %swap3A_130] {strides = array<i32>} : memref<24x48xf32, #tpu.memory_space<vmem>>, vector<16xf32>,
    tpu.vector_store %arg16[%swap3A_129, %swap3A_130], %broadcast_in_dim3A_0 {strides = array<i32>} : memref<24x48xf32, #tpu.memory_space<vmem>>, vector<16xf32>,
    %swap3A_132 = arith.constant 5 : i32
    %swap3A_133 = arith.index_cast %swap3A_132 : i32 to index
    %swap3A_134 = arith.constant 32 : index
    %swap3A_135 = tpu.vector_load %arg16[%swap3A_133, %swap3A_134] {strides = array<i32>} : memref<24x48xf32, #tpu.memory_space<vmem>>, vector<16xf32>,
    tpu.vector_store %arg16[%swap3A_133, %swap3A_134], %broadcast_in_dim3A_0 {strides = array<i32>} : memref<24x48xf32, #tpu.memory_space<vmem>>, vector<16xf32>,
    %swap3A_136 = arith.constant 6 : i32
    %swap3A_137 = arith.index_cast %swap3A_136 : i32 to index
    %swap3A_138 = arith.constant 0 : index
    %swap3A_139 = tpu.vector_load %arg16[%swap3A_137, %swap3A_138] {strides = array<i32>} : memref<24x48xf32, #tpu.memory_space<vmem>>, vector<16xf32>,
    tpu.vector_store %arg16[%swap3A_137, %swap3A_138], %broadcast_in_dim3A_0 {strides = array<i32>} : memref<24x48xf32, #tpu.memory_space<vmem>>, vector<16xf32>,
    %swap3A_140 = arith.constant 6 : i32
    %swap3A_141 = arith.index_cast %swap3A_140 : i32 to index
    %swap3A_142 = arith.constant 16 : index
    %swap3A_143 = tpu.vector_load %arg16[%swap3A_141, %swap3A_142] {strides = array<i32>} : memref<24x48xf32, #tpu.memory_space<vmem>>, vector<16xf32>,
    tpu.vector_store %arg16[%swap3A_141, %swap3A_142], %broadcast_in_dim3A_0 {strides = array<i32>} : memref<24x48xf32, #tpu.memory_space<vmem>>, vector<16xf32>,
    %swap3A_144 = arith.constant 6 : i32
    %swap3A_145 = arith.index_cast %swap3A_144 : i32 to index
    %swap3A_146 = arith.constant 32 : index
    %swap3A_147 = tpu.vector_load %arg16[%swap3A_145, %swap3A_146] {strides = array<i32>} : memref<24x48xf32, #tpu.memory_space<vmem>>, vector<16xf32>,
    tpu.vector_store %arg16[%swap3A_145, %swap3A_146], %broadcast_in_dim3A_0 {strides = array<i32>} : memref<24x48xf32, #tpu.memory_space<vmem>>, vector<16xf32>,
    %swap3A_148 = arith.constant 7 : i32
    %swap3A_149 = arith.index_cast %swap3A_148 : i32 to index
    %swap3A_150 = arith.constant 0 : index
    %swap3A_151 = tpu.vector_load %arg16[%swap3A_149, %swap3A_150] {strides = array<i32>} : memref<24x48xf32, #tpu.memory_space<vmem>>, vector<16xf32>,
    tpu.vector_store %arg16[%swap3A_149, %swap3A_150], %broadcast_in_dim3A_0 {strides = array<i32>} : memref<24x48xf32, #tpu.memory_space<vmem>>, vector<16xf32>,
    %swap3A_152 = arith.constant 7 : i32
    %swap3A_153 = arith.index_cast %swap3A_152 : i32 to index
    %swap3A_154 = arith.constant 16 : index
    %swap3A_155 = tpu.vector_load %arg16[%swap3A_153, %swap3A_154] {strides = array<i32>} : memref<24x48xf32, #tpu.memory_space<vmem>>, vector<16xf32>,
    tpu.vector_store %arg16[%swap3A_153, %swap3A_154], %broadcast_in_dim3A_0 {strides = array<i32>} : memref<24x48xf32, #tpu.memory_space<vmem>>, vector<16xf32>,
    %swap3A_156 = arith.constant 7 : i32
    %swap3A_157 = arith.index_cast %swap3A_156 : i32 to index
    %swap3A_158 = arith.constant 32 : index
    %swap3A_159 = tpu.vector_load %arg16[%swap3A_157, %swap3A_158] {strides = array<i32>} : memref<24x48xf32, #tpu.memory_space<vmem>>, vector<16xf32>,
    tpu.vector_store %arg16[%swap3A_157, %swap3A_158], %broadcast_in_dim3A_0 {strides = array<i32>} : memref<24x48xf32, #tpu.memory_space<vmem>>, vector<16xf32>,
    %swap3A_160 = arith.constant 8 : i32
    %swap3A_161 = arith.index_cast %swap3A_160 : i32 to index
    %swap3A_162 = arith.constant 0 : index
    %swap3A_163 = tpu.vector_load %arg16[%swap3A_161, %swap3A_162] {strides = array<i32>} : memref<24x48xf32, #tpu.memory_space<vmem>>, vector<16xf32>,
    tpu.vector_store %arg16[%swap3A_161, %swap3A_162], %broadcast_in_dim3A_0 {strides = array<i32>} : memref<24x48xf32, #tpu.memory_space<vmem>>, vector<16xf32>,
    %swap3A_164 = arith.constant 8 : i32
    %swap3A_165 = arith.index_cast %swap3A_164 : i32 to index
    %swap3A_166 = arith.constant 16 : index
    %swap3A_167 = tpu.vector_load %arg16[%swap3A_165, %swap3A_166] {strides = array<i32>} : memref<24x48xf32, #tpu.memory_space<vmem>>, vector<16xf32>,
    tpu.vector_store %arg16[%swap3A_165, %swap3A_166], %broadcast_in_dim3A_0 {strides = array<i32>} : memref<24x48xf32, #tpu.memory_space<vmem>>, vector<16xf32>,
    %swap3A_168 = arith.constant 8 : i32
    %swap3A_169 = arith.index_cast %swap3A_168 : i32 to index
    %swap3A_170 = arith.constant 32 : index
    %swap3A_171 = tpu.vector_load %arg16[%swap3A_169, %swap3A_170] {strides = array<i32>} : memref<24x48xf32, #tpu.memory_space<vmem>>, vector<16xf32>,
    tpu.vector_store %arg16[%swap3A_169, %swap3A_170], %broadcast_in_dim3A_0 {strides = array<i32>} : memref<24x48xf32, #tpu.memory_space<vmem>>, vector<16xf32>,
    %swap3A_172 = arith.constant 9 : i32
    %swap3A_173 = arith.index_cast %swap3A_172 : i32 to index
    %swap3A_174 = arith.constant 0 : index
    %swap3A_175 = tpu.vector_load %arg16[%swap3A_173, %swap3A_174] {strides = array<i32>} : memref<24x48xf32, #tpu.memory_space<vmem>>, vector<16xf32>,
    tpu.vector_store %arg16[%swap3A_173, %swap3A_174], %broadcast_in_dim3A_0 {strides = array<i32>} : memref<24x48xf32, #tpu.memory_space<vmem>>, vector<16xf32>,
    %swap3A_176 = arith.constant 9 : i32
    %swap3A_177 = arith.index_cast %swap3A_176 : i32 to index
    %swap3A_178 = arith.constant 16 : index
    %swap3A_179 = tpu.vector_load %arg16[%swap3A_177, %swap3A_178] {strides = array<i32>} : memref<24x48xf32, #tpu.memory_space<vmem>>, vector<16xf32>,
    tpu.vector_store %arg16[%swap3A_177, %swap3A_178], %broadcast_in_dim3A_0 {strides = array<i32>} : memref<24x48xf32, #tpu.memory_space<vmem>>, vector<16xf32>,
    %swap3A_180 = arith.constant 9 : i32
    %swap3A_181 = arith.index_cast %swap3A_180 : i32 to index
    %swap3A_182 = arith.constant 32 : index
    %swap3A_183 = tpu.vector_load %arg16[%swap3A_181, %swap3A_182] {strides = array<i32>} : memref<24x48xf32, #tpu.memory_space<vmem>>, vector<16xf32>,
    tpu.vector_store %arg16[%swap3A_181, %swap3A_182], %broadcast_in_dim3A_0 {strides = array<i32>} : memref<24x48xf32, #tpu.memory_space<vmem>>, vector<16xf32>,
    %swap3A_184 = arith.constant 10 : i32
    %swap3A_185 = arith.index_cast %swap3A_184 : i32 to index
    %swap3A_186 = arith.constant 0 : index
    %swap3A_187 = tpu.vector_load %arg16[%swap3A_185, %swap3A_186] {strides = array<i32>} : memref<24x48xf32, #tpu.memory_space<vmem>>, vector<16xf32>,
    tpu.vector_store %arg16[%swap3A_185, %swap3A_186], %broadcast_in_dim3A_0 {strides = array<i32>} : memref<24x48xf32, #tpu.memory_space<vmem>>, vector<16xf32>,
    %swap3A_188 = arith.constant 10 : i32
    %swap3A_189 = arith.index_cast %swap3A_188 : i32 to index
    %swap3A_190 = arith.constant 16 : index
    %swap3A_191 = tpu.vector_load %arg16[%swap3A_189, %swap3A_190] {strides = array<i32>} : memref<24x48xf32, #tpu.memory_space<vmem>>, vector<16xf32>,
    tpu.vector_store %arg16[%swap3A_189, %swap3A_190], %broadcast_in_dim3A_0 {strides = array<i32>} : memref<24x48xf32, #tpu.memory_space<vmem>>, vector<16xf32>,
    %swap3A_192 = arith.constant 10 : i32
    %swap3A_193 = arith.index_cast %swap3A_192 : i32 to index
    %swap3A_194 = arith.constant 32 : index
    %swap3A_195 = tpu.vector_load %arg16[%swap3A_193, %swap3A_194] {strides = array<i32>} : memref<24x48xf32, #tpu.memory_space<vmem>>, vector<16xf32>,
    tpu.vector_store %arg16[%swap3A_193, %swap3A_194], %broadcast_in_dim3A_0 {strides = array<i32>} : memref<24x48xf32, #tpu.memory_space<vmem>>, vector<16xf32>,
    %swap3A_196 = arith.constant 11 : i32
    %swap3A_197 = arith.index_cast %swap3A_196 : i32 to index
    %swap3A_198 = arith.constant 0 : index
    %swap3A_199 = tpu.vector_load %arg16[%swap3A_197, %swap3A_198] {strides = array<i32>} : memref<24x48xf32, #tpu.memory_space<vmem>>, vector<16xf32>,
    tpu.vector_store %arg16[%swap3A_197, %swap3A_198], %broadcast_in_dim3A_0 {strides = array<i32>} : memref<24x48xf32, #tpu.memory_space<vmem>>, vector<16xf32>,
    %swap3A_200 = arith.constant 11 : i32
    %swap3A_201 = arith.index_cast %swap3A_200 : i32 to index
    %swap3A_202 = arith.constant 16 : index
    %swap3A_203 = tpu.vector_load %arg16[%swap3A_201, %swap3A_202] {strides = array<i32>} : memref<24x48xf32, #tpu.memory_space<vmem>>, vector<16xf32>,
    tpu.vector_store %arg16[%swap3A_201, %swap3A_202], %broadcast_in_dim3A_0 {strides = array<i32>} : memref<24x48xf32, #tpu.memory_space<vmem>>, vector<16xf32>,
    %swap3A_204 = arith.constant 11 : i32
    %swap3A_205 = arith.index_cast %swap3A_204 : i32 to index
    %swap3A_206 = arith.constant 32 : index
    %swap3A_207 = tpu.vector_load %arg16[%swap3A_205, %swap3A_206] {strides = array<i32>} : memref<24x48xf32, #tpu.memory_space<vmem>>, vector<16xf32>,
    tpu.vector_store %arg16[%swap3A_205, %swap3A_206], %broadcast_in_dim3A_0 {strides = array<i32>} : memref<24x48xf32, #tpu.memory_space<vmem>>, vector<16xf32>,
    %swap3A_208 = arith.constant 12 : i32
    %swap3A_209 = arith.index_cast %swap3A_208 : i32 to index
    %swap3A_210 = arith.constant 0 : index
    %swap3A_211 = tpu.vector_load %arg16[%swap3A_209, %swap3A_210] {strides = array<i32>} : memref<24x48xf32, #tpu.memory_space<vmem>>, vector<16xf32>,
    tpu.vector_store %arg16[%swap3A_209, %swap3A_210], %broadcast_in_dim3A_0 {strides = array<i32>} : memref<24x48xf32, #tpu.memory_space<vmem>>, vector<16xf32>,
    %swap3A_212 = arith.constant 12 : i32
    %swap3A_213 = arith.index_cast %swap3A_212 : i32 to index
    %swap3A_214 = arith.constant 16 : index
    %swap3A_215 = tpu.vector_load %arg16[%swap3A_213, %swap3A_214] {strides = array<i32>} : memref<24x48xf32, #tpu.memory_space<vmem>>, vector<16xf32>,
    tpu.vector_store %arg16[%swap3A_213, %swap3A_214], %broadcast_in_dim3A_0 {strides = array<i32>} : memref<24x48xf32, #tpu.memory_space<vmem>>, vector<16xf32>,
    %swap3A_216 = arith.constant 12 : i32
    %swap3A_217 = arith.index_cast %swap3A_216 : i32 to index
    %swap3A_218 = arith.constant 32 : index
    %swap3A_219 = tpu.vector_load %arg16[%swap3A_217, %swap3A_218] {strides = array<i32>} : memref<24x48xf32, #tpu.memory_space<vmem>>, vector<16xf32>,
    tpu.vector_store %arg16[%swap3A_217, %swap3A_218], %broadcast_in_dim3A_0 {strides = array<i32>} : memref<24x48xf32, #tpu.memory_space<vmem>>, vector<16xf32>,
    %swap3A_220 = arith.constant 13 : i32
    %swap3A_221 = arith.index_cast %swap3A_220 : i32 to index
    %swap3A_222 = arith.constant 0 : index
    %swap3A_223 = tpu.vector_load %arg16[%swap3A_221, %swap3A_222] {strides = array<i32>} : memref<24x48xf32, #tpu.memory_space<vmem>>, vector<16xf32>,
    tpu.vector_store %arg16[%swap3A_221, %swap3A_222], %broadcast_in_dim3A_0 {strides = array<i32>} : memref<24x48xf32, #tpu.memory_space<vmem>>, vector<16xf32>,
    %swap3A_224 = arith.constant 13 : i32
    %swap3A_225 = arith.index_cast %swap3A_224 : i32 to index
    %swap3A_226 = arith.constant 16 : index
    %swap3A_227 = tpu.vector_load %arg16[%swap3A_225, %swap3A_226] {strides = array<i32>} : memref<24x48xf32, #tpu.memory_space<vmem>>, vector<16xf32>,
    tpu.vector_store %arg16[%swap3A_225, %swap3A_226], %broadcast_in_dim3A_0 {strides = array<i32>} : memref<24x48xf32, #tpu.memory_space<vmem>>, vector<16xf32>,
    %swap3A_228 = arith.constant 13 : i32
    %swap3A_229 = arith.index_cast %swap3A_228 : i32 to index
    %swap3A_230 = arith.constant 32 : index
    %swap3A_231 = tpu.vector_load %arg16[%swap3A_229, %swap3A_230] {strides = array<i32>} : memref<24x48xf32, #tpu.memory_space<vmem>>, vector<16xf32>,
    tpu.vector_store %arg16[%swap3A_229, %swap3A_230], %broadcast_in_dim3A_0 {strides = array<i32>} : memref<24x48xf32, #tpu.memory_space<vmem>>, vector<16xf32>,
    %swap3A_232 = arith.constant 14 : i32
    %swap3A_233 = arith.index_cast %swap3A_232 : i32 to index
    %swap3A_234 = arith.constant 0 : index
    %swap3A_235 = tpu.vector_load %arg16[%swap3A_233, %swap3A_234] {strides = array<i32>} : memref<24x48xf32, #tpu.memory_space<vmem>>, vector<16xf32>,
    tpu.vector_store %arg16[%swap3A_233, %swap3A_234], %broadcast_in_dim3A_0 {strides = array<i32>} : memref<24x48xf32, #tpu.memory_space<vmem>>, vector<16xf32>,
    %swap3A_236 = arith.constant 14 : i32
    %swap3A_237 = arith.index_cast %swap3A_236 : i32 to index
    %swap3A_238 = arith.constant 16 : index
    %swap3A_239 = tpu.vector_load %arg16[%swap3A_237, %swap3A_238] {strides = array<i32>} : memref<24x48xf32, #tpu.memory_space<vmem>>, vector<16xf32>,
    tpu.vector_store %arg16[%swap3A_237, %swap3A_238], %broadcast_in_dim3A_0 {strides = array<i32>} : memref<24x48xf32, #tpu.memory_space<vmem>>, vector<16xf32>,
    %swap3A_240 = arith.constant 14 : i32
    %swap3A_241 = arith.index_cast %swap3A_240 : i32 to index
    %swap3A_242 = arith.constant 32 : index
    %swap3A_243 = tpu.vector_load %arg16[%swap3A_241, %swap3A_242] {strides = array<i32>} : memref<24x48xf32, #tpu.memory_space<vmem>>, vector<16xf32>,
    tpu.vector_store %arg16[%swap3A_241, %swap3A_242], %broadcast_in_dim3A_0 {strides = array<i32>} : memref<24x48xf32, #tpu.memory_space<vmem>>, vector<16xf32>,
    %swap3A_244 = arith.constant 15 : i32
    %swap3A_245 = arith.index_cast %swap3A_244 : i32 to index
    %swap3A_246 = arith.constant 0 : index
    %swap3A_247 = tpu.vector_load %arg16[%swap3A_245, %swap3A_246] {strides = array<i32>} : memref<24x48xf32, #tpu.memory_space<vmem>>, vector<16xf32>,
    tpu.vector_store %arg16[%swap3A_245, %swap3A_246], %broadcast_in_dim3A_0 {strides = array<i32>} : memref<24x48xf32, #tpu.memory_space<vmem>>, vector<16xf32>,
    %swap3A_248 = arith.constant 15 : i32
    %swap3A_249 = arith.index_cast %swap3A_248 : i32 to index
    %swap3A_250 = arith.constant 16 : index
    %swap3A_251 = tpu.vector_load %arg16[%swap3A_249, %swap3A_250] {strides = array<i32>} : memref<24x48xf32, #tpu.memory_space<vmem>>, vector<16xf32>,
    tpu.vector_store %arg16[%swap3A_249, %swap3A_250], %broadcast_in_dim3A_0 {strides = array<i32>} : memref<24x48xf32, #tpu.memory_space<vmem>>, vector<16xf32>,
    %swap3A_252 = arith.constant 15 : i32
    %swap3A_253 = arith.index_cast %swap3A_252 : i32 to index
    %swap3A_254 = arith.constant 32 : index
    %swap3A_255 = tpu.vector_load %arg16[%swap3A_253, %swap3A_254] {strides = array<i32>} : memref<24x48xf32, #tpu.memory_space<vmem>>, vector<16xf32>,
    tpu.vector_store %arg16[%swap3A_253, %swap3A_254], %broadcast_in_dim3A_0 {strides = array<i32>} : memref<24x48xf32, #tpu.memory_space<vmem>>, vector<16xf32>,
    %swap3A_256 = arith.constant 16 : i32
    %swap3A_257 = arith.index_cast %swap3A_256 : i32 to index
    %swap3A_258 = arith.constant 0 : index
    %swap3A_259 = tpu.vector_load %arg16[%swap3A_257, %swap3A_258] {strides = array<i32>} : memref<24x48xf32, #tpu.memory_space<vmem>>, vector<16xf32>,
    tpu.vector_store %arg16[%swap3A_257, %swap3A_258], %broadcast_in_dim3A_0 {strides = array<i32>} : memref<24x48xf32, #tpu.memory_space<vmem>>, vector<16xf32>,
    %swap3A_260 = arith.constant 16 : i32
    %swap3A_261 = arith.index_cast %swap3A_260 : i32 to index
    %swap3A_262 = arith.constant 16 : index
    %swap3A_263 = tpu.vector_load %arg16[%swap3A_261, %swap3A_262] {strides = array<i32>} : memref<24x48xf32, #tpu.memory_space<vmem>>, vector<16xf32>,
    tpu.vector_store %arg16[%swap3A_261, %swap3A_262], %broadcast_in_dim3A_0 {strides = array<i32>} : memref<24x48xf32, #tpu.memory_space<vmem>>, vector<16xf32>,
    %swap3A_264 = arith.constant 16 : i32
    %swap3A_265 = arith.index_cast %swap3A_264 : i32 to index
    %swap3A_266 = arith.constant 32 : index
    %swap3A_267 = tpu.vector_load %arg16[%swap3A_265, %swap3A_266] {strides = array<i32>} : memref<24x48xf32, #tpu.memory_space<vmem>>, vector<16xf32>,
    tpu.vector_store %arg16[%swap3A_265, %swap3A_266], %broadcast_in_dim3A_0 {strides = array<i32>} : memref<24x48xf32, #tpu.memory_space<vmem>>, vector<16xf32>,
    %swap3A_268 = arith.constant 17 : i32
    %swap3A_269 = arith.index_cast %swap3A_268 : i32 to index
    %swap3A_270 = arith.constant 0 : index
    %swap3A_271 = tpu.vector_load %arg16[%swap3A_269, %swap3A_270] {strides = array<i32>} : memref<24x48xf32, #tpu.memory_space<vmem>>, vector<16xf32>,
    tpu.vector_store %arg16[%swap3A_269, %swap3A_270], %broadcast_in_dim3A_0 {strides = array<i32>} : memref<24x48xf32, #tpu.memory_space<vmem>>, vector<16xf32>,
    %swap3A_272 = arith.constant 17 : i32
    %swap3A_273 = arith.index_cast %swap3A_272 : i32 to index
    %swap3A_274 = arith.constant 16 : index
    %swap3A_275 = tpu.vector_load %arg16[%swap3A_273, %swap3A_274] {strides = array<i32>} : memref<24x48xf32, #tpu.memory_space<vmem>>, vector<16xf32>,
    tpu.vector_store %arg16[%swap3A_273, %swap3A_274], %broadcast_in_dim3A_0 {strides = array<i32>} : memref<24x48xf32, #tpu.memory_space<vmem>>, vector<16xf32>,
    %swap3A_276 = arith.constant 17 : i32
    %swap3A_277 = arith.index_cast %swap3A_276 : i32 to index
    %swap3A_278 = arith.constant 32 : index
    %swap3A_279 = tpu.vector_load %arg16[%swap3A_277, %swap3A_278] {strides = array<i32>} : memref<24x48xf32, #tpu.memory_space<vmem>>, vector<16xf32>,
    tpu.vector_store %arg16[%swap3A_277, %swap3A_278], %broadcast_in_dim3A_0 {strides = array<i32>} : memref<24x48xf32, #tpu.memory_space<vmem>>, vector<16xf32>,
    %swap3A_280 = arith.constant 18 : i32
    %swap3A_281 = arith.index_cast %swap3A_280 : i32 to index
    %swap3A_282 = arith.constant 0 : index
    %swap3A_283 = tpu.vector_load %arg16[%swap3A_281, %swap3A_282] {strides = array<i32>} : memref<24x48xf32, #tpu.memory_space<vmem>>, vector<16xf32>,
    tpu.vector_store %arg16[%swap3A_281, %swap3A_282], %broadcast_in_dim3A_0 {strides = array<i32>} : memref<24x48xf32, #tpu.memory_space<vmem>>, vector<16xf32>,
    %swap3A_284 = arith.constant 18 : i32
    %swap3A_285 = arith.index_cast %swap3A_284 : i32 to index
    %swap3A_286 = arith.constant 16 : index
    %swap3A_287 = tpu.vector_load %arg16[%swap3A_285, %swap3A_286] {strides = array<i32>} : memref<24x48xf32, #tpu.memory_space<vmem>>, vector<16xf32>,
    tpu.vector_store %arg16[%swap3A_285, %swap3A_286], %broadcast_in_dim3A_0 {strides = array<i32>} : memref<24x48xf32, #tpu.memory_space<vmem>>, vector<16xf32>,
    %swap3A_288 = arith.constant 18 : i32
    %swap3A_289 = arith.index_cast %swap3A_288 : i32 to index
    %swap3A_290 = arith.constant 32 : index
    %swap3A_291 = tpu.vector_load %arg16[%swap3A_289, %swap3A_290] {strides = array<i32>} : memref<24x48xf32, #tpu.memory_space<vmem>>, vector<16xf32>,
    tpu.vector_store %arg16[%swap3A_289, %swap3A_290], %broadcast_in_dim3A_0 {strides = array<i32>} : memref<24x48xf32, #tpu.memory_space<vmem>>, vector<16xf32>,
    %swap3A_292 = arith.constant 19 : i32
    %swap3A_293 = arith.index_cast %swap3A_292 : i32 to index
    %swap3A_294 = arith.constant 0 : index
    %swap3A_295 = tpu.vector_load %arg16[%swap3A_293, %swap3A_294] {strides = array<i32>} : memref<24x48xf32, #tpu.memory_space<vmem>>, vector<16xf32>,
    tpu.vector_store %arg16[%swap3A_293, %swap3A_294], %broadcast_in_dim3A_0 {strides = array<i32>} : memref<24x48xf32, #tpu.memory_space<vmem>>, vector<16xf32>,
    %swap3A_296 = arith.constant 19 : i32
    %swap3A_297 = arith.index_cast %swap3A_296 : i32 to index
    %swap3A_298 = arith.constant 16 : index
    %swap3A_299 = tpu.vector_load %arg16[%swap3A_297, %swap3A_298] {strides = array<i32>} : memref<24x48xf32, #tpu.memory_space<vmem>>, vector<16xf32>,
    tpu.vector_store %arg16[%swap3A_297, %swap3A_298], %broadcast_in_dim3A_0 {strides = array<i32>} : memref<24x48xf32, #tpu.memory_space<vmem>>, vector<16xf32>,
    %swap3A_300 = arith.constant 19 : i32
    %swap3A_301 = arith.index_cast %swap3A_300 : i32 to index
    %swap3A_302 = arith.constant 32 : index
    %swap3A_303 = tpu.vector_load %arg16[%swap3A_301, %swap3A_302] {strides = array<i32>} : memref<24x48xf32, #tpu.memory_space<vmem>>, vector<16xf32>,
    tpu.vector_store %arg16[%swap3A_301, %swap3A_302], %broadcast_in_dim3A_0 {strides = array<i32>} : memref<24x48xf32, #tpu.memory_space<vmem>>, vector<16xf32>,
    %swap3A_304 = arith.constant 20 : i32
    %swap3A_305 = arith.index_cast %swap3A_304 : i32 to index
    %swap3A_306 = arith.constant 0 : index
    %swap3A_307 = tpu.vector_load %arg16[%swap3A_305, %swap3A_306] {strides = array<i32>} : memref<24x48xf32, #tpu.memory_space<vmem>>, vector<16xf32>,
    tpu.vector_store %arg16[%swap3A_305, %swap3A_306], %broadcast_in_dim3A_0 {strides = array<i32>} : memref<24x48xf32, #tpu.memory_space<vmem>>, vector<16xf32>,
    %swap3A_308 = arith.constant 20 : i32
    %swap3A_309 = arith.index_cast %swap3A_308 : i32 to index
    %swap3A_310 = arith.constant 16 : index
    %swap3A_311 = tpu.vector_load %arg16[%swap3A_309, %swap3A_310] {strides = array<i32>} : memref<24x48xf32, #tpu.memory_space<vmem>>, vector<16xf32>,
    tpu.vector_store %arg16[%swap3A_309, %swap3A_310], %broadcast_in_dim3A_0 {strides = array<i32>} : memref<24x48xf32, #tpu.memory_space<vmem>>, vector<16xf32>,
    %swap3A_312 = arith.constant 20 : i32
    %swap3A_313 = arith.index_cast %swap3A_312 : i32 to index
    %swap3A_314 = arith.constant 32 : index
    %swap3A_315 = tpu.vector_load %arg16[%swap3A_313, %swap3A_314] {strides = array<i32>} : memref<24x48xf32, #tpu.memory_space<vmem>>, vector<16xf32>,
    tpu.vector_store %arg16[%swap3A_313, %swap3A_314], %broadcast_in_dim3A_0 {strides = array<i32>} : memref<24x48xf32, #tpu.memory_space<vmem>>, vector<16xf32>,
    %swap3A_316 = arith.constant 21 : i32
    %swap3A_317 = arith.index_cast %swap3A_316 : i32 to index
    %swap3A_318 = arith.constant 0 : index
    %swap3A_319 = tpu.vector_load %arg16[%swap3A_317, %swap3A_318] {strides = array<i32>} : memref<24x48xf32, #tpu.memory_space<vmem>>, vector<16xf32>,
    tpu.vector_store %arg16[%swap3A_317, %swap3A_318], %broadcast_in_dim3A_0 {strides = array<i32>} : memref<24x48xf32, #tpu.memory_space<vmem>>, vector<16xf32>,
    %swap3A_320 = arith.constant 21 : i32
    %swap3A_321 = arith.index_cast %swap3A_320 : i32 to index
    %swap3A_322 = arith.constant 16 : index
    %swap3A_323 = tpu.vector_load %arg16[%swap3A_321, %swap3A_322] {strides = array<i32>} : memref<24x48xf32, #tpu.memory_space<vmem>>, vector<16xf32>,
    tpu.vector_store %arg16[%swap3A_321, %swap3A_322], %broadcast_in_dim3A_0 {strides = array<i32>} : memref<24x48xf32, #tpu.memory_space<vmem>>, vector<16xf32>,
    %swap3A_324 = arith.constant 21 : i32
    %swap3A_325 = arith.index_cast %swap3A_324 : i32 to index
    %swap3A_326 = arith.constant 32 : index
    %swap3A_327 = tpu.vector_load %arg16[%swap3A_325, %swap3A_326] {strides = array<i32>} : memref<24x48xf32, #tpu.memory_space<vmem>>, vector<16xf32>,
    tpu.vector_store %arg16[%swap3A_325, %swap3A_326], %broadcast_in_dim3A_0 {strides = array<i32>} : memref<24x48xf32, #tpu.memory_space<vmem>>, vector<16xf32>,
    %swap3A_328 = arith.constant 22 : i32
    %swap3A_329 = arith.index_cast %swap3A_328 : i32 to index
    %swap3A_330 = arith.constant 0 : index
    %swap3A_331 = tpu.vector_load %arg16[%swap3A_329, %swap3A_330] {strides = array<i32>} : memref<24x48xf32, #tpu.memory_space<vmem>>, vector<16xf32>,
    tpu.vector_store %arg16[%swap3A_329, %swap3A_330], %broadcast_in_dim3A_0 {strides = array<i32>} : memref<24x48xf32, #tpu.memory_space<vmem>>, vector<16xf32>,
    %swap3A_332 = arith.constant 22 : i32
    %swap3A_333 = arith.index_cast %swap3A_332 : i32 to index
    %swap3A_334 = arith.constant 16 : index
    %swap3A_335 = tpu.vector_load %arg16[%swap3A_333, %swap3A_334] {strides = array<i32>} : memref<24x48xf32, #tpu.memory_space<vmem>>, vector<16xf32>,
    tpu.vector_store %arg16[%swap3A_333, %swap3A_334], %broadcast_in_dim3A_0 {strides = array<i32>} : memref<24x48xf32, #tpu.memory_space<vmem>>, vector<16xf32>,
    %swap3A_336 = arith.constant 22 : i32
    %swap3A_337 = arith.index_cast %swap3A_336 : i32 to index
    %swap3A_338 = arith.constant 32 : index
    %swap3A_339 = tpu.vector_load %arg16[%swap3A_337, %swap3A_338] {strides = array<i32>} : memref<24x48xf32, #tpu.memory_space<vmem>>, vector<16xf32>,
    tpu.vector_store %arg16[%swap3A_337, %swap3A_338], %broadcast_in_dim3A_0 {strides = array<i32>} : memref<24x48xf32, #tpu.memory_space<vmem>>, vector<16xf32>,
    %swap3A_340 = arith.constant 23 : i32
    %swap3A_341 = arith.index_cast %swap3A_340 : i32 to index
    %swap3A_342 = arith.constant 0 : index
    %swap3A_343 = tpu.vector_load %arg16[%swap3A_341, %swap3A_342] {strides = array<i32>} : memref<24x48xf32, #tpu.memory_space<vmem>>, vector<16xf32>,
    tpu.vector_store %arg16[%swap3A_341, %swap3A_342], %broadcast_in_dim3A_0 {strides = array<i32>} : memref<24x48xf32, #tpu.memory_space<vmem>>, vector<16xf32>,
    %swap3A_344 = arith.constant 23 : i32
    %swap3A_345 = arith.index_cast %swap3A_344 : i32 to index
    %swap3A_346 = arith.constant 16 : index
    %swap3A_347 = tpu.vector_load %arg16[%swap3A_345, %swap3A_346] {strides = array<i32>} : memref<24x48xf32, #tpu.memory_space<vmem>>, vector<16xf32>,
    tpu.vector_store %arg16[%swap3A_345, %swap3A_346], %broadcast_in_dim3A_0 {strides = array<i32>} : memref<24x48xf32, #tpu.memory_space<vmem>>, vector<16xf32>,
    %swap3A_348 = arith.constant 23 : i32
    %swap3A_349 = arith.index_cast %swap3A_348 : i32 to index
    %swap3A_350 = arith.constant 32 : index
    %swap3A_351 = tpu.vector_load %arg16[%swap3A_349, %swap3A_350] {strides = array<i32>} : memref<24x48xf32, #tpu.memory_space<vmem>>, vector<16xf32>,
    tpu.vector_store %arg16[%swap3A_349, %swap3A_350], %broadcast_in_dim3A_0 {strides = array<i32>} : memref<24x48xf32, #tpu.memory_space<vmem>>, vector<16xf32>,
    %mul3A = arith.constant 624 : i32
    %mul3A_352 = arith.muli %arg1, %mul3A : i32
    %add3A_353 = arith.constant 0 : i32
    %add3A_354 = arith.addi %mul3A_352, %add3A_353 : i32
    "tpu.region"() ({
      %run_scoped3A = tpu.sem_alloc : memref<!tpu.dma_semaphore, #tpu.memory_space<semaphore_mem>>
      %dma_start3A = arith.constant 0 : i32
      %dma_start3A_420 = tpu.memref_slice %arg8[%add3A_354, %dma_start3A] : memref<10000x48xf32, #tpu.memory_space<vmem_shared>> -> memref<24x48xf32, #tpu.memory_space<vmem_shared>>
      %dma_start3A_421 = arith.constant 0 : i32
      %dma_start3A_422 = tpu.memref_slice %arg8[%add3A_354, %dma_start3A_421] : memref<10000x48xf32, #tpu.memory_space<vmem_shared>> -> memref<24x48xf32, #tpu.memory_space<vmem_shared>>
      tpu.enqueue_dma source(%arg16 : memref<24x48xf32, #tpu.memory_space<vmem>>) target(%dma_start3A_422 : memref<24x48xf32, #tpu.memory_space<vmem_shared>>) target_semaphore(%run_scoped3A : memref<!tpu.dma_semaphore, #tpu.memory_space<semaphore_mem>>)
      %dma_wait3A = arith.constant 0 : i32
      %dma_wait3A_423 = tpu.memref_slice %arg8[%add3A_354, %dma_wait3A] : memref<10000x48xf32, #tpu.memory_space<vmem_shared>> -> memref<24x48xf32, #tpu.memory_space<vmem_shared>>
      %dma_wait3A_424 = arith.constant 0 : i32
      %dma_wait3A_425 = tpu.memref_slice %arg8[%add3A_354, %dma_wait3A_424] : memref<10000x48xf32, #tpu.memory_space<vmem_shared>> -> memref<24x48xf32, #tpu.memory_space<vmem_shared>>
      tpu.wait_dma2 semaphore(%run_scoped3A : memref<!tpu.dma_semaphore, #tpu.memory_space<semaphore_mem>>) src(%arg16 : memref<24x48xf32, #tpu.memory_space<vmem>>) dst(%dma_wait3A_425 : memref<24x48xf32, #tpu.memory_space<vmem_shared>>)
      tpu.yield
    }) : () -> ()
    %add3A_355 = arith.constant 24 : i32
    %add3A_356 = arith.addi %mul3A_352, %add3A_355 : i32
    "tpu.region"() ({
      %run_scoped3A = tpu.sem_alloc : memref<!tpu.dma_semaphore, #tpu.memory_space<semaphore_mem>>
      %dma_start3A = arith.constant 0 : i32
      %dma_start3A_420 = tpu.memref_slice %arg8[%add3A_356, %dma_start3A] : memref<10000x48xf32, #tpu.memory_space<vmem_shared>> -> memref<24x48xf32, #tpu.memory_space<vmem_shared>>
      %dma_start3A_421 = arith.constant 0 : i32
      %dma_start3A_422 = tpu.memref_slice %arg8[%add3A_356, %dma_start3A_421] : memref<10000x48xf32, #tpu.memory_space<vmem_shared>> -> memref<24x48xf32, #tpu.memory_space<vmem_shared>>
      tpu.enqueue_dma source(%arg16 : memref<24x48xf32, #tpu.memory_space<vmem>>) target(%dma_start3A_422 : memref<24x48xf32, #tpu.memory_space<vmem_shared>>) target_semaphore(%run_scoped3A : memref<!tpu.dma_semaphore, #tpu.memory_space<semaphore_mem>>)
      %dma_wait3A = arith.constant 0 : i32
      %dma_wait3A_423 = tpu.memref_slice %arg8[%add3A_356, %dma_wait3A] : memref<10000x48xf32, #tpu.memory_space<vmem_shared>> -> memref<24x48xf32, #tpu.memory_space<vmem_shared>>
      %dma_wait3A_424 = arith.constant 0 : i32
      %dma_wait3A_425 = tpu.memref_slice %arg8[%add3A_356, %dma_wait3A_424] : memref<10000x48xf32, #tpu.memory_space<vmem_shared>> -> memref<24x48xf32, #tpu.memory_space<vmem_shared>>
      tpu.wait_dma2 semaphore(%run_scoped3A : memref<!tpu.dma_semaphore, #tpu.memory_space<semaphore_mem>>) src(%arg16 : memref<24x48xf32, #tpu.memory_space<vmem>>) dst(%dma_wait3A_425 : memref<24x48xf32, #tpu.memory_space<vmem_shared>>)
      tpu.yield
    }) : () -> ()
    %add3A_357 = arith.constant 48 : i32
    %add3A_358 = arith.addi %mul3A_352, %add3A_357 : i32
    "tpu.region"() ({
      %run_scoped3A = tpu.sem_alloc : memref<!tpu.dma_semaphore, #tpu.memory_space<semaphore_mem>>
      %dma_start3A = arith.constant 0 : i32
      %dma_start3A_420 = tpu.memref_slice %arg8[%add3A_358, %dma_start3A] : memref<10000x48xf32, #tpu.memory_space<vmem_shared>> -> memref<24x48xf32, #tpu.memory_space<vmem_shared>>
      %dma_start3A_421 = arith.constant 0 : i32
      %dma_start3A_422 = tpu.memref_slice %arg8[%add3A_358, %dma_start3A_421] : memref<10000x48xf32, #tpu.memory_space<vmem_shared>> -> memref<24x48xf32, #tpu.memory_space<vmem_shared>>
      tpu.enqueue_dma source(%arg16 : memref<24x48xf32, #tpu.memory_space<vmem>>) target(%dma_start3A_422 : memref<24x48xf32, #tpu.memory_space<vmem_shared>>) target_semaphore(%run_scoped3A : memref<!tpu.dma_semaphore, #tpu.memory_space<semaphore_mem>>)
      %dma_wait3A = arith.constant 0 : i32
      %dma_wait3A_423 = tpu.memref_slice %arg8[%add3A_358, %dma_wait3A] : memref<10000x48xf32, #tpu.memory_space<vmem_shared>> -> memref<24x48xf32, #tpu.memory_space<vmem_shared>>
      %dma_wait3A_424 = arith.constant 0 : i32
      %dma_wait3A_425 = tpu.memref_slice %arg8[%add3A_358, %dma_wait3A_424] : memref<10000x48xf32, #tpu.memory_space<vmem_shared>> -> memref<24x48xf32, #tpu.memory_space<vmem_shared>>
      tpu.wait_dma2 semaphore(%run_scoped3A : memref<!tpu.dma_semaphore, #tpu.memory_space<semaphore_mem>>) src(%arg16 : memref<24x48xf32, #tpu.memory_space<vmem>>) dst(%dma_wait3A_425 : memref<24x48xf32, #tpu.memory_space<vmem_shared>>)
      tpu.yield
    }) : () -> ()
    %add3A_359 = arith.constant 72 : i32
    %add3A_360 = arith.addi %mul3A_352, %add3A_359 : i32
    "tpu.region"() ({
      %run_scoped3A = tpu.sem_alloc : memref<!tpu.dma_semaphore, #tpu.memory_space<semaphore_mem>>
      %dma_start3A = arith.constant 0 : i32
      %dma_start3A_420 = tpu.memref_slice %arg8[%add3A_360, %dma_start3A] : memref<10000x48xf32, #tpu.memory_space<vmem_shared>> -> memref<24x48xf32, #tpu.memory_space<vmem_shared>>
      %dma_start3A_421 = arith.constant 0 : i32
      %dma_start3A_422 = tpu.memref_slice %arg8[%add3A_360, %dma_start3A_421] : memref<10000x48xf32, #tpu.memory_space<vmem_shared>> -> memref<24x48xf32, #tpu.memory_space<vmem_shared>>
      tpu.enqueue_dma source(%arg16 : memref<24x48xf32, #tpu.memory_space<vmem>>) target(%dma_start3A_422 : memref<24x48xf32, #tpu.memory_space<vmem_shared>>) target_semaphore(%run_scoped3A : memref<!tpu.dma_semaphore, #tpu.memory_space<semaphore_mem>>)
      %dma_wait3A = arith.constant 0 : i32
      %dma_wait3A_423 = tpu.memref_slice %arg8[%add3A_360, %dma_wait3A] : memref<10000x48xf32, #tpu.memory_space<vmem_shared>> -> memref<24x48xf32, #tpu.memory_space<vmem_shared>>
      %dma_wait3A_424 = arith.constant 0 : i32
      %dma_wait3A_425 = tpu.memref_slice %arg8[%add3A_360, %dma_wait3A_424] : memref<10000x48xf32, #tpu.memory_space<vmem_shared>> -> memref<24x48xf32, #tpu.memory_space<vmem_shared>>
      tpu.wait_dma2 semaphore(%run_scoped3A : memref<!tpu.dma_semaphore, #tpu.memory_space<semaphore_mem>>) src(%arg16 : memref<24x48xf32, #tpu.memory_space<vmem>>) dst(%dma_wait3A_425 : memref<24x48xf32, #tpu.memory_space<vmem_shared>>)
      tpu.yield
    }) : () -> ()
    %add3A_361 = arith.constant 96 : i32
    %add3A_362 = arith.addi %mul3A_352, %add3A_361 : i32
    "tpu.region"() ({
      %run_scoped3A = tpu.sem_alloc : memref<!tpu.dma_semaphore, #tpu.memory_space<semaphore_mem>>
      %dma_start3A = arith.constant 0 : i32
      %dma_start3A_420 = tpu.memref_slice %arg8[%add3A_362, %dma_start3A] : memref<10000x48xf32, #tpu.memory_space<vmem_shared>> -> memref<24x48xf32, #tpu.memory_space<vmem_shared>>
      %dma_start3A_421 = arith.constant 0 : i32
      %dma_start3A_422 = tpu.memref_slice %arg8[%add3A_362, %dma_start3A_421] : memref<10000x48xf32, #tpu.memory_space<vmem_shared>> -> memref<24x48xf32, #tpu.memory_space<vmem_shared>>
      tpu.enqueue_dma source(%arg16 : memref<24x48xf32, #tpu.memory_space<vmem>>) target(%dma_start3A_422 : memref<24x48xf32, #tpu.memory_space<vmem_shared>>) target_semaphore(%run_scoped3A : memref<!tpu.dma_semaphore, #tpu.memory_space<semaphore_mem>>)
      %dma_wait3A = arith.constant 0 : i32
      %dma_wait3A_423 = tpu.memref_slice %arg8[%add3A_362, %dma_wait3A] : memref<10000x48xf32, #tpu.memory_space<vmem_shared>> -> memref<24x48xf32, #tpu.memory_space<vmem_shared>>
      %dma_wait3A_424 = arith.constant 0 : i32
      %dma_wait3A_425 = tpu.memref_slice %arg8[%add3A_362, %dma_wait3A_424] : memref<10000x48xf32, #tpu.memory_space<vmem_shared>> -> memref<24x48xf32, #tpu.memory_space<vmem_shared>>
      tpu.wait_dma2 semaphore(%run_scoped3A : memref<!tpu.dma_semaphore, #tpu.memory_space<semaphore_mem>>) src(%arg16 : memref<24x48xf32, #tpu.memory_space<vmem>>) dst(%dma_wait3A_425 : memref<24x48xf32, #tpu.memory_space<vmem_shared>>)
      tpu.yield
    }) : () -> ()
    %add3A_363 = arith.constant 120 : i32
    %add3A_364 = arith.addi %mul3A_352, %add3A_363 : i32
    "tpu.region"() ({
      %run_scoped3A = tpu.sem_alloc : memref<!tpu.dma_semaphore, #tpu.memory_space<semaphore_mem>>
      %dma_start3A = arith.constant 0 : i32
      %dma_start3A_420 = tpu.memref_slice %arg8[%add3A_364, %dma_start3A] : memref<10000x48xf32, #tpu.memory_space<vmem_shared>> -> memref<24x48xf32, #tpu.memory_space<vmem_shared>>
      %dma_start3A_421 = arith.constant 0 : i32
      %dma_start3A_422 = tpu.memref_slice %arg8[%add3A_364, %dma_start3A_421] : memref<10000x48xf32, #tpu.memory_space<vmem_shared>> -> memref<24x48xf32, #tpu.memory_space<vmem_shared>>
      tpu.enqueue_dma source(%arg16 : memref<24x48xf32, #tpu.memory_space<vmem>>) target(%dma_start3A_422 : memref<24x48xf32, #tpu.memory_space<vmem_shared>>) target_semaphore(%run_scoped3A : memref<!tpu.dma_semaphore, #tpu.memory_space<semaphore_mem>>)
      %dma_wait3A = arith.constant 0 : i32
      %dma_wait3A_423 = tpu.memref_slice %arg8[%add3A_364, %dma_wait3A] : memref<10000x48xf32, #tpu.memory_space<vmem_shared>> -> memref<24x48xf32, #tpu.memory_space<vmem_shared>>
      %dma_wait3A_424 = arith.constant 0 : i32
      %dma_wait3A_425 = tpu.memref_slice %arg8[%add3A_364, %dma_wait3A_424] : memref<10000x48xf32, #tpu.memory_space<vmem_shared>> -> memref<24x48xf32, #tpu.memory_space<vmem_shared>>
      tpu.wait_dma2 semaphore(%run_scoped3A : memref<!tpu.dma_semaphore, #tpu.memory_space<semaphore_mem>>) src(%arg16 : memref<24x48xf32, #tpu.memory_space<vmem>>) dst(%dma_wait3A_425 : memref<24x48xf32, #tpu.memory_space<vmem_shared>>)
      tpu.yield
    }) : () -> ()
    %add3A_365 = arith.constant 144 : i32
    %add3A_366 = arith.addi %mul3A_352, %add3A_365 : i32
    "tpu.region"() ({
      %run_scoped3A = tpu.sem_alloc : memref<!tpu.dma_semaphore, #tpu.memory_space<semaphore_mem>>
      %dma_start3A = arith.constant 0 : i32
      %dma_start3A_420 = tpu.memref_slice %arg8[%add3A_366, %dma_start3A] : memref<10000x48xf32, #tpu.memory_space<vmem_shared>> -> memref<24x48xf32, #tpu.memory_space<vmem_shared>>
      %dma_start3A_421 = arith.constant 0 : i32
      %dma_start3A_422 = tpu.memref_slice %arg8[%add3A_366, %dma_start3A_421] : memref<10000x48xf32, #tpu.memory_space<vmem_shared>> -> memref<24x48xf32, #tpu.memory_space<vmem_shared>>
      tpu.enqueue_dma source(%arg16 : memref<24x48xf32, #tpu.memory_space<vmem>>) target(%dma_start3A_422 : memref<24x48xf32, #tpu.memory_space<vmem_shared>>) target_semaphore(%run_scoped3A : memref<!tpu.dma_semaphore, #tpu.memory_space<semaphore_mem>>)
      %dma_wait3A = arith.constant 0 : i32
      %dma_wait3A_423 = tpu.memref_slice %arg8[%add3A_366, %dma_wait3A] : memref<10000x48xf32, #tpu.memory_space<vmem_shared>> -> memref<24x48xf32, #tpu.memory_space<vmem_shared>>
      %dma_wait3A_424 = arith.constant 0 : i32
      %dma_wait3A_425 = tpu.memref_slice %arg8[%add3A_366, %dma_wait3A_424] : memref<10000x48xf32, #tpu.memory_space<vmem_shared>> -> memref<24x48xf32, #tpu.memory_space<vmem_shared>>
      tpu.wait_dma2 semaphore(%run_scoped3A : memref<!tpu.dma_semaphore, #tpu.memory_space<semaphore_mem>>) src(%arg16 : memref<24x48xf32, #tpu.memory_space<vmem>>) dst(%dma_wait3A_425 : memref<24x48xf32, #tpu.memory_space<vmem_shared>>)
      tpu.yield
    }) : () -> ()
    %add3A_367 = arith.constant 168 : i32
    %add3A_368 = arith.addi %mul3A_352, %add3A_367 : i32
    "tpu.region"() ({
      %run_scoped3A = tpu.sem_alloc : memref<!tpu.dma_semaphore, #tpu.memory_space<semaphore_mem>>
      %dma_start3A = arith.constant 0 : i32
      %dma_start3A_420 = tpu.memref_slice %arg8[%add3A_368, %dma_start3A] : memref<10000x48xf32, #tpu.memory_space<vmem_shared>> -> memref<24x48xf32, #tpu.memory_space<vmem_shared>>
      %dma_start3A_421 = arith.constant 0 : i32
      %dma_start3A_422 = tpu.memref_slice %arg8[%add3A_368, %dma_start3A_421] : memref<10000x48xf32, #tpu.memory_space<vmem_shared>> -> memref<24x48xf32, #tpu.memory_space<vmem_shared>>
      tpu.enqueue_dma source(%arg16 : memref<24x48xf32, #tpu.memory_space<vmem>>) target(%dma_start3A_422 : memref<24x48xf32, #tpu.memory_space<vmem_shared>>) target_semaphore(%run_scoped3A : memref<!tpu.dma_semaphore, #tpu.memory_space<semaphore_mem>>)
      %dma_wait3A = arith.constant 0 : i32
      %dma_wait3A_423 = tpu.memref_slice %arg8[%add3A_368, %dma_wait3A] : memref<10000x48xf32, #tpu.memory_space<vmem_shared>> -> memref<24x48xf32, #tpu.memory_space<vmem_shared>>
      %dma_wait3A_424 = arith.constant 0 : i32
      %dma_wait3A_425 = tpu.memref_slice %arg8[%add3A_368, %dma_wait3A_424] : memref<10000x48xf32, #tpu.memory_space<vmem_shared>> -> memref<24x48xf32, #tpu.memory_space<vmem_shared>>
      tpu.wait_dma2 semaphore(%run_scoped3A : memref<!tpu.dma_semaphore, #tpu.memory_space<semaphore_mem>>) src(%arg16 : memref<24x48xf32, #tpu.memory_space<vmem>>) dst(%dma_wait3A_425 : memref<24x48xf32, #tpu.memory_space<vmem_shared>>)
      tpu.yield
    }) : () -> ()
    %add3A_369 = arith.constant 192 : i32
    %add3A_370 = arith.addi %mul3A_352, %add3A_369 : i32
    "tpu.region"() ({
      %run_scoped3A = tpu.sem_alloc : memref<!tpu.dma_semaphore, #tpu.memory_space<semaphore_mem>>
      %dma_start3A = arith.constant 0 : i32
      %dma_start3A_420 = tpu.memref_slice %arg8[%add3A_370, %dma_start3A] : memref<10000x48xf32, #tpu.memory_space<vmem_shared>> -> memref<24x48xf32, #tpu.memory_space<vmem_shared>>
      %dma_start3A_421 = arith.constant 0 : i32
      %dma_start3A_422 = tpu.memref_slice %arg8[%add3A_370, %dma_start3A_421] : memref<10000x48xf32, #tpu.memory_space<vmem_shared>> -> memref<24x48xf32, #tpu.memory_space<vmem_shared>>
      tpu.enqueue_dma source(%arg16 : memref<24x48xf32, #tpu.memory_space<vmem>>) target(%dma_start3A_422 : memref<24x48xf32, #tpu.memory_space<vmem_shared>>) target_semaphore(%run_scoped3A : memref<!tpu.dma_semaphore, #tpu.memory_space<semaphore_mem>>)
      %dma_wait3A = arith.constant 0 : i32
      %dma_wait3A_423 = tpu.memref_slice %arg8[%add3A_370, %dma_wait3A] : memref<10000x48xf32, #tpu.memory_space<vmem_shared>> -> memref<24x48xf32, #tpu.memory_space<vmem_shared>>
      %dma_wait3A_424 = arith.constant 0 : i32
      %dma_wait3A_425 = tpu.memref_slice %arg8[%add3A_370, %dma_wait3A_424] : memref<10000x48xf32, #tpu.memory_space<vmem_shared>> -> memref<24x48xf32, #tpu.memory_space<vmem_shared>>
      tpu.wait_dma2 semaphore(%run_scoped3A : memref<!tpu.dma_semaphore, #tpu.memory_space<semaphore_mem>>) src(%arg16 : memref<24x48xf32, #tpu.memory_space<vmem>>) dst(%dma_wait3A_425 : memref<24x48xf32, #tpu.memory_space<vmem_shared>>)
      tpu.yield
    }) : () -> ()
    %add3A_371 = arith.constant 216 : i32
    %add3A_372 = arith.addi %mul3A_352, %add3A_371 : i32
    "tpu.region"() ({
      %run_scoped3A = tpu.sem_alloc : memref<!tpu.dma_semaphore, #tpu.memory_space<semaphore_mem>>
      %dma_start3A = arith.constant 0 : i32
      %dma_start3A_420 = tpu.memref_slice %arg8[%add3A_372, %dma_start3A] : memref<10000x48xf32, #tpu.memory_space<vmem_shared>> -> memref<24x48xf32, #tpu.memory_space<vmem_shared>>
      %dma_start3A_421 = arith.constant 0 : i32
      %dma_start3A_422 = tpu.memref_slice %arg8[%add3A_372, %dma_start3A_421] : memref<10000x48xf32, #tpu.memory_space<vmem_shared>> -> memref<24x48xf32, #tpu.memory_space<vmem_shared>>
      tpu.enqueue_dma source(%arg16 : memref<24x48xf32, #tpu.memory_space<vmem>>) target(%dma_start3A_422 : memref<24x48xf32, #tpu.memory_space<vmem_shared>>) target_semaphore(%run_scoped3A : memref<!tpu.dma_semaphore, #tpu.memory_space<semaphore_mem>>)
      %dma_wait3A = arith.constant 0 : i32
      %dma_wait3A_423 = tpu.memref_slice %arg8[%add3A_372, %dma_wait3A] : memref<10000x48xf32, #tpu.memory_space<vmem_shared>> -> memref<24x48xf32, #tpu.memory_space<vmem_shared>>
      %dma_wait3A_424 = arith.constant 0 : i32
      %dma_wait3A_425 = tpu.memref_slice %arg8[%add3A_372, %dma_wait3A_424] : memref<10000x48xf32, #tpu.memory_space<vmem_shared>> -> memref<24x48xf32, #tpu.memory_space<vmem_shared>>
      tpu.wait_dma2 semaphore(%run_scoped3A : memref<!tpu.dma_semaphore, #tpu.memory_space<semaphore_mem>>) src(%arg16 : memref<24x48xf32, #tpu.memory_space<vmem>>) dst(%dma_wait3A_425 : memref<24x48xf32, #tpu.memory_space<vmem_shared>>)
      tpu.yield
    }) : () -> ()
    %add3A_373 = arith.constant 240 : i32
    %add3A_374 = arith.addi %mul3A_352, %add3A_373 : i32
    "tpu.region"() ({
      %run_scoped3A = tpu.sem_alloc : memref<!tpu.dma_semaphore, #tpu.memory_space<semaphore_mem>>
      %dma_start3A = arith.constant 0 : i32
      %dma_start3A_420 = tpu.memref_slice %arg8[%add3A_374, %dma_start3A] : memref<10000x48xf32, #tpu.memory_space<vmem_shared>> -> memref<24x48xf32, #tpu.memory_space<vmem_shared>>
      %dma_start3A_421 = arith.constant 0 : i32
      %dma_start3A_422 = tpu.memref_slice %arg8[%add3A_374, %dma_start3A_421] : memref<10000x48xf32, #tpu.memory_space<vmem_shared>> -> memref<24x48xf32, #tpu.memory_space<vmem_shared>>
      tpu.enqueue_dma source(%arg16 : memref<24x48xf32, #tpu.memory_space<vmem>>) target(%dma_start3A_422 : memref<24x48xf32, #tpu.memory_space<vmem_shared>>) target_semaphore(%run_scoped3A : memref<!tpu.dma_semaphore, #tpu.memory_space<semaphore_mem>>)
      %dma_wait3A = arith.constant 0 : i32
      %dma_wait3A_423 = tpu.memref_slice %arg8[%add3A_374, %dma_wait3A] : memref<10000x48xf32, #tpu.memory_space<vmem_shared>> -> memref<24x48xf32, #tpu.memory_space<vmem_shared>>
      %dma_wait3A_424 = arith.constant 0 : i32
      %dma_wait3A_425 = tpu.memref_slice %arg8[%add3A_374, %dma_wait3A_424] : memref<10000x48xf32, #tpu.memory_space<vmem_shared>> -> memref<24x48xf32, #tpu.memory_space<vmem_shared>>
      tpu.wait_dma2 semaphore(%run_scoped3A : memref<!tpu.dma_semaphore, #tpu.memory_space<semaphore_mem>>) src(%arg16 : memref<24x48xf32, #tpu.memory_space<vmem>>) dst(%dma_wait3A_425 : memref<24x48xf32, #tpu.memory_space<vmem_shared>>)
      tpu.yield
    }) : () -> ()
    %add3A_375 = arith.constant 264 : i32
    %add3A_376 = arith.addi %mul3A_352, %add3A_375 : i32
    "tpu.region"() ({
      %run_scoped3A = tpu.sem_alloc : memref<!tpu.dma_semaphore, #tpu.memory_space<semaphore_mem>>
      %dma_start3A = arith.constant 0 : i32
      %dma_start3A_420 = tpu.memref_slice %arg8[%add3A_376, %dma_start3A] : memref<10000x48xf32, #tpu.memory_space<vmem_shared>> -> memref<24x48xf32, #tpu.memory_space<vmem_shared>>
      %dma_start3A_421 = arith.constant 0 : i32
      %dma_start3A_422 = tpu.memref_slice %arg8[%add3A_376, %dma_start3A_421] : memref<10000x48xf32, #tpu.memory_space<vmem_shared>> -> memref<24x48xf32, #tpu.memory_space<vmem_shared>>
      tpu.enqueue_dma source(%arg16 : memref<24x48xf32, #tpu.memory_space<vmem>>) target(%dma_start3A_422 : memref<24x48xf32, #tpu.memory_space<vmem_shared>>) target_semaphore(%run_scoped3A : memref<!tpu.dma_semaphore, #tpu.memory_space<semaphore_mem>>)
      %dma_wait3A = arith.constant 0 : i32
      %dma_wait3A_423 = tpu.memref_slice %arg8[%add3A_376, %dma_wait3A] : memref<10000x48xf32, #tpu.memory_space<vmem_shared>> -> memref<24x48xf32, #tpu.memory_space<vmem_shared>>
      %dma_wait3A_424 = arith.constant 0 : i32
      %dma_wait3A_425 = tpu.memref_slice %arg8[%add3A_376, %dma_wait3A_424] : memref<10000x48xf32, #tpu.memory_space<vmem_shared>> -> memref<24x48xf32, #tpu.memory_space<vmem_shared>>
      tpu.wait_dma2 semaphore(%run_scoped3A : memref<!tpu.dma_semaphore, #tpu.memory_space<semaphore_mem>>) src(%arg16 : memref<24x48xf32, #tpu.memory_space<vmem>>) dst(%dma_wait3A_425 : memref<24x48xf32, #tpu.memory_space<vmem_shared>>)
      tpu.yield
    }) : () -> ()
    %add3A_377 = arith.constant 288 : i32
    %add3A_378 = arith.addi %mul3A_352, %add3A_377 : i32
    "tpu.region"() ({
      %run_scoped3A = tpu.sem_alloc : memref<!tpu.dma_semaphore, #tpu.memory_space<semaphore_mem>>
      %dma_start3A = arith.constant 0 : i32
      %dma_start3A_420 = tpu.memref_slice %arg8[%add3A_378, %dma_start3A] : memref<10000x48xf32, #tpu.memory_space<vmem_shared>> -> memref<24x48xf32, #tpu.memory_space<vmem_shared>>
      %dma_start3A_421 = arith.constant 0 : i32
      %dma_start3A_422 = tpu.memref_slice %arg8[%add3A_378, %dma_start3A_421] : memref<10000x48xf32, #tpu.memory_space<vmem_shared>> -> memref<24x48xf32, #tpu.memory_space<vmem_shared>>
      tpu.enqueue_dma source(%arg16 : memref<24x48xf32, #tpu.memory_space<vmem>>) target(%dma_start3A_422 : memref<24x48xf32, #tpu.memory_space<vmem_shared>>) target_semaphore(%run_scoped3A : memref<!tpu.dma_semaphore, #tpu.memory_space<semaphore_mem>>)
      %dma_wait3A = arith.constant 0 : i32
      %dma_wait3A_423 = tpu.memref_slice %arg8[%add3A_378, %dma_wait3A] : memref<10000x48xf32, #tpu.memory_space<vmem_shared>> -> memref<24x48xf32, #tpu.memory_space<vmem_shared>>
      %dma_wait3A_424 = arith.constant 0 : i32
      %dma_wait3A_425 = tpu.memref_slice %arg8[%add3A_378, %dma_wait3A_424] : memref<10000x48xf32, #tpu.memory_space<vmem_shared>> -> memref<24x48xf32, #tpu.memory_space<vmem_shared>>
      tpu.wait_dma2 semaphore(%run_scoped3A : memref<!tpu.dma_semaphore, #tpu.memory_space<semaphore_mem>>) src(%arg16 : memref<24x48xf32, #tpu.memory_space<vmem>>) dst(%dma_wait3A_425 : memref<24x48xf32, #tpu.memory_space<vmem_shared>>)
      tpu.yield
    }) : () -> ()
    %add3A_379 = arith.constant 312 : i32
    %add3A_380 = arith.addi %mul3A_352, %add3A_379 : i32
    "tpu.region"() ({
      %run_scoped3A = tpu.sem_alloc : memref<!tpu.dma_semaphore, #tpu.memory_space<semaphore_mem>>
      %dma_start3A = arith.constant 0 : i32
      %dma_start3A_420 = tpu.memref_slice %arg8[%add3A_380, %dma_start3A] : memref<10000x48xf32, #tpu.memory_space<vmem_shared>> -> memref<24x48xf32, #tpu.memory_space<vmem_shared>>
      %dma_start3A_421 = arith.constant 0 : i32
      %dma_start3A_422 = tpu.memref_slice %arg8[%add3A_380, %dma_start3A_421] : memref<10000x48xf32, #tpu.memory_space<vmem_shared>> -> memref<24x48xf32, #tpu.memory_space<vmem_shared>>
      tpu.enqueue_dma source(%arg16 : memref<24x48xf32, #tpu.memory_space<vmem>>) target(%dma_start3A_422 : memref<24x48xf32, #tpu.memory_space<vmem_shared>>) target_semaphore(%run_scoped3A : memref<!tpu.dma_semaphore, #tpu.memory_space<semaphore_mem>>)
      %dma_wait3A = arith.constant 0 : i32
      %dma_wait3A_423 = tpu.memref_slice %arg8[%add3A_380, %dma_wait3A] : memref<10000x48xf32, #tpu.memory_space<vmem_shared>> -> memref<24x48xf32, #tpu.memory_space<vmem_shared>>
      %dma_wait3A_424 = arith.constant 0 : i32
      %dma_wait3A_425 = tpu.memref_slice %arg8[%add3A_380, %dma_wait3A_424] : memref<10000x48xf32, #tpu.memory_space<vmem_shared>> -> memref<24x48xf32, #tpu.memory_space<vmem_shared>>
      tpu.wait_dma2 semaphore(%run_scoped3A : memref<!tpu.dma_semaphore, #tpu.memory_space<semaphore_mem>>) src(%arg16 : memref<24x48xf32, #tpu.memory_space<vmem>>) dst(%dma_wait3A_425 : memref<24x48xf32, #tpu.memory_space<vmem_shared>>)
      tpu.yield
    }) : () -> ()
    %add3A_381 = arith.constant 336 : i32
    %add3A_382 = arith.addi %mul3A_352, %add3A_381 : i32
    "tpu.region"() ({
      %run_scoped3A = tpu.sem_alloc : memref<!tpu.dma_semaphore, #tpu.memory_space<semaphore_mem>>
      %dma_start3A = arith.constant 0 : i32
      %dma_start3A_420 = tpu.memref_slice %arg8[%add3A_382, %dma_start3A] : memref<10000x48xf32, #tpu.memory_space<vmem_shared>> -> memref<24x48xf32, #tpu.memory_space<vmem_shared>>
      %dma_start3A_421 = arith.constant 0 : i32
      %dma_start3A_422 = tpu.memref_slice %arg8[%add3A_382, %dma_start3A_421] : memref<10000x48xf32, #tpu.memory_space<vmem_shared>> -> memref<24x48xf32, #tpu.memory_space<vmem_shared>>
      tpu.enqueue_dma source(%arg16 : memref<24x48xf32, #tpu.memory_space<vmem>>) target(%dma_start3A_422 : memref<24x48xf32, #tpu.memory_space<vmem_shared>>) target_semaphore(%run_scoped3A : memref<!tpu.dma_semaphore, #tpu.memory_space<semaphore_mem>>)
      %dma_wait3A = arith.constant 0 : i32
      %dma_wait3A_423 = tpu.memref_slice %arg8[%add3A_382, %dma_wait3A] : memref<10000x48xf32, #tpu.memory_space<vmem_shared>> -> memref<24x48xf32, #tpu.memory_space<vmem_shared>>
      %dma_wait3A_424 = arith.constant 0 : i32
      %dma_wait3A_425 = tpu.memref_slice %arg8[%add3A_382, %dma_wait3A_424] : memref<10000x48xf32, #tpu.memory_space<vmem_shared>> -> memref<24x48xf32, #tpu.memory_space<vmem_shared>>
      tpu.wait_dma2 semaphore(%run_scoped3A : memref<!tpu.dma_semaphore, #tpu.memory_space<semaphore_mem>>) src(%arg16 : memref<24x48xf32, #tpu.memory_space<vmem>>) dst(%dma_wait3A_425 : memref<24x48xf32, #tpu.memory_space<vmem_shared>>)
      tpu.yield
    }) : () -> ()
    %add3A_383 = arith.constant 360 : i32
    %add3A_384 = arith.addi %mul3A_352, %add3A_383 : i32
    "tpu.region"() ({
      %run_scoped3A = tpu.sem_alloc : memref<!tpu.dma_semaphore, #tpu.memory_space<semaphore_mem>>
      %dma_start3A = arith.constant 0 : i32
      %dma_start3A_420 = tpu.memref_slice %arg8[%add3A_384, %dma_start3A] : memref<10000x48xf32, #tpu.memory_space<vmem_shared>> -> memref<24x48xf32, #tpu.memory_space<vmem_shared>>
      %dma_start3A_421 = arith.constant 0 : i32
      %dma_start3A_422 = tpu.memref_slice %arg8[%add3A_384, %dma_start3A_421] : memref<10000x48xf32, #tpu.memory_space<vmem_shared>> -> memref<24x48xf32, #tpu.memory_space<vmem_shared>>
      tpu.enqueue_dma source(%arg16 : memref<24x48xf32, #tpu.memory_space<vmem>>) target(%dma_start3A_422 : memref<24x48xf32, #tpu.memory_space<vmem_shared>>) target_semaphore(%run_scoped3A : memref<!tpu.dma_semaphore, #tpu.memory_space<semaphore_mem>>)
      %dma_wait3A = arith.constant 0 : i32
      %dma_wait3A_423 = tpu.memref_slice %arg8[%add3A_384, %dma_wait3A] : memref<10000x48xf32, #tpu.memory_space<vmem_shared>> -> memref<24x48xf32, #tpu.memory_space<vmem_shared>>
      %dma_wait3A_424 = arith.constant 0 : i32
      %dma_wait3A_425 = tpu.memref_slice %arg8[%add3A_384, %dma_wait3A_424] : memref<10000x48xf32, #tpu.memory_space<vmem_shared>> -> memref<24x48xf32, #tpu.memory_space<vmem_shared>>
      tpu.wait_dma2 semaphore(%run_scoped3A : memref<!tpu.dma_semaphore, #tpu.memory_space<semaphore_mem>>) src(%arg16 : memref<24x48xf32, #tpu.memory_space<vmem>>) dst(%dma_wait3A_425 : memref<24x48xf32, #tpu.memory_space<vmem_shared>>)
      tpu.yield
    }) : () -> ()
    %add3A_385 = arith.constant 384 : i32
    %add3A_386 = arith.addi %mul3A_352, %add3A_385 : i32
    "tpu.region"() ({
      %run_scoped3A = tpu.sem_alloc : memref<!tpu.dma_semaphore, #tpu.memory_space<semaphore_mem>>
      %dma_start3A = arith.constant 0 : i32
      %dma_start3A_420 = tpu.memref_slice %arg8[%add3A_386, %dma_start3A] : memref<10000x48xf32, #tpu.memory_space<vmem_shared>> -> memref<24x48xf32, #tpu.memory_space<vmem_shared>>
      %dma_start3A_421 = arith.constant 0 : i32
      %dma_start3A_422 = tpu.memref_slice %arg8[%add3A_386, %dma_start3A_421] : memref<10000x48xf32, #tpu.memory_space<vmem_shared>> -> memref<24x48xf32, #tpu.memory_space<vmem_shared>>
      tpu.enqueue_dma source(%arg16 : memref<24x48xf32, #tpu.memory_space<vmem>>) target(%dma_start3A_422 : memref<24x48xf32, #tpu.memory_space<vmem_shared>>) target_semaphore(%run_scoped3A : memref<!tpu.dma_semaphore, #tpu.memory_space<semaphore_mem>>)
      %dma_wait3A = arith.constant 0 : i32
      %dma_wait3A_423 = tpu.memref_slice %arg8[%add3A_386, %dma_wait3A] : memref<10000x48xf32, #tpu.memory_space<vmem_shared>> -> memref<24x48xf32, #tpu.memory_space<vmem_shared>>
      %dma_wait3A_424 = arith.constant 0 : i32
      %dma_wait3A_425 = tpu.memref_slice %arg8[%add3A_386, %dma_wait3A_424] : memref<10000x48xf32, #tpu.memory_space<vmem_shared>> -> memref<24x48xf32, #tpu.memory_space<vmem_shared>>
      tpu.wait_dma2 semaphore(%run_scoped3A : memref<!tpu.dma_semaphore, #tpu.memory_space<semaphore_mem>>) src(%arg16 : memref<24x48xf32, #tpu.memory_space<vmem>>) dst(%dma_wait3A_425 : memref<24x48xf32, #tpu.memory_space<vmem_shared>>)
      tpu.yield
    }) : () -> ()
    %add3A_387 = arith.constant 408 : i32
    %add3A_388 = arith.addi %mul3A_352, %add3A_387 : i32
    "tpu.region"() ({
      %run_scoped3A = tpu.sem_alloc : memref<!tpu.dma_semaphore, #tpu.memory_space<semaphore_mem>>
      %dma_start3A = arith.constant 0 : i32
      %dma_start3A_420 = tpu.memref_slice %arg8[%add3A_388, %dma_start3A] : memref<10000x48xf32, #tpu.memory_space<vmem_shared>> -> memref<24x48xf32, #tpu.memory_space<vmem_shared>>
      %dma_start3A_421 = arith.constant 0 : i32
      %dma_start3A_422 = tpu.memref_slice %arg8[%add3A_388, %dma_start3A_421] : memref<10000x48xf32, #tpu.memory_space<vmem_shared>> -> memref<24x48xf32, #tpu.memory_space<vmem_shared>>
      tpu.enqueue_dma source(%arg16 : memref<24x48xf32, #tpu.memory_space<vmem>>) target(%dma_start3A_422 : memref<24x48xf32, #tpu.memory_space<vmem_shared>>) target_semaphore(%run_scoped3A : memref<!tpu.dma_semaphore, #tpu.memory_space<semaphore_mem>>)
      %dma_wait3A = arith.constant 0 : i32
      %dma_wait3A_423 = tpu.memref_slice %arg8[%add3A_388, %dma_wait3A] : memref<10000x48xf32, #tpu.memory_space<vmem_shared>> -> memref<24x48xf32, #tpu.memory_space<vmem_shared>>
      %dma_wait3A_424 = arith.constant 0 : i32
      %dma_wait3A_425 = tpu.memref_slice %arg8[%add3A_388, %dma_wait3A_424] : memref<10000x48xf32, #tpu.memory_space<vmem_shared>> -> memref<24x48xf32, #tpu.memory_space<vmem_shared>>
      tpu.wait_dma2 semaphore(%run_scoped3A : memref<!tpu.dma_semaphore, #tpu.memory_space<semaphore_mem>>) src(%arg16 : memref<24x48xf32, #tpu.memory_space<vmem>>) dst(%dma_wait3A_425 : memref<24x48xf32, #tpu.memory_space<vmem_shared>>)
      tpu.yield
    }) : () -> ()
    %add3A_389 = arith.constant 432 : i32
    %add3A_390 = arith.addi %mul3A_352, %add3A_389 : i32
    "tpu.region"() ({
      %run_scoped3A = tpu.sem_alloc : memref<!tpu.dma_semaphore, #tpu.memory_space<semaphore_mem>>
      %dma_start3A = arith.constant 0 : i32
      %dma_start3A_420 = tpu.memref_slice %arg8[%add3A_390, %dma_start3A] : memref<10000x48xf32, #tpu.memory_space<vmem_shared>> -> memref<24x48xf32, #tpu.memory_space<vmem_shared>>
      %dma_start3A_421 = arith.constant 0 : i32
      %dma_start3A_422 = tpu.memref_slice %arg8[%add3A_390, %dma_start3A_421] : memref<10000x48xf32, #tpu.memory_space<vmem_shared>> -> memref<24x48xf32, #tpu.memory_space<vmem_shared>>
      tpu.enqueue_dma source(%arg16 : memref<24x48xf32, #tpu.memory_space<vmem>>) target(%dma_start3A_422 : memref<24x48xf32, #tpu.memory_space<vmem_shared>>) target_semaphore(%run_scoped3A : memref<!tpu.dma_semaphore, #tpu.memory_space<semaphore_mem>>)
      %dma_wait3A = arith.constant 0 : i32
      %dma_wait3A_423 = tpu.memref_slice %arg8[%add3A_390, %dma_wait3A] : memref<10000x48xf32, #tpu.memory_space<vmem_shared>> -> memref<24x48xf32, #tpu.memory_space<vmem_shared>>
      %dma_wait3A_424 = arith.constant 0 : i32
      %dma_wait3A_425 = tpu.memref_slice %arg8[%add3A_390, %dma_wait3A_424] : memref<10000x48xf32, #tpu.memory_space<vmem_shared>> -> memref<24x48xf32, #tpu.memory_space<vmem_shared>>
      tpu.wait_dma2 semaphore(%run_scoped3A : memref<!tpu.dma_semaphore, #tpu.memory_space<semaphore_mem>>) src(%arg16 : memref<24x48xf32, #tpu.memory_space<vmem>>) dst(%dma_wait3A_425 : memref<24x48xf32, #tpu.memory_space<vmem_shared>>)
      tpu.yield
    }) : () -> ()
    %add3A_391 = arith.constant 456 : i32
    %add3A_392 = arith.addi %mul3A_352, %add3A_391 : i32
    "tpu.region"() ({
      %run_scoped3A = tpu.sem_alloc : memref<!tpu.dma_semaphore, #tpu.memory_space<semaphore_mem>>
      %dma_start3A = arith.constant 0 : i32
      %dma_start3A_420 = tpu.memref_slice %arg8[%add3A_392, %dma_start3A] : memref<10000x48xf32, #tpu.memory_space<vmem_shared>> -> memref<24x48xf32, #tpu.memory_space<vmem_shared>>
      %dma_start3A_421 = arith.constant 0 : i32
      %dma_start3A_422 = tpu.memref_slice %arg8[%add3A_392, %dma_start3A_421] : memref<10000x48xf32, #tpu.memory_space<vmem_shared>> -> memref<24x48xf32, #tpu.memory_space<vmem_shared>>
      tpu.enqueue_dma source(%arg16 : memref<24x48xf32, #tpu.memory_space<vmem>>) target(%dma_start3A_422 : memref<24x48xf32, #tpu.memory_space<vmem_shared>>) target_semaphore(%run_scoped3A : memref<!tpu.dma_semaphore, #tpu.memory_space<semaphore_mem>>)
      %dma_wait3A = arith.constant 0 : i32
      %dma_wait3A_423 = tpu.memref_slice %arg8[%add3A_392, %dma_wait3A] : memref<10000x48xf32, #tpu.memory_space<vmem_shared>> -> memref<24x48xf32, #tpu.memory_space<vmem_shared>>
      %dma_wait3A_424 = arith.constant 0 : i32
      %dma_wait3A_425 = tpu.memref_slice %arg8[%add3A_392, %dma_wait3A_424] : memref<10000x48xf32, #tpu.memory_space<vmem_shared>> -> memref<24x48xf32, #tpu.memory_space<vmem_shared>>
      tpu.wait_dma2 semaphore(%run_scoped3A : memref<!tpu.dma_semaphore, #tpu.memory_space<semaphore_mem>>) src(%arg16 : memref<24x48xf32, #tpu.memory_space<vmem>>) dst(%dma_wait3A_425 : memref<24x48xf32, #tpu.memory_space<vmem_shared>>)
      tpu.yield
    }) : () -> ()
    %add3A_393 = arith.constant 480 : i32
    %add3A_394 = arith.addi %mul3A_352, %add3A_393 : i32
    "tpu.region"() ({
      %run_scoped3A = tpu.sem_alloc : memref<!tpu.dma_semaphore, #tpu.memory_space<semaphore_mem>>
      %dma_start3A = arith.constant 0 : i32
      %dma_start3A_420 = tpu.memref_slice %arg8[%add3A_394, %dma_start3A] : memref<10000x48xf32, #tpu.memory_space<vmem_shared>> -> memref<24x48xf32, #tpu.memory_space<vmem_shared>>
      %dma_start3A_421 = arith.constant 0 : i32
      %dma_start3A_422 = tpu.memref_slice %arg8[%add3A_394, %dma_start3A_421] : memref<10000x48xf32, #tpu.memory_space<vmem_shared>> -> memref<24x48xf32, #tpu.memory_space<vmem_shared>>
      tpu.enqueue_dma source(%arg16 : memref<24x48xf32, #tpu.memory_space<vmem>>) target(%dma_start3A_422 : memref<24x48xf32, #tpu.memory_space<vmem_shared>>) target_semaphore(%run_scoped3A : memref<!tpu.dma_semaphore, #tpu.memory_space<semaphore_mem>>)
      %dma_wait3A = arith.constant 0 : i32
      %dma_wait3A_423 = tpu.memref_slice %arg8[%add3A_394, %dma_wait3A] : memref<10000x48xf32, #tpu.memory_space<vmem_shared>> -> memref<24x48xf32, #tpu.memory_space<vmem_shared>>
      %dma_wait3A_424 = arith.constant 0 : i32
      %dma_wait3A_425 = tpu.memref_slice %arg8[%add3A_394, %dma_wait3A_424] : memref<10000x48xf32, #tpu.memory_space<vmem_shared>> -> memref<24x48xf32, #tpu.memory_space<vmem_shared>>
      tpu.wait_dma2 semaphore(%run_scoped3A : memref<!tpu.dma_semaphore, #tpu.memory_space<semaphore_mem>>) src(%arg16 : memref<24x48xf32, #tpu.memory_space<vmem>>) dst(%dma_wait3A_425 : memref<24x48xf32, #tpu.memory_space<vmem_shared>>)
      tpu.yield
    }) : () -> ()
    %add3A_395 = arith.constant 504 : i32
    %add3A_396 = arith.addi %mul3A_352, %add3A_395 : i32
    "tpu.region"() ({
      %run_scoped3A = tpu.sem_alloc : memref<!tpu.dma_semaphore, #tpu.memory_space<semaphore_mem>>
      %dma_start3A = arith.constant 0 : i32
      %dma_start3A_420 = tpu.memref_slice %arg8[%add3A_396, %dma_start3A] : memref<10000x48xf32, #tpu.memory_space<vmem_shared>> -> memref<24x48xf32, #tpu.memory_space<vmem_shared>>
      %dma_start3A_421 = arith.constant 0 : i32
      %dma_start3A_422 = tpu.memref_slice %arg8[%add3A_396, %dma_start3A_421] : memref<10000x48xf32, #tpu.memory_space<vmem_shared>> -> memref<24x48xf32, #tpu.memory_space<vmem_shared>>
      tpu.enqueue_dma source(%arg16 : memref<24x48xf32, #tpu.memory_space<vmem>>) target(%dma_start3A_422 : memref<24x48xf32, #tpu.memory_space<vmem_shared>>) target_semaphore(%run_scoped3A : memref<!tpu.dma_semaphore, #tpu.memory_space<semaphore_mem>>)
      %dma_wait3A = arith.constant 0 : i32
      %dma_wait3A_423 = tpu.memref_slice %arg8[%add3A_396, %dma_wait3A] : memref<10000x48xf32, #tpu.memory_space<vmem_shared>> -> memref<24x48xf32, #tpu.memory_space<vmem_shared>>
      %dma_wait3A_424 = arith.constant 0 : i32
      %dma_wait3A_425 = tpu.memref_slice %arg8[%add3A_396, %dma_wait3A_424] : memref<10000x48xf32, #tpu.memory_space<vmem_shared>> -> memref<24x48xf32, #tpu.memory_space<vmem_shared>>
      tpu.wait_dma2 semaphore(%run_scoped3A : memref<!tpu.dma_semaphore, #tpu.memory_space<semaphore_mem>>) src(%arg16 : memref<24x48xf32, #tpu.memory_space<vmem>>) dst(%dma_wait3A_425 : memref<24x48xf32, #tpu.memory_space<vmem_shared>>)
      tpu.yield
    }) : () -> ()
    %add3A_397 = arith.constant 528 : i32
    %add3A_398 = arith.addi %mul3A_352, %add3A_397 : i32
    "tpu.region"() ({
      %run_scoped3A = tpu.sem_alloc : memref<!tpu.dma_semaphore, #tpu.memory_space<semaphore_mem>>
      %dma_start3A = arith.constant 0 : i32
      %dma_start3A_420 = tpu.memref_slice %arg8[%add3A_398, %dma_start3A] : memref<10000x48xf32, #tpu.memory_space<vmem_shared>> -> memref<24x48xf32, #tpu.memory_space<vmem_shared>>
      %dma_start3A_421 = arith.constant 0 : i32
      %dma_start3A_422 = tpu.memref_slice %arg8[%add3A_398, %dma_start3A_421] : memref<10000x48xf32, #tpu.memory_space<vmem_shared>> -> memref<24x48xf32, #tpu.memory_space<vmem_shared>>
      tpu.enqueue_dma source(%arg16 : memref<24x48xf32, #tpu.memory_space<vmem>>) target(%dma_start3A_422 : memref<24x48xf32, #tpu.memory_space<vmem_shared>>) target_semaphore(%run_scoped3A : memref<!tpu.dma_semaphore, #tpu.memory_space<semaphore_mem>>)
      %dma_wait3A = arith.constant 0 : i32
      %dma_wait3A_423 = tpu.memref_slice %arg8[%add3A_398, %dma_wait3A] : memref<10000x48xf32, #tpu.memory_space<vmem_shared>> -> memref<24x48xf32, #tpu.memory_space<vmem_shared>>
      %dma_wait3A_424 = arith.constant 0 : i32
      %dma_wait3A_425 = tpu.memref_slice %arg8[%add3A_398, %dma_wait3A_424] : memref<10000x48xf32, #tpu.memory_space<vmem_shared>> -> memref<24x48xf32, #tpu.memory_space<vmem_shared>>
      tpu.wait_dma2 semaphore(%run_scoped3A : memref<!tpu.dma_semaphore, #tpu.memory_space<semaphore_mem>>) src(%arg16 : memref<24x48xf32, #tpu.memory_space<vmem>>) dst(%dma_wait3A_425 : memref<24x48xf32, #tpu.memory_space<vmem_shared>>)
      tpu.yield
    }) : () -> ()
    %add3A_399 = arith.constant 552 : i32
    %add3A_400 = arith.addi %mul3A_352, %add3A_399 : i32
    "tpu.region"() ({
      %run_scoped3A = tpu.sem_alloc : memref<!tpu.dma_semaphore, #tpu.memory_space<semaphore_mem>>
      %dma_start3A = arith.constant 0 : i32
      %dma_start3A_420 = tpu.memref_slice %arg8[%add3A_400, %dma_start3A] : memref<10000x48xf32, #tpu.memory_space<vmem_shared>> -> memref<24x48xf32, #tpu.memory_space<vmem_shared>>
      %dma_start3A_421 = arith.constant 0 : i32
      %dma_start3A_422 = tpu.memref_slice %arg8[%add3A_400, %dma_start3A_421] : memref<10000x48xf32, #tpu.memory_space<vmem_shared>> -> memref<24x48xf32, #tpu.memory_space<vmem_shared>>
      tpu.enqueue_dma source(%arg16 : memref<24x48xf32, #tpu.memory_space<vmem>>) target(%dma_start3A_422 : memref<24x48xf32, #tpu.memory_space<vmem_shared>>) target_semaphore(%run_scoped3A : memref<!tpu.dma_semaphore, #tpu.memory_space<semaphore_mem>>)
      %dma_wait3A = arith.constant 0 : i32
      %dma_wait3A_423 = tpu.memref_slice %arg8[%add3A_400, %dma_wait3A] : memref<10000x48xf32, #tpu.memory_space<vmem_shared>> -> memref<24x48xf32, #tpu.memory_space<vmem_shared>>
      %dma_wait3A_424 = arith.constant 0 : i32
      %dma_wait3A_425 = tpu.memref_slice %arg8[%add3A_400, %dma_wait3A_424] : memref<10000x48xf32, #tpu.memory_space<vmem_shared>> -> memref<24x48xf32, #tpu.memory_space<vmem_shared>>
      tpu.wait_dma2 semaphore(%run_scoped3A : memref<!tpu.dma_semaphore, #tpu.memory_space<semaphore_mem>>) src(%arg16 : memref<24x48xf32, #tpu.memory_space<vmem>>) dst(%dma_wait3A_425 : memref<24x48xf32, #tpu.memory_space<vmem_shared>>)
      tpu.yield
    }) : () -> ()
    %add3A_401 = arith.constant 576 : i32
    %add3A_402 = arith.addi %mul3A_352, %add3A_401 : i32
    "tpu.region"() ({
      %run_scoped3A = tpu.sem_alloc : memref<!tpu.dma_semaphore, #tpu.memory_space<semaphore_mem>>
      %dma_start3A = arith.constant 0 : i32
      %dma_start3A_420 = tpu.memref_slice %arg8[%add3A_402, %dma_start3A] : memref<10000x48xf32, #tpu.memory_space<vmem_shared>> -> memref<24x48xf32, #tpu.memory_space<vmem_shared>>
      %dma_start3A_421 = arith.constant 0 : i32
      %dma_start3A_422 = tpu.memref_slice %arg8[%add3A_402, %dma_start3A_421] : memref<10000x48xf32, #tpu.memory_space<vmem_shared>> -> memref<24x48xf32, #tpu.memory_space<vmem_shared>>
      tpu.enqueue_dma source(%arg16 : memref<24x48xf32, #tpu.memory_space<vmem>>) target(%dma_start3A_422 : memref<24x48xf32, #tpu.memory_space<vmem_shared>>) target_semaphore(%run_scoped3A : memref<!tpu.dma_semaphore, #tpu.memory_space<semaphore_mem>>)
      %dma_wait3A = arith.constant 0 : i32
      %dma_wait3A_423 = tpu.memref_slice %arg8[%add3A_402, %dma_wait3A] : memref<10000x48xf32, #tpu.memory_space<vmem_shared>> -> memref<24x48xf32, #tpu.memory_space<vmem_shared>>
      %dma_wait3A_424 = arith.constant 0 : i32
      %dma_wait3A_425 = tpu.memref_slice %arg8[%add3A_402, %dma_wait3A_424] : memref<10000x48xf32, #tpu.memory_space<vmem_shared>> -> memref<24x48xf32, #tpu.memory_space<vmem_shared>>
      tpu.wait_dma2 semaphore(%run_scoped3A : memref<!tpu.dma_semaphore, #tpu.memory_space<semaphore_mem>>) src(%arg16 : memref<24x48xf32, #tpu.memory_space<vmem>>) dst(%dma_wait3A_425 : memref<24x48xf32, #tpu.memory_space<vmem_shared>>)
      tpu.yield
    }) : () -> ()
    %add3A_403 = arith.constant 600 : i32
    %add3A_404 = arith.addi %mul3A_352, %add3A_403 : i32
    "tpu.region"() ({
      %run_scoped3A = tpu.sem_alloc : memref<!tpu.dma_semaphore, #tpu.memory_space<semaphore_mem>>
      %dma_start3A = arith.constant 0 : i32
      %dma_start3A_420 = tpu.memref_slice %arg8[%add3A_404, %dma_start3A] : memref<10000x48xf32, #tpu.memory_space<vmem_shared>> -> memref<24x48xf32, #tpu.memory_space<vmem_shared>>
      %dma_start3A_421 = arith.constant 0 : i32
      %dma_start3A_422 = tpu.memref_slice %arg8[%add3A_404, %dma_start3A_421] : memref<10000x48xf32, #tpu.memory_space<vmem_shared>> -> memref<24x48xf32, #tpu.memory_space<vmem_shared>>
      tpu.enqueue_dma source(%arg16 : memref<24x48xf32, #tpu.memory_space<vmem>>) target(%dma_start3A_422 : memref<24x48xf32, #tpu.memory_space<vmem_shared>>) target_semaphore(%run_scoped3A : memref<!tpu.dma_semaphore, #tpu.memory_space<semaphore_mem>>)
      %dma_wait3A = arith.constant 0 : i32
      %dma_wait3A_423 = tpu.memref_slice %arg8[%add3A_404, %dma_wait3A] : memref<10000x48xf32, #tpu.memory_space<vmem_shared>> -> memref<24x48xf32, #tpu.memory_space<vmem_shared>>
      %dma_wait3A_424 = arith.constant 0 : i32
      %dma_wait3A_425 = tpu.memref_slice %arg8[%add3A_404, %dma_wait3A_424] : memref<10000x48xf32, #tpu.memory_space<vmem_shared>> -> memref<24x48xf32, #tpu.memory_space<vmem_shared>>
      tpu.wait_dma2 semaphore(%run_scoped3A : memref<!tpu.dma_semaphore, #tpu.memory_space<semaphore_mem>>) src(%arg16 : memref<24x48xf32, #tpu.memory_space<vmem>>) dst(%dma_wait3A_425 : memref<24x48xf32, #tpu.memory_space<vmem_shared>>)
      tpu.yield
    }) : () -> ()
    "tpu.region"() ({
      %run_scoped3A = tpu.sem_alloc : memref<!tpu.dma_semaphore, #tpu.memory_space<semaphore_mem>>
      %dma_start3A = arith.constant 0 : i32
      %dma_start3A_420 = tpu.memref_slice %arg7[%mul3A_352, %dma_start3A] : memref<10000x32xf32, #tpu.memory_space<vmem_shared>> -> memref<624x32xf32, #tpu.memory_space<vmem_shared>>
      %dma_start3A_421 = arith.constant 0 : i32
      %dma_start3A_422 = tpu.memref_slice %arg2[%arg0, %mul3A_352, %dma_start3A_421] : memref<2x10000x32xf32, #tpu.memory_space<hbm>> -> memref<1x624x32xf32, #tpu.memory_space<hbm>>
      %dma_start3A_423 = tpu.memref_squeeze %dma_start3A_422 : memref<1x624x32xf32, #tpu.memory_space<hbm>> -> memref<624x32xf32, #tpu.memory_space<hbm>>
      tpu.enqueue_dma source(%dma_start3A_423 : memref<624x32xf32, #tpu.memory_space<hbm>>) target(%dma_start3A_420 : memref<624x32xf32, #tpu.memory_space<vmem_shared>>) target_semaphore(%run_scoped3A : memref<!tpu.dma_semaphore, #tpu.memory_space<semaphore_mem>>)
      %dma_wait3A = arith.constant 0 : i32
      %dma_wait3A_424 = tpu.memref_slice %arg7[%mul3A_352, %dma_wait3A] : memref<10000x32xf32, #tpu.memory_space<vmem_shared>> -> memref<624x32xf32, #tpu.memory_space<vmem_shared>>
      %dma_wait3A_425 = arith.constant 0 : i32
      %dma_wait3A_426 = tpu.memref_slice %arg2[%arg0, %mul3A_352, %dma_wait3A_425] : memref<2x10000x32xf32, #tpu.memory_space<hbm>> -> memref<1x624x32xf32, #tpu.memory_space<hbm>>
      %dma_wait3A_427 = tpu.memref_squeeze %dma_wait3A_426 : memref<1x624x32xf32, #tpu.memory_space<hbm>> -> memref<624x32xf32, #tpu.memory_space<hbm>>
      tpu.wait_dma2 semaphore(%run_scoped3A : memref<!tpu.dma_semaphore, #tpu.memory_space<semaphore_mem>>) src(%dma_wait3A_427 : memref<624x32xf32, #tpu.memory_space<hbm>>) dst(%dma_wait3A_424 : memref<624x32xf32, #tpu.memory_space<vmem_shared>>)
      tpu.yield
    }) : () -> ()
    "tpu.region"() ({
      %run_scoped3A = tpu.sem_alloc : memref<!tpu.dma_semaphore, #tpu.memory_space<semaphore_mem>>
      %dma_start3A = arith.constant 0 : i32
      %dma_start3A_420 = tpu.memref_slice %arg9[%mul3A_352, %dma_start3A] : memref<10000x16xf32, #tpu.memory_space<vmem_shared>> -> memref<624x16xf32, #tpu.memory_space<vmem_shared>>
      %dma_start3A_421 = arith.constant 0 : i32
      %dma_start3A_422 = tpu.memref_slice %arg3[%arg0, %mul3A_352, %dma_start3A_421] : memref<2x10000x16xf32, #tpu.memory_space<hbm>> -> memref<1x624x16xf32, #tpu.memory_space<hbm>>
      %dma_start3A_423 = tpu.memref_squeeze %dma_start3A_422 : memref<1x624x16xf32, #tpu.memory_space<hbm>> -> memref<624x16xf32, #tpu.memory_space<hbm>>
      tpu.enqueue_dma source(%dma_start3A_423 : memref<624x16xf32, #tpu.memory_space<hbm>>) target(%dma_start3A_420 : memref<624x16xf32, #tpu.memory_space<vmem_shared>>) target_semaphore(%run_scoped3A : memref<!tpu.dma_semaphore, #tpu.memory_space<semaphore_mem>>)
      %dma_wait3A = arith.constant 0 : i32
      %dma_wait3A_424 = tpu.memref_slice %arg9[%mul3A_352, %dma_wait3A] : memref<10000x16xf32, #tpu.memory_space<vmem_shared>> -> memref<624x16xf32, #tpu.memory_space<vmem_shared>>
      %dma_wait3A_425 = arith.constant 0 : i32
      %dma_wait3A_426 = tpu.memref_slice %arg3[%arg0, %mul3A_352, %dma_wait3A_425] : memref<2x10000x16xf32, #tpu.memory_space<hbm>> -> memref<1x624x16xf32, #tpu.memory_space<hbm>>
      %dma_wait3A_427 = tpu.memref_squeeze %dma_wait3A_426 : memref<1x624x16xf32, #tpu.memory_space<hbm>> -> memref<624x16xf32, #tpu.memory_space<hbm>>
      tpu.wait_dma2 semaphore(%run_scoped3A : memref<!tpu.dma_semaphore, #tpu.memory_space<semaphore_mem>>) src(%dma_wait3A_427 : memref<624x16xf32, #tpu.memory_space<hbm>>) dst(%dma_wait3A_424 : memref<624x16xf32, #tpu.memory_space<vmem_shared>>)
      tpu.yield
    }) : () -> ()
    %eq3A = arith.constant 15 : i32
    %eq3A_405 = arith.cmpi eq, %arg1, %eq3A : i32
    %convert_element_type3A = arith.extui %eq3A_405 : i1 to i32
    %cond3A = arith.constant 0 : i32
    %cond3A_406 = arith.cmpi ne, %convert_element_type3A, %cond3A : i32
    scf.if %cond3A_406 {
      "tpu.region"() ({
        %run_scoped3A = tpu.sem_alloc : memref<!tpu.dma_semaphore, #tpu.memory_space<semaphore_mem>>
        %dma_start3A = arith.constant 0 : i32
        %dma_start3A_420 = arith.constant 0 : i32
        %dma_start3A_421 = tpu.memref_slice %arg16[%dma_start3A, %dma_start3A_420] : memref<24x48xf32, #tpu.memory_space<vmem>> -> memref<16x48xf32, #tpu.memory_space<vmem>>
        %dma_start3A_422 = arith.constant 9984 : i32
        %dma_start3A_423 = arith.constant 0 : i32
        %dma_start3A_424 = tpu.memref_slice %arg8[%dma_start3A_422, %dma_start3A_423] : memref<10000x48xf32, #tpu.memory_space<vmem_shared>> -> memref<16x48xf32, #tpu.memory_space<vmem_shared>>
        %dma_start3A_425 = arith.constant 9984 : i32
        %dma_start3A_426 = arith.constant 0 : i32
        %dma_start3A_427 = tpu.memref_slice %arg8[%dma_start3A_425, %dma_start3A_426] : memref<10000x48xf32, #tpu.memory_space<vmem_shared>> -> memref<16x48xf32, #tpu.memory_space<vmem_shared>>
        %dma_start3A_428 = arith.constant 0 : i32
        %dma_start3A_429 = arith.constant 0 : i32
        %dma_start3A_430 = tpu.memref_slice %arg16[%dma_start3A_428, %dma_start3A_429] : memref<24x48xf32, #tpu.memory_space<vmem>> -> memref<16x48xf32, #tpu.memory_space<vmem>>
        tpu.enqueue_dma source(%dma_start3A_430 : memref<16x48xf32, #tpu.memory_space<vmem>>) target(%dma_start3A_427 : memref<16x48xf32, #tpu.memory_space<vmem_shared>>) target_semaphore(%run_scoped3A : memref<!tpu.dma_semaphore, #tpu.memory_space<semaphore_mem>>)
        %dma_wait3A = arith.constant 0 : i32
        %dma_wait3A_431 = arith.constant 0 : i32
        %dma_wait3A_432 = tpu.memref_slice %arg16[%dma_wait3A, %dma_wait3A_431] : memref<24x48xf32, #tpu.memory_space<vmem>> -> memref<16x48xf32, #tpu.memory_space<vmem>>
        %dma_wait3A_433 = arith.constant 9984 : i32
        %dma_wait3A_434 = arith.constant 0 : i32
        %dma_wait3A_435 = tpu.memref_slice %arg8[%dma_wait3A_433, %dma_wait3A_434] : memref<10000x48xf32, #tpu.memory_space<vmem_shared>> -> memref<16x48xf32, #tpu.memory_space<vmem_shared>>
        %dma_wait3A_436 = arith.constant 9984 : i32
        %dma_wait3A_437 = arith.constant 0 : i32
        %dma_wait3A_438 = tpu.memref_slice %arg8[%dma_wait3A_436, %dma_wait3A_437] : memref<10000x48xf32, #tpu.memory_space<vmem_shared>> -> memref<16x48xf32, #tpu.memory_space<vmem_shared>>
        %dma_wait3A_439 = arith.constant 0 : i32
        %dma_wait3A_440 = arith.constant 0 : i32
        %dma_wait3A_441 = tpu.memref_slice %arg16[%dma_wait3A_439, %dma_wait3A_440] : memref<24x48xf32, #tpu.memory_space<vmem>> -> memref<16x48xf32, #tpu.memory_space<vmem>>
        tpu.wait_dma2 semaphore(%run_scoped3A : memref<!tpu.dma_semaphore, #tpu.memory_space<semaphore_mem>>) src(%dma_wait3A_441 : memref<16x48xf32, #tpu.memory_space<vmem>>) dst(%dma_wait3A_438 : memref<16x48xf32, #tpu.memory_space<vmem_shared>>)
        tpu.yield
      }) : () -> ()
      "tpu.region"() ({
        %run_scoped3A = tpu.sem_alloc : memref<!tpu.dma_semaphore, #tpu.memory_space<semaphore_mem>>
        %dma_start3A = arith.constant 9984 : i32
        %dma_start3A_420 = arith.constant 0 : i32
        %dma_start3A_421 = tpu.memref_slice %arg7[%dma_start3A, %dma_start3A_420] : memref<10000x32xf32, #tpu.memory_space<vmem_shared>> -> memref<16x32xf32, #tpu.memory_space<vmem_shared>>
        %dma_start3A_422 = arith.constant 9984 : i32
        %dma_start3A_423 = arith.constant 0 : i32
        %dma_start3A_424 = tpu.memref_slice %arg2[%arg0, %dma_start3A_422, %dma_start3A_423] : memref<2x10000x32xf32, #tpu.memory_space<hbm>> -> memref<1x16x32xf32, #tpu.memory_space<hbm>>
        %dma_start3A_425 = tpu.memref_squeeze %dma_start3A_424 : memref<1x16x32xf32, #tpu.memory_space<hbm>> -> memref<16x32xf32, #tpu.memory_space<hbm>>
        tpu.enqueue_dma source(%dma_start3A_425 : memref<16x32xf32, #tpu.memory_space<hbm>>) target(%dma_start3A_421 : memref<16x32xf32, #tpu.memory_space<vmem_shared>>) target_semaphore(%run_scoped3A : memref<!tpu.dma_semaphore, #tpu.memory_space<semaphore_mem>>)
        %dma_wait3A = arith.constant 9984 : i32
        %dma_wait3A_426 = arith.constant 0 : i32
        %dma_wait3A_427 = tpu.memref_slice %arg7[%dma_wait3A, %dma_wait3A_426] : memref<10000x32xf32, #tpu.memory_space<vmem_shared>> -> memref<16x32xf32, #tpu.memory_space<vmem_shared>>
        %dma_wait3A_428 = arith.constant 9984 : i32
        %dma_wait3A_429 = arith.constant 0 : i32
        %dma_wait3A_430 = tpu.memref_slice %arg2[%arg0, %dma_wait3A_428, %dma_wait3A_429] : memref<2x10000x32xf32, #tpu.memory_space<hbm>> -> memref<1x16x32xf32, #tpu.memory_space<hbm>>
        %dma_wait3A_431 = tpu.memref_squeeze %dma_wait3A_430 : memref<1x16x32xf32, #tpu.memory_space<hbm>> -> memref<16x32xf32, #tpu.memory_space<hbm>>
        tpu.wait_dma2 semaphore(%run_scoped3A : memref<!tpu.dma_semaphore, #tpu.memory_space<semaphore_mem>>) src(%dma_wait3A_431 : memref<16x32xf32, #tpu.memory_space<hbm>>) dst(%dma_wait3A_427 : memref<16x32xf32, #tpu.memory_space<vmem_shared>>)
        tpu.yield
      }) : () -> ()
      "tpu.region"() ({
        %run_scoped3A = tpu.sem_alloc : memref<!tpu.dma_semaphore, #tpu.memory_space<semaphore_mem>>
        %dma_start3A = arith.constant 9984 : i32
        %dma_start3A_420 = arith.constant 0 : i32
        %dma_start3A_421 = tpu.memref_slice %arg9[%dma_start3A, %dma_start3A_420] : memref<10000x16xf32, #tpu.memory_space<vmem_shared>> -> memref<16x16xf32, #tpu.memory_space<vmem_shared>>
        %dma_start3A_422 = arith.constant 9984 : i32
        %dma_start3A_423 = arith.constant 0 : i32
        %dma_start3A_424 = tpu.memref_slice %arg3[%arg0, %dma_start3A_422, %dma_start3A_423] : memref<2x10000x16xf32, #tpu.memory_space<hbm>> -> memref<1x16x16xf32, #tpu.memory_space<hbm>>
        %dma_start3A_425 = tpu.memref_squeeze %dma_start3A_424 : memref<1x16x16xf32, #tpu.memory_space<hbm>> -> memref<16x16xf32, #tpu.memory_space<hbm>>
        tpu.enqueue_dma source(%dma_start3A_425 : memref<16x16xf32, #tpu.memory_space<hbm>>) target(%dma_start3A_421 : memref<16x16xf32, #tpu.memory_space<vmem_shared>>) target_semaphore(%run_scoped3A : memref<!tpu.dma_semaphore, #tpu.memory_space<semaphore_mem>>)
        %dma_wait3A = arith.constant 9984 : i32
        %dma_wait3A_426 = arith.constant 0 : i32
        %dma_wait3A_427 = tpu.memref_slice %arg9[%dma_wait3A, %dma_wait3A_426] : memref<10000x16xf32, #tpu.memory_space<vmem_shared>> -> memref<16x16xf32, #tpu.memory_space<vmem_shared>>
        %dma_wait3A_428 = arith.constant 9984 : i32
        %dma_wait3A_429 = arith.constant 0 : i32
        %dma_wait3A_430 = tpu.memref_slice %arg3[%arg0, %dma_wait3A_428, %dma_wait3A_429] : memref<2x10000x16xf32, #tpu.memory_space<hbm>> -> memref<1x16x16xf32, #tpu.memory_space<hbm>>
        %dma_wait3A_431 = tpu.memref_squeeze %dma_wait3A_430 : memref<1x16x16xf32, #tpu.memory_space<hbm>> -> memref<16x16xf32, #tpu.memory_space<hbm>>
        tpu.wait_dma2 semaphore(%run_scoped3A : memref<!tpu.dma_semaphore, #tpu.memory_space<semaphore_mem>>) src(%dma_wait3A_431 : memref<16x16xf32, #tpu.memory_space<hbm>>) dst(%dma_wait3A_427 : memref<16x16xf32, #tpu.memory_space<vmem_shared>>)
        tpu.yield
      }) : () -> ()
    } else {
    }
    %barrier3A = arith.constant 0 : index
    tpu.barrier barrier_id(%barrier3A)
    %mul3A_407 = arith.constant 20000 : i32
    %mul3A_408 = arith.muli %arg1, %mul3A_407 : i32
    %scan3A = arith.constant 0 : i32
    %scan3A_409 = arith.constant 0 : i32
    %scan3A_410 = arith.constant 125 : i32
    %scan3A_411 = arith.addi %scan3A_409, %scan3A_410 : i32
    %scan3A_412 = arith.constant 1 : i32
    scf.for %scan3A_420 = %scan3A_409 to %scan3A_411 step %scan3A_412  : i32 {
      %mul3A_421 = arith.constant 160 : i32
      %mul3A_422 = arith.muli %scan3A_420, %mul3A_421 : i32
      %add3A_423 = arith.addi %mul3A_408, %mul3A_422 : i32
      "tpu.region"() ({
        %run_scoped3A = tpu.sem_alloc : memref<!tpu.dma_semaphore, #tpu.memory_space<semaphore_mem>>
        %dma_start3A = tpu.memref_slice %arg4[%add3A_423] : memref<320000xi32, #tpu.memory_space<hbm>> -> memref<160xi32, #tpu.memory_space<hbm>>
        %dma_start3A_430 = tpu.memref_slice %arg4[%add3A_423] : memref<320000xi32, #tpu.memory_space<hbm>> -> memref<160xi32, #tpu.memory_space<hbm>>
        tpu.enqueue_dma source(%dma_start3A_430 : memref<160xi32, #tpu.memory_space<hbm>>) target(%arg10 : memref<160xi32, #tpu.memory_space<vmem>>) target_semaphore(%run_scoped3A : memref<!tpu.dma_semaphore, #tpu.memory_space<semaphore_mem>>)
        %dma_wait3A = tpu.memref_slice %arg4[%add3A_423] : memref<320000xi32, #tpu.memory_space<hbm>> -> memref<160xi32, #tpu.memory_space<hbm>>
        %dma_wait3A_431 = tpu.memref_slice %arg4[%add3A_423] : memref<320000xi32, #tpu.memory_space<hbm>> -> memref<160xi32, #tpu.memory_space<hbm>>
        tpu.wait_dma2 semaphore(%run_scoped3A : memref<!tpu.dma_semaphore, #tpu.memory_space<semaphore_mem>>) src(%dma_wait3A_431 : memref<160xi32, #tpu.memory_space<hbm>>) dst(%arg10 : memref<160xi32, #tpu.memory_space<vmem>>)
        tpu.yield
      }) : () -> ()
      "tpu.region"() ({
        %run_scoped3A = tpu.sem_alloc : memref<!tpu.dma_semaphore, #tpu.memory_space<semaphore_mem>>
        %dma_start3A = tpu.memref_slice %arg5[%add3A_423] : memref<320000xi32, #tpu.memory_space<hbm>> -> memref<160xi32, #tpu.memory_space<hbm>>
        %dma_start3A_430 = tpu.memref_slice %arg5[%add3A_423] : memref<320000xi32, #tpu.memory_space<hbm>> -> memref<160xi32, #tpu.memory_space<hbm>>
        tpu.enqueue_dma source(%dma_start3A_430 : memref<160xi32, #tpu.memory_space<hbm>>) target(%arg11 : memref<160xi32, #tpu.memory_space<vmem>>) target_semaphore(%run_scoped3A : memref<!tpu.dma_semaphore, #tpu.memory_space<semaphore_mem>>)
        %dma_wait3A = tpu.memref_slice %arg5[%add3A_423] : memref<320000xi32, #tpu.memory_space<hbm>> -> memref<160xi32, #tpu.memory_space<hbm>>
        %dma_wait3A_431 = tpu.memref_slice %arg5[%add3A_423] : memref<320000xi32, #tpu.memory_space<hbm>> -> memref<160xi32, #tpu.memory_space<hbm>>
        tpu.wait_dma2 semaphore(%run_scoped3A : memref<!tpu.dma_semaphore, #tpu.memory_space<semaphore_mem>>) src(%dma_wait3A_431 : memref<160xi32, #tpu.memory_space<hbm>>) dst(%arg11 : memref<160xi32, #tpu.memory_space<vmem>>)
        tpu.yield
      }) : () -> ()
      "tpu.region"() ({
        %run_scoped3A = tpu.sem_alloc : memref<!tpu.dma_semaphore, #tpu.memory_space<semaphore_mem>>
        %dma_start3A = arith.constant 0 : i32
        %dma_start3A_430 = arith.constant 0 : i32
        %dma_start3A_431 = tpu.memref_slice %arg9[%dma_start3A, %dma_start3A_430] : memref<10000x16xf32, #tpu.memory_space<vmem_shared>> -> memref<10000x16xf32, #tpu.memory_space<vmem_shared>>
        tpu.enqueue_indirect_dma source(%dma_start3A_431 : memref<10000x16xf32, #tpu.memory_space<vmem_shared>>) target(%arg12 : memref<160x16xf32, #tpu.memory_space<vmem>>) offsets(%arg10 : memref<160xi32, #tpu.memory_space<vmem>>) semaphore(%run_scoped3A : memref<!tpu.dma_semaphore, #tpu.memory_space<semaphore_mem>>)
        %dma_wait3A = arith.constant 0 : i32
        %dma_wait3A_432 = arith.constant 0 : i32
        %dma_wait3A_433 = tpu.memref_slice %arg9[%dma_wait3A, %dma_wait3A_432] : memref<10000x16xf32, #tpu.memory_space<vmem_shared>> -> memref<10000x16xf32, #tpu.memory_space<vmem_shared>>
        tpu.wait_indirect_dma semaphore(%run_scoped3A : memref<!tpu.dma_semaphore, #tpu.memory_space<semaphore_mem>>) src(%dma_wait3A_433 : memref<10000x16xf32, #tpu.memory_space<vmem_shared>>) dst(%arg12 : memref<160x16xf32, #tpu.memory_space<vmem>>)
        tpu.yield
      }) : () -> ()
      "tpu.region"() ({
        %run_scoped3A = tpu.sem_alloc : memref<!tpu.dma_semaphore, #tpu.memory_space<semaphore_mem>>
        %dma_start3A = arith.constant 0 : i32
        %dma_start3A_430 = arith.constant 0 : i32
        %dma_start3A_431 = tpu.memref_slice %arg9[%dma_start3A, %dma_start3A_430] : memref<10000x16xf32, #tpu.memory_space<vmem_shared>> -> memref<10000x16xf32, #tpu.memory_space<vmem_shared>>
        tpu.enqueue_indirect_dma source(%dma_start3A_431 : memref<10000x16xf32, #tpu.memory_space<vmem_shared>>) target(%arg13 : memref<160x16xf32, #tpu.memory_space<vmem>>) offsets(%arg11 : memref<160xi32, #tpu.memory_space<vmem>>) semaphore(%run_scoped3A : memref<!tpu.dma_semaphore, #tpu.memory_space<semaphore_mem>>)
        %dma_wait3A = arith.constant 0 : i32
        %dma_wait3A_432 = arith.constant 0 : i32
        %dma_wait3A_433 = tpu.memref_slice %arg9[%dma_wait3A, %dma_wait3A_432] : memref<10000x16xf32, #tpu.memory_space<vmem_shared>> -> memref<10000x16xf32, #tpu.memory_space<vmem_shared>>
        tpu.wait_indirect_dma semaphore(%run_scoped3A : memref<!tpu.dma_semaphore, #tpu.memory_space<semaphore_mem>>) src(%dma_wait3A_433 : memref<10000x16xf32, #tpu.memory_space<vmem_shared>>) dst(%arg13 : memref<160x16xf32, #tpu.memory_space<vmem>>)
        tpu.yield
      }) : () -> ()
      "tpu.region"() ({
        %run_scoped3A = tpu.sem_alloc : memref<!tpu.dma_semaphore, #tpu.memory_space<semaphore_mem>>
        %dma_start3A = arith.constant 0 : i32
        %dma_start3A_430 = arith.constant 0 : i32
        %dma_start3A_431 = tpu.memref_slice %arg7[%dma_start3A, %dma_start3A_430] : memref<10000x32xf32, #tpu.memory_space<vmem_shared>> -> memref<10000x32xf32, #tpu.memory_space<vmem_shared>>
        tpu.enqueue_indirect_dma source(%dma_start3A_431 : memref<10000x32xf32, #tpu.memory_space<vmem_shared>>) target(%arg14 : memref<160x32xf32, #tpu.memory_space<vmem>>) offsets(%arg10 : memref<160xi32, #tpu.memory_space<vmem>>) semaphore(%run_scoped3A : memref<!tpu.dma_semaphore, #tpu.memory_space<semaphore_mem>>)
        %dma_wait3A = arith.constant 0 : i32
        %dma_wait3A_432 = arith.constant 0 : i32
        %dma_wait3A_433 = tpu.memref_slice %arg7[%dma_wait3A, %dma_wait3A_432] : memref<10000x32xf32, #tpu.memory_space<vmem_shared>> -> memref<10000x32xf32, #tpu.memory_space<vmem_shared>>
        tpu.wait_indirect_dma semaphore(%run_scoped3A : memref<!tpu.dma_semaphore, #tpu.memory_space<semaphore_mem>>) src(%dma_wait3A_433 : memref<10000x32xf32, #tpu.memory_space<vmem_shared>>) dst(%arg14 : memref<160x32xf32, #tpu.memory_space<vmem>>)
        tpu.yield
      }) : () -> ()
      %scan3A_424 = arith.constant 0 : i32
      %scan3A_425 = arith.constant 0 : i32
      %scan3A_426 = arith.constant 160 : i32
      %scan3A_427 = arith.addi %scan3A_425, %scan3A_426 : i32
      %scan3A_428 = arith.constant 1 : i32
      scf.for %scan3A_430 = %scan3A_425 to %scan3A_427 step %scan3A_428  : i32 {
        %get3A = arith.index_cast %scan3A_430 : i32 to index
        %get3A_431 = arith.constant 0 : index
        %get3A_432 = tpu.vector_load %arg12[%get3A, %get3A_431] {strides = array<i32>} : memref<160x16xf32, #tpu.memory_space<vmem>>, vector<16xf32>,
        %get3A_433 = arith.index_cast %scan3A_430 : i32 to index
        %get3A_434 = arith.constant 0 : index
        %get3A_435 = tpu.vector_load %arg13[%get3A_433, %get3A_434] {strides = array<i32>} : memref<160x16xf32, #tpu.memory_space<vmem>>, vector<16xf32>,
        %broadcast_in_dim3A_436 = vector.shape_cast %min3A_4 : vector<16xi32> to vector<16x1xi32>
        %gather3A = vector.shape_cast %broadcast_in_dim3A_436 : vector<16x1xi32> to vector<16xi32>
        %gather3A_437 = tpu.dynamic_gather %get3A_435[%gather3A] in [0] : vector<16xf32>, vector<16xi32> -> vector<16xf32>
        %add3A_438 = arith.addf %get3A_432, %gather3A_437 : vector<16xf32>
        %gt3A = arith.constant 0.000000e+00 : f32
        %gt3A_439 = vector.broadcast %gt3A : f32 to vector<16xf32>
        %gt3A_440 = arith.cmpf ogt, %add3A_438, %gt3A_439 : vector<16xf32>
        %mul3A_441 = arith.constant 2.000000e-01 : f32
        %mul3A_442 = vector.broadcast %mul3A_441 : f32 to vector<16xf32>
        %mul3A_443 = arith.mulf %mul3A_442, %add3A_438 : vector<16xf32>
        %select_n3A_444 = arith.select %gt3A_440, %add3A_438, %mul3A_443 : vector<16xi1>, vector<16xf32>
        %exp3A = math.exp %select_n3A_444 : vector<16xf32>
        %swap3A_445 = arith.index_cast %scan3A_430 : i32 to index
        %swap3A_446 = arith.constant 32 : index
        %swap3A_447 = tpu.vector_load %arg15[%swap3A_445, %swap3A_446] {strides = array<i32>} : memref<160x48xf32, #tpu.memory_space<vmem>>, vector<16xf32>,
        tpu.vector_store %arg15[%swap3A_445, %swap3A_446], %exp3A {strides = array<i32>} : memref<160x48xf32, #tpu.memory_space<vmem>>, vector<16xf32>,
        %broadcast_in_dim3A_448 = vector.shape_cast %select_n3A : vector<16xi32> to vector<16x1xi32>
        %gather3A_449 = vector.shape_cast %broadcast_in_dim3A_448 : vector<16x1xi32> to vector<16xi32>
        %gather3A_450 = tpu.dynamic_gather %exp3A[%gather3A_449] in [0] : vector<16xf32>, vector<16xi32> -> vector<16xf32>
        %get3A_451 = arith.index_cast %scan3A_430 : i32 to index
        %get3A_452 = arith.constant 0 : index
        %get3A_453 = tpu.vector_load %arg14[%get3A_451, %get3A_452] {strides = array<i32>} : memref<160x32xf32, #tpu.memory_space<vmem>>, vector<16xf32>,
        %mul3A_454 = arith.mulf %get3A_453, %gather3A_450 : vector<16xf32>
        %swap3A_455 = arith.index_cast %scan3A_430 : i32 to index
        %swap3A_456 = arith.constant 0 : index
        %swap3A_457 = tpu.vector_load %arg15[%swap3A_455, %swap3A_456] {strides = array<i32>} : memref<160x48xf32, #tpu.memory_space<vmem>>, vector<16xf32>,
        tpu.vector_store %arg15[%swap3A_455, %swap3A_456], %mul3A_454 {strides = array<i32>} : memref<160x48xf32, #tpu.memory_space<vmem>>, vector<16xf32>,
        %broadcast_in_dim3A_458 = vector.shape_cast %select_n3A_64 : vector<16xi32> to vector<16x1xi32>
        %gather3A_459 = vector.shape_cast %broadcast_in_dim3A_458 : vector<16x1xi32> to vector<16xi32>
        %gather3A_460 = tpu.dynamic_gather %exp3A[%gather3A_459] in [0] : vector<16xf32>, vector<16xi32> -> vector<16xf32>
        %get3A_461 = arith.index_cast %scan3A_430 : i32 to index
        %get3A_462 = arith.constant 16 : index
        %get3A_463 = tpu.vector_load %arg14[%get3A_461, %get3A_462] {strides = array<i32>} : memref<160x32xf32, #tpu.memory_space<vmem>>, vector<16xf32>,
        %mul3A_464 = arith.mulf %get3A_463, %gather3A_460 : vector<16xf32>
        %swap3A_465 = arith.index_cast %scan3A_430 : i32 to index
        %swap3A_466 = arith.constant 16 : index
        %swap3A_467 = tpu.vector_load %arg15[%swap3A_465, %swap3A_466] {strides = array<i32>} : memref<160x48xf32, #tpu.memory_space<vmem>>, vector<16xf32>,
        tpu.vector_store %arg15[%swap3A_465, %swap3A_466], %mul3A_464 {strides = array<i32>} : memref<160x48xf32, #tpu.memory_space<vmem>>, vector<16xf32>,
      }
      %scan3A_429 = arith.constant 160 : i32
      "tpu.region"() ({
        %run_scoped3A = tpu.sem_alloc : memref<!tpu.dma_semaphore, #tpu.memory_space<semaphore_mem>>
        %dma_start3A = arith.constant 0 : i32
        %dma_start3A_430 = arith.constant 0 : i32
        %dma_start3A_431 = tpu.memref_slice %arg8[%dma_start3A, %dma_start3A_430] : memref<10000x48xf32, #tpu.memory_space<vmem_shared>> -> memref<10000x48xf32, #tpu.memory_space<vmem_shared>>
        tpu.enqueue_indirect_dma source(%arg15 : memref<160x48xf32, #tpu.memory_space<vmem>>) target(%dma_start3A_431 : memref<10000x48xf32, #tpu.memory_space<vmem_shared>>) offsets(%arg11 : memref<160xi32, #tpu.memory_space<vmem>>) semaphore(%run_scoped3A : memref<!tpu.dma_semaphore, #tpu.memory_space<semaphore_mem>>) {add = true}
        %dma_wait3A = arith.constant 0 : i32
        %dma_wait3A_432 = arith.constant 0 : i32
        %dma_wait3A_433 = tpu.memref_slice %arg8[%dma_wait3A, %dma_wait3A_432] : memref<10000x48xf32, #tpu.memory_space<vmem_shared>> -> memref<10000x48xf32, #tpu.memory_space<vmem_shared>>
        tpu.wait_indirect_dma semaphore(%run_scoped3A : memref<!tpu.dma_semaphore, #tpu.memory_space<semaphore_mem>>) src(%arg15 : memref<160x48xf32, #tpu.memory_space<vmem>>) dst(%dma_wait3A_433 : memref<10000x48xf32, #tpu.memory_space<vmem_shared>>)
        tpu.yield
      }) : () -> ()
    }
    %scan3A_413 = arith.constant 125 : i32
    %barrier3A_414 = arith.constant 0 : index
    tpu.barrier barrier_id(%barrier3A_414)
    "tpu.region"() ({
      %run_scoped3A = tpu.sem_alloc : memref<!tpu.dma_semaphore, #tpu.memory_space<semaphore_mem>>
      %dma_start3A = arith.constant 0 : i32
      %dma_start3A_420 = tpu.memref_slice %arg6[%arg0, %mul3A_352, %dma_start3A] : memref<2x10000x48xf32, #tpu.memory_space<hbm>> -> memref<1x624x48xf32, #tpu.memory_space<hbm>>
      %dma_start3A_421 = tpu.memref_squeeze %dma_start3A_420 : memref<1x624x48xf32, #tpu.memory_space<hbm>> -> memref<624x48xf32, #tpu.memory_space<hbm>>
      %dma_start3A_422 = arith.constant 0 : i32
      %dma_start3A_423 = tpu.memref_slice %arg8[%mul3A_352, %dma_start3A_422] : memref<10000x48xf32, #tpu.memory_space<vmem_shared>> -> memref<624x48xf32, #tpu.memory_space<vmem_shared>>
      tpu.enqueue_dma source(%dma_start3A_423 : memref<624x48xf32, #tpu.memory_space<vmem_shared>>) target(%dma_start3A_421 : memref<624x48xf32, #tpu.memory_space<hbm>>) target_semaphore(%run_scoped3A : memref<!tpu.dma_semaphore, #tpu.memory_space<semaphore_mem>>)
      %dma_wait3A = arith.constant 0 : i32
      %dma_wait3A_424 = tpu.memref_slice %arg6[%arg0, %mul3A_352, %dma_wait3A] : memref<2x10000x48xf32, #tpu.memory_space<hbm>> -> memref<1x624x48xf32, #tpu.memory_space<hbm>>
      %dma_wait3A_425 = tpu.memref_squeeze %dma_wait3A_424 : memref<1x624x48xf32, #tpu.memory_space<hbm>> -> memref<624x48xf32, #tpu.memory_space<hbm>>
      %dma_wait3A_426 = arith.constant 0 : i32
      %dma_wait3A_427 = tpu.memref_slice %arg8[%mul3A_352, %dma_wait3A_426] : memref<10000x48xf32, #tpu.memory_space<vmem_shared>> -> memref<624x48xf32, #tpu.memory_space<vmem_shared>>
      tpu.wait_dma2 semaphore(%run_scoped3A : memref<!tpu.dma_semaphore, #tpu.memory_space<semaphore_mem>>) src(%dma_wait3A_427 : memref<624x48xf32, #tpu.memory_space<vmem_shared>>) dst(%dma_wait3A_425 : memref<624x48xf32, #tpu.memory_space<hbm>>)
      tpu.yield
    }) : () -> ()
    %eq3A_415 = arith.constant 15 : i32
    %eq3A_416 = arith.cmpi eq, %arg1, %eq3A_415 : i32
    %convert_element_type3A_417 = arith.extui %eq3A_416 : i1 to i32
    %cond3A_418 = arith.constant 0 : i32
    %cond3A_419 = arith.cmpi ne, %convert_element_type3A_417, %cond3A_418 : i32
    scf.if %cond3A_419 {
      "tpu.region"() ({
        %run_scoped3A = tpu.sem_alloc : memref<!tpu.dma_semaphore, #tpu.memory_space<semaphore_mem>>
        %dma_start3A = arith.constant 9984 : i32
        %dma_start3A_420 = arith.constant 0 : i32
        %dma_start3A_421 = tpu.memref_slice %arg6[%arg0, %dma_start3A, %dma_start3A_420] : memref<2x10000x48xf32, #tpu.memory_space<hbm>> -> memref<1x16x48xf32, #tpu.memory_space<hbm>>
        %dma_start3A_422 = tpu.memref_squeeze %dma_start3A_421 : memref<1x16x48xf32, #tpu.memory_space<hbm>> -> memref<16x48xf32, #tpu.memory_space<hbm>>
        %dma_start3A_423 = arith.constant 9984 : i32
        %dma_start3A_424 = arith.constant 0 : i32
        %dma_start3A_425 = tpu.memref_slice %arg8[%dma_start3A_423, %dma_start3A_424] : memref<10000x48xf32, #tpu.memory_space<vmem_shared>> -> memref<16x48xf32, #tpu.memory_space<vmem_shared>>
        tpu.enqueue_dma source(%dma_start3A_425 : memref<16x48xf32, #tpu.memory_space<vmem_shared>>) target(%dma_start3A_422 : memref<16x48xf32, #tpu.memory_space<hbm>>) target_semaphore(%run_scoped3A : memref<!tpu.dma_semaphore, #tpu.memory_space<semaphore_mem>>)
        %dma_wait3A = arith.constant 9984 : i32
        %dma_wait3A_426 = arith.constant 0 : i32
        %dma_wait3A_427 = tpu.memref_slice %arg6[%arg0, %dma_wait3A, %dma_wait3A_426] : memref<2x10000x48xf32, #tpu.memory_space<hbm>> -> memref<1x16x48xf32, #tpu.memory_space<hbm>>
        %dma_wait3A_428 = tpu.memref_squeeze %dma_wait3A_427 : memref<1x16x48xf32, #tpu.memory_space<hbm>> -> memref<16x48xf32, #tpu.memory_space<hbm>>
        %dma_wait3A_429 = arith.constant 9984 : i32
        %dma_wait3A_430 = arith.constant 0 : i32
        %dma_wait3A_431 = tpu.memref_slice %arg8[%dma_wait3A_429, %dma_wait3A_430] : memref<10000x48xf32, #tpu.memory_space<vmem_shared>> -> memref<16x48xf32, #tpu.memory_space<vmem_shared>>
        tpu.wait_dma2 semaphore(%run_scoped3A : memref<!tpu.dma_semaphore, #tpu.memory_space<semaphore_mem>>) src(%dma_wait3A_431 : memref<16x48xf32, #tpu.memory_space<vmem_shared>>) dst(%dma_wait3A_428 : memref<16x48xf32, #tpu.memory_space<hbm>>)
        tpu.yield
      }) : () -> ()
    } else {
    }
    return
  }
}

#map = affine_map<(d0, d1) -> (0, 0, 0)>
#map1 = affine_map<(d0, d1) -> (0)>
module attributes {stable_mosaic.version = 14 : i64} {
  func.func @edge_kernel(%arg0: i32, %arg1: i32, %arg2: memref<2x10000x64xf32, #tpu.memory_space<hbm>>, %arg3: memref<2x10000x16xf32, #tpu.memory_space<hbm>>, %arg4: memref<320000xi32, #tpu.memory_space<hbm>>, %arg5: memref<320000xi32, #tpu.memory_space<hbm>>, %arg6: memref<2x10000x80xf32, #tpu.memory_space<hbm>>, %arg7: memref<10000x64xf32, #tpu.memory_space<vmem_shared>>, %arg8: memref<10000x80xf32, #tpu.memory_space<vmem_shared>>, %arg9: memref<10000x16xf32, #tpu.memory_space<vmem_shared>>, %arg10: memref<80xi32, #tpu.memory_space<vmem>>, %arg11: memref<80xi32, #tpu.memory_space<vmem>>, %arg12: memref<80x16xf32, #tpu.memory_space<vmem>>, %arg13: memref<80x16xf32, #tpu.memory_space<vmem>>, %arg14: memref<80x64xf32, #tpu.memory_space<vmem>>, %arg15: memref<80x80xf32, #tpu.memory_space<vmem>>, %arg16: memref<24x80xf32, #tpu.memory_space<vmem>>) attributes {dimension_semantics = [#tpu.dimension_semantics<core_parallel>, #tpu.dimension_semantics<subcore_parallel>], iteration_bounds = array<i64: 2, 16>, scalar_prefetch = 0 : i64, scratch_operands = 10 : i64, tpu.core_type = #tpu.core_type<sc_vector_subcore>, window_params = [{transform_indices = #map}, {transform_indices = #map}, {transform_indices = #map1}, {transform_indices = #map1}, {transform_indices = #map}]} {
    %iota3A = tpu.iota {dimensions = array<i32: 0>} : vector<16xi32>
    %broadcast_in_dim3A = arith.constant 0.000000e+00 : f32
    %broadcast_in_dim3A_0 = vector.broadcast %broadcast_in_dim3A : f32 to vector<16xf32>
    %add3A = arith.constant 1 : i32
    %add3A_1 = vector.broadcast %add3A : i32 to vector<16xi32>
    %add3A_2 = arith.addi %iota3A, %add3A_1 : vector<16xi32>
    %min3A = arith.constant 15 : i32
    %min3A_3 = vector.broadcast %min3A : i32 to vector<16xi32>
    %min3A_4 = arith.minsi %add3A_2, %min3A_3 : vector<16xi32>
    %add3A_5 = arith.constant 0 : i32
    %add3A_6 = vector.broadcast %add3A_5 : i32 to vector<16xi32>
    %add3A_7 = arith.addi %iota3A, %add3A_6 : vector<16xi32>
    %jit3A = arith.constant 64 : i32
    %div3A = vector.broadcast %jit3A : i32 to vector<16xi32>
    %div3A_8 = arith.divsi %add3A_7, %div3A : vector<16xi32>
    %sign3A = arith.constant 0 : i32
    %sign3A_9 = vector.broadcast %sign3A : i32 to vector<16xi32>
    %sign3A_10 = arith.cmpi sgt, %add3A_7, %sign3A_9 : vector<16xi32>
    %sign3A_11 = arith.extui %sign3A_10 : vector<16xi1> to vector<16xi32>
    %sign3A_12 = arith.constant 0 : i32
    %sign3A_13 = vector.broadcast %sign3A_12 : i32 to vector<16xi32>
    %sign3A_14 = arith.cmpi slt, %add3A_7, %sign3A_13 : vector<16xi32>
    %sign3A_15 = arith.extui %sign3A_14 : vector<16xi1> to vector<16xi32>
    %sign3A_16 = arith.subi %sign3A_11, %sign3A_15 : vector<16xi32>
    %sign3A_17 = arith.constant 0 : i32
    %sign3A_18 = arith.cmpi sgt, %jit3A, %sign3A_17 : i32
    %sign3A_19 = arith.extui %sign3A_18 : i1 to i32
    %sign3A_20 = arith.constant 0 : i32
    %sign3A_21 = arith.cmpi slt, %jit3A, %sign3A_20 : i32
    %sign3A_22 = arith.extui %sign3A_21 : i1 to i32
    %sign3A_23 = arith.subi %sign3A_19, %sign3A_22 : i32
    %ne3A = vector.broadcast %sign3A_23 : i32 to vector<16xi32>
    %ne3A_24 = arith.cmpi ne, %sign3A_16, %ne3A : vector<16xi32>
    %rem3A = vector.broadcast %jit3A : i32 to vector<16xi32>
    %rem3A_25 = arith.remsi %add3A_7, %rem3A : vector<16xi32>
    %ne3A_26 = arith.constant 0 : i32
    %ne3A_27 = vector.broadcast %ne3A_26 : i32 to vector<16xi32>
    %ne3A_28 = arith.cmpi ne, %rem3A_25, %ne3A_27 : vector<16xi32>
    %and3A = arith.andi %ne3A_24, %ne3A_28 : vector<16xi1>
    %sub3A = arith.constant 1 : i32
    %sub3A_29 = vector.broadcast %sub3A : i32 to vector<16xi32>
    %sub3A_30 = arith.subi %div3A_8, %sub3A_29 : vector<16xi32>
    %select_n3A = arith.select %and3A, %sub3A_30, %div3A_8 : vector<16xi1>, vector<16xi32>
    %add3A_31 = arith.constant 16 : i32
    %add3A_32 = vector.broadcast %add3A_31 : i32 to vector<16xi32>
    %add3A_33 = arith.addi %iota3A, %add3A_32 : vector<16xi32>
    %jit3A_34 = arith.constant 64 : i32
    %div3A_35 = vector.broadcast %jit3A_34 : i32 to vector<16xi32>
    %div3A_36 = arith.divsi %add3A_33, %div3A_35 : vector<16xi32>
    %sign3A_37 = arith.constant 0 : i32
    %sign3A_38 = vector.broadcast %sign3A_37 : i32 to vector<16xi32>
    %sign3A_39 = arith.cmpi sgt, %add3A_33, %sign3A_38 : vector<16xi32>
    %sign3A_40 = arith.extui %sign3A_39 : vector<16xi1> to vector<16xi32>
    %sign3A_41 = arith.constant 0 : i32
    %sign3A_42 = vector.broadcast %sign3A_41 : i32 to vector<16xi32>
    %sign3A_43 = arith.cmpi slt, %add3A_33, %sign3A_42 : vector<16xi32>
    %sign3A_44 = arith.extui %sign3A_43 : vector<16xi1> to vector<16xi32>
    %sign3A_45 = arith.subi %sign3A_40, %sign3A_44 : vector<16xi32>
    %sign3A_46 = arith.constant 0 : i32
    %sign3A_47 = arith.cmpi sgt, %jit3A_34, %sign3A_46 : i32
    %sign3A_48 = arith.extui %sign3A_47 : i1 to i32
    %sign3A_49 = arith.constant 0 : i32
    %sign3A_50 = arith.cmpi slt, %jit3A_34, %sign3A_49 : i32
    %sign3A_51 = arith.extui %sign3A_50 : i1 to i32
    %sign3A_52 = arith.subi %sign3A_48, %sign3A_51 : i32
    %ne3A_53 = vector.broadcast %sign3A_52 : i32 to vector<16xi32>
    %ne3A_54 = arith.cmpi ne, %sign3A_45, %ne3A_53 : vector<16xi32>
    %rem3A_55 = vector.broadcast %jit3A_34 : i32 to vector<16xi32>
    %rem3A_56 = arith.remsi %add3A_33, %rem3A_55 : vector<16xi32>
    %ne3A_57 = arith.constant 0 : i32
    %ne3A_58 = vector.broadcast %ne3A_57 : i32 to vector<16xi32>
    %ne3A_59 = arith.cmpi ne, %rem3A_56, %ne3A_58 : vector<16xi32>
    %and3A_60 = arith.andi %ne3A_54, %ne3A_59 : vector<16xi1>
    %sub3A_61 = arith.constant 1 : i32
    %sub3A_62 = vector.broadcast %sub3A_61 : i32 to vector<16xi32>
    %sub3A_63 = arith.subi %div3A_36, %sub3A_62 : vector<16xi32>
    %select_n3A_64 = arith.select %and3A_60, %sub3A_63, %div3A_36 : vector<16xi1>, vector<16xi32>
    %add3A_65 = arith.constant 32 : i32
    %add3A_66 = vector.broadcast %add3A_65 : i32 to vector<16xi32>
    %add3A_67 = arith.addi %iota3A, %add3A_66 : vector<16xi32>
    %jit3A_68 = arith.constant 64 : i32
    %div3A_69 = vector.broadcast %jit3A_68 : i32 to vector<16xi32>
    %div3A_70 = arith.divsi %add3A_67, %div3A_69 : vector<16xi32>
    %sign3A_71 = arith.constant 0 : i32
    %sign3A_72 = vector.broadcast %sign3A_71 : i32 to vector<16xi32>
    %sign3A_73 = arith.cmpi sgt, %add3A_67, %sign3A_72 : vector<16xi32>
    %sign3A_74 = arith.extui %sign3A_73 : vector<16xi1> to vector<16xi32>
    %sign3A_75 = arith.constant 0 : i32
    %sign3A_76 = vector.broadcast %sign3A_75 : i32 to vector<16xi32>
    %sign3A_77 = arith.cmpi slt, %add3A_67, %sign3A_76 : vector<16xi32>
    %sign3A_78 = arith.extui %sign3A_77 : vector<16xi1> to vector<16xi32>
    %sign3A_79 = arith.subi %sign3A_74, %sign3A_78 : vector<16xi32>
    %sign3A_80 = arith.constant 0 : i32
    %sign3A_81 = arith.cmpi sgt, %jit3A_68, %sign3A_80 : i32
    %sign3A_82 = arith.extui %sign3A_81 : i1 to i32
    %sign3A_83 = arith.constant 0 : i32
    %sign3A_84 = arith.cmpi slt, %jit3A_68, %sign3A_83 : i32
    %sign3A_85 = arith.extui %sign3A_84 : i1 to i32
    %sign3A_86 = arith.subi %sign3A_82, %sign3A_85 : i32
    %ne3A_87 = vector.broadcast %sign3A_86 : i32 to vector<16xi32>
    %ne3A_88 = arith.cmpi ne, %sign3A_79, %ne3A_87 : vector<16xi32>
    %rem3A_89 = vector.broadcast %jit3A_68 : i32 to vector<16xi32>
    %rem3A_90 = arith.remsi %add3A_67, %rem3A_89 : vector<16xi32>
    %ne3A_91 = arith.constant 0 : i32
    %ne3A_92 = vector.broadcast %ne3A_91 : i32 to vector<16xi32>
    %ne3A_93 = arith.cmpi ne, %rem3A_90, %ne3A_92 : vector<16xi32>
    %and3A_94 = arith.andi %ne3A_88, %ne3A_93 : vector<16xi1>
    %sub3A_95 = arith.constant 1 : i32
    %sub3A_96 = vector.broadcast %sub3A_95 : i32 to vector<16xi32>
    %sub3A_97 = arith.subi %div3A_70, %sub3A_96 : vector<16xi32>
    %select_n3A_98 = arith.select %and3A_94, %sub3A_97, %div3A_70 : vector<16xi1>, vector<16xi32>
    %add3A_99 = arith.constant 48 : i32
    %add3A_100 = vector.broadcast %add3A_99 : i32 to vector<16xi32>
    %add3A_101 = arith.addi %iota3A, %add3A_100 : vector<16xi32>
    %jit3A_102 = arith.constant 64 : i32
    %div3A_103 = vector.broadcast %jit3A_102 : i32 to vector<16xi32>
    %div3A_104 = arith.divsi %add3A_101, %div3A_103 : vector<16xi32>
    %sign3A_105 = arith.constant 0 : i32
    %sign3A_106 = vector.broadcast %sign3A_105 : i32 to vector<16xi32>
    %sign3A_107 = arith.cmpi sgt, %add3A_101, %sign3A_106 : vector<16xi32>
    %sign3A_108 = arith.extui %sign3A_107 : vector<16xi1> to vector<16xi32>
    %sign3A_109 = arith.constant 0 : i32
    %sign3A_110 = vector.broadcast %sign3A_109 : i32 to vector<16xi32>
    %sign3A_111 = arith.cmpi slt, %add3A_101, %sign3A_110 : vector<16xi32>
    %sign3A_112 = arith.extui %sign3A_111 : vector<16xi1> to vector<16xi32>
    %sign3A_113 = arith.subi %sign3A_108, %sign3A_112 : vector<16xi32>
    %sign3A_114 = arith.constant 0 : i32
    %sign3A_115 = arith.cmpi sgt, %jit3A_102, %sign3A_114 : i32
    %sign3A_116 = arith.extui %sign3A_115 : i1 to i32
    %sign3A_117 = arith.constant 0 : i32
    %sign3A_118 = arith.cmpi slt, %jit3A_102, %sign3A_117 : i32
    %sign3A_119 = arith.extui %sign3A_118 : i1 to i32
    %sign3A_120 = arith.subi %sign3A_116, %sign3A_119 : i32
    %ne3A_121 = vector.broadcast %sign3A_120 : i32 to vector<16xi32>
    %ne3A_122 = arith.cmpi ne, %sign3A_113, %ne3A_121 : vector<16xi32>
    %rem3A_123 = vector.broadcast %jit3A_102 : i32 to vector<16xi32>
    %rem3A_124 = arith.remsi %add3A_101, %rem3A_123 : vector<16xi32>
    %ne3A_125 = arith.constant 0 : i32
    %ne3A_126 = vector.broadcast %ne3A_125 : i32 to vector<16xi32>
    %ne3A_127 = arith.cmpi ne, %rem3A_124, %ne3A_126 : vector<16xi32>
    %and3A_128 = arith.andi %ne3A_122, %ne3A_127 : vector<16xi1>
    %sub3A_129 = arith.constant 1 : i32
    %sub3A_130 = vector.broadcast %sub3A_129 : i32 to vector<16xi32>
    %sub3A_131 = arith.subi %div3A_104, %sub3A_130 : vector<16xi32>
    %select_n3A_132 = arith.select %and3A_128, %sub3A_131, %div3A_104 : vector<16xi1>, vector<16xi32>
    %swap3A = arith.constant 0 : i32
    %swap3A_133 = arith.index_cast %swap3A : i32 to index
    %swap3A_134 = arith.constant 0 : index
    %swap3A_135 = tpu.vector_load %arg16[%swap3A_133, %swap3A_134] {strides = array<i32>} : memref<24x80xf32, #tpu.memory_space<vmem>>, vector<16xf32>,
    tpu.vector_store %arg16[%swap3A_133, %swap3A_134], %broadcast_in_dim3A_0 {strides = array<i32>} : memref<24x80xf32, #tpu.memory_space<vmem>>, vector<16xf32>,
    %swap3A_136 = arith.constant 0 : i32
    %swap3A_137 = arith.index_cast %swap3A_136 : i32 to index
    %swap3A_138 = arith.constant 16 : index
    %swap3A_139 = tpu.vector_load %arg16[%swap3A_137, %swap3A_138] {strides = array<i32>} : memref<24x80xf32, #tpu.memory_space<vmem>>, vector<16xf32>,
    tpu.vector_store %arg16[%swap3A_137, %swap3A_138], %broadcast_in_dim3A_0 {strides = array<i32>} : memref<24x80xf32, #tpu.memory_space<vmem>>, vector<16xf32>,
    %swap3A_140 = arith.constant 0 : i32
    %swap3A_141 = arith.index_cast %swap3A_140 : i32 to index
    %swap3A_142 = arith.constant 32 : index
    %swap3A_143 = tpu.vector_load %arg16[%swap3A_141, %swap3A_142] {strides = array<i32>} : memref<24x80xf32, #tpu.memory_space<vmem>>, vector<16xf32>,
    tpu.vector_store %arg16[%swap3A_141, %swap3A_142], %broadcast_in_dim3A_0 {strides = array<i32>} : memref<24x80xf32, #tpu.memory_space<vmem>>, vector<16xf32>,
    %swap3A_144 = arith.constant 0 : i32
    %swap3A_145 = arith.index_cast %swap3A_144 : i32 to index
    %swap3A_146 = arith.constant 48 : index
    %swap3A_147 = tpu.vector_load %arg16[%swap3A_145, %swap3A_146] {strides = array<i32>} : memref<24x80xf32, #tpu.memory_space<vmem>>, vector<16xf32>,
    tpu.vector_store %arg16[%swap3A_145, %swap3A_146], %broadcast_in_dim3A_0 {strides = array<i32>} : memref<24x80xf32, #tpu.memory_space<vmem>>, vector<16xf32>,
    %swap3A_148 = arith.constant 0 : i32
    %swap3A_149 = arith.index_cast %swap3A_148 : i32 to index
    %swap3A_150 = arith.constant 64 : index
    %swap3A_151 = tpu.vector_load %arg16[%swap3A_149, %swap3A_150] {strides = array<i32>} : memref<24x80xf32, #tpu.memory_space<vmem>>, vector<16xf32>,
    tpu.vector_store %arg16[%swap3A_149, %swap3A_150], %broadcast_in_dim3A_0 {strides = array<i32>} : memref<24x80xf32, #tpu.memory_space<vmem>>, vector<16xf32>,
    %swap3A_152 = arith.constant 1 : i32
    %swap3A_153 = arith.index_cast %swap3A_152 : i32 to index
    %swap3A_154 = arith.constant 0 : index
    %swap3A_155 = tpu.vector_load %arg16[%swap3A_153, %swap3A_154] {strides = array<i32>} : memref<24x80xf32, #tpu.memory_space<vmem>>, vector<16xf32>,
    tpu.vector_store %arg16[%swap3A_153, %swap3A_154], %broadcast_in_dim3A_0 {strides = array<i32>} : memref<24x80xf32, #tpu.memory_space<vmem>>, vector<16xf32>,
    %swap3A_156 = arith.constant 1 : i32
    %swap3A_157 = arith.index_cast %swap3A_156 : i32 to index
    %swap3A_158 = arith.constant 16 : index
    %swap3A_159 = tpu.vector_load %arg16[%swap3A_157, %swap3A_158] {strides = array<i32>} : memref<24x80xf32, #tpu.memory_space<vmem>>, vector<16xf32>,
    tpu.vector_store %arg16[%swap3A_157, %swap3A_158], %broadcast_in_dim3A_0 {strides = array<i32>} : memref<24x80xf32, #tpu.memory_space<vmem>>, vector<16xf32>,
    %swap3A_160 = arith.constant 1 : i32
    %swap3A_161 = arith.index_cast %swap3A_160 : i32 to index
    %swap3A_162 = arith.constant 32 : index
    %swap3A_163 = tpu.vector_load %arg16[%swap3A_161, %swap3A_162] {strides = array<i32>} : memref<24x80xf32, #tpu.memory_space<vmem>>, vector<16xf32>,
    tpu.vector_store %arg16[%swap3A_161, %swap3A_162], %broadcast_in_dim3A_0 {strides = array<i32>} : memref<24x80xf32, #tpu.memory_space<vmem>>, vector<16xf32>,
    %swap3A_164 = arith.constant 1 : i32
    %swap3A_165 = arith.index_cast %swap3A_164 : i32 to index
    %swap3A_166 = arith.constant 48 : index
    %swap3A_167 = tpu.vector_load %arg16[%swap3A_165, %swap3A_166] {strides = array<i32>} : memref<24x80xf32, #tpu.memory_space<vmem>>, vector<16xf32>,
    tpu.vector_store %arg16[%swap3A_165, %swap3A_166], %broadcast_in_dim3A_0 {strides = array<i32>} : memref<24x80xf32, #tpu.memory_space<vmem>>, vector<16xf32>,
    %swap3A_168 = arith.constant 1 : i32
    %swap3A_169 = arith.index_cast %swap3A_168 : i32 to index
    %swap3A_170 = arith.constant 64 : index
    %swap3A_171 = tpu.vector_load %arg16[%swap3A_169, %swap3A_170] {strides = array<i32>} : memref<24x80xf32, #tpu.memory_space<vmem>>, vector<16xf32>,
    tpu.vector_store %arg16[%swap3A_169, %swap3A_170], %broadcast_in_dim3A_0 {strides = array<i32>} : memref<24x80xf32, #tpu.memory_space<vmem>>, vector<16xf32>,
    %swap3A_172 = arith.constant 2 : i32
    %swap3A_173 = arith.index_cast %swap3A_172 : i32 to index
    %swap3A_174 = arith.constant 0 : index
    %swap3A_175 = tpu.vector_load %arg16[%swap3A_173, %swap3A_174] {strides = array<i32>} : memref<24x80xf32, #tpu.memory_space<vmem>>, vector<16xf32>,
    tpu.vector_store %arg16[%swap3A_173, %swap3A_174], %broadcast_in_dim3A_0 {strides = array<i32>} : memref<24x80xf32, #tpu.memory_space<vmem>>, vector<16xf32>,
    %swap3A_176 = arith.constant 2 : i32
    %swap3A_177 = arith.index_cast %swap3A_176 : i32 to index
    %swap3A_178 = arith.constant 16 : index
    %swap3A_179 = tpu.vector_load %arg16[%swap3A_177, %swap3A_178] {strides = array<i32>} : memref<24x80xf32, #tpu.memory_space<vmem>>, vector<16xf32>,
    tpu.vector_store %arg16[%swap3A_177, %swap3A_178], %broadcast_in_dim3A_0 {strides = array<i32>} : memref<24x80xf32, #tpu.memory_space<vmem>>, vector<16xf32>,
    %swap3A_180 = arith.constant 2 : i32
    %swap3A_181 = arith.index_cast %swap3A_180 : i32 to index
    %swap3A_182 = arith.constant 32 : index
    %swap3A_183 = tpu.vector_load %arg16[%swap3A_181, %swap3A_182] {strides = array<i32>} : memref<24x80xf32, #tpu.memory_space<vmem>>, vector<16xf32>,
    tpu.vector_store %arg16[%swap3A_181, %swap3A_182], %broadcast_in_dim3A_0 {strides = array<i32>} : memref<24x80xf32, #tpu.memory_space<vmem>>, vector<16xf32>,
    %swap3A_184 = arith.constant 2 : i32
    %swap3A_185 = arith.index_cast %swap3A_184 : i32 to index
    %swap3A_186 = arith.constant 48 : index
    %swap3A_187 = tpu.vector_load %arg16[%swap3A_185, %swap3A_186] {strides = array<i32>} : memref<24x80xf32, #tpu.memory_space<vmem>>, vector<16xf32>,
    tpu.vector_store %arg16[%swap3A_185, %swap3A_186], %broadcast_in_dim3A_0 {strides = array<i32>} : memref<24x80xf32, #tpu.memory_space<vmem>>, vector<16xf32>,
    %swap3A_188 = arith.constant 2 : i32
    %swap3A_189 = arith.index_cast %swap3A_188 : i32 to index
    %swap3A_190 = arith.constant 64 : index
    %swap3A_191 = tpu.vector_load %arg16[%swap3A_189, %swap3A_190] {strides = array<i32>} : memref<24x80xf32, #tpu.memory_space<vmem>>, vector<16xf32>,
    tpu.vector_store %arg16[%swap3A_189, %swap3A_190], %broadcast_in_dim3A_0 {strides = array<i32>} : memref<24x80xf32, #tpu.memory_space<vmem>>, vector<16xf32>,
    %swap3A_192 = arith.constant 3 : i32
    %swap3A_193 = arith.index_cast %swap3A_192 : i32 to index
    %swap3A_194 = arith.constant 0 : index
    %swap3A_195 = tpu.vector_load %arg16[%swap3A_193, %swap3A_194] {strides = array<i32>} : memref<24x80xf32, #tpu.memory_space<vmem>>, vector<16xf32>,
    tpu.vector_store %arg16[%swap3A_193, %swap3A_194], %broadcast_in_dim3A_0 {strides = array<i32>} : memref<24x80xf32, #tpu.memory_space<vmem>>, vector<16xf32>,
    %swap3A_196 = arith.constant 3 : i32
    %swap3A_197 = arith.index_cast %swap3A_196 : i32 to index
    %swap3A_198 = arith.constant 16 : index
    %swap3A_199 = tpu.vector_load %arg16[%swap3A_197, %swap3A_198] {strides = array<i32>} : memref<24x80xf32, #tpu.memory_space<vmem>>, vector<16xf32>,
    tpu.vector_store %arg16[%swap3A_197, %swap3A_198], %broadcast_in_dim3A_0 {strides = array<i32>} : memref<24x80xf32, #tpu.memory_space<vmem>>, vector<16xf32>,
    %swap3A_200 = arith.constant 3 : i32
    %swap3A_201 = arith.index_cast %swap3A_200 : i32 to index
    %swap3A_202 = arith.constant 32 : index
    %swap3A_203 = tpu.vector_load %arg16[%swap3A_201, %swap3A_202] {strides = array<i32>} : memref<24x80xf32, #tpu.memory_space<vmem>>, vector<16xf32>,
    tpu.vector_store %arg16[%swap3A_201, %swap3A_202], %broadcast_in_dim3A_0 {strides = array<i32>} : memref<24x80xf32, #tpu.memory_space<vmem>>, vector<16xf32>,
    %swap3A_204 = arith.constant 3 : i32
    %swap3A_205 = arith.index_cast %swap3A_204 : i32 to index
    %swap3A_206 = arith.constant 48 : index
    %swap3A_207 = tpu.vector_load %arg16[%swap3A_205, %swap3A_206] {strides = array<i32>} : memref<24x80xf32, #tpu.memory_space<vmem>>, vector<16xf32>,
    tpu.vector_store %arg16[%swap3A_205, %swap3A_206], %broadcast_in_dim3A_0 {strides = array<i32>} : memref<24x80xf32, #tpu.memory_space<vmem>>, vector<16xf32>,
    %swap3A_208 = arith.constant 3 : i32
    %swap3A_209 = arith.index_cast %swap3A_208 : i32 to index
    %swap3A_210 = arith.constant 64 : index
    %swap3A_211 = tpu.vector_load %arg16[%swap3A_209, %swap3A_210] {strides = array<i32>} : memref<24x80xf32, #tpu.memory_space<vmem>>, vector<16xf32>,
    tpu.vector_store %arg16[%swap3A_209, %swap3A_210], %broadcast_in_dim3A_0 {strides = array<i32>} : memref<24x80xf32, #tpu.memory_space<vmem>>, vector<16xf32>,
    %swap3A_212 = arith.constant 4 : i32
    %swap3A_213 = arith.index_cast %swap3A_212 : i32 to index
    %swap3A_214 = arith.constant 0 : index
    %swap3A_215 = tpu.vector_load %arg16[%swap3A_213, %swap3A_214] {strides = array<i32>} : memref<24x80xf32, #tpu.memory_space<vmem>>, vector<16xf32>,
    tpu.vector_store %arg16[%swap3A_213, %swap3A_214], %broadcast_in_dim3A_0 {strides = array<i32>} : memref<24x80xf32, #tpu.memory_space<vmem>>, vector<16xf32>,
    %swap3A_216 = arith.constant 4 : i32
    %swap3A_217 = arith.index_cast %swap3A_216 : i32 to index
    %swap3A_218 = arith.constant 16 : index
    %swap3A_219 = tpu.vector_load %arg16[%swap3A_217, %swap3A_218] {strides = array<i32>} : memref<24x80xf32, #tpu.memory_space<vmem>>, vector<16xf32>,
    tpu.vector_store %arg16[%swap3A_217, %swap3A_218], %broadcast_in_dim3A_0 {strides = array<i32>} : memref<24x80xf32, #tpu.memory_space<vmem>>, vector<16xf32>,
    %swap3A_220 = arith.constant 4 : i32
    %swap3A_221 = arith.index_cast %swap3A_220 : i32 to index
    %swap3A_222 = arith.constant 32 : index
    %swap3A_223 = tpu.vector_load %arg16[%swap3A_221, %swap3A_222] {strides = array<i32>} : memref<24x80xf32, #tpu.memory_space<vmem>>, vector<16xf32>,
    tpu.vector_store %arg16[%swap3A_221, %swap3A_222], %broadcast_in_dim3A_0 {strides = array<i32>} : memref<24x80xf32, #tpu.memory_space<vmem>>, vector<16xf32>,
    %swap3A_224 = arith.constant 4 : i32
    %swap3A_225 = arith.index_cast %swap3A_224 : i32 to index
    %swap3A_226 = arith.constant 48 : index
    %swap3A_227 = tpu.vector_load %arg16[%swap3A_225, %swap3A_226] {strides = array<i32>} : memref<24x80xf32, #tpu.memory_space<vmem>>, vector<16xf32>,
    tpu.vector_store %arg16[%swap3A_225, %swap3A_226], %broadcast_in_dim3A_0 {strides = array<i32>} : memref<24x80xf32, #tpu.memory_space<vmem>>, vector<16xf32>,
    %swap3A_228 = arith.constant 4 : i32
    %swap3A_229 = arith.index_cast %swap3A_228 : i32 to index
    %swap3A_230 = arith.constant 64 : index
    %swap3A_231 = tpu.vector_load %arg16[%swap3A_229, %swap3A_230] {strides = array<i32>} : memref<24x80xf32, #tpu.memory_space<vmem>>, vector<16xf32>,
    tpu.vector_store %arg16[%swap3A_229, %swap3A_230], %broadcast_in_dim3A_0 {strides = array<i32>} : memref<24x80xf32, #tpu.memory_space<vmem>>, vector<16xf32>,
    %swap3A_232 = arith.constant 5 : i32
    %swap3A_233 = arith.index_cast %swap3A_232 : i32 to index
    %swap3A_234 = arith.constant 0 : index
    %swap3A_235 = tpu.vector_load %arg16[%swap3A_233, %swap3A_234] {strides = array<i32>} : memref<24x80xf32, #tpu.memory_space<vmem>>, vector<16xf32>,
    tpu.vector_store %arg16[%swap3A_233, %swap3A_234], %broadcast_in_dim3A_0 {strides = array<i32>} : memref<24x80xf32, #tpu.memory_space<vmem>>, vector<16xf32>,
    %swap3A_236 = arith.constant 5 : i32
    %swap3A_237 = arith.index_cast %swap3A_236 : i32 to index
    %swap3A_238 = arith.constant 16 : index
    %swap3A_239 = tpu.vector_load %arg16[%swap3A_237, %swap3A_238] {strides = array<i32>} : memref<24x80xf32, #tpu.memory_space<vmem>>, vector<16xf32>,
    tpu.vector_store %arg16[%swap3A_237, %swap3A_238], %broadcast_in_dim3A_0 {strides = array<i32>} : memref<24x80xf32, #tpu.memory_space<vmem>>, vector<16xf32>,
    %swap3A_240 = arith.constant 5 : i32
    %swap3A_241 = arith.index_cast %swap3A_240 : i32 to index
    %swap3A_242 = arith.constant 32 : index
    %swap3A_243 = tpu.vector_load %arg16[%swap3A_241, %swap3A_242] {strides = array<i32>} : memref<24x80xf32, #tpu.memory_space<vmem>>, vector<16xf32>,
    tpu.vector_store %arg16[%swap3A_241, %swap3A_242], %broadcast_in_dim3A_0 {strides = array<i32>} : memref<24x80xf32, #tpu.memory_space<vmem>>, vector<16xf32>,
    %swap3A_244 = arith.constant 5 : i32
    %swap3A_245 = arith.index_cast %swap3A_244 : i32 to index
    %swap3A_246 = arith.constant 48 : index
    %swap3A_247 = tpu.vector_load %arg16[%swap3A_245, %swap3A_246] {strides = array<i32>} : memref<24x80xf32, #tpu.memory_space<vmem>>, vector<16xf32>,
    tpu.vector_store %arg16[%swap3A_245, %swap3A_246], %broadcast_in_dim3A_0 {strides = array<i32>} : memref<24x80xf32, #tpu.memory_space<vmem>>, vector<16xf32>,
    %swap3A_248 = arith.constant 5 : i32
    %swap3A_249 = arith.index_cast %swap3A_248 : i32 to index
    %swap3A_250 = arith.constant 64 : index
    %swap3A_251 = tpu.vector_load %arg16[%swap3A_249, %swap3A_250] {strides = array<i32>} : memref<24x80xf32, #tpu.memory_space<vmem>>, vector<16xf32>,
    tpu.vector_store %arg16[%swap3A_249, %swap3A_250], %broadcast_in_dim3A_0 {strides = array<i32>} : memref<24x80xf32, #tpu.memory_space<vmem>>, vector<16xf32>,
    %swap3A_252 = arith.constant 6 : i32
    %swap3A_253 = arith.index_cast %swap3A_252 : i32 to index
    %swap3A_254 = arith.constant 0 : index
    %swap3A_255 = tpu.vector_load %arg16[%swap3A_253, %swap3A_254] {strides = array<i32>} : memref<24x80xf32, #tpu.memory_space<vmem>>, vector<16xf32>,
    tpu.vector_store %arg16[%swap3A_253, %swap3A_254], %broadcast_in_dim3A_0 {strides = array<i32>} : memref<24x80xf32, #tpu.memory_space<vmem>>, vector<16xf32>,
    %swap3A_256 = arith.constant 6 : i32
    %swap3A_257 = arith.index_cast %swap3A_256 : i32 to index
    %swap3A_258 = arith.constant 16 : index
    %swap3A_259 = tpu.vector_load %arg16[%swap3A_257, %swap3A_258] {strides = array<i32>} : memref<24x80xf32, #tpu.memory_space<vmem>>, vector<16xf32>,
    tpu.vector_store %arg16[%swap3A_257, %swap3A_258], %broadcast_in_dim3A_0 {strides = array<i32>} : memref<24x80xf32, #tpu.memory_space<vmem>>, vector<16xf32>,
    %swap3A_260 = arith.constant 6 : i32
    %swap3A_261 = arith.index_cast %swap3A_260 : i32 to index
    %swap3A_262 = arith.constant 32 : index
    %swap3A_263 = tpu.vector_load %arg16[%swap3A_261, %swap3A_262] {strides = array<i32>} : memref<24x80xf32, #tpu.memory_space<vmem>>, vector<16xf32>,
    tpu.vector_store %arg16[%swap3A_261, %swap3A_262], %broadcast_in_dim3A_0 {strides = array<i32>} : memref<24x80xf32, #tpu.memory_space<vmem>>, vector<16xf32>,
    %swap3A_264 = arith.constant 6 : i32
    %swap3A_265 = arith.index_cast %swap3A_264 : i32 to index
    %swap3A_266 = arith.constant 48 : index
    %swap3A_267 = tpu.vector_load %arg16[%swap3A_265, %swap3A_266] {strides = array<i32>} : memref<24x80xf32, #tpu.memory_space<vmem>>, vector<16xf32>,
    tpu.vector_store %arg16[%swap3A_265, %swap3A_266], %broadcast_in_dim3A_0 {strides = array<i32>} : memref<24x80xf32, #tpu.memory_space<vmem>>, vector<16xf32>,
    %swap3A_268 = arith.constant 6 : i32
    %swap3A_269 = arith.index_cast %swap3A_268 : i32 to index
    %swap3A_270 = arith.constant 64 : index
    %swap3A_271 = tpu.vector_load %arg16[%swap3A_269, %swap3A_270] {strides = array<i32>} : memref<24x80xf32, #tpu.memory_space<vmem>>, vector<16xf32>,
    tpu.vector_store %arg16[%swap3A_269, %swap3A_270], %broadcast_in_dim3A_0 {strides = array<i32>} : memref<24x80xf32, #tpu.memory_space<vmem>>, vector<16xf32>,
    %swap3A_272 = arith.constant 7 : i32
    %swap3A_273 = arith.index_cast %swap3A_272 : i32 to index
    %swap3A_274 = arith.constant 0 : index
    %swap3A_275 = tpu.vector_load %arg16[%swap3A_273, %swap3A_274] {strides = array<i32>} : memref<24x80xf32, #tpu.memory_space<vmem>>, vector<16xf32>,
    tpu.vector_store %arg16[%swap3A_273, %swap3A_274], %broadcast_in_dim3A_0 {strides = array<i32>} : memref<24x80xf32, #tpu.memory_space<vmem>>, vector<16xf32>,
    %swap3A_276 = arith.constant 7 : i32
    %swap3A_277 = arith.index_cast %swap3A_276 : i32 to index
    %swap3A_278 = arith.constant 16 : index
    %swap3A_279 = tpu.vector_load %arg16[%swap3A_277, %swap3A_278] {strides = array<i32>} : memref<24x80xf32, #tpu.memory_space<vmem>>, vector<16xf32>,
    tpu.vector_store %arg16[%swap3A_277, %swap3A_278], %broadcast_in_dim3A_0 {strides = array<i32>} : memref<24x80xf32, #tpu.memory_space<vmem>>, vector<16xf32>,
    %swap3A_280 = arith.constant 7 : i32
    %swap3A_281 = arith.index_cast %swap3A_280 : i32 to index
    %swap3A_282 = arith.constant 32 : index
    %swap3A_283 = tpu.vector_load %arg16[%swap3A_281, %swap3A_282] {strides = array<i32>} : memref<24x80xf32, #tpu.memory_space<vmem>>, vector<16xf32>,
    tpu.vector_store %arg16[%swap3A_281, %swap3A_282], %broadcast_in_dim3A_0 {strides = array<i32>} : memref<24x80xf32, #tpu.memory_space<vmem>>, vector<16xf32>,
    %swap3A_284 = arith.constant 7 : i32
    %swap3A_285 = arith.index_cast %swap3A_284 : i32 to index
    %swap3A_286 = arith.constant 48 : index
    %swap3A_287 = tpu.vector_load %arg16[%swap3A_285, %swap3A_286] {strides = array<i32>} : memref<24x80xf32, #tpu.memory_space<vmem>>, vector<16xf32>,
    tpu.vector_store %arg16[%swap3A_285, %swap3A_286], %broadcast_in_dim3A_0 {strides = array<i32>} : memref<24x80xf32, #tpu.memory_space<vmem>>, vector<16xf32>,
    %swap3A_288 = arith.constant 7 : i32
    %swap3A_289 = arith.index_cast %swap3A_288 : i32 to index
    %swap3A_290 = arith.constant 64 : index
    %swap3A_291 = tpu.vector_load %arg16[%swap3A_289, %swap3A_290] {strides = array<i32>} : memref<24x80xf32, #tpu.memory_space<vmem>>, vector<16xf32>,
    tpu.vector_store %arg16[%swap3A_289, %swap3A_290], %broadcast_in_dim3A_0 {strides = array<i32>} : memref<24x80xf32, #tpu.memory_space<vmem>>, vector<16xf32>,
    %swap3A_292 = arith.constant 8 : i32
    %swap3A_293 = arith.index_cast %swap3A_292 : i32 to index
    %swap3A_294 = arith.constant 0 : index
    %swap3A_295 = tpu.vector_load %arg16[%swap3A_293, %swap3A_294] {strides = array<i32>} : memref<24x80xf32, #tpu.memory_space<vmem>>, vector<16xf32>,
    tpu.vector_store %arg16[%swap3A_293, %swap3A_294], %broadcast_in_dim3A_0 {strides = array<i32>} : memref<24x80xf32, #tpu.memory_space<vmem>>, vector<16xf32>,
    %swap3A_296 = arith.constant 8 : i32
    %swap3A_297 = arith.index_cast %swap3A_296 : i32 to index
    %swap3A_298 = arith.constant 16 : index
    %swap3A_299 = tpu.vector_load %arg16[%swap3A_297, %swap3A_298] {strides = array<i32>} : memref<24x80xf32, #tpu.memory_space<vmem>>, vector<16xf32>,
    tpu.vector_store %arg16[%swap3A_297, %swap3A_298], %broadcast_in_dim3A_0 {strides = array<i32>} : memref<24x80xf32, #tpu.memory_space<vmem>>, vector<16xf32>,
    %swap3A_300 = arith.constant 8 : i32
    %swap3A_301 = arith.index_cast %swap3A_300 : i32 to index
    %swap3A_302 = arith.constant 32 : index
    %swap3A_303 = tpu.vector_load %arg16[%swap3A_301, %swap3A_302] {strides = array<i32>} : memref<24x80xf32, #tpu.memory_space<vmem>>, vector<16xf32>,
    tpu.vector_store %arg16[%swap3A_301, %swap3A_302], %broadcast_in_dim3A_0 {strides = array<i32>} : memref<24x80xf32, #tpu.memory_space<vmem>>, vector<16xf32>,
    %swap3A_304 = arith.constant 8 : i32
    %swap3A_305 = arith.index_cast %swap3A_304 : i32 to index
    %swap3A_306 = arith.constant 48 : index
    %swap3A_307 = tpu.vector_load %arg16[%swap3A_305, %swap3A_306] {strides = array<i32>} : memref<24x80xf32, #tpu.memory_space<vmem>>, vector<16xf32>,
    tpu.vector_store %arg16[%swap3A_305, %swap3A_306], %broadcast_in_dim3A_0 {strides = array<i32>} : memref<24x80xf32, #tpu.memory_space<vmem>>, vector<16xf32>,
    %swap3A_308 = arith.constant 8 : i32
    %swap3A_309 = arith.index_cast %swap3A_308 : i32 to index
    %swap3A_310 = arith.constant 64 : index
    %swap3A_311 = tpu.vector_load %arg16[%swap3A_309, %swap3A_310] {strides = array<i32>} : memref<24x80xf32, #tpu.memory_space<vmem>>, vector<16xf32>,
    tpu.vector_store %arg16[%swap3A_309, %swap3A_310], %broadcast_in_dim3A_0 {strides = array<i32>} : memref<24x80xf32, #tpu.memory_space<vmem>>, vector<16xf32>,
    %swap3A_312 = arith.constant 9 : i32
    %swap3A_313 = arith.index_cast %swap3A_312 : i32 to index
    %swap3A_314 = arith.constant 0 : index
    %swap3A_315 = tpu.vector_load %arg16[%swap3A_313, %swap3A_314] {strides = array<i32>} : memref<24x80xf32, #tpu.memory_space<vmem>>, vector<16xf32>,
    tpu.vector_store %arg16[%swap3A_313, %swap3A_314], %broadcast_in_dim3A_0 {strides = array<i32>} : memref<24x80xf32, #tpu.memory_space<vmem>>, vector<16xf32>,
    %swap3A_316 = arith.constant 9 : i32
    %swap3A_317 = arith.index_cast %swap3A_316 : i32 to index
    %swap3A_318 = arith.constant 16 : index
    %swap3A_319 = tpu.vector_load %arg16[%swap3A_317, %swap3A_318] {strides = array<i32>} : memref<24x80xf32, #tpu.memory_space<vmem>>, vector<16xf32>,
    tpu.vector_store %arg16[%swap3A_317, %swap3A_318], %broadcast_in_dim3A_0 {strides = array<i32>} : memref<24x80xf32, #tpu.memory_space<vmem>>, vector<16xf32>,
    %swap3A_320 = arith.constant 9 : i32
    %swap3A_321 = arith.index_cast %swap3A_320 : i32 to index
    %swap3A_322 = arith.constant 32 : index
    %swap3A_323 = tpu.vector_load %arg16[%swap3A_321, %swap3A_322] {strides = array<i32>} : memref<24x80xf32, #tpu.memory_space<vmem>>, vector<16xf32>,
    tpu.vector_store %arg16[%swap3A_321, %swap3A_322], %broadcast_in_dim3A_0 {strides = array<i32>} : memref<24x80xf32, #tpu.memory_space<vmem>>, vector<16xf32>,
    %swap3A_324 = arith.constant 9 : i32
    %swap3A_325 = arith.index_cast %swap3A_324 : i32 to index
    %swap3A_326 = arith.constant 48 : index
    %swap3A_327 = tpu.vector_load %arg16[%swap3A_325, %swap3A_326] {strides = array<i32>} : memref<24x80xf32, #tpu.memory_space<vmem>>, vector<16xf32>,
    tpu.vector_store %arg16[%swap3A_325, %swap3A_326], %broadcast_in_dim3A_0 {strides = array<i32>} : memref<24x80xf32, #tpu.memory_space<vmem>>, vector<16xf32>,
    %swap3A_328 = arith.constant 9 : i32
    %swap3A_329 = arith.index_cast %swap3A_328 : i32 to index
    %swap3A_330 = arith.constant 64 : index
    %swap3A_331 = tpu.vector_load %arg16[%swap3A_329, %swap3A_330] {strides = array<i32>} : memref<24x80xf32, #tpu.memory_space<vmem>>, vector<16xf32>,
    tpu.vector_store %arg16[%swap3A_329, %swap3A_330], %broadcast_in_dim3A_0 {strides = array<i32>} : memref<24x80xf32, #tpu.memory_space<vmem>>, vector<16xf32>,
    %swap3A_332 = arith.constant 10 : i32
    %swap3A_333 = arith.index_cast %swap3A_332 : i32 to index
    %swap3A_334 = arith.constant 0 : index
    %swap3A_335 = tpu.vector_load %arg16[%swap3A_333, %swap3A_334] {strides = array<i32>} : memref<24x80xf32, #tpu.memory_space<vmem>>, vector<16xf32>,
    tpu.vector_store %arg16[%swap3A_333, %swap3A_334], %broadcast_in_dim3A_0 {strides = array<i32>} : memref<24x80xf32, #tpu.memory_space<vmem>>, vector<16xf32>,
    %swap3A_336 = arith.constant 10 : i32
    %swap3A_337 = arith.index_cast %swap3A_336 : i32 to index
    %swap3A_338 = arith.constant 16 : index
    %swap3A_339 = tpu.vector_load %arg16[%swap3A_337, %swap3A_338] {strides = array<i32>} : memref<24x80xf32, #tpu.memory_space<vmem>>, vector<16xf32>,
    tpu.vector_store %arg16[%swap3A_337, %swap3A_338], %broadcast_in_dim3A_0 {strides = array<i32>} : memref<24x80xf32, #tpu.memory_space<vmem>>, vector<16xf32>,
    %swap3A_340 = arith.constant 10 : i32
    %swap3A_341 = arith.index_cast %swap3A_340 : i32 to index
    %swap3A_342 = arith.constant 32 : index
    %swap3A_343 = tpu.vector_load %arg16[%swap3A_341, %swap3A_342] {strides = array<i32>} : memref<24x80xf32, #tpu.memory_space<vmem>>, vector<16xf32>,
    tpu.vector_store %arg16[%swap3A_341, %swap3A_342], %broadcast_in_dim3A_0 {strides = array<i32>} : memref<24x80xf32, #tpu.memory_space<vmem>>, vector<16xf32>,
    %swap3A_344 = arith.constant 10 : i32
    %swap3A_345 = arith.index_cast %swap3A_344 : i32 to index
    %swap3A_346 = arith.constant 48 : index
    %swap3A_347 = tpu.vector_load %arg16[%swap3A_345, %swap3A_346] {strides = array<i32>} : memref<24x80xf32, #tpu.memory_space<vmem>>, vector<16xf32>,
    tpu.vector_store %arg16[%swap3A_345, %swap3A_346], %broadcast_in_dim3A_0 {strides = array<i32>} : memref<24x80xf32, #tpu.memory_space<vmem>>, vector<16xf32>,
    %swap3A_348 = arith.constant 10 : i32
    %swap3A_349 = arith.index_cast %swap3A_348 : i32 to index
    %swap3A_350 = arith.constant 64 : index
    %swap3A_351 = tpu.vector_load %arg16[%swap3A_349, %swap3A_350] {strides = array<i32>} : memref<24x80xf32, #tpu.memory_space<vmem>>, vector<16xf32>,
    tpu.vector_store %arg16[%swap3A_349, %swap3A_350], %broadcast_in_dim3A_0 {strides = array<i32>} : memref<24x80xf32, #tpu.memory_space<vmem>>, vector<16xf32>,
    %swap3A_352 = arith.constant 11 : i32
    %swap3A_353 = arith.index_cast %swap3A_352 : i32 to index
    %swap3A_354 = arith.constant 0 : index
    %swap3A_355 = tpu.vector_load %arg16[%swap3A_353, %swap3A_354] {strides = array<i32>} : memref<24x80xf32, #tpu.memory_space<vmem>>, vector<16xf32>,
    tpu.vector_store %arg16[%swap3A_353, %swap3A_354], %broadcast_in_dim3A_0 {strides = array<i32>} : memref<24x80xf32, #tpu.memory_space<vmem>>, vector<16xf32>,
    %swap3A_356 = arith.constant 11 : i32
    %swap3A_357 = arith.index_cast %swap3A_356 : i32 to index
    %swap3A_358 = arith.constant 16 : index
    %swap3A_359 = tpu.vector_load %arg16[%swap3A_357, %swap3A_358] {strides = array<i32>} : memref<24x80xf32, #tpu.memory_space<vmem>>, vector<16xf32>,
    tpu.vector_store %arg16[%swap3A_357, %swap3A_358], %broadcast_in_dim3A_0 {strides = array<i32>} : memref<24x80xf32, #tpu.memory_space<vmem>>, vector<16xf32>,
    %swap3A_360 = arith.constant 11 : i32
    %swap3A_361 = arith.index_cast %swap3A_360 : i32 to index
    %swap3A_362 = arith.constant 32 : index
    %swap3A_363 = tpu.vector_load %arg16[%swap3A_361, %swap3A_362] {strides = array<i32>} : memref<24x80xf32, #tpu.memory_space<vmem>>, vector<16xf32>,
    tpu.vector_store %arg16[%swap3A_361, %swap3A_362], %broadcast_in_dim3A_0 {strides = array<i32>} : memref<24x80xf32, #tpu.memory_space<vmem>>, vector<16xf32>,
    %swap3A_364 = arith.constant 11 : i32
    %swap3A_365 = arith.index_cast %swap3A_364 : i32 to index
    %swap3A_366 = arith.constant 48 : index
    %swap3A_367 = tpu.vector_load %arg16[%swap3A_365, %swap3A_366] {strides = array<i32>} : memref<24x80xf32, #tpu.memory_space<vmem>>, vector<16xf32>,
    tpu.vector_store %arg16[%swap3A_365, %swap3A_366], %broadcast_in_dim3A_0 {strides = array<i32>} : memref<24x80xf32, #tpu.memory_space<vmem>>, vector<16xf32>,
    %swap3A_368 = arith.constant 11 : i32
    %swap3A_369 = arith.index_cast %swap3A_368 : i32 to index
    %swap3A_370 = arith.constant 64 : index
    %swap3A_371 = tpu.vector_load %arg16[%swap3A_369, %swap3A_370] {strides = array<i32>} : memref<24x80xf32, #tpu.memory_space<vmem>>, vector<16xf32>,
    tpu.vector_store %arg16[%swap3A_369, %swap3A_370], %broadcast_in_dim3A_0 {strides = array<i32>} : memref<24x80xf32, #tpu.memory_space<vmem>>, vector<16xf32>,
    %swap3A_372 = arith.constant 12 : i32
    %swap3A_373 = arith.index_cast %swap3A_372 : i32 to index
    %swap3A_374 = arith.constant 0 : index
    %swap3A_375 = tpu.vector_load %arg16[%swap3A_373, %swap3A_374] {strides = array<i32>} : memref<24x80xf32, #tpu.memory_space<vmem>>, vector<16xf32>,
    tpu.vector_store %arg16[%swap3A_373, %swap3A_374], %broadcast_in_dim3A_0 {strides = array<i32>} : memref<24x80xf32, #tpu.memory_space<vmem>>, vector<16xf32>,
    %swap3A_376 = arith.constant 12 : i32
    %swap3A_377 = arith.index_cast %swap3A_376 : i32 to index
    %swap3A_378 = arith.constant 16 : index
    %swap3A_379 = tpu.vector_load %arg16[%swap3A_377, %swap3A_378] {strides = array<i32>} : memref<24x80xf32, #tpu.memory_space<vmem>>, vector<16xf32>,
    tpu.vector_store %arg16[%swap3A_377, %swap3A_378], %broadcast_in_dim3A_0 {strides = array<i32>} : memref<24x80xf32, #tpu.memory_space<vmem>>, vector<16xf32>,
    %swap3A_380 = arith.constant 12 : i32
    %swap3A_381 = arith.index_cast %swap3A_380 : i32 to index
    %swap3A_382 = arith.constant 32 : index
    %swap3A_383 = tpu.vector_load %arg16[%swap3A_381, %swap3A_382] {strides = array<i32>} : memref<24x80xf32, #tpu.memory_space<vmem>>, vector<16xf32>,
    tpu.vector_store %arg16[%swap3A_381, %swap3A_382], %broadcast_in_dim3A_0 {strides = array<i32>} : memref<24x80xf32, #tpu.memory_space<vmem>>, vector<16xf32>,
    %swap3A_384 = arith.constant 12 : i32
    %swap3A_385 = arith.index_cast %swap3A_384 : i32 to index
    %swap3A_386 = arith.constant 48 : index
    %swap3A_387 = tpu.vector_load %arg16[%swap3A_385, %swap3A_386] {strides = array<i32>} : memref<24x80xf32, #tpu.memory_space<vmem>>, vector<16xf32>,
    tpu.vector_store %arg16[%swap3A_385, %swap3A_386], %broadcast_in_dim3A_0 {strides = array<i32>} : memref<24x80xf32, #tpu.memory_space<vmem>>, vector<16xf32>,
    %swap3A_388 = arith.constant 12 : i32
    %swap3A_389 = arith.index_cast %swap3A_388 : i32 to index
    %swap3A_390 = arith.constant 64 : index
    %swap3A_391 = tpu.vector_load %arg16[%swap3A_389, %swap3A_390] {strides = array<i32>} : memref<24x80xf32, #tpu.memory_space<vmem>>, vector<16xf32>,
    tpu.vector_store %arg16[%swap3A_389, %swap3A_390], %broadcast_in_dim3A_0 {strides = array<i32>} : memref<24x80xf32, #tpu.memory_space<vmem>>, vector<16xf32>,
    %swap3A_392 = arith.constant 13 : i32
    %swap3A_393 = arith.index_cast %swap3A_392 : i32 to index
    %swap3A_394 = arith.constant 0 : index
    %swap3A_395 = tpu.vector_load %arg16[%swap3A_393, %swap3A_394] {strides = array<i32>} : memref<24x80xf32, #tpu.memory_space<vmem>>, vector<16xf32>,
    tpu.vector_store %arg16[%swap3A_393, %swap3A_394], %broadcast_in_dim3A_0 {strides = array<i32>} : memref<24x80xf32, #tpu.memory_space<vmem>>, vector<16xf32>,
    %swap3A_396 = arith.constant 13 : i32
    %swap3A_397 = arith.index_cast %swap3A_396 : i32 to index
    %swap3A_398 = arith.constant 16 : index
    %swap3A_399 = tpu.vector_load %arg16[%swap3A_397, %swap3A_398] {strides = array<i32>} : memref<24x80xf32, #tpu.memory_space<vmem>>, vector<16xf32>,
    tpu.vector_store %arg16[%swap3A_397, %swap3A_398], %broadcast_in_dim3A_0 {strides = array<i32>} : memref<24x80xf32, #tpu.memory_space<vmem>>, vector<16xf32>,
    %swap3A_400 = arith.constant 13 : i32
    %swap3A_401 = arith.index_cast %swap3A_400 : i32 to index
    %swap3A_402 = arith.constant 32 : index
    %swap3A_403 = tpu.vector_load %arg16[%swap3A_401, %swap3A_402] {strides = array<i32>} : memref<24x80xf32, #tpu.memory_space<vmem>>, vector<16xf32>,
    tpu.vector_store %arg16[%swap3A_401, %swap3A_402], %broadcast_in_dim3A_0 {strides = array<i32>} : memref<24x80xf32, #tpu.memory_space<vmem>>, vector<16xf32>,
    %swap3A_404 = arith.constant 13 : i32
    %swap3A_405 = arith.index_cast %swap3A_404 : i32 to index
    %swap3A_406 = arith.constant 48 : index
    %swap3A_407 = tpu.vector_load %arg16[%swap3A_405, %swap3A_406] {strides = array<i32>} : memref<24x80xf32, #tpu.memory_space<vmem>>, vector<16xf32>,
    tpu.vector_store %arg16[%swap3A_405, %swap3A_406], %broadcast_in_dim3A_0 {strides = array<i32>} : memref<24x80xf32, #tpu.memory_space<vmem>>, vector<16xf32>,
    %swap3A_408 = arith.constant 13 : i32
    %swap3A_409 = arith.index_cast %swap3A_408 : i32 to index
    %swap3A_410 = arith.constant 64 : index
    %swap3A_411 = tpu.vector_load %arg16[%swap3A_409, %swap3A_410] {strides = array<i32>} : memref<24x80xf32, #tpu.memory_space<vmem>>, vector<16xf32>,
    tpu.vector_store %arg16[%swap3A_409, %swap3A_410], %broadcast_in_dim3A_0 {strides = array<i32>} : memref<24x80xf32, #tpu.memory_space<vmem>>, vector<16xf32>,
    %swap3A_412 = arith.constant 14 : i32
    %swap3A_413 = arith.index_cast %swap3A_412 : i32 to index
    %swap3A_414 = arith.constant 0 : index
    %swap3A_415 = tpu.vector_load %arg16[%swap3A_413, %swap3A_414] {strides = array<i32>} : memref<24x80xf32, #tpu.memory_space<vmem>>, vector<16xf32>,
    tpu.vector_store %arg16[%swap3A_413, %swap3A_414], %broadcast_in_dim3A_0 {strides = array<i32>} : memref<24x80xf32, #tpu.memory_space<vmem>>, vector<16xf32>,
    %swap3A_416 = arith.constant 14 : i32
    %swap3A_417 = arith.index_cast %swap3A_416 : i32 to index
    %swap3A_418 = arith.constant 16 : index
    %swap3A_419 = tpu.vector_load %arg16[%swap3A_417, %swap3A_418] {strides = array<i32>} : memref<24x80xf32, #tpu.memory_space<vmem>>, vector<16xf32>,
    tpu.vector_store %arg16[%swap3A_417, %swap3A_418], %broadcast_in_dim3A_0 {strides = array<i32>} : memref<24x80xf32, #tpu.memory_space<vmem>>, vector<16xf32>,
    %swap3A_420 = arith.constant 14 : i32
    %swap3A_421 = arith.index_cast %swap3A_420 : i32 to index
    %swap3A_422 = arith.constant 32 : index
    %swap3A_423 = tpu.vector_load %arg16[%swap3A_421, %swap3A_422] {strides = array<i32>} : memref<24x80xf32, #tpu.memory_space<vmem>>, vector<16xf32>,
    tpu.vector_store %arg16[%swap3A_421, %swap3A_422], %broadcast_in_dim3A_0 {strides = array<i32>} : memref<24x80xf32, #tpu.memory_space<vmem>>, vector<16xf32>,
    %swap3A_424 = arith.constant 14 : i32
    %swap3A_425 = arith.index_cast %swap3A_424 : i32 to index
    %swap3A_426 = arith.constant 48 : index
    %swap3A_427 = tpu.vector_load %arg16[%swap3A_425, %swap3A_426] {strides = array<i32>} : memref<24x80xf32, #tpu.memory_space<vmem>>, vector<16xf32>,
    tpu.vector_store %arg16[%swap3A_425, %swap3A_426], %broadcast_in_dim3A_0 {strides = array<i32>} : memref<24x80xf32, #tpu.memory_space<vmem>>, vector<16xf32>,
    %swap3A_428 = arith.constant 14 : i32
    %swap3A_429 = arith.index_cast %swap3A_428 : i32 to index
    %swap3A_430 = arith.constant 64 : index
    %swap3A_431 = tpu.vector_load %arg16[%swap3A_429, %swap3A_430] {strides = array<i32>} : memref<24x80xf32, #tpu.memory_space<vmem>>, vector<16xf32>,
    tpu.vector_store %arg16[%swap3A_429, %swap3A_430], %broadcast_in_dim3A_0 {strides = array<i32>} : memref<24x80xf32, #tpu.memory_space<vmem>>, vector<16xf32>,
    %swap3A_432 = arith.constant 15 : i32
    %swap3A_433 = arith.index_cast %swap3A_432 : i32 to index
    %swap3A_434 = arith.constant 0 : index
    %swap3A_435 = tpu.vector_load %arg16[%swap3A_433, %swap3A_434] {strides = array<i32>} : memref<24x80xf32, #tpu.memory_space<vmem>>, vector<16xf32>,
    tpu.vector_store %arg16[%swap3A_433, %swap3A_434], %broadcast_in_dim3A_0 {strides = array<i32>} : memref<24x80xf32, #tpu.memory_space<vmem>>, vector<16xf32>,
    %swap3A_436 = arith.constant 15 : i32
    %swap3A_437 = arith.index_cast %swap3A_436 : i32 to index
    %swap3A_438 = arith.constant 16 : index
    %swap3A_439 = tpu.vector_load %arg16[%swap3A_437, %swap3A_438] {strides = array<i32>} : memref<24x80xf32, #tpu.memory_space<vmem>>, vector<16xf32>,
    tpu.vector_store %arg16[%swap3A_437, %swap3A_438], %broadcast_in_dim3A_0 {strides = array<i32>} : memref<24x80xf32, #tpu.memory_space<vmem>>, vector<16xf32>,
    %swap3A_440 = arith.constant 15 : i32
    %swap3A_441 = arith.index_cast %swap3A_440 : i32 to index
    %swap3A_442 = arith.constant 32 : index
    %swap3A_443 = tpu.vector_load %arg16[%swap3A_441, %swap3A_442] {strides = array<i32>} : memref<24x80xf32, #tpu.memory_space<vmem>>, vector<16xf32>,
    tpu.vector_store %arg16[%swap3A_441, %swap3A_442], %broadcast_in_dim3A_0 {strides = array<i32>} : memref<24x80xf32, #tpu.memory_space<vmem>>, vector<16xf32>,
    %swap3A_444 = arith.constant 15 : i32
    %swap3A_445 = arith.index_cast %swap3A_444 : i32 to index
    %swap3A_446 = arith.constant 48 : index
    %swap3A_447 = tpu.vector_load %arg16[%swap3A_445, %swap3A_446] {strides = array<i32>} : memref<24x80xf32, #tpu.memory_space<vmem>>, vector<16xf32>,
    tpu.vector_store %arg16[%swap3A_445, %swap3A_446], %broadcast_in_dim3A_0 {strides = array<i32>} : memref<24x80xf32, #tpu.memory_space<vmem>>, vector<16xf32>,
    %swap3A_448 = arith.constant 15 : i32
    %swap3A_449 = arith.index_cast %swap3A_448 : i32 to index
    %swap3A_450 = arith.constant 64 : index
    %swap3A_451 = tpu.vector_load %arg16[%swap3A_449, %swap3A_450] {strides = array<i32>} : memref<24x80xf32, #tpu.memory_space<vmem>>, vector<16xf32>,
    tpu.vector_store %arg16[%swap3A_449, %swap3A_450], %broadcast_in_dim3A_0 {strides = array<i32>} : memref<24x80xf32, #tpu.memory_space<vmem>>, vector<16xf32>,
    %swap3A_452 = arith.constant 16 : i32
    %swap3A_453 = arith.index_cast %swap3A_452 : i32 to index
    %swap3A_454 = arith.constant 0 : index
    %swap3A_455 = tpu.vector_load %arg16[%swap3A_453, %swap3A_454] {strides = array<i32>} : memref<24x80xf32, #tpu.memory_space<vmem>>, vector<16xf32>,
    tpu.vector_store %arg16[%swap3A_453, %swap3A_454], %broadcast_in_dim3A_0 {strides = array<i32>} : memref<24x80xf32, #tpu.memory_space<vmem>>, vector<16xf32>,
    %swap3A_456 = arith.constant 16 : i32
    %swap3A_457 = arith.index_cast %swap3A_456 : i32 to index
    %swap3A_458 = arith.constant 16 : index
    %swap3A_459 = tpu.vector_load %arg16[%swap3A_457, %swap3A_458] {strides = array<i32>} : memref<24x80xf32, #tpu.memory_space<vmem>>, vector<16xf32>,
    tpu.vector_store %arg16[%swap3A_457, %swap3A_458], %broadcast_in_dim3A_0 {strides = array<i32>} : memref<24x80xf32, #tpu.memory_space<vmem>>, vector<16xf32>,
    %swap3A_460 = arith.constant 16 : i32
    %swap3A_461 = arith.index_cast %swap3A_460 : i32 to index
    %swap3A_462 = arith.constant 32 : index
    %swap3A_463 = tpu.vector_load %arg16[%swap3A_461, %swap3A_462] {strides = array<i32>} : memref<24x80xf32, #tpu.memory_space<vmem>>, vector<16xf32>,
    tpu.vector_store %arg16[%swap3A_461, %swap3A_462], %broadcast_in_dim3A_0 {strides = array<i32>} : memref<24x80xf32, #tpu.memory_space<vmem>>, vector<16xf32>,
    %swap3A_464 = arith.constant 16 : i32
    %swap3A_465 = arith.index_cast %swap3A_464 : i32 to index
    %swap3A_466 = arith.constant 48 : index
    %swap3A_467 = tpu.vector_load %arg16[%swap3A_465, %swap3A_466] {strides = array<i32>} : memref<24x80xf32, #tpu.memory_space<vmem>>, vector<16xf32>,
    tpu.vector_store %arg16[%swap3A_465, %swap3A_466], %broadcast_in_dim3A_0 {strides = array<i32>} : memref<24x80xf32, #tpu.memory_space<vmem>>, vector<16xf32>,
    %swap3A_468 = arith.constant 16 : i32
    %swap3A_469 = arith.index_cast %swap3A_468 : i32 to index
    %swap3A_470 = arith.constant 64 : index
    %swap3A_471 = tpu.vector_load %arg16[%swap3A_469, %swap3A_470] {strides = array<i32>} : memref<24x80xf32, #tpu.memory_space<vmem>>, vector<16xf32>,
    tpu.vector_store %arg16[%swap3A_469, %swap3A_470], %broadcast_in_dim3A_0 {strides = array<i32>} : memref<24x80xf32, #tpu.memory_space<vmem>>, vector<16xf32>,
    %swap3A_472 = arith.constant 17 : i32
    %swap3A_473 = arith.index_cast %swap3A_472 : i32 to index
    %swap3A_474 = arith.constant 0 : index
    %swap3A_475 = tpu.vector_load %arg16[%swap3A_473, %swap3A_474] {strides = array<i32>} : memref<24x80xf32, #tpu.memory_space<vmem>>, vector<16xf32>,
    tpu.vector_store %arg16[%swap3A_473, %swap3A_474], %broadcast_in_dim3A_0 {strides = array<i32>} : memref<24x80xf32, #tpu.memory_space<vmem>>, vector<16xf32>,
    %swap3A_476 = arith.constant 17 : i32
    %swap3A_477 = arith.index_cast %swap3A_476 : i32 to index
    %swap3A_478 = arith.constant 16 : index
    %swap3A_479 = tpu.vector_load %arg16[%swap3A_477, %swap3A_478] {strides = array<i32>} : memref<24x80xf32, #tpu.memory_space<vmem>>, vector<16xf32>,
    tpu.vector_store %arg16[%swap3A_477, %swap3A_478], %broadcast_in_dim3A_0 {strides = array<i32>} : memref<24x80xf32, #tpu.memory_space<vmem>>, vector<16xf32>,
    %swap3A_480 = arith.constant 17 : i32
    %swap3A_481 = arith.index_cast %swap3A_480 : i32 to index
    %swap3A_482 = arith.constant 32 : index
    %swap3A_483 = tpu.vector_load %arg16[%swap3A_481, %swap3A_482] {strides = array<i32>} : memref<24x80xf32, #tpu.memory_space<vmem>>, vector<16xf32>,
    tpu.vector_store %arg16[%swap3A_481, %swap3A_482], %broadcast_in_dim3A_0 {strides = array<i32>} : memref<24x80xf32, #tpu.memory_space<vmem>>, vector<16xf32>,
    %swap3A_484 = arith.constant 17 : i32
    %swap3A_485 = arith.index_cast %swap3A_484 : i32 to index
    %swap3A_486 = arith.constant 48 : index
    %swap3A_487 = tpu.vector_load %arg16[%swap3A_485, %swap3A_486] {strides = array<i32>} : memref<24x80xf32, #tpu.memory_space<vmem>>, vector<16xf32>,
    tpu.vector_store %arg16[%swap3A_485, %swap3A_486], %broadcast_in_dim3A_0 {strides = array<i32>} : memref<24x80xf32, #tpu.memory_space<vmem>>, vector<16xf32>,
    %swap3A_488 = arith.constant 17 : i32
    %swap3A_489 = arith.index_cast %swap3A_488 : i32 to index
    %swap3A_490 = arith.constant 64 : index
    %swap3A_491 = tpu.vector_load %arg16[%swap3A_489, %swap3A_490] {strides = array<i32>} : memref<24x80xf32, #tpu.memory_space<vmem>>, vector<16xf32>,
    tpu.vector_store %arg16[%swap3A_489, %swap3A_490], %broadcast_in_dim3A_0 {strides = array<i32>} : memref<24x80xf32, #tpu.memory_space<vmem>>, vector<16xf32>,
    %swap3A_492 = arith.constant 18 : i32
    %swap3A_493 = arith.index_cast %swap3A_492 : i32 to index
    %swap3A_494 = arith.constant 0 : index
    %swap3A_495 = tpu.vector_load %arg16[%swap3A_493, %swap3A_494] {strides = array<i32>} : memref<24x80xf32, #tpu.memory_space<vmem>>, vector<16xf32>,
    tpu.vector_store %arg16[%swap3A_493, %swap3A_494], %broadcast_in_dim3A_0 {strides = array<i32>} : memref<24x80xf32, #tpu.memory_space<vmem>>, vector<16xf32>,
    %swap3A_496 = arith.constant 18 : i32
    %swap3A_497 = arith.index_cast %swap3A_496 : i32 to index
    %swap3A_498 = arith.constant 16 : index
    %swap3A_499 = tpu.vector_load %arg16[%swap3A_497, %swap3A_498] {strides = array<i32>} : memref<24x80xf32, #tpu.memory_space<vmem>>, vector<16xf32>,
    tpu.vector_store %arg16[%swap3A_497, %swap3A_498], %broadcast_in_dim3A_0 {strides = array<i32>} : memref<24x80xf32, #tpu.memory_space<vmem>>, vector<16xf32>,
    %swap3A_500 = arith.constant 18 : i32
    %swap3A_501 = arith.index_cast %swap3A_500 : i32 to index
    %swap3A_502 = arith.constant 32 : index
    %swap3A_503 = tpu.vector_load %arg16[%swap3A_501, %swap3A_502] {strides = array<i32>} : memref<24x80xf32, #tpu.memory_space<vmem>>, vector<16xf32>,
    tpu.vector_store %arg16[%swap3A_501, %swap3A_502], %broadcast_in_dim3A_0 {strides = array<i32>} : memref<24x80xf32, #tpu.memory_space<vmem>>, vector<16xf32>,
    %swap3A_504 = arith.constant 18 : i32
    %swap3A_505 = arith.index_cast %swap3A_504 : i32 to index
    %swap3A_506 = arith.constant 48 : index
    %swap3A_507 = tpu.vector_load %arg16[%swap3A_505, %swap3A_506] {strides = array<i32>} : memref<24x80xf32, #tpu.memory_space<vmem>>, vector<16xf32>,
    tpu.vector_store %arg16[%swap3A_505, %swap3A_506], %broadcast_in_dim3A_0 {strides = array<i32>} : memref<24x80xf32, #tpu.memory_space<vmem>>, vector<16xf32>,
    %swap3A_508 = arith.constant 18 : i32
    %swap3A_509 = arith.index_cast %swap3A_508 : i32 to index
    %swap3A_510 = arith.constant 64 : index
    %swap3A_511 = tpu.vector_load %arg16[%swap3A_509, %swap3A_510] {strides = array<i32>} : memref<24x80xf32, #tpu.memory_space<vmem>>, vector<16xf32>,
    tpu.vector_store %arg16[%swap3A_509, %swap3A_510], %broadcast_in_dim3A_0 {strides = array<i32>} : memref<24x80xf32, #tpu.memory_space<vmem>>, vector<16xf32>,
    %swap3A_512 = arith.constant 19 : i32
    %swap3A_513 = arith.index_cast %swap3A_512 : i32 to index
    %swap3A_514 = arith.constant 0 : index
    %swap3A_515 = tpu.vector_load %arg16[%swap3A_513, %swap3A_514] {strides = array<i32>} : memref<24x80xf32, #tpu.memory_space<vmem>>, vector<16xf32>,
    tpu.vector_store %arg16[%swap3A_513, %swap3A_514], %broadcast_in_dim3A_0 {strides = array<i32>} : memref<24x80xf32, #tpu.memory_space<vmem>>, vector<16xf32>,
    %swap3A_516 = arith.constant 19 : i32
    %swap3A_517 = arith.index_cast %swap3A_516 : i32 to index
    %swap3A_518 = arith.constant 16 : index
    %swap3A_519 = tpu.vector_load %arg16[%swap3A_517, %swap3A_518] {strides = array<i32>} : memref<24x80xf32, #tpu.memory_space<vmem>>, vector<16xf32>,
    tpu.vector_store %arg16[%swap3A_517, %swap3A_518], %broadcast_in_dim3A_0 {strides = array<i32>} : memref<24x80xf32, #tpu.memory_space<vmem>>, vector<16xf32>,
    %swap3A_520 = arith.constant 19 : i32
    %swap3A_521 = arith.index_cast %swap3A_520 : i32 to index
    %swap3A_522 = arith.constant 32 : index
    %swap3A_523 = tpu.vector_load %arg16[%swap3A_521, %swap3A_522] {strides = array<i32>} : memref<24x80xf32, #tpu.memory_space<vmem>>, vector<16xf32>,
    tpu.vector_store %arg16[%swap3A_521, %swap3A_522], %broadcast_in_dim3A_0 {strides = array<i32>} : memref<24x80xf32, #tpu.memory_space<vmem>>, vector<16xf32>,
    %swap3A_524 = arith.constant 19 : i32
    %swap3A_525 = arith.index_cast %swap3A_524 : i32 to index
    %swap3A_526 = arith.constant 48 : index
    %swap3A_527 = tpu.vector_load %arg16[%swap3A_525, %swap3A_526] {strides = array<i32>} : memref<24x80xf32, #tpu.memory_space<vmem>>, vector<16xf32>,
    tpu.vector_store %arg16[%swap3A_525, %swap3A_526], %broadcast_in_dim3A_0 {strides = array<i32>} : memref<24x80xf32, #tpu.memory_space<vmem>>, vector<16xf32>,
    %swap3A_528 = arith.constant 19 : i32
    %swap3A_529 = arith.index_cast %swap3A_528 : i32 to index
    %swap3A_530 = arith.constant 64 : index
    %swap3A_531 = tpu.vector_load %arg16[%swap3A_529, %swap3A_530] {strides = array<i32>} : memref<24x80xf32, #tpu.memory_space<vmem>>, vector<16xf32>,
    tpu.vector_store %arg16[%swap3A_529, %swap3A_530], %broadcast_in_dim3A_0 {strides = array<i32>} : memref<24x80xf32, #tpu.memory_space<vmem>>, vector<16xf32>,
    %swap3A_532 = arith.constant 20 : i32
    %swap3A_533 = arith.index_cast %swap3A_532 : i32 to index
    %swap3A_534 = arith.constant 0 : index
    %swap3A_535 = tpu.vector_load %arg16[%swap3A_533, %swap3A_534] {strides = array<i32>} : memref<24x80xf32, #tpu.memory_space<vmem>>, vector<16xf32>,
    tpu.vector_store %arg16[%swap3A_533, %swap3A_534], %broadcast_in_dim3A_0 {strides = array<i32>} : memref<24x80xf32, #tpu.memory_space<vmem>>, vector<16xf32>,
    %swap3A_536 = arith.constant 20 : i32
    %swap3A_537 = arith.index_cast %swap3A_536 : i32 to index
    %swap3A_538 = arith.constant 16 : index
    %swap3A_539 = tpu.vector_load %arg16[%swap3A_537, %swap3A_538] {strides = array<i32>} : memref<24x80xf32, #tpu.memory_space<vmem>>, vector<16xf32>,
    tpu.vector_store %arg16[%swap3A_537, %swap3A_538], %broadcast_in_dim3A_0 {strides = array<i32>} : memref<24x80xf32, #tpu.memory_space<vmem>>, vector<16xf32>,
    %swap3A_540 = arith.constant 20 : i32
    %swap3A_541 = arith.index_cast %swap3A_540 : i32 to index
    %swap3A_542 = arith.constant 32 : index
    %swap3A_543 = tpu.vector_load %arg16[%swap3A_541, %swap3A_542] {strides = array<i32>} : memref<24x80xf32, #tpu.memory_space<vmem>>, vector<16xf32>,
    tpu.vector_store %arg16[%swap3A_541, %swap3A_542], %broadcast_in_dim3A_0 {strides = array<i32>} : memref<24x80xf32, #tpu.memory_space<vmem>>, vector<16xf32>,
    %swap3A_544 = arith.constant 20 : i32
    %swap3A_545 = arith.index_cast %swap3A_544 : i32 to index
    %swap3A_546 = arith.constant 48 : index
    %swap3A_547 = tpu.vector_load %arg16[%swap3A_545, %swap3A_546] {strides = array<i32>} : memref<24x80xf32, #tpu.memory_space<vmem>>, vector<16xf32>,
    tpu.vector_store %arg16[%swap3A_545, %swap3A_546], %broadcast_in_dim3A_0 {strides = array<i32>} : memref<24x80xf32, #tpu.memory_space<vmem>>, vector<16xf32>,
    %swap3A_548 = arith.constant 20 : i32
    %swap3A_549 = arith.index_cast %swap3A_548 : i32 to index
    %swap3A_550 = arith.constant 64 : index
    %swap3A_551 = tpu.vector_load %arg16[%swap3A_549, %swap3A_550] {strides = array<i32>} : memref<24x80xf32, #tpu.memory_space<vmem>>, vector<16xf32>,
    tpu.vector_store %arg16[%swap3A_549, %swap3A_550], %broadcast_in_dim3A_0 {strides = array<i32>} : memref<24x80xf32, #tpu.memory_space<vmem>>, vector<16xf32>,
    %swap3A_552 = arith.constant 21 : i32
    %swap3A_553 = arith.index_cast %swap3A_552 : i32 to index
    %swap3A_554 = arith.constant 0 : index
    %swap3A_555 = tpu.vector_load %arg16[%swap3A_553, %swap3A_554] {strides = array<i32>} : memref<24x80xf32, #tpu.memory_space<vmem>>, vector<16xf32>,
    tpu.vector_store %arg16[%swap3A_553, %swap3A_554], %broadcast_in_dim3A_0 {strides = array<i32>} : memref<24x80xf32, #tpu.memory_space<vmem>>, vector<16xf32>,
    %swap3A_556 = arith.constant 21 : i32
    %swap3A_557 = arith.index_cast %swap3A_556 : i32 to index
    %swap3A_558 = arith.constant 16 : index
    %swap3A_559 = tpu.vector_load %arg16[%swap3A_557, %swap3A_558] {strides = array<i32>} : memref<24x80xf32, #tpu.memory_space<vmem>>, vector<16xf32>,
    tpu.vector_store %arg16[%swap3A_557, %swap3A_558], %broadcast_in_dim3A_0 {strides = array<i32>} : memref<24x80xf32, #tpu.memory_space<vmem>>, vector<16xf32>,
    %swap3A_560 = arith.constant 21 : i32
    %swap3A_561 = arith.index_cast %swap3A_560 : i32 to index
    %swap3A_562 = arith.constant 32 : index
    %swap3A_563 = tpu.vector_load %arg16[%swap3A_561, %swap3A_562] {strides = array<i32>} : memref<24x80xf32, #tpu.memory_space<vmem>>, vector<16xf32>,
    tpu.vector_store %arg16[%swap3A_561, %swap3A_562], %broadcast_in_dim3A_0 {strides = array<i32>} : memref<24x80xf32, #tpu.memory_space<vmem>>, vector<16xf32>,
    %swap3A_564 = arith.constant 21 : i32
    %swap3A_565 = arith.index_cast %swap3A_564 : i32 to index
    %swap3A_566 = arith.constant 48 : index
    %swap3A_567 = tpu.vector_load %arg16[%swap3A_565, %swap3A_566] {strides = array<i32>} : memref<24x80xf32, #tpu.memory_space<vmem>>, vector<16xf32>,
    tpu.vector_store %arg16[%swap3A_565, %swap3A_566], %broadcast_in_dim3A_0 {strides = array<i32>} : memref<24x80xf32, #tpu.memory_space<vmem>>, vector<16xf32>,
    %swap3A_568 = arith.constant 21 : i32
    %swap3A_569 = arith.index_cast %swap3A_568 : i32 to index
    %swap3A_570 = arith.constant 64 : index
    %swap3A_571 = tpu.vector_load %arg16[%swap3A_569, %swap3A_570] {strides = array<i32>} : memref<24x80xf32, #tpu.memory_space<vmem>>, vector<16xf32>,
    tpu.vector_store %arg16[%swap3A_569, %swap3A_570], %broadcast_in_dim3A_0 {strides = array<i32>} : memref<24x80xf32, #tpu.memory_space<vmem>>, vector<16xf32>,
    %swap3A_572 = arith.constant 22 : i32
    %swap3A_573 = arith.index_cast %swap3A_572 : i32 to index
    %swap3A_574 = arith.constant 0 : index
    %swap3A_575 = tpu.vector_load %arg16[%swap3A_573, %swap3A_574] {strides = array<i32>} : memref<24x80xf32, #tpu.memory_space<vmem>>, vector<16xf32>,
    tpu.vector_store %arg16[%swap3A_573, %swap3A_574], %broadcast_in_dim3A_0 {strides = array<i32>} : memref<24x80xf32, #tpu.memory_space<vmem>>, vector<16xf32>,
    %swap3A_576 = arith.constant 22 : i32
    %swap3A_577 = arith.index_cast %swap3A_576 : i32 to index
    %swap3A_578 = arith.constant 16 : index
    %swap3A_579 = tpu.vector_load %arg16[%swap3A_577, %swap3A_578] {strides = array<i32>} : memref<24x80xf32, #tpu.memory_space<vmem>>, vector<16xf32>,
    tpu.vector_store %arg16[%swap3A_577, %swap3A_578], %broadcast_in_dim3A_0 {strides = array<i32>} : memref<24x80xf32, #tpu.memory_space<vmem>>, vector<16xf32>,
    %swap3A_580 = arith.constant 22 : i32
    %swap3A_581 = arith.index_cast %swap3A_580 : i32 to index
    %swap3A_582 = arith.constant 32 : index
    %swap3A_583 = tpu.vector_load %arg16[%swap3A_581, %swap3A_582] {strides = array<i32>} : memref<24x80xf32, #tpu.memory_space<vmem>>, vector<16xf32>,
    tpu.vector_store %arg16[%swap3A_581, %swap3A_582], %broadcast_in_dim3A_0 {strides = array<i32>} : memref<24x80xf32, #tpu.memory_space<vmem>>, vector<16xf32>,
    %swap3A_584 = arith.constant 22 : i32
    %swap3A_585 = arith.index_cast %swap3A_584 : i32 to index
    %swap3A_586 = arith.constant 48 : index
    %swap3A_587 = tpu.vector_load %arg16[%swap3A_585, %swap3A_586] {strides = array<i32>} : memref<24x80xf32, #tpu.memory_space<vmem>>, vector<16xf32>,
    tpu.vector_store %arg16[%swap3A_585, %swap3A_586], %broadcast_in_dim3A_0 {strides = array<i32>} : memref<24x80xf32, #tpu.memory_space<vmem>>, vector<16xf32>,
    %swap3A_588 = arith.constant 22 : i32
    %swap3A_589 = arith.index_cast %swap3A_588 : i32 to index
    %swap3A_590 = arith.constant 64 : index
    %swap3A_591 = tpu.vector_load %arg16[%swap3A_589, %swap3A_590] {strides = array<i32>} : memref<24x80xf32, #tpu.memory_space<vmem>>, vector<16xf32>,
    tpu.vector_store %arg16[%swap3A_589, %swap3A_590], %broadcast_in_dim3A_0 {strides = array<i32>} : memref<24x80xf32, #tpu.memory_space<vmem>>, vector<16xf32>,
    %swap3A_592 = arith.constant 23 : i32
    %swap3A_593 = arith.index_cast %swap3A_592 : i32 to index
    %swap3A_594 = arith.constant 0 : index
    %swap3A_595 = tpu.vector_load %arg16[%swap3A_593, %swap3A_594] {strides = array<i32>} : memref<24x80xf32, #tpu.memory_space<vmem>>, vector<16xf32>,
    tpu.vector_store %arg16[%swap3A_593, %swap3A_594], %broadcast_in_dim3A_0 {strides = array<i32>} : memref<24x80xf32, #tpu.memory_space<vmem>>, vector<16xf32>,
    %swap3A_596 = arith.constant 23 : i32
    %swap3A_597 = arith.index_cast %swap3A_596 : i32 to index
    %swap3A_598 = arith.constant 16 : index
    %swap3A_599 = tpu.vector_load %arg16[%swap3A_597, %swap3A_598] {strides = array<i32>} : memref<24x80xf32, #tpu.memory_space<vmem>>, vector<16xf32>,
    tpu.vector_store %arg16[%swap3A_597, %swap3A_598], %broadcast_in_dim3A_0 {strides = array<i32>} : memref<24x80xf32, #tpu.memory_space<vmem>>, vector<16xf32>,
    %swap3A_600 = arith.constant 23 : i32
    %swap3A_601 = arith.index_cast %swap3A_600 : i32 to index
    %swap3A_602 = arith.constant 32 : index
    %swap3A_603 = tpu.vector_load %arg16[%swap3A_601, %swap3A_602] {strides = array<i32>} : memref<24x80xf32, #tpu.memory_space<vmem>>, vector<16xf32>,
    tpu.vector_store %arg16[%swap3A_601, %swap3A_602], %broadcast_in_dim3A_0 {strides = array<i32>} : memref<24x80xf32, #tpu.memory_space<vmem>>, vector<16xf32>,
    %swap3A_604 = arith.constant 23 : i32
    %swap3A_605 = arith.index_cast %swap3A_604 : i32 to index
    %swap3A_606 = arith.constant 48 : index
    %swap3A_607 = tpu.vector_load %arg16[%swap3A_605, %swap3A_606] {strides = array<i32>} : memref<24x80xf32, #tpu.memory_space<vmem>>, vector<16xf32>,
    tpu.vector_store %arg16[%swap3A_605, %swap3A_606], %broadcast_in_dim3A_0 {strides = array<i32>} : memref<24x80xf32, #tpu.memory_space<vmem>>, vector<16xf32>,
    %swap3A_608 = arith.constant 23 : i32
    %swap3A_609 = arith.index_cast %swap3A_608 : i32 to index
    %swap3A_610 = arith.constant 64 : index
    %swap3A_611 = tpu.vector_load %arg16[%swap3A_609, %swap3A_610] {strides = array<i32>} : memref<24x80xf32, #tpu.memory_space<vmem>>, vector<16xf32>,
    tpu.vector_store %arg16[%swap3A_609, %swap3A_610], %broadcast_in_dim3A_0 {strides = array<i32>} : memref<24x80xf32, #tpu.memory_space<vmem>>, vector<16xf32>,
    %mul3A = arith.constant 624 : i32
    %mul3A_612 = arith.muli %arg1, %mul3A : i32
    %add3A_613 = arith.constant 0 : i32
    %add3A_614 = arith.addi %mul3A_612, %add3A_613 : i32
    "tpu.region"() ({
      %run_scoped3A = tpu.sem_alloc : memref<!tpu.dma_semaphore, #tpu.memory_space<semaphore_mem>>
      %dma_start3A = arith.constant 0 : i32
      %dma_start3A_680 = tpu.memref_slice %arg8[%add3A_614, %dma_start3A] : memref<10000x80xf32, #tpu.memory_space<vmem_shared>> -> memref<24x80xf32, #tpu.memory_space<vmem_shared>>
      %dma_start3A_681 = arith.constant 0 : i32
      %dma_start3A_682 = tpu.memref_slice %arg8[%add3A_614, %dma_start3A_681] : memref<10000x80xf32, #tpu.memory_space<vmem_shared>> -> memref<24x80xf32, #tpu.memory_space<vmem_shared>>
      tpu.enqueue_dma source(%arg16 : memref<24x80xf32, #tpu.memory_space<vmem>>) target(%dma_start3A_682 : memref<24x80xf32, #tpu.memory_space<vmem_shared>>) target_semaphore(%run_scoped3A : memref<!tpu.dma_semaphore, #tpu.memory_space<semaphore_mem>>)
      %dma_wait3A = arith.constant 0 : i32
      %dma_wait3A_683 = tpu.memref_slice %arg8[%add3A_614, %dma_wait3A] : memref<10000x80xf32, #tpu.memory_space<vmem_shared>> -> memref<24x80xf32, #tpu.memory_space<vmem_shared>>
      %dma_wait3A_684 = arith.constant 0 : i32
      %dma_wait3A_685 = tpu.memref_slice %arg8[%add3A_614, %dma_wait3A_684] : memref<10000x80xf32, #tpu.memory_space<vmem_shared>> -> memref<24x80xf32, #tpu.memory_space<vmem_shared>>
      tpu.wait_dma2 semaphore(%run_scoped3A : memref<!tpu.dma_semaphore, #tpu.memory_space<semaphore_mem>>) src(%arg16 : memref<24x80xf32, #tpu.memory_space<vmem>>) dst(%dma_wait3A_685 : memref<24x80xf32, #tpu.memory_space<vmem_shared>>)
      tpu.yield
    }) : () -> ()
    %add3A_615 = arith.constant 24 : i32
    %add3A_616 = arith.addi %mul3A_612, %add3A_615 : i32
    "tpu.region"() ({
      %run_scoped3A = tpu.sem_alloc : memref<!tpu.dma_semaphore, #tpu.memory_space<semaphore_mem>>
      %dma_start3A = arith.constant 0 : i32
      %dma_start3A_680 = tpu.memref_slice %arg8[%add3A_616, %dma_start3A] : memref<10000x80xf32, #tpu.memory_space<vmem_shared>> -> memref<24x80xf32, #tpu.memory_space<vmem_shared>>
      %dma_start3A_681 = arith.constant 0 : i32
      %dma_start3A_682 = tpu.memref_slice %arg8[%add3A_616, %dma_start3A_681] : memref<10000x80xf32, #tpu.memory_space<vmem_shared>> -> memref<24x80xf32, #tpu.memory_space<vmem_shared>>
      tpu.enqueue_dma source(%arg16 : memref<24x80xf32, #tpu.memory_space<vmem>>) target(%dma_start3A_682 : memref<24x80xf32, #tpu.memory_space<vmem_shared>>) target_semaphore(%run_scoped3A : memref<!tpu.dma_semaphore, #tpu.memory_space<semaphore_mem>>)
      %dma_wait3A = arith.constant 0 : i32
      %dma_wait3A_683 = tpu.memref_slice %arg8[%add3A_616, %dma_wait3A] : memref<10000x80xf32, #tpu.memory_space<vmem_shared>> -> memref<24x80xf32, #tpu.memory_space<vmem_shared>>
      %dma_wait3A_684 = arith.constant 0 : i32
      %dma_wait3A_685 = tpu.memref_slice %arg8[%add3A_616, %dma_wait3A_684] : memref<10000x80xf32, #tpu.memory_space<vmem_shared>> -> memref<24x80xf32, #tpu.memory_space<vmem_shared>>
      tpu.wait_dma2 semaphore(%run_scoped3A : memref<!tpu.dma_semaphore, #tpu.memory_space<semaphore_mem>>) src(%arg16 : memref<24x80xf32, #tpu.memory_space<vmem>>) dst(%dma_wait3A_685 : memref<24x80xf32, #tpu.memory_space<vmem_shared>>)
      tpu.yield
    }) : () -> ()
    %add3A_617 = arith.constant 48 : i32
    %add3A_618 = arith.addi %mul3A_612, %add3A_617 : i32
    "tpu.region"() ({
      %run_scoped3A = tpu.sem_alloc : memref<!tpu.dma_semaphore, #tpu.memory_space<semaphore_mem>>
      %dma_start3A = arith.constant 0 : i32
      %dma_start3A_680 = tpu.memref_slice %arg8[%add3A_618, %dma_start3A] : memref<10000x80xf32, #tpu.memory_space<vmem_shared>> -> memref<24x80xf32, #tpu.memory_space<vmem_shared>>
      %dma_start3A_681 = arith.constant 0 : i32
      %dma_start3A_682 = tpu.memref_slice %arg8[%add3A_618, %dma_start3A_681] : memref<10000x80xf32, #tpu.memory_space<vmem_shared>> -> memref<24x80xf32, #tpu.memory_space<vmem_shared>>
      tpu.enqueue_dma source(%arg16 : memref<24x80xf32, #tpu.memory_space<vmem>>) target(%dma_start3A_682 : memref<24x80xf32, #tpu.memory_space<vmem_shared>>) target_semaphore(%run_scoped3A : memref<!tpu.dma_semaphore, #tpu.memory_space<semaphore_mem>>)
      %dma_wait3A = arith.constant 0 : i32
      %dma_wait3A_683 = tpu.memref_slice %arg8[%add3A_618, %dma_wait3A] : memref<10000x80xf32, #tpu.memory_space<vmem_shared>> -> memref<24x80xf32, #tpu.memory_space<vmem_shared>>
      %dma_wait3A_684 = arith.constant 0 : i32
      %dma_wait3A_685 = tpu.memref_slice %arg8[%add3A_618, %dma_wait3A_684] : memref<10000x80xf32, #tpu.memory_space<vmem_shared>> -> memref<24x80xf32, #tpu.memory_space<vmem_shared>>
      tpu.wait_dma2 semaphore(%run_scoped3A : memref<!tpu.dma_semaphore, #tpu.memory_space<semaphore_mem>>) src(%arg16 : memref<24x80xf32, #tpu.memory_space<vmem>>) dst(%dma_wait3A_685 : memref<24x80xf32, #tpu.memory_space<vmem_shared>>)
      tpu.yield
    }) : () -> ()
    %add3A_619 = arith.constant 72 : i32
    %add3A_620 = arith.addi %mul3A_612, %add3A_619 : i32
    "tpu.region"() ({
      %run_scoped3A = tpu.sem_alloc : memref<!tpu.dma_semaphore, #tpu.memory_space<semaphore_mem>>
      %dma_start3A = arith.constant 0 : i32
      %dma_start3A_680 = tpu.memref_slice %arg8[%add3A_620, %dma_start3A] : memref<10000x80xf32, #tpu.memory_space<vmem_shared>> -> memref<24x80xf32, #tpu.memory_space<vmem_shared>>
      %dma_start3A_681 = arith.constant 0 : i32
      %dma_start3A_682 = tpu.memref_slice %arg8[%add3A_620, %dma_start3A_681] : memref<10000x80xf32, #tpu.memory_space<vmem_shared>> -> memref<24x80xf32, #tpu.memory_space<vmem_shared>>
      tpu.enqueue_dma source(%arg16 : memref<24x80xf32, #tpu.memory_space<vmem>>) target(%dma_start3A_682 : memref<24x80xf32, #tpu.memory_space<vmem_shared>>) target_semaphore(%run_scoped3A : memref<!tpu.dma_semaphore, #tpu.memory_space<semaphore_mem>>)
      %dma_wait3A = arith.constant 0 : i32
      %dma_wait3A_683 = tpu.memref_slice %arg8[%add3A_620, %dma_wait3A] : memref<10000x80xf32, #tpu.memory_space<vmem_shared>> -> memref<24x80xf32, #tpu.memory_space<vmem_shared>>
      %dma_wait3A_684 = arith.constant 0 : i32
      %dma_wait3A_685 = tpu.memref_slice %arg8[%add3A_620, %dma_wait3A_684] : memref<10000x80xf32, #tpu.memory_space<vmem_shared>> -> memref<24x80xf32, #tpu.memory_space<vmem_shared>>
      tpu.wait_dma2 semaphore(%run_scoped3A : memref<!tpu.dma_semaphore, #tpu.memory_space<semaphore_mem>>) src(%arg16 : memref<24x80xf32, #tpu.memory_space<vmem>>) dst(%dma_wait3A_685 : memref<24x80xf32, #tpu.memory_space<vmem_shared>>)
      tpu.yield
    }) : () -> ()
    %add3A_621 = arith.constant 96 : i32
    %add3A_622 = arith.addi %mul3A_612, %add3A_621 : i32
    "tpu.region"() ({
      %run_scoped3A = tpu.sem_alloc : memref<!tpu.dma_semaphore, #tpu.memory_space<semaphore_mem>>
      %dma_start3A = arith.constant 0 : i32
      %dma_start3A_680 = tpu.memref_slice %arg8[%add3A_622, %dma_start3A] : memref<10000x80xf32, #tpu.memory_space<vmem_shared>> -> memref<24x80xf32, #tpu.memory_space<vmem_shared>>
      %dma_start3A_681 = arith.constant 0 : i32
      %dma_start3A_682 = tpu.memref_slice %arg8[%add3A_622, %dma_start3A_681] : memref<10000x80xf32, #tpu.memory_space<vmem_shared>> -> memref<24x80xf32, #tpu.memory_space<vmem_shared>>
      tpu.enqueue_dma source(%arg16 : memref<24x80xf32, #tpu.memory_space<vmem>>) target(%dma_start3A_682 : memref<24x80xf32, #tpu.memory_space<vmem_shared>>) target_semaphore(%run_scoped3A : memref<!tpu.dma_semaphore, #tpu.memory_space<semaphore_mem>>)
      %dma_wait3A = arith.constant 0 : i32
      %dma_wait3A_683 = tpu.memref_slice %arg8[%add3A_622, %dma_wait3A] : memref<10000x80xf32, #tpu.memory_space<vmem_shared>> -> memref<24x80xf32, #tpu.memory_space<vmem_shared>>
      %dma_wait3A_684 = arith.constant 0 : i32
      %dma_wait3A_685 = tpu.memref_slice %arg8[%add3A_622, %dma_wait3A_684] : memref<10000x80xf32, #tpu.memory_space<vmem_shared>> -> memref<24x80xf32, #tpu.memory_space<vmem_shared>>
      tpu.wait_dma2 semaphore(%run_scoped3A : memref<!tpu.dma_semaphore, #tpu.memory_space<semaphore_mem>>) src(%arg16 : memref<24x80xf32, #tpu.memory_space<vmem>>) dst(%dma_wait3A_685 : memref<24x80xf32, #tpu.memory_space<vmem_shared>>)
      tpu.yield
    }) : () -> ()
    %add3A_623 = arith.constant 120 : i32
    %add3A_624 = arith.addi %mul3A_612, %add3A_623 : i32
    "tpu.region"() ({
      %run_scoped3A = tpu.sem_alloc : memref<!tpu.dma_semaphore, #tpu.memory_space<semaphore_mem>>
      %dma_start3A = arith.constant 0 : i32
      %dma_start3A_680 = tpu.memref_slice %arg8[%add3A_624, %dma_start3A] : memref<10000x80xf32, #tpu.memory_space<vmem_shared>> -> memref<24x80xf32, #tpu.memory_space<vmem_shared>>
      %dma_start3A_681 = arith.constant 0 : i32
      %dma_start3A_682 = tpu.memref_slice %arg8[%add3A_624, %dma_start3A_681] : memref<10000x80xf32, #tpu.memory_space<vmem_shared>> -> memref<24x80xf32, #tpu.memory_space<vmem_shared>>
      tpu.enqueue_dma source(%arg16 : memref<24x80xf32, #tpu.memory_space<vmem>>) target(%dma_start3A_682 : memref<24x80xf32, #tpu.memory_space<vmem_shared>>) target_semaphore(%run_scoped3A : memref<!tpu.dma_semaphore, #tpu.memory_space<semaphore_mem>>)
      %dma_wait3A = arith.constant 0 : i32
      %dma_wait3A_683 = tpu.memref_slice %arg8[%add3A_624, %dma_wait3A] : memref<10000x80xf32, #tpu.memory_space<vmem_shared>> -> memref<24x80xf32, #tpu.memory_space<vmem_shared>>
      %dma_wait3A_684 = arith.constant 0 : i32
      %dma_wait3A_685 = tpu.memref_slice %arg8[%add3A_624, %dma_wait3A_684] : memref<10000x80xf32, #tpu.memory_space<vmem_shared>> -> memref<24x80xf32, #tpu.memory_space<vmem_shared>>
      tpu.wait_dma2 semaphore(%run_scoped3A : memref<!tpu.dma_semaphore, #tpu.memory_space<semaphore_mem>>) src(%arg16 : memref<24x80xf32, #tpu.memory_space<vmem>>) dst(%dma_wait3A_685 : memref<24x80xf32, #tpu.memory_space<vmem_shared>>)
      tpu.yield
    }) : () -> ()
    %add3A_625 = arith.constant 144 : i32
    %add3A_626 = arith.addi %mul3A_612, %add3A_625 : i32
    "tpu.region"() ({
      %run_scoped3A = tpu.sem_alloc : memref<!tpu.dma_semaphore, #tpu.memory_space<semaphore_mem>>
      %dma_start3A = arith.constant 0 : i32
      %dma_start3A_680 = tpu.memref_slice %arg8[%add3A_626, %dma_start3A] : memref<10000x80xf32, #tpu.memory_space<vmem_shared>> -> memref<24x80xf32, #tpu.memory_space<vmem_shared>>
      %dma_start3A_681 = arith.constant 0 : i32
      %dma_start3A_682 = tpu.memref_slice %arg8[%add3A_626, %dma_start3A_681] : memref<10000x80xf32, #tpu.memory_space<vmem_shared>> -> memref<24x80xf32, #tpu.memory_space<vmem_shared>>
      tpu.enqueue_dma source(%arg16 : memref<24x80xf32, #tpu.memory_space<vmem>>) target(%dma_start3A_682 : memref<24x80xf32, #tpu.memory_space<vmem_shared>>) target_semaphore(%run_scoped3A : memref<!tpu.dma_semaphore, #tpu.memory_space<semaphore_mem>>)
      %dma_wait3A = arith.constant 0 : i32
      %dma_wait3A_683 = tpu.memref_slice %arg8[%add3A_626, %dma_wait3A] : memref<10000x80xf32, #tpu.memory_space<vmem_shared>> -> memref<24x80xf32, #tpu.memory_space<vmem_shared>>
      %dma_wait3A_684 = arith.constant 0 : i32
      %dma_wait3A_685 = tpu.memref_slice %arg8[%add3A_626, %dma_wait3A_684] : memref<10000x80xf32, #tpu.memory_space<vmem_shared>> -> memref<24x80xf32, #tpu.memory_space<vmem_shared>>
      tpu.wait_dma2 semaphore(%run_scoped3A : memref<!tpu.dma_semaphore, #tpu.memory_space<semaphore_mem>>) src(%arg16 : memref<24x80xf32, #tpu.memory_space<vmem>>) dst(%dma_wait3A_685 : memref<24x80xf32, #tpu.memory_space<vmem_shared>>)
      tpu.yield
    }) : () -> ()
    %add3A_627 = arith.constant 168 : i32
    %add3A_628 = arith.addi %mul3A_612, %add3A_627 : i32
    "tpu.region"() ({
      %run_scoped3A = tpu.sem_alloc : memref<!tpu.dma_semaphore, #tpu.memory_space<semaphore_mem>>
      %dma_start3A = arith.constant 0 : i32
      %dma_start3A_680 = tpu.memref_slice %arg8[%add3A_628, %dma_start3A] : memref<10000x80xf32, #tpu.memory_space<vmem_shared>> -> memref<24x80xf32, #tpu.memory_space<vmem_shared>>
      %dma_start3A_681 = arith.constant 0 : i32
      %dma_start3A_682 = tpu.memref_slice %arg8[%add3A_628, %dma_start3A_681] : memref<10000x80xf32, #tpu.memory_space<vmem_shared>> -> memref<24x80xf32, #tpu.memory_space<vmem_shared>>
      tpu.enqueue_dma source(%arg16 : memref<24x80xf32, #tpu.memory_space<vmem>>) target(%dma_start3A_682 : memref<24x80xf32, #tpu.memory_space<vmem_shared>>) target_semaphore(%run_scoped3A : memref<!tpu.dma_semaphore, #tpu.memory_space<semaphore_mem>>)
      %dma_wait3A = arith.constant 0 : i32
      %dma_wait3A_683 = tpu.memref_slice %arg8[%add3A_628, %dma_wait3A] : memref<10000x80xf32, #tpu.memory_space<vmem_shared>> -> memref<24x80xf32, #tpu.memory_space<vmem_shared>>
      %dma_wait3A_684 = arith.constant 0 : i32
      %dma_wait3A_685 = tpu.memref_slice %arg8[%add3A_628, %dma_wait3A_684] : memref<10000x80xf32, #tpu.memory_space<vmem_shared>> -> memref<24x80xf32, #tpu.memory_space<vmem_shared>>
      tpu.wait_dma2 semaphore(%run_scoped3A : memref<!tpu.dma_semaphore, #tpu.memory_space<semaphore_mem>>) src(%arg16 : memref<24x80xf32, #tpu.memory_space<vmem>>) dst(%dma_wait3A_685 : memref<24x80xf32, #tpu.memory_space<vmem_shared>>)
      tpu.yield
    }) : () -> ()
    %add3A_629 = arith.constant 192 : i32
    %add3A_630 = arith.addi %mul3A_612, %add3A_629 : i32
    "tpu.region"() ({
      %run_scoped3A = tpu.sem_alloc : memref<!tpu.dma_semaphore, #tpu.memory_space<semaphore_mem>>
      %dma_start3A = arith.constant 0 : i32
      %dma_start3A_680 = tpu.memref_slice %arg8[%add3A_630, %dma_start3A] : memref<10000x80xf32, #tpu.memory_space<vmem_shared>> -> memref<24x80xf32, #tpu.memory_space<vmem_shared>>
      %dma_start3A_681 = arith.constant 0 : i32
      %dma_start3A_682 = tpu.memref_slice %arg8[%add3A_630, %dma_start3A_681] : memref<10000x80xf32, #tpu.memory_space<vmem_shared>> -> memref<24x80xf32, #tpu.memory_space<vmem_shared>>
      tpu.enqueue_dma source(%arg16 : memref<24x80xf32, #tpu.memory_space<vmem>>) target(%dma_start3A_682 : memref<24x80xf32, #tpu.memory_space<vmem_shared>>) target_semaphore(%run_scoped3A : memref<!tpu.dma_semaphore, #tpu.memory_space<semaphore_mem>>)
      %dma_wait3A = arith.constant 0 : i32
      %dma_wait3A_683 = tpu.memref_slice %arg8[%add3A_630, %dma_wait3A] : memref<10000x80xf32, #tpu.memory_space<vmem_shared>> -> memref<24x80xf32, #tpu.memory_space<vmem_shared>>
      %dma_wait3A_684 = arith.constant 0 : i32
      %dma_wait3A_685 = tpu.memref_slice %arg8[%add3A_630, %dma_wait3A_684] : memref<10000x80xf32, #tpu.memory_space<vmem_shared>> -> memref<24x80xf32, #tpu.memory_space<vmem_shared>>
      tpu.wait_dma2 semaphore(%run_scoped3A : memref<!tpu.dma_semaphore, #tpu.memory_space<semaphore_mem>>) src(%arg16 : memref<24x80xf32, #tpu.memory_space<vmem>>) dst(%dma_wait3A_685 : memref<24x80xf32, #tpu.memory_space<vmem_shared>>)
      tpu.yield
    }) : () -> ()
    %add3A_631 = arith.constant 216 : i32
    %add3A_632 = arith.addi %mul3A_612, %add3A_631 : i32
    "tpu.region"() ({
      %run_scoped3A = tpu.sem_alloc : memref<!tpu.dma_semaphore, #tpu.memory_space<semaphore_mem>>
      %dma_start3A = arith.constant 0 : i32
      %dma_start3A_680 = tpu.memref_slice %arg8[%add3A_632, %dma_start3A] : memref<10000x80xf32, #tpu.memory_space<vmem_shared>> -> memref<24x80xf32, #tpu.memory_space<vmem_shared>>
      %dma_start3A_681 = arith.constant 0 : i32
      %dma_start3A_682 = tpu.memref_slice %arg8[%add3A_632, %dma_start3A_681] : memref<10000x80xf32, #tpu.memory_space<vmem_shared>> -> memref<24x80xf32, #tpu.memory_space<vmem_shared>>
      tpu.enqueue_dma source(%arg16 : memref<24x80xf32, #tpu.memory_space<vmem>>) target(%dma_start3A_682 : memref<24x80xf32, #tpu.memory_space<vmem_shared>>) target_semaphore(%run_scoped3A : memref<!tpu.dma_semaphore, #tpu.memory_space<semaphore_mem>>)
      %dma_wait3A = arith.constant 0 : i32
      %dma_wait3A_683 = tpu.memref_slice %arg8[%add3A_632, %dma_wait3A] : memref<10000x80xf32, #tpu.memory_space<vmem_shared>> -> memref<24x80xf32, #tpu.memory_space<vmem_shared>>
      %dma_wait3A_684 = arith.constant 0 : i32
      %dma_wait3A_685 = tpu.memref_slice %arg8[%add3A_632, %dma_wait3A_684] : memref<10000x80xf32, #tpu.memory_space<vmem_shared>> -> memref<24x80xf32, #tpu.memory_space<vmem_shared>>
      tpu.wait_dma2 semaphore(%run_scoped3A : memref<!tpu.dma_semaphore, #tpu.memory_space<semaphore_mem>>) src(%arg16 : memref<24x80xf32, #tpu.memory_space<vmem>>) dst(%dma_wait3A_685 : memref<24x80xf32, #tpu.memory_space<vmem_shared>>)
      tpu.yield
    }) : () -> ()
    %add3A_633 = arith.constant 240 : i32
    %add3A_634 = arith.addi %mul3A_612, %add3A_633 : i32
    "tpu.region"() ({
      %run_scoped3A = tpu.sem_alloc : memref<!tpu.dma_semaphore, #tpu.memory_space<semaphore_mem>>
      %dma_start3A = arith.constant 0 : i32
      %dma_start3A_680 = tpu.memref_slice %arg8[%add3A_634, %dma_start3A] : memref<10000x80xf32, #tpu.memory_space<vmem_shared>> -> memref<24x80xf32, #tpu.memory_space<vmem_shared>>
      %dma_start3A_681 = arith.constant 0 : i32
      %dma_start3A_682 = tpu.memref_slice %arg8[%add3A_634, %dma_start3A_681] : memref<10000x80xf32, #tpu.memory_space<vmem_shared>> -> memref<24x80xf32, #tpu.memory_space<vmem_shared>>
      tpu.enqueue_dma source(%arg16 : memref<24x80xf32, #tpu.memory_space<vmem>>) target(%dma_start3A_682 : memref<24x80xf32, #tpu.memory_space<vmem_shared>>) target_semaphore(%run_scoped3A : memref<!tpu.dma_semaphore, #tpu.memory_space<semaphore_mem>>)
      %dma_wait3A = arith.constant 0 : i32
      %dma_wait3A_683 = tpu.memref_slice %arg8[%add3A_634, %dma_wait3A] : memref<10000x80xf32, #tpu.memory_space<vmem_shared>> -> memref<24x80xf32, #tpu.memory_space<vmem_shared>>
      %dma_wait3A_684 = arith.constant 0 : i32
      %dma_wait3A_685 = tpu.memref_slice %arg8[%add3A_634, %dma_wait3A_684] : memref<10000x80xf32, #tpu.memory_space<vmem_shared>> -> memref<24x80xf32, #tpu.memory_space<vmem_shared>>
      tpu.wait_dma2 semaphore(%run_scoped3A : memref<!tpu.dma_semaphore, #tpu.memory_space<semaphore_mem>>) src(%arg16 : memref<24x80xf32, #tpu.memory_space<vmem>>) dst(%dma_wait3A_685 : memref<24x80xf32, #tpu.memory_space<vmem_shared>>)
      tpu.yield
    }) : () -> ()
    %add3A_635 = arith.constant 264 : i32
    %add3A_636 = arith.addi %mul3A_612, %add3A_635 : i32
    "tpu.region"() ({
      %run_scoped3A = tpu.sem_alloc : memref<!tpu.dma_semaphore, #tpu.memory_space<semaphore_mem>>
      %dma_start3A = arith.constant 0 : i32
      %dma_start3A_680 = tpu.memref_slice %arg8[%add3A_636, %dma_start3A] : memref<10000x80xf32, #tpu.memory_space<vmem_shared>> -> memref<24x80xf32, #tpu.memory_space<vmem_shared>>
      %dma_start3A_681 = arith.constant 0 : i32
      %dma_start3A_682 = tpu.memref_slice %arg8[%add3A_636, %dma_start3A_681] : memref<10000x80xf32, #tpu.memory_space<vmem_shared>> -> memref<24x80xf32, #tpu.memory_space<vmem_shared>>
      tpu.enqueue_dma source(%arg16 : memref<24x80xf32, #tpu.memory_space<vmem>>) target(%dma_start3A_682 : memref<24x80xf32, #tpu.memory_space<vmem_shared>>) target_semaphore(%run_scoped3A : memref<!tpu.dma_semaphore, #tpu.memory_space<semaphore_mem>>)
      %dma_wait3A = arith.constant 0 : i32
      %dma_wait3A_683 = tpu.memref_slice %arg8[%add3A_636, %dma_wait3A] : memref<10000x80xf32, #tpu.memory_space<vmem_shared>> -> memref<24x80xf32, #tpu.memory_space<vmem_shared>>
      %dma_wait3A_684 = arith.constant 0 : i32
      %dma_wait3A_685 = tpu.memref_slice %arg8[%add3A_636, %dma_wait3A_684] : memref<10000x80xf32, #tpu.memory_space<vmem_shared>> -> memref<24x80xf32, #tpu.memory_space<vmem_shared>>
      tpu.wait_dma2 semaphore(%run_scoped3A : memref<!tpu.dma_semaphore, #tpu.memory_space<semaphore_mem>>) src(%arg16 : memref<24x80xf32, #tpu.memory_space<vmem>>) dst(%dma_wait3A_685 : memref<24x80xf32, #tpu.memory_space<vmem_shared>>)
      tpu.yield
    }) : () -> ()
    %add3A_637 = arith.constant 288 : i32
    %add3A_638 = arith.addi %mul3A_612, %add3A_637 : i32
    "tpu.region"() ({
      %run_scoped3A = tpu.sem_alloc : memref<!tpu.dma_semaphore, #tpu.memory_space<semaphore_mem>>
      %dma_start3A = arith.constant 0 : i32
      %dma_start3A_680 = tpu.memref_slice %arg8[%add3A_638, %dma_start3A] : memref<10000x80xf32, #tpu.memory_space<vmem_shared>> -> memref<24x80xf32, #tpu.memory_space<vmem_shared>>
      %dma_start3A_681 = arith.constant 0 : i32
      %dma_start3A_682 = tpu.memref_slice %arg8[%add3A_638, %dma_start3A_681] : memref<10000x80xf32, #tpu.memory_space<vmem_shared>> -> memref<24x80xf32, #tpu.memory_space<vmem_shared>>
      tpu.enqueue_dma source(%arg16 : memref<24x80xf32, #tpu.memory_space<vmem>>) target(%dma_start3A_682 : memref<24x80xf32, #tpu.memory_space<vmem_shared>>) target_semaphore(%run_scoped3A : memref<!tpu.dma_semaphore, #tpu.memory_space<semaphore_mem>>)
      %dma_wait3A = arith.constant 0 : i32
      %dma_wait3A_683 = tpu.memref_slice %arg8[%add3A_638, %dma_wait3A] : memref<10000x80xf32, #tpu.memory_space<vmem_shared>> -> memref<24x80xf32, #tpu.memory_space<vmem_shared>>
      %dma_wait3A_684 = arith.constant 0 : i32
      %dma_wait3A_685 = tpu.memref_slice %arg8[%add3A_638, %dma_wait3A_684] : memref<10000x80xf32, #tpu.memory_space<vmem_shared>> -> memref<24x80xf32, #tpu.memory_space<vmem_shared>>
      tpu.wait_dma2 semaphore(%run_scoped3A : memref<!tpu.dma_semaphore, #tpu.memory_space<semaphore_mem>>) src(%arg16 : memref<24x80xf32, #tpu.memory_space<vmem>>) dst(%dma_wait3A_685 : memref<24x80xf32, #tpu.memory_space<vmem_shared>>)
      tpu.yield
    }) : () -> ()
    %add3A_639 = arith.constant 312 : i32
    %add3A_640 = arith.addi %mul3A_612, %add3A_639 : i32
    "tpu.region"() ({
      %run_scoped3A = tpu.sem_alloc : memref<!tpu.dma_semaphore, #tpu.memory_space<semaphore_mem>>
      %dma_start3A = arith.constant 0 : i32
      %dma_start3A_680 = tpu.memref_slice %arg8[%add3A_640, %dma_start3A] : memref<10000x80xf32, #tpu.memory_space<vmem_shared>> -> memref<24x80xf32, #tpu.memory_space<vmem_shared>>
      %dma_start3A_681 = arith.constant 0 : i32
      %dma_start3A_682 = tpu.memref_slice %arg8[%add3A_640, %dma_start3A_681] : memref<10000x80xf32, #tpu.memory_space<vmem_shared>> -> memref<24x80xf32, #tpu.memory_space<vmem_shared>>
      tpu.enqueue_dma source(%arg16 : memref<24x80xf32, #tpu.memory_space<vmem>>) target(%dma_start3A_682 : memref<24x80xf32, #tpu.memory_space<vmem_shared>>) target_semaphore(%run_scoped3A : memref<!tpu.dma_semaphore, #tpu.memory_space<semaphore_mem>>)
      %dma_wait3A = arith.constant 0 : i32
      %dma_wait3A_683 = tpu.memref_slice %arg8[%add3A_640, %dma_wait3A] : memref<10000x80xf32, #tpu.memory_space<vmem_shared>> -> memref<24x80xf32, #tpu.memory_space<vmem_shared>>
      %dma_wait3A_684 = arith.constant 0 : i32
      %dma_wait3A_685 = tpu.memref_slice %arg8[%add3A_640, %dma_wait3A_684] : memref<10000x80xf32, #tpu.memory_space<vmem_shared>> -> memref<24x80xf32, #tpu.memory_space<vmem_shared>>
      tpu.wait_dma2 semaphore(%run_scoped3A : memref<!tpu.dma_semaphore, #tpu.memory_space<semaphore_mem>>) src(%arg16 : memref<24x80xf32, #tpu.memory_space<vmem>>) dst(%dma_wait3A_685 : memref<24x80xf32, #tpu.memory_space<vmem_shared>>)
      tpu.yield
    }) : () -> ()
    %add3A_641 = arith.constant 336 : i32
    %add3A_642 = arith.addi %mul3A_612, %add3A_641 : i32
    "tpu.region"() ({
      %run_scoped3A = tpu.sem_alloc : memref<!tpu.dma_semaphore, #tpu.memory_space<semaphore_mem>>
      %dma_start3A = arith.constant 0 : i32
      %dma_start3A_680 = tpu.memref_slice %arg8[%add3A_642, %dma_start3A] : memref<10000x80xf32, #tpu.memory_space<vmem_shared>> -> memref<24x80xf32, #tpu.memory_space<vmem_shared>>
      %dma_start3A_681 = arith.constant 0 : i32
      %dma_start3A_682 = tpu.memref_slice %arg8[%add3A_642, %dma_start3A_681] : memref<10000x80xf32, #tpu.memory_space<vmem_shared>> -> memref<24x80xf32, #tpu.memory_space<vmem_shared>>
      tpu.enqueue_dma source(%arg16 : memref<24x80xf32, #tpu.memory_space<vmem>>) target(%dma_start3A_682 : memref<24x80xf32, #tpu.memory_space<vmem_shared>>) target_semaphore(%run_scoped3A : memref<!tpu.dma_semaphore, #tpu.memory_space<semaphore_mem>>)
      %dma_wait3A = arith.constant 0 : i32
      %dma_wait3A_683 = tpu.memref_slice %arg8[%add3A_642, %dma_wait3A] : memref<10000x80xf32, #tpu.memory_space<vmem_shared>> -> memref<24x80xf32, #tpu.memory_space<vmem_shared>>
      %dma_wait3A_684 = arith.constant 0 : i32
      %dma_wait3A_685 = tpu.memref_slice %arg8[%add3A_642, %dma_wait3A_684] : memref<10000x80xf32, #tpu.memory_space<vmem_shared>> -> memref<24x80xf32, #tpu.memory_space<vmem_shared>>
      tpu.wait_dma2 semaphore(%run_scoped3A : memref<!tpu.dma_semaphore, #tpu.memory_space<semaphore_mem>>) src(%arg16 : memref<24x80xf32, #tpu.memory_space<vmem>>) dst(%dma_wait3A_685 : memref<24x80xf32, #tpu.memory_space<vmem_shared>>)
      tpu.yield
    }) : () -> ()
    %add3A_643 = arith.constant 360 : i32
    %add3A_644 = arith.addi %mul3A_612, %add3A_643 : i32
    "tpu.region"() ({
      %run_scoped3A = tpu.sem_alloc : memref<!tpu.dma_semaphore, #tpu.memory_space<semaphore_mem>>
      %dma_start3A = arith.constant 0 : i32
      %dma_start3A_680 = tpu.memref_slice %arg8[%add3A_644, %dma_start3A] : memref<10000x80xf32, #tpu.memory_space<vmem_shared>> -> memref<24x80xf32, #tpu.memory_space<vmem_shared>>
      %dma_start3A_681 = arith.constant 0 : i32
      %dma_start3A_682 = tpu.memref_slice %arg8[%add3A_644, %dma_start3A_681] : memref<10000x80xf32, #tpu.memory_space<vmem_shared>> -> memref<24x80xf32, #tpu.memory_space<vmem_shared>>
      tpu.enqueue_dma source(%arg16 : memref<24x80xf32, #tpu.memory_space<vmem>>) target(%dma_start3A_682 : memref<24x80xf32, #tpu.memory_space<vmem_shared>>) target_semaphore(%run_scoped3A : memref<!tpu.dma_semaphore, #tpu.memory_space<semaphore_mem>>)
      %dma_wait3A = arith.constant 0 : i32
      %dma_wait3A_683 = tpu.memref_slice %arg8[%add3A_644, %dma_wait3A] : memref<10000x80xf32, #tpu.memory_space<vmem_shared>> -> memref<24x80xf32, #tpu.memory_space<vmem_shared>>
      %dma_wait3A_684 = arith.constant 0 : i32
      %dma_wait3A_685 = tpu.memref_slice %arg8[%add3A_644, %dma_wait3A_684] : memref<10000x80xf32, #tpu.memory_space<vmem_shared>> -> memref<24x80xf32, #tpu.memory_space<vmem_shared>>
      tpu.wait_dma2 semaphore(%run_scoped3A : memref<!tpu.dma_semaphore, #tpu.memory_space<semaphore_mem>>) src(%arg16 : memref<24x80xf32, #tpu.memory_space<vmem>>) dst(%dma_wait3A_685 : memref<24x80xf32, #tpu.memory_space<vmem_shared>>)
      tpu.yield
    }) : () -> ()
    %add3A_645 = arith.constant 384 : i32
    %add3A_646 = arith.addi %mul3A_612, %add3A_645 : i32
    "tpu.region"() ({
      %run_scoped3A = tpu.sem_alloc : memref<!tpu.dma_semaphore, #tpu.memory_space<semaphore_mem>>
      %dma_start3A = arith.constant 0 : i32
      %dma_start3A_680 = tpu.memref_slice %arg8[%add3A_646, %dma_start3A] : memref<10000x80xf32, #tpu.memory_space<vmem_shared>> -> memref<24x80xf32, #tpu.memory_space<vmem_shared>>
      %dma_start3A_681 = arith.constant 0 : i32
      %dma_start3A_682 = tpu.memref_slice %arg8[%add3A_646, %dma_start3A_681] : memref<10000x80xf32, #tpu.memory_space<vmem_shared>> -> memref<24x80xf32, #tpu.memory_space<vmem_shared>>
      tpu.enqueue_dma source(%arg16 : memref<24x80xf32, #tpu.memory_space<vmem>>) target(%dma_start3A_682 : memref<24x80xf32, #tpu.memory_space<vmem_shared>>) target_semaphore(%run_scoped3A : memref<!tpu.dma_semaphore, #tpu.memory_space<semaphore_mem>>)
      %dma_wait3A = arith.constant 0 : i32
      %dma_wait3A_683 = tpu.memref_slice %arg8[%add3A_646, %dma_wait3A] : memref<10000x80xf32, #tpu.memory_space<vmem_shared>> -> memref<24x80xf32, #tpu.memory_space<vmem_shared>>
      %dma_wait3A_684 = arith.constant 0 : i32
      %dma_wait3A_685 = tpu.memref_slice %arg8[%add3A_646, %dma_wait3A_684] : memref<10000x80xf32, #tpu.memory_space<vmem_shared>> -> memref<24x80xf32, #tpu.memory_space<vmem_shared>>
      tpu.wait_dma2 semaphore(%run_scoped3A : memref<!tpu.dma_semaphore, #tpu.memory_space<semaphore_mem>>) src(%arg16 : memref<24x80xf32, #tpu.memory_space<vmem>>) dst(%dma_wait3A_685 : memref<24x80xf32, #tpu.memory_space<vmem_shared>>)
      tpu.yield
    }) : () -> ()
    %add3A_647 = arith.constant 408 : i32
    %add3A_648 = arith.addi %mul3A_612, %add3A_647 : i32
    "tpu.region"() ({
      %run_scoped3A = tpu.sem_alloc : memref<!tpu.dma_semaphore, #tpu.memory_space<semaphore_mem>>
      %dma_start3A = arith.constant 0 : i32
      %dma_start3A_680 = tpu.memref_slice %arg8[%add3A_648, %dma_start3A] : memref<10000x80xf32, #tpu.memory_space<vmem_shared>> -> memref<24x80xf32, #tpu.memory_space<vmem_shared>>
      %dma_start3A_681 = arith.constant 0 : i32
      %dma_start3A_682 = tpu.memref_slice %arg8[%add3A_648, %dma_start3A_681] : memref<10000x80xf32, #tpu.memory_space<vmem_shared>> -> memref<24x80xf32, #tpu.memory_space<vmem_shared>>
      tpu.enqueue_dma source(%arg16 : memref<24x80xf32, #tpu.memory_space<vmem>>) target(%dma_start3A_682 : memref<24x80xf32, #tpu.memory_space<vmem_shared>>) target_semaphore(%run_scoped3A : memref<!tpu.dma_semaphore, #tpu.memory_space<semaphore_mem>>)
      %dma_wait3A = arith.constant 0 : i32
      %dma_wait3A_683 = tpu.memref_slice %arg8[%add3A_648, %dma_wait3A] : memref<10000x80xf32, #tpu.memory_space<vmem_shared>> -> memref<24x80xf32, #tpu.memory_space<vmem_shared>>
      %dma_wait3A_684 = arith.constant 0 : i32
      %dma_wait3A_685 = tpu.memref_slice %arg8[%add3A_648, %dma_wait3A_684] : memref<10000x80xf32, #tpu.memory_space<vmem_shared>> -> memref<24x80xf32, #tpu.memory_space<vmem_shared>>
      tpu.wait_dma2 semaphore(%run_scoped3A : memref<!tpu.dma_semaphore, #tpu.memory_space<semaphore_mem>>) src(%arg16 : memref<24x80xf32, #tpu.memory_space<vmem>>) dst(%dma_wait3A_685 : memref<24x80xf32, #tpu.memory_space<vmem_shared>>)
      tpu.yield
    }) : () -> ()
    %add3A_649 = arith.constant 432 : i32
    %add3A_650 = arith.addi %mul3A_612, %add3A_649 : i32
    "tpu.region"() ({
      %run_scoped3A = tpu.sem_alloc : memref<!tpu.dma_semaphore, #tpu.memory_space<semaphore_mem>>
      %dma_start3A = arith.constant 0 : i32
      %dma_start3A_680 = tpu.memref_slice %arg8[%add3A_650, %dma_start3A] : memref<10000x80xf32, #tpu.memory_space<vmem_shared>> -> memref<24x80xf32, #tpu.memory_space<vmem_shared>>
      %dma_start3A_681 = arith.constant 0 : i32
      %dma_start3A_682 = tpu.memref_slice %arg8[%add3A_650, %dma_start3A_681] : memref<10000x80xf32, #tpu.memory_space<vmem_shared>> -> memref<24x80xf32, #tpu.memory_space<vmem_shared>>
      tpu.enqueue_dma source(%arg16 : memref<24x80xf32, #tpu.memory_space<vmem>>) target(%dma_start3A_682 : memref<24x80xf32, #tpu.memory_space<vmem_shared>>) target_semaphore(%run_scoped3A : memref<!tpu.dma_semaphore, #tpu.memory_space<semaphore_mem>>)
      %dma_wait3A = arith.constant 0 : i32
      %dma_wait3A_683 = tpu.memref_slice %arg8[%add3A_650, %dma_wait3A] : memref<10000x80xf32, #tpu.memory_space<vmem_shared>> -> memref<24x80xf32, #tpu.memory_space<vmem_shared>>
      %dma_wait3A_684 = arith.constant 0 : i32
      %dma_wait3A_685 = tpu.memref_slice %arg8[%add3A_650, %dma_wait3A_684] : memref<10000x80xf32, #tpu.memory_space<vmem_shared>> -> memref<24x80xf32, #tpu.memory_space<vmem_shared>>
      tpu.wait_dma2 semaphore(%run_scoped3A : memref<!tpu.dma_semaphore, #tpu.memory_space<semaphore_mem>>) src(%arg16 : memref<24x80xf32, #tpu.memory_space<vmem>>) dst(%dma_wait3A_685 : memref<24x80xf32, #tpu.memory_space<vmem_shared>>)
      tpu.yield
    }) : () -> ()
    %add3A_651 = arith.constant 456 : i32
    %add3A_652 = arith.addi %mul3A_612, %add3A_651 : i32
    "tpu.region"() ({
      %run_scoped3A = tpu.sem_alloc : memref<!tpu.dma_semaphore, #tpu.memory_space<semaphore_mem>>
      %dma_start3A = arith.constant 0 : i32
      %dma_start3A_680 = tpu.memref_slice %arg8[%add3A_652, %dma_start3A] : memref<10000x80xf32, #tpu.memory_space<vmem_shared>> -> memref<24x80xf32, #tpu.memory_space<vmem_shared>>
      %dma_start3A_681 = arith.constant 0 : i32
      %dma_start3A_682 = tpu.memref_slice %arg8[%add3A_652, %dma_start3A_681] : memref<10000x80xf32, #tpu.memory_space<vmem_shared>> -> memref<24x80xf32, #tpu.memory_space<vmem_shared>>
      tpu.enqueue_dma source(%arg16 : memref<24x80xf32, #tpu.memory_space<vmem>>) target(%dma_start3A_682 : memref<24x80xf32, #tpu.memory_space<vmem_shared>>) target_semaphore(%run_scoped3A : memref<!tpu.dma_semaphore, #tpu.memory_space<semaphore_mem>>)
      %dma_wait3A = arith.constant 0 : i32
      %dma_wait3A_683 = tpu.memref_slice %arg8[%add3A_652, %dma_wait3A] : memref<10000x80xf32, #tpu.memory_space<vmem_shared>> -> memref<24x80xf32, #tpu.memory_space<vmem_shared>>
      %dma_wait3A_684 = arith.constant 0 : i32
      %dma_wait3A_685 = tpu.memref_slice %arg8[%add3A_652, %dma_wait3A_684] : memref<10000x80xf32, #tpu.memory_space<vmem_shared>> -> memref<24x80xf32, #tpu.memory_space<vmem_shared>>
      tpu.wait_dma2 semaphore(%run_scoped3A : memref<!tpu.dma_semaphore, #tpu.memory_space<semaphore_mem>>) src(%arg16 : memref<24x80xf32, #tpu.memory_space<vmem>>) dst(%dma_wait3A_685 : memref<24x80xf32, #tpu.memory_space<vmem_shared>>)
      tpu.yield
    }) : () -> ()
    %add3A_653 = arith.constant 480 : i32
    %add3A_654 = arith.addi %mul3A_612, %add3A_653 : i32
    "tpu.region"() ({
      %run_scoped3A = tpu.sem_alloc : memref<!tpu.dma_semaphore, #tpu.memory_space<semaphore_mem>>
      %dma_start3A = arith.constant 0 : i32
      %dma_start3A_680 = tpu.memref_slice %arg8[%add3A_654, %dma_start3A] : memref<10000x80xf32, #tpu.memory_space<vmem_shared>> -> memref<24x80xf32, #tpu.memory_space<vmem_shared>>
      %dma_start3A_681 = arith.constant 0 : i32
      %dma_start3A_682 = tpu.memref_slice %arg8[%add3A_654, %dma_start3A_681] : memref<10000x80xf32, #tpu.memory_space<vmem_shared>> -> memref<24x80xf32, #tpu.memory_space<vmem_shared>>
      tpu.enqueue_dma source(%arg16 : memref<24x80xf32, #tpu.memory_space<vmem>>) target(%dma_start3A_682 : memref<24x80xf32, #tpu.memory_space<vmem_shared>>) target_semaphore(%run_scoped3A : memref<!tpu.dma_semaphore, #tpu.memory_space<semaphore_mem>>)
      %dma_wait3A = arith.constant 0 : i32
      %dma_wait3A_683 = tpu.memref_slice %arg8[%add3A_654, %dma_wait3A] : memref<10000x80xf32, #tpu.memory_space<vmem_shared>> -> memref<24x80xf32, #tpu.memory_space<vmem_shared>>
      %dma_wait3A_684 = arith.constant 0 : i32
      %dma_wait3A_685 = tpu.memref_slice %arg8[%add3A_654, %dma_wait3A_684] : memref<10000x80xf32, #tpu.memory_space<vmem_shared>> -> memref<24x80xf32, #tpu.memory_space<vmem_shared>>
      tpu.wait_dma2 semaphore(%run_scoped3A : memref<!tpu.dma_semaphore, #tpu.memory_space<semaphore_mem>>) src(%arg16 : memref<24x80xf32, #tpu.memory_space<vmem>>) dst(%dma_wait3A_685 : memref<24x80xf32, #tpu.memory_space<vmem_shared>>)
      tpu.yield
    }) : () -> ()
    %add3A_655 = arith.constant 504 : i32
    %add3A_656 = arith.addi %mul3A_612, %add3A_655 : i32
    "tpu.region"() ({
      %run_scoped3A = tpu.sem_alloc : memref<!tpu.dma_semaphore, #tpu.memory_space<semaphore_mem>>
      %dma_start3A = arith.constant 0 : i32
      %dma_start3A_680 = tpu.memref_slice %arg8[%add3A_656, %dma_start3A] : memref<10000x80xf32, #tpu.memory_space<vmem_shared>> -> memref<24x80xf32, #tpu.memory_space<vmem_shared>>
      %dma_start3A_681 = arith.constant 0 : i32
      %dma_start3A_682 = tpu.memref_slice %arg8[%add3A_656, %dma_start3A_681] : memref<10000x80xf32, #tpu.memory_space<vmem_shared>> -> memref<24x80xf32, #tpu.memory_space<vmem_shared>>
      tpu.enqueue_dma source(%arg16 : memref<24x80xf32, #tpu.memory_space<vmem>>) target(%dma_start3A_682 : memref<24x80xf32, #tpu.memory_space<vmem_shared>>) target_semaphore(%run_scoped3A : memref<!tpu.dma_semaphore, #tpu.memory_space<semaphore_mem>>)
      %dma_wait3A = arith.constant 0 : i32
      %dma_wait3A_683 = tpu.memref_slice %arg8[%add3A_656, %dma_wait3A] : memref<10000x80xf32, #tpu.memory_space<vmem_shared>> -> memref<24x80xf32, #tpu.memory_space<vmem_shared>>
      %dma_wait3A_684 = arith.constant 0 : i32
      %dma_wait3A_685 = tpu.memref_slice %arg8[%add3A_656, %dma_wait3A_684] : memref<10000x80xf32, #tpu.memory_space<vmem_shared>> -> memref<24x80xf32, #tpu.memory_space<vmem_shared>>
      tpu.wait_dma2 semaphore(%run_scoped3A : memref<!tpu.dma_semaphore, #tpu.memory_space<semaphore_mem>>) src(%arg16 : memref<24x80xf32, #tpu.memory_space<vmem>>) dst(%dma_wait3A_685 : memref<24x80xf32, #tpu.memory_space<vmem_shared>>)
      tpu.yield
    }) : () -> ()
    %add3A_657 = arith.constant 528 : i32
    %add3A_658 = arith.addi %mul3A_612, %add3A_657 : i32
    "tpu.region"() ({
      %run_scoped3A = tpu.sem_alloc : memref<!tpu.dma_semaphore, #tpu.memory_space<semaphore_mem>>
      %dma_start3A = arith.constant 0 : i32
      %dma_start3A_680 = tpu.memref_slice %arg8[%add3A_658, %dma_start3A] : memref<10000x80xf32, #tpu.memory_space<vmem_shared>> -> memref<24x80xf32, #tpu.memory_space<vmem_shared>>
      %dma_start3A_681 = arith.constant 0 : i32
      %dma_start3A_682 = tpu.memref_slice %arg8[%add3A_658, %dma_start3A_681] : memref<10000x80xf32, #tpu.memory_space<vmem_shared>> -> memref<24x80xf32, #tpu.memory_space<vmem_shared>>
      tpu.enqueue_dma source(%arg16 : memref<24x80xf32, #tpu.memory_space<vmem>>) target(%dma_start3A_682 : memref<24x80xf32, #tpu.memory_space<vmem_shared>>) target_semaphore(%run_scoped3A : memref<!tpu.dma_semaphore, #tpu.memory_space<semaphore_mem>>)
      %dma_wait3A = arith.constant 0 : i32
      %dma_wait3A_683 = tpu.memref_slice %arg8[%add3A_658, %dma_wait3A] : memref<10000x80xf32, #tpu.memory_space<vmem_shared>> -> memref<24x80xf32, #tpu.memory_space<vmem_shared>>
      %dma_wait3A_684 = arith.constant 0 : i32
      %dma_wait3A_685 = tpu.memref_slice %arg8[%add3A_658, %dma_wait3A_684] : memref<10000x80xf32, #tpu.memory_space<vmem_shared>> -> memref<24x80xf32, #tpu.memory_space<vmem_shared>>
      tpu.wait_dma2 semaphore(%run_scoped3A : memref<!tpu.dma_semaphore, #tpu.memory_space<semaphore_mem>>) src(%arg16 : memref<24x80xf32, #tpu.memory_space<vmem>>) dst(%dma_wait3A_685 : memref<24x80xf32, #tpu.memory_space<vmem_shared>>)
      tpu.yield
    }) : () -> ()
    %add3A_659 = arith.constant 552 : i32
    %add3A_660 = arith.addi %mul3A_612, %add3A_659 : i32
    "tpu.region"() ({
      %run_scoped3A = tpu.sem_alloc : memref<!tpu.dma_semaphore, #tpu.memory_space<semaphore_mem>>
      %dma_start3A = arith.constant 0 : i32
      %dma_start3A_680 = tpu.memref_slice %arg8[%add3A_660, %dma_start3A] : memref<10000x80xf32, #tpu.memory_space<vmem_shared>> -> memref<24x80xf32, #tpu.memory_space<vmem_shared>>
      %dma_start3A_681 = arith.constant 0 : i32
      %dma_start3A_682 = tpu.memref_slice %arg8[%add3A_660, %dma_start3A_681] : memref<10000x80xf32, #tpu.memory_space<vmem_shared>> -> memref<24x80xf32, #tpu.memory_space<vmem_shared>>
      tpu.enqueue_dma source(%arg16 : memref<24x80xf32, #tpu.memory_space<vmem>>) target(%dma_start3A_682 : memref<24x80xf32, #tpu.memory_space<vmem_shared>>) target_semaphore(%run_scoped3A : memref<!tpu.dma_semaphore, #tpu.memory_space<semaphore_mem>>)
      %dma_wait3A = arith.constant 0 : i32
      %dma_wait3A_683 = tpu.memref_slice %arg8[%add3A_660, %dma_wait3A] : memref<10000x80xf32, #tpu.memory_space<vmem_shared>> -> memref<24x80xf32, #tpu.memory_space<vmem_shared>>
      %dma_wait3A_684 = arith.constant 0 : i32
      %dma_wait3A_685 = tpu.memref_slice %arg8[%add3A_660, %dma_wait3A_684] : memref<10000x80xf32, #tpu.memory_space<vmem_shared>> -> memref<24x80xf32, #tpu.memory_space<vmem_shared>>
      tpu.wait_dma2 semaphore(%run_scoped3A : memref<!tpu.dma_semaphore, #tpu.memory_space<semaphore_mem>>) src(%arg16 : memref<24x80xf32, #tpu.memory_space<vmem>>) dst(%dma_wait3A_685 : memref<24x80xf32, #tpu.memory_space<vmem_shared>>)
      tpu.yield
    }) : () -> ()
    %add3A_661 = arith.constant 576 : i32
    %add3A_662 = arith.addi %mul3A_612, %add3A_661 : i32
    "tpu.region"() ({
      %run_scoped3A = tpu.sem_alloc : memref<!tpu.dma_semaphore, #tpu.memory_space<semaphore_mem>>
      %dma_start3A = arith.constant 0 : i32
      %dma_start3A_680 = tpu.memref_slice %arg8[%add3A_662, %dma_start3A] : memref<10000x80xf32, #tpu.memory_space<vmem_shared>> -> memref<24x80xf32, #tpu.memory_space<vmem_shared>>
      %dma_start3A_681 = arith.constant 0 : i32
      %dma_start3A_682 = tpu.memref_slice %arg8[%add3A_662, %dma_start3A_681] : memref<10000x80xf32, #tpu.memory_space<vmem_shared>> -> memref<24x80xf32, #tpu.memory_space<vmem_shared>>
      tpu.enqueue_dma source(%arg16 : memref<24x80xf32, #tpu.memory_space<vmem>>) target(%dma_start3A_682 : memref<24x80xf32, #tpu.memory_space<vmem_shared>>) target_semaphore(%run_scoped3A : memref<!tpu.dma_semaphore, #tpu.memory_space<semaphore_mem>>)
      %dma_wait3A = arith.constant 0 : i32
      %dma_wait3A_683 = tpu.memref_slice %arg8[%add3A_662, %dma_wait3A] : memref<10000x80xf32, #tpu.memory_space<vmem_shared>> -> memref<24x80xf32, #tpu.memory_space<vmem_shared>>
      %dma_wait3A_684 = arith.constant 0 : i32
      %dma_wait3A_685 = tpu.memref_slice %arg8[%add3A_662, %dma_wait3A_684] : memref<10000x80xf32, #tpu.memory_space<vmem_shared>> -> memref<24x80xf32, #tpu.memory_space<vmem_shared>>
      tpu.wait_dma2 semaphore(%run_scoped3A : memref<!tpu.dma_semaphore, #tpu.memory_space<semaphore_mem>>) src(%arg16 : memref<24x80xf32, #tpu.memory_space<vmem>>) dst(%dma_wait3A_685 : memref<24x80xf32, #tpu.memory_space<vmem_shared>>)
      tpu.yield
    }) : () -> ()
    %add3A_663 = arith.constant 600 : i32
    %add3A_664 = arith.addi %mul3A_612, %add3A_663 : i32
    "tpu.region"() ({
      %run_scoped3A = tpu.sem_alloc : memref<!tpu.dma_semaphore, #tpu.memory_space<semaphore_mem>>
      %dma_start3A = arith.constant 0 : i32
      %dma_start3A_680 = tpu.memref_slice %arg8[%add3A_664, %dma_start3A] : memref<10000x80xf32, #tpu.memory_space<vmem_shared>> -> memref<24x80xf32, #tpu.memory_space<vmem_shared>>
      %dma_start3A_681 = arith.constant 0 : i32
      %dma_start3A_682 = tpu.memref_slice %arg8[%add3A_664, %dma_start3A_681] : memref<10000x80xf32, #tpu.memory_space<vmem_shared>> -> memref<24x80xf32, #tpu.memory_space<vmem_shared>>
      tpu.enqueue_dma source(%arg16 : memref<24x80xf32, #tpu.memory_space<vmem>>) target(%dma_start3A_682 : memref<24x80xf32, #tpu.memory_space<vmem_shared>>) target_semaphore(%run_scoped3A : memref<!tpu.dma_semaphore, #tpu.memory_space<semaphore_mem>>)
      %dma_wait3A = arith.constant 0 : i32
      %dma_wait3A_683 = tpu.memref_slice %arg8[%add3A_664, %dma_wait3A] : memref<10000x80xf32, #tpu.memory_space<vmem_shared>> -> memref<24x80xf32, #tpu.memory_space<vmem_shared>>
      %dma_wait3A_684 = arith.constant 0 : i32
      %dma_wait3A_685 = tpu.memref_slice %arg8[%add3A_664, %dma_wait3A_684] : memref<10000x80xf32, #tpu.memory_space<vmem_shared>> -> memref<24x80xf32, #tpu.memory_space<vmem_shared>>
      tpu.wait_dma2 semaphore(%run_scoped3A : memref<!tpu.dma_semaphore, #tpu.memory_space<semaphore_mem>>) src(%arg16 : memref<24x80xf32, #tpu.memory_space<vmem>>) dst(%dma_wait3A_685 : memref<24x80xf32, #tpu.memory_space<vmem_shared>>)
      tpu.yield
    }) : () -> ()
    "tpu.region"() ({
      %run_scoped3A = tpu.sem_alloc : memref<!tpu.dma_semaphore, #tpu.memory_space<semaphore_mem>>
      %dma_start3A = arith.constant 0 : i32
      %dma_start3A_680 = tpu.memref_slice %arg7[%mul3A_612, %dma_start3A] : memref<10000x64xf32, #tpu.memory_space<vmem_shared>> -> memref<624x64xf32, #tpu.memory_space<vmem_shared>>
      %dma_start3A_681 = arith.constant 0 : i32
      %dma_start3A_682 = tpu.memref_slice %arg2[%arg0, %mul3A_612, %dma_start3A_681] : memref<2x10000x64xf32, #tpu.memory_space<hbm>> -> memref<1x624x64xf32, #tpu.memory_space<hbm>>
      %dma_start3A_683 = tpu.memref_squeeze %dma_start3A_682 : memref<1x624x64xf32, #tpu.memory_space<hbm>> -> memref<624x64xf32, #tpu.memory_space<hbm>>
      tpu.enqueue_dma source(%dma_start3A_683 : memref<624x64xf32, #tpu.memory_space<hbm>>) target(%dma_start3A_680 : memref<624x64xf32, #tpu.memory_space<vmem_shared>>) target_semaphore(%run_scoped3A : memref<!tpu.dma_semaphore, #tpu.memory_space<semaphore_mem>>)
      %dma_wait3A = arith.constant 0 : i32
      %dma_wait3A_684 = tpu.memref_slice %arg7[%mul3A_612, %dma_wait3A] : memref<10000x64xf32, #tpu.memory_space<vmem_shared>> -> memref<624x64xf32, #tpu.memory_space<vmem_shared>>
      %dma_wait3A_685 = arith.constant 0 : i32
      %dma_wait3A_686 = tpu.memref_slice %arg2[%arg0, %mul3A_612, %dma_wait3A_685] : memref<2x10000x64xf32, #tpu.memory_space<hbm>> -> memref<1x624x64xf32, #tpu.memory_space<hbm>>
      %dma_wait3A_687 = tpu.memref_squeeze %dma_wait3A_686 : memref<1x624x64xf32, #tpu.memory_space<hbm>> -> memref<624x64xf32, #tpu.memory_space<hbm>>
      tpu.wait_dma2 semaphore(%run_scoped3A : memref<!tpu.dma_semaphore, #tpu.memory_space<semaphore_mem>>) src(%dma_wait3A_687 : memref<624x64xf32, #tpu.memory_space<hbm>>) dst(%dma_wait3A_684 : memref<624x64xf32, #tpu.memory_space<vmem_shared>>)
      tpu.yield
    }) : () -> ()
    "tpu.region"() ({
      %run_scoped3A = tpu.sem_alloc : memref<!tpu.dma_semaphore, #tpu.memory_space<semaphore_mem>>
      %dma_start3A = arith.constant 0 : i32
      %dma_start3A_680 = tpu.memref_slice %arg9[%mul3A_612, %dma_start3A] : memref<10000x16xf32, #tpu.memory_space<vmem_shared>> -> memref<624x16xf32, #tpu.memory_space<vmem_shared>>
      %dma_start3A_681 = arith.constant 0 : i32
      %dma_start3A_682 = tpu.memref_slice %arg3[%arg0, %mul3A_612, %dma_start3A_681] : memref<2x10000x16xf32, #tpu.memory_space<hbm>> -> memref<1x624x16xf32, #tpu.memory_space<hbm>>
      %dma_start3A_683 = tpu.memref_squeeze %dma_start3A_682 : memref<1x624x16xf32, #tpu.memory_space<hbm>> -> memref<624x16xf32, #tpu.memory_space<hbm>>
      tpu.enqueue_dma source(%dma_start3A_683 : memref<624x16xf32, #tpu.memory_space<hbm>>) target(%dma_start3A_680 : memref<624x16xf32, #tpu.memory_space<vmem_shared>>) target_semaphore(%run_scoped3A : memref<!tpu.dma_semaphore, #tpu.memory_space<semaphore_mem>>)
      %dma_wait3A = arith.constant 0 : i32
      %dma_wait3A_684 = tpu.memref_slice %arg9[%mul3A_612, %dma_wait3A] : memref<10000x16xf32, #tpu.memory_space<vmem_shared>> -> memref<624x16xf32, #tpu.memory_space<vmem_shared>>
      %dma_wait3A_685 = arith.constant 0 : i32
      %dma_wait3A_686 = tpu.memref_slice %arg3[%arg0, %mul3A_612, %dma_wait3A_685] : memref<2x10000x16xf32, #tpu.memory_space<hbm>> -> memref<1x624x16xf32, #tpu.memory_space<hbm>>
      %dma_wait3A_687 = tpu.memref_squeeze %dma_wait3A_686 : memref<1x624x16xf32, #tpu.memory_space<hbm>> -> memref<624x16xf32, #tpu.memory_space<hbm>>
      tpu.wait_dma2 semaphore(%run_scoped3A : memref<!tpu.dma_semaphore, #tpu.memory_space<semaphore_mem>>) src(%dma_wait3A_687 : memref<624x16xf32, #tpu.memory_space<hbm>>) dst(%dma_wait3A_684 : memref<624x16xf32, #tpu.memory_space<vmem_shared>>)
      tpu.yield
    }) : () -> ()
    %eq3A = arith.constant 15 : i32
    %eq3A_665 = arith.cmpi eq, %arg1, %eq3A : i32
    %convert_element_type3A = arith.extui %eq3A_665 : i1 to i32
    %cond3A = arith.constant 0 : i32
    %cond3A_666 = arith.cmpi ne, %convert_element_type3A, %cond3A : i32
    scf.if %cond3A_666 {
      "tpu.region"() ({
        %run_scoped3A = tpu.sem_alloc : memref<!tpu.dma_semaphore, #tpu.memory_space<semaphore_mem>>
        %dma_start3A = arith.constant 0 : i32
        %dma_start3A_680 = arith.constant 0 : i32
        %dma_start3A_681 = tpu.memref_slice %arg16[%dma_start3A, %dma_start3A_680] : memref<24x80xf32, #tpu.memory_space<vmem>> -> memref<16x80xf32, #tpu.memory_space<vmem>>
        %dma_start3A_682 = arith.constant 9984 : i32
        %dma_start3A_683 = arith.constant 0 : i32
        %dma_start3A_684 = tpu.memref_slice %arg8[%dma_start3A_682, %dma_start3A_683] : memref<10000x80xf32, #tpu.memory_space<vmem_shared>> -> memref<16x80xf32, #tpu.memory_space<vmem_shared>>
        %dma_start3A_685 = arith.constant 9984 : i32
        %dma_start3A_686 = arith.constant 0 : i32
        %dma_start3A_687 = tpu.memref_slice %arg8[%dma_start3A_685, %dma_start3A_686] : memref<10000x80xf32, #tpu.memory_space<vmem_shared>> -> memref<16x80xf32, #tpu.memory_space<vmem_shared>>
        %dma_start3A_688 = arith.constant 0 : i32
        %dma_start3A_689 = arith.constant 0 : i32
        %dma_start3A_690 = tpu.memref_slice %arg16[%dma_start3A_688, %dma_start3A_689] : memref<24x80xf32, #tpu.memory_space<vmem>> -> memref<16x80xf32, #tpu.memory_space<vmem>>
        tpu.enqueue_dma source(%dma_start3A_690 : memref<16x80xf32, #tpu.memory_space<vmem>>) target(%dma_start3A_687 : memref<16x80xf32, #tpu.memory_space<vmem_shared>>) target_semaphore(%run_scoped3A : memref<!tpu.dma_semaphore, #tpu.memory_space<semaphore_mem>>)
        %dma_wait3A = arith.constant 0 : i32
        %dma_wait3A_691 = arith.constant 0 : i32
        %dma_wait3A_692 = tpu.memref_slice %arg16[%dma_wait3A, %dma_wait3A_691] : memref<24x80xf32, #tpu.memory_space<vmem>> -> memref<16x80xf32, #tpu.memory_space<vmem>>
        %dma_wait3A_693 = arith.constant 9984 : i32
        %dma_wait3A_694 = arith.constant 0 : i32
        %dma_wait3A_695 = tpu.memref_slice %arg8[%dma_wait3A_693, %dma_wait3A_694] : memref<10000x80xf32, #tpu.memory_space<vmem_shared>> -> memref<16x80xf32, #tpu.memory_space<vmem_shared>>
        %dma_wait3A_696 = arith.constant 9984 : i32
        %dma_wait3A_697 = arith.constant 0 : i32
        %dma_wait3A_698 = tpu.memref_slice %arg8[%dma_wait3A_696, %dma_wait3A_697] : memref<10000x80xf32, #tpu.memory_space<vmem_shared>> -> memref<16x80xf32, #tpu.memory_space<vmem_shared>>
        %dma_wait3A_699 = arith.constant 0 : i32
        %dma_wait3A_700 = arith.constant 0 : i32
        %dma_wait3A_701 = tpu.memref_slice %arg16[%dma_wait3A_699, %dma_wait3A_700] : memref<24x80xf32, #tpu.memory_space<vmem>> -> memref<16x80xf32, #tpu.memory_space<vmem>>
        tpu.wait_dma2 semaphore(%run_scoped3A : memref<!tpu.dma_semaphore, #tpu.memory_space<semaphore_mem>>) src(%dma_wait3A_701 : memref<16x80xf32, #tpu.memory_space<vmem>>) dst(%dma_wait3A_698 : memref<16x80xf32, #tpu.memory_space<vmem_shared>>)
        tpu.yield
      }) : () -> ()
      "tpu.region"() ({
        %run_scoped3A = tpu.sem_alloc : memref<!tpu.dma_semaphore, #tpu.memory_space<semaphore_mem>>
        %dma_start3A = arith.constant 9984 : i32
        %dma_start3A_680 = arith.constant 0 : i32
        %dma_start3A_681 = tpu.memref_slice %arg7[%dma_start3A, %dma_start3A_680] : memref<10000x64xf32, #tpu.memory_space<vmem_shared>> -> memref<16x64xf32, #tpu.memory_space<vmem_shared>>
        %dma_start3A_682 = arith.constant 9984 : i32
        %dma_start3A_683 = arith.constant 0 : i32
        %dma_start3A_684 = tpu.memref_slice %arg2[%arg0, %dma_start3A_682, %dma_start3A_683] : memref<2x10000x64xf32, #tpu.memory_space<hbm>> -> memref<1x16x64xf32, #tpu.memory_space<hbm>>
        %dma_start3A_685 = tpu.memref_squeeze %dma_start3A_684 : memref<1x16x64xf32, #tpu.memory_space<hbm>> -> memref<16x64xf32, #tpu.memory_space<hbm>>
        tpu.enqueue_dma source(%dma_start3A_685 : memref<16x64xf32, #tpu.memory_space<hbm>>) target(%dma_start3A_681 : memref<16x64xf32, #tpu.memory_space<vmem_shared>>) target_semaphore(%run_scoped3A : memref<!tpu.dma_semaphore, #tpu.memory_space<semaphore_mem>>)
        %dma_wait3A = arith.constant 9984 : i32
        %dma_wait3A_686 = arith.constant 0 : i32
        %dma_wait3A_687 = tpu.memref_slice %arg7[%dma_wait3A, %dma_wait3A_686] : memref<10000x64xf32, #tpu.memory_space<vmem_shared>> -> memref<16x64xf32, #tpu.memory_space<vmem_shared>>
        %dma_wait3A_688 = arith.constant 9984 : i32
        %dma_wait3A_689 = arith.constant 0 : i32
        %dma_wait3A_690 = tpu.memref_slice %arg2[%arg0, %dma_wait3A_688, %dma_wait3A_689] : memref<2x10000x64xf32, #tpu.memory_space<hbm>> -> memref<1x16x64xf32, #tpu.memory_space<hbm>>
        %dma_wait3A_691 = tpu.memref_squeeze %dma_wait3A_690 : memref<1x16x64xf32, #tpu.memory_space<hbm>> -> memref<16x64xf32, #tpu.memory_space<hbm>>
        tpu.wait_dma2 semaphore(%run_scoped3A : memref<!tpu.dma_semaphore, #tpu.memory_space<semaphore_mem>>) src(%dma_wait3A_691 : memref<16x64xf32, #tpu.memory_space<hbm>>) dst(%dma_wait3A_687 : memref<16x64xf32, #tpu.memory_space<vmem_shared>>)
        tpu.yield
      }) : () -> ()
      "tpu.region"() ({
        %run_scoped3A = tpu.sem_alloc : memref<!tpu.dma_semaphore, #tpu.memory_space<semaphore_mem>>
        %dma_start3A = arith.constant 9984 : i32
        %dma_start3A_680 = arith.constant 0 : i32
        %dma_start3A_681 = tpu.memref_slice %arg9[%dma_start3A, %dma_start3A_680] : memref<10000x16xf32, #tpu.memory_space<vmem_shared>> -> memref<16x16xf32, #tpu.memory_space<vmem_shared>>
        %dma_start3A_682 = arith.constant 9984 : i32
        %dma_start3A_683 = arith.constant 0 : i32
        %dma_start3A_684 = tpu.memref_slice %arg3[%arg0, %dma_start3A_682, %dma_start3A_683] : memref<2x10000x16xf32, #tpu.memory_space<hbm>> -> memref<1x16x16xf32, #tpu.memory_space<hbm>>
        %dma_start3A_685 = tpu.memref_squeeze %dma_start3A_684 : memref<1x16x16xf32, #tpu.memory_space<hbm>> -> memref<16x16xf32, #tpu.memory_space<hbm>>
        tpu.enqueue_dma source(%dma_start3A_685 : memref<16x16xf32, #tpu.memory_space<hbm>>) target(%dma_start3A_681 : memref<16x16xf32, #tpu.memory_space<vmem_shared>>) target_semaphore(%run_scoped3A : memref<!tpu.dma_semaphore, #tpu.memory_space<semaphore_mem>>)
        %dma_wait3A = arith.constant 9984 : i32
        %dma_wait3A_686 = arith.constant 0 : i32
        %dma_wait3A_687 = tpu.memref_slice %arg9[%dma_wait3A, %dma_wait3A_686] : memref<10000x16xf32, #tpu.memory_space<vmem_shared>> -> memref<16x16xf32, #tpu.memory_space<vmem_shared>>
        %dma_wait3A_688 = arith.constant 9984 : i32
        %dma_wait3A_689 = arith.constant 0 : i32
        %dma_wait3A_690 = tpu.memref_slice %arg3[%arg0, %dma_wait3A_688, %dma_wait3A_689] : memref<2x10000x16xf32, #tpu.memory_space<hbm>> -> memref<1x16x16xf32, #tpu.memory_space<hbm>>
        %dma_wait3A_691 = tpu.memref_squeeze %dma_wait3A_690 : memref<1x16x16xf32, #tpu.memory_space<hbm>> -> memref<16x16xf32, #tpu.memory_space<hbm>>
        tpu.wait_dma2 semaphore(%run_scoped3A : memref<!tpu.dma_semaphore, #tpu.memory_space<semaphore_mem>>) src(%dma_wait3A_691 : memref<16x16xf32, #tpu.memory_space<hbm>>) dst(%dma_wait3A_687 : memref<16x16xf32, #tpu.memory_space<vmem_shared>>)
        tpu.yield
      }) : () -> ()
    } else {
    }
    %barrier3A = arith.constant 0 : index
    tpu.barrier barrier_id(%barrier3A)
    %mul3A_667 = arith.constant 20000 : i32
    %mul3A_668 = arith.muli %arg1, %mul3A_667 : i32
    %scan3A = arith.constant 0 : i32
    %scan3A_669 = arith.constant 0 : i32
    %scan3A_670 = arith.constant 250 : i32
    %scan3A_671 = arith.addi %scan3A_669, %scan3A_670 : i32
    %scan3A_672 = arith.constant 1 : i32
    scf.for %scan3A_680 = %scan3A_669 to %scan3A_671 step %scan3A_672  : i32 {
      %mul3A_681 = arith.constant 80 : i32
      %mul3A_682 = arith.muli %scan3A_680, %mul3A_681 : i32
      %add3A_683 = arith.addi %mul3A_668, %mul3A_682 : i32
      "tpu.region"() ({
        %run_scoped3A = tpu.sem_alloc : memref<!tpu.dma_semaphore, #tpu.memory_space<semaphore_mem>>
        %dma_start3A = tpu.memref_slice %arg4[%add3A_683] : memref<320000xi32, #tpu.memory_space<hbm>> -> memref<80xi32, #tpu.memory_space<hbm>>
        %dma_start3A_690 = tpu.memref_slice %arg4[%add3A_683] : memref<320000xi32, #tpu.memory_space<hbm>> -> memref<80xi32, #tpu.memory_space<hbm>>
        tpu.enqueue_dma source(%dma_start3A_690 : memref<80xi32, #tpu.memory_space<hbm>>) target(%arg10 : memref<80xi32, #tpu.memory_space<vmem>>) target_semaphore(%run_scoped3A : memref<!tpu.dma_semaphore, #tpu.memory_space<semaphore_mem>>)
        %dma_wait3A = tpu.memref_slice %arg4[%add3A_683] : memref<320000xi32, #tpu.memory_space<hbm>> -> memref<80xi32, #tpu.memory_space<hbm>>
        %dma_wait3A_691 = tpu.memref_slice %arg4[%add3A_683] : memref<320000xi32, #tpu.memory_space<hbm>> -> memref<80xi32, #tpu.memory_space<hbm>>
        tpu.wait_dma2 semaphore(%run_scoped3A : memref<!tpu.dma_semaphore, #tpu.memory_space<semaphore_mem>>) src(%dma_wait3A_691 : memref<80xi32, #tpu.memory_space<hbm>>) dst(%arg10 : memref<80xi32, #tpu.memory_space<vmem>>)
        tpu.yield
      }) : () -> ()
      "tpu.region"() ({
        %run_scoped3A = tpu.sem_alloc : memref<!tpu.dma_semaphore, #tpu.memory_space<semaphore_mem>>
        %dma_start3A = tpu.memref_slice %arg5[%add3A_683] : memref<320000xi32, #tpu.memory_space<hbm>> -> memref<80xi32, #tpu.memory_space<hbm>>
        %dma_start3A_690 = tpu.memref_slice %arg5[%add3A_683] : memref<320000xi32, #tpu.memory_space<hbm>> -> memref<80xi32, #tpu.memory_space<hbm>>
        tpu.enqueue_dma source(%dma_start3A_690 : memref<80xi32, #tpu.memory_space<hbm>>) target(%arg11 : memref<80xi32, #tpu.memory_space<vmem>>) target_semaphore(%run_scoped3A : memref<!tpu.dma_semaphore, #tpu.memory_space<semaphore_mem>>)
        %dma_wait3A = tpu.memref_slice %arg5[%add3A_683] : memref<320000xi32, #tpu.memory_space<hbm>> -> memref<80xi32, #tpu.memory_space<hbm>>
        %dma_wait3A_691 = tpu.memref_slice %arg5[%add3A_683] : memref<320000xi32, #tpu.memory_space<hbm>> -> memref<80xi32, #tpu.memory_space<hbm>>
        tpu.wait_dma2 semaphore(%run_scoped3A : memref<!tpu.dma_semaphore, #tpu.memory_space<semaphore_mem>>) src(%dma_wait3A_691 : memref<80xi32, #tpu.memory_space<hbm>>) dst(%arg11 : memref<80xi32, #tpu.memory_space<vmem>>)
        tpu.yield
      }) : () -> ()
      "tpu.region"() ({
        %run_scoped3A = tpu.sem_alloc : memref<!tpu.dma_semaphore, #tpu.memory_space<semaphore_mem>>
        %dma_start3A = arith.constant 0 : i32
        %dma_start3A_690 = arith.constant 0 : i32
        %dma_start3A_691 = tpu.memref_slice %arg9[%dma_start3A, %dma_start3A_690] : memref<10000x16xf32, #tpu.memory_space<vmem_shared>> -> memref<10000x16xf32, #tpu.memory_space<vmem_shared>>
        tpu.enqueue_indirect_dma source(%dma_start3A_691 : memref<10000x16xf32, #tpu.memory_space<vmem_shared>>) target(%arg12 : memref<80x16xf32, #tpu.memory_space<vmem>>) offsets(%arg10 : memref<80xi32, #tpu.memory_space<vmem>>) semaphore(%run_scoped3A : memref<!tpu.dma_semaphore, #tpu.memory_space<semaphore_mem>>)
        %dma_wait3A = arith.constant 0 : i32
        %dma_wait3A_692 = arith.constant 0 : i32
        %dma_wait3A_693 = tpu.memref_slice %arg9[%dma_wait3A, %dma_wait3A_692] : memref<10000x16xf32, #tpu.memory_space<vmem_shared>> -> memref<10000x16xf32, #tpu.memory_space<vmem_shared>>
        tpu.wait_indirect_dma semaphore(%run_scoped3A : memref<!tpu.dma_semaphore, #tpu.memory_space<semaphore_mem>>) src(%dma_wait3A_693 : memref<10000x16xf32, #tpu.memory_space<vmem_shared>>) dst(%arg12 : memref<80x16xf32, #tpu.memory_space<vmem>>)
        tpu.yield
      }) : () -> ()
      "tpu.region"() ({
        %run_scoped3A = tpu.sem_alloc : memref<!tpu.dma_semaphore, #tpu.memory_space<semaphore_mem>>
        %dma_start3A = arith.constant 0 : i32
        %dma_start3A_690 = arith.constant 0 : i32
        %dma_start3A_691 = tpu.memref_slice %arg9[%dma_start3A, %dma_start3A_690] : memref<10000x16xf32, #tpu.memory_space<vmem_shared>> -> memref<10000x16xf32, #tpu.memory_space<vmem_shared>>
        tpu.enqueue_indirect_dma source(%dma_start3A_691 : memref<10000x16xf32, #tpu.memory_space<vmem_shared>>) target(%arg13 : memref<80x16xf32, #tpu.memory_space<vmem>>) offsets(%arg11 : memref<80xi32, #tpu.memory_space<vmem>>) semaphore(%run_scoped3A : memref<!tpu.dma_semaphore, #tpu.memory_space<semaphore_mem>>)
        %dma_wait3A = arith.constant 0 : i32
        %dma_wait3A_692 = arith.constant 0 : i32
        %dma_wait3A_693 = tpu.memref_slice %arg9[%dma_wait3A, %dma_wait3A_692] : memref<10000x16xf32, #tpu.memory_space<vmem_shared>> -> memref<10000x16xf32, #tpu.memory_space<vmem_shared>>
        tpu.wait_indirect_dma semaphore(%run_scoped3A : memref<!tpu.dma_semaphore, #tpu.memory_space<semaphore_mem>>) src(%dma_wait3A_693 : memref<10000x16xf32, #tpu.memory_space<vmem_shared>>) dst(%arg13 : memref<80x16xf32, #tpu.memory_space<vmem>>)
        tpu.yield
      }) : () -> ()
      "tpu.region"() ({
        %run_scoped3A = tpu.sem_alloc : memref<!tpu.dma_semaphore, #tpu.memory_space<semaphore_mem>>
        %dma_start3A = arith.constant 0 : i32
        %dma_start3A_690 = arith.constant 0 : i32
        %dma_start3A_691 = tpu.memref_slice %arg7[%dma_start3A, %dma_start3A_690] : memref<10000x64xf32, #tpu.memory_space<vmem_shared>> -> memref<10000x64xf32, #tpu.memory_space<vmem_shared>>
        tpu.enqueue_indirect_dma source(%dma_start3A_691 : memref<10000x64xf32, #tpu.memory_space<vmem_shared>>) target(%arg14 : memref<80x64xf32, #tpu.memory_space<vmem>>) offsets(%arg10 : memref<80xi32, #tpu.memory_space<vmem>>) semaphore(%run_scoped3A : memref<!tpu.dma_semaphore, #tpu.memory_space<semaphore_mem>>)
        %dma_wait3A = arith.constant 0 : i32
        %dma_wait3A_692 = arith.constant 0 : i32
        %dma_wait3A_693 = tpu.memref_slice %arg7[%dma_wait3A, %dma_wait3A_692] : memref<10000x64xf32, #tpu.memory_space<vmem_shared>> -> memref<10000x64xf32, #tpu.memory_space<vmem_shared>>
        tpu.wait_indirect_dma semaphore(%run_scoped3A : memref<!tpu.dma_semaphore, #tpu.memory_space<semaphore_mem>>) src(%dma_wait3A_693 : memref<10000x64xf32, #tpu.memory_space<vmem_shared>>) dst(%arg14 : memref<80x64xf32, #tpu.memory_space<vmem>>)
        tpu.yield
      }) : () -> ()
      %scan3A_684 = arith.constant 0 : i32
      %scan3A_685 = arith.constant 0 : i32
      %scan3A_686 = arith.constant 80 : i32
      %scan3A_687 = arith.addi %scan3A_685, %scan3A_686 : i32
      %scan3A_688 = arith.constant 1 : i32
      scf.for %scan3A_690 = %scan3A_685 to %scan3A_687 step %scan3A_688  : i32 {
        %get3A = arith.index_cast %scan3A_690 : i32 to index
        %get3A_691 = arith.constant 0 : index
        %get3A_692 = tpu.vector_load %arg12[%get3A, %get3A_691] {strides = array<i32>} : memref<80x16xf32, #tpu.memory_space<vmem>>, vector<16xf32>,
        %get3A_693 = arith.index_cast %scan3A_690 : i32 to index
        %get3A_694 = arith.constant 0 : index
        %get3A_695 = tpu.vector_load %arg13[%get3A_693, %get3A_694] {strides = array<i32>} : memref<80x16xf32, #tpu.memory_space<vmem>>, vector<16xf32>,
        %broadcast_in_dim3A_696 = vector.shape_cast %min3A_4 : vector<16xi32> to vector<16x1xi32>
        %gather3A = vector.shape_cast %broadcast_in_dim3A_696 : vector<16x1xi32> to vector<16xi32>
        %gather3A_697 = tpu.dynamic_gather %get3A_695[%gather3A] in [0] : vector<16xf32>, vector<16xi32> -> vector<16xf32>
        %add3A_698 = arith.addf %get3A_692, %gather3A_697 : vector<16xf32>
        %gt3A = arith.constant 0.000000e+00 : f32
        %gt3A_699 = vector.broadcast %gt3A : f32 to vector<16xf32>
        %gt3A_700 = arith.cmpf ogt, %add3A_698, %gt3A_699 : vector<16xf32>
        %mul3A_701 = arith.constant 2.000000e-01 : f32
        %mul3A_702 = vector.broadcast %mul3A_701 : f32 to vector<16xf32>
        %mul3A_703 = arith.mulf %mul3A_702, %add3A_698 : vector<16xf32>
        %select_n3A_704 = arith.select %gt3A_700, %add3A_698, %mul3A_703 : vector<16xi1>, vector<16xf32>
        %exp3A = math.exp %select_n3A_704 : vector<16xf32>
        %swap3A_705 = arith.index_cast %scan3A_690 : i32 to index
        %swap3A_706 = arith.constant 64 : index
        %swap3A_707 = tpu.vector_load %arg15[%swap3A_705, %swap3A_706] {strides = array<i32>} : memref<80x80xf32, #tpu.memory_space<vmem>>, vector<16xf32>,
        tpu.vector_store %arg15[%swap3A_705, %swap3A_706], %exp3A {strides = array<i32>} : memref<80x80xf32, #tpu.memory_space<vmem>>, vector<16xf32>,
        %broadcast_in_dim3A_708 = vector.shape_cast %select_n3A : vector<16xi32> to vector<16x1xi32>
        %gather3A_709 = vector.shape_cast %broadcast_in_dim3A_708 : vector<16x1xi32> to vector<16xi32>
        %gather3A_710 = tpu.dynamic_gather %exp3A[%gather3A_709] in [0] : vector<16xf32>, vector<16xi32> -> vector<16xf32>
        %get3A_711 = arith.index_cast %scan3A_690 : i32 to index
        %get3A_712 = arith.constant 0 : index
        %get3A_713 = tpu.vector_load %arg14[%get3A_711, %get3A_712] {strides = array<i32>} : memref<80x64xf32, #tpu.memory_space<vmem>>, vector<16xf32>,
        %mul3A_714 = arith.mulf %get3A_713, %gather3A_710 : vector<16xf32>
        %swap3A_715 = arith.index_cast %scan3A_690 : i32 to index
        %swap3A_716 = arith.constant 0 : index
        %swap3A_717 = tpu.vector_load %arg15[%swap3A_715, %swap3A_716] {strides = array<i32>} : memref<80x80xf32, #tpu.memory_space<vmem>>, vector<16xf32>,
        tpu.vector_store %arg15[%swap3A_715, %swap3A_716], %mul3A_714 {strides = array<i32>} : memref<80x80xf32, #tpu.memory_space<vmem>>, vector<16xf32>,
        %broadcast_in_dim3A_718 = vector.shape_cast %select_n3A_64 : vector<16xi32> to vector<16x1xi32>
        %gather3A_719 = vector.shape_cast %broadcast_in_dim3A_718 : vector<16x1xi32> to vector<16xi32>
        %gather3A_720 = tpu.dynamic_gather %exp3A[%gather3A_719] in [0] : vector<16xf32>, vector<16xi32> -> vector<16xf32>
        %get3A_721 = arith.index_cast %scan3A_690 : i32 to index
        %get3A_722 = arith.constant 16 : index
        %get3A_723 = tpu.vector_load %arg14[%get3A_721, %get3A_722] {strides = array<i32>} : memref<80x64xf32, #tpu.memory_space<vmem>>, vector<16xf32>,
        %mul3A_724 = arith.mulf %get3A_723, %gather3A_720 : vector<16xf32>
        %swap3A_725 = arith.index_cast %scan3A_690 : i32 to index
        %swap3A_726 = arith.constant 16 : index
        %swap3A_727 = tpu.vector_load %arg15[%swap3A_725, %swap3A_726] {strides = array<i32>} : memref<80x80xf32, #tpu.memory_space<vmem>>, vector<16xf32>,
        tpu.vector_store %arg15[%swap3A_725, %swap3A_726], %mul3A_724 {strides = array<i32>} : memref<80x80xf32, #tpu.memory_space<vmem>>, vector<16xf32>,
        %broadcast_in_dim3A_728 = vector.shape_cast %select_n3A_98 : vector<16xi32> to vector<16x1xi32>
        %gather3A_729 = vector.shape_cast %broadcast_in_dim3A_728 : vector<16x1xi32> to vector<16xi32>
        %gather3A_730 = tpu.dynamic_gather %exp3A[%gather3A_729] in [0] : vector<16xf32>, vector<16xi32> -> vector<16xf32>
        %get3A_731 = arith.index_cast %scan3A_690 : i32 to index
        %get3A_732 = arith.constant 32 : index
        %get3A_733 = tpu.vector_load %arg14[%get3A_731, %get3A_732] {strides = array<i32>} : memref<80x64xf32, #tpu.memory_space<vmem>>, vector<16xf32>,
        %mul3A_734 = arith.mulf %get3A_733, %gather3A_730 : vector<16xf32>
        %swap3A_735 = arith.index_cast %scan3A_690 : i32 to index
        %swap3A_736 = arith.constant 32 : index
        %swap3A_737 = tpu.vector_load %arg15[%swap3A_735, %swap3A_736] {strides = array<i32>} : memref<80x80xf32, #tpu.memory_space<vmem>>, vector<16xf32>,
        tpu.vector_store %arg15[%swap3A_735, %swap3A_736], %mul3A_734 {strides = array<i32>} : memref<80x80xf32, #tpu.memory_space<vmem>>, vector<16xf32>,
        %broadcast_in_dim3A_738 = vector.shape_cast %select_n3A_132 : vector<16xi32> to vector<16x1xi32>
        %gather3A_739 = vector.shape_cast %broadcast_in_dim3A_738 : vector<16x1xi32> to vector<16xi32>
        %gather3A_740 = tpu.dynamic_gather %exp3A[%gather3A_739] in [0] : vector<16xf32>, vector<16xi32> -> vector<16xf32>
        %get3A_741 = arith.index_cast %scan3A_690 : i32 to index
        %get3A_742 = arith.constant 48 : index
        %get3A_743 = tpu.vector_load %arg14[%get3A_741, %get3A_742] {strides = array<i32>} : memref<80x64xf32, #tpu.memory_space<vmem>>, vector<16xf32>,
        %mul3A_744 = arith.mulf %get3A_743, %gather3A_740 : vector<16xf32>
        %swap3A_745 = arith.index_cast %scan3A_690 : i32 to index
        %swap3A_746 = arith.constant 48 : index
        %swap3A_747 = tpu.vector_load %arg15[%swap3A_745, %swap3A_746] {strides = array<i32>} : memref<80x80xf32, #tpu.memory_space<vmem>>, vector<16xf32>,
        tpu.vector_store %arg15[%swap3A_745, %swap3A_746], %mul3A_744 {strides = array<i32>} : memref<80x80xf32, #tpu.memory_space<vmem>>, vector<16xf32>,
      }
      %scan3A_689 = arith.constant 80 : i32
      "tpu.region"() ({
        %run_scoped3A = tpu.sem_alloc : memref<!tpu.dma_semaphore, #tpu.memory_space<semaphore_mem>>
        %dma_start3A = arith.constant 0 : i32
        %dma_start3A_690 = arith.constant 0 : i32
        %dma_start3A_691 = tpu.memref_slice %arg8[%dma_start3A, %dma_start3A_690] : memref<10000x80xf32, #tpu.memory_space<vmem_shared>> -> memref<10000x80xf32, #tpu.memory_space<vmem_shared>>
        tpu.enqueue_indirect_dma source(%arg15 : memref<80x80xf32, #tpu.memory_space<vmem>>) target(%dma_start3A_691 : memref<10000x80xf32, #tpu.memory_space<vmem_shared>>) offsets(%arg11 : memref<80xi32, #tpu.memory_space<vmem>>) semaphore(%run_scoped3A : memref<!tpu.dma_semaphore, #tpu.memory_space<semaphore_mem>>) {add = true}
        %dma_wait3A = arith.constant 0 : i32
        %dma_wait3A_692 = arith.constant 0 : i32
        %dma_wait3A_693 = tpu.memref_slice %arg8[%dma_wait3A, %dma_wait3A_692] : memref<10000x80xf32, #tpu.memory_space<vmem_shared>> -> memref<10000x80xf32, #tpu.memory_space<vmem_shared>>
        tpu.wait_indirect_dma semaphore(%run_scoped3A : memref<!tpu.dma_semaphore, #tpu.memory_space<semaphore_mem>>) src(%arg15 : memref<80x80xf32, #tpu.memory_space<vmem>>) dst(%dma_wait3A_693 : memref<10000x80xf32, #tpu.memory_space<vmem_shared>>)
        tpu.yield
      }) : () -> ()
    }
    %scan3A_673 = arith.constant 250 : i32
    %barrier3A_674 = arith.constant 0 : index
    tpu.barrier barrier_id(%barrier3A_674)
    "tpu.region"() ({
      %run_scoped3A = tpu.sem_alloc : memref<!tpu.dma_semaphore, #tpu.memory_space<semaphore_mem>>
      %dma_start3A = arith.constant 0 : i32
      %dma_start3A_680 = tpu.memref_slice %arg6[%arg0, %mul3A_612, %dma_start3A] : memref<2x10000x80xf32, #tpu.memory_space<hbm>> -> memref<1x624x80xf32, #tpu.memory_space<hbm>>
      %dma_start3A_681 = tpu.memref_squeeze %dma_start3A_680 : memref<1x624x80xf32, #tpu.memory_space<hbm>> -> memref<624x80xf32, #tpu.memory_space<hbm>>
      %dma_start3A_682 = arith.constant 0 : i32
      %dma_start3A_683 = tpu.memref_slice %arg8[%mul3A_612, %dma_start3A_682] : memref<10000x80xf32, #tpu.memory_space<vmem_shared>> -> memref<624x80xf32, #tpu.memory_space<vmem_shared>>
      tpu.enqueue_dma source(%dma_start3A_683 : memref<624x80xf32, #tpu.memory_space<vmem_shared>>) target(%dma_start3A_681 : memref<624x80xf32, #tpu.memory_space<hbm>>) target_semaphore(%run_scoped3A : memref<!tpu.dma_semaphore, #tpu.memory_space<semaphore_mem>>)
      %dma_wait3A = arith.constant 0 : i32
      %dma_wait3A_684 = tpu.memref_slice %arg6[%arg0, %mul3A_612, %dma_wait3A] : memref<2x10000x80xf32, #tpu.memory_space<hbm>> -> memref<1x624x80xf32, #tpu.memory_space<hbm>>
      %dma_wait3A_685 = tpu.memref_squeeze %dma_wait3A_684 : memref<1x624x80xf32, #tpu.memory_space<hbm>> -> memref<624x80xf32, #tpu.memory_space<hbm>>
      %dma_wait3A_686 = arith.constant 0 : i32
      %dma_wait3A_687 = tpu.memref_slice %arg8[%mul3A_612, %dma_wait3A_686] : memref<10000x80xf32, #tpu.memory_space<vmem_shared>> -> memref<624x80xf32, #tpu.memory_space<vmem_shared>>
      tpu.wait_dma2 semaphore(%run_scoped3A : memref<!tpu.dma_semaphore, #tpu.memory_space<semaphore_mem>>) src(%dma_wait3A_687 : memref<624x80xf32, #tpu.memory_space<vmem_shared>>) dst(%dma_wait3A_685 : memref<624x80xf32, #tpu.memory_space<hbm>>)
      tpu.yield
    }) : () -> ()
    %eq3A_675 = arith.constant 15 : i32
    %eq3A_676 = arith.cmpi eq, %arg1, %eq3A_675 : i32
    %convert_element_type3A_677 = arith.extui %eq3A_676 : i1 to i32
    %cond3A_678 = arith.constant 0 : i32
    %cond3A_679 = arith.cmpi ne, %convert_element_type3A_677, %cond3A_678 : i32
    scf.if %cond3A_679 {
      "tpu.region"() ({
        %run_scoped3A = tpu.sem_alloc : memref<!tpu.dma_semaphore, #tpu.memory_space<semaphore_mem>>
        %dma_start3A = arith.constant 9984 : i32
        %dma_start3A_680 = arith.constant 0 : i32
        %dma_start3A_681 = tpu.memref_slice %arg6[%arg0, %dma_start3A, %dma_start3A_680] : memref<2x10000x80xf32, #tpu.memory_space<hbm>> -> memref<1x16x80xf32, #tpu.memory_space<hbm>>
        %dma_start3A_682 = tpu.memref_squeeze %dma_start3A_681 : memref<1x16x80xf32, #tpu.memory_space<hbm>> -> memref<16x80xf32, #tpu.memory_space<hbm>>
        %dma_start3A_683 = arith.constant 9984 : i32
        %dma_start3A_684 = arith.constant 0 : i32
        %dma_start3A_685 = tpu.memref_slice %arg8[%dma_start3A_683, %dma_start3A_684] : memref<10000x80xf32, #tpu.memory_space<vmem_shared>> -> memref<16x80xf32, #tpu.memory_space<vmem_shared>>
        tpu.enqueue_dma source(%dma_start3A_685 : memref<16x80xf32, #tpu.memory_space<vmem_shared>>) target(%dma_start3A_682 : memref<16x80xf32, #tpu.memory_space<hbm>>) target_semaphore(%run_scoped3A : memref<!tpu.dma_semaphore, #tpu.memory_space<semaphore_mem>>)
        %dma_wait3A = arith.constant 9984 : i32
        %dma_wait3A_686 = arith.constant 0 : i32
        %dma_wait3A_687 = tpu.memref_slice %arg6[%arg0, %dma_wait3A, %dma_wait3A_686] : memref<2x10000x80xf32, #tpu.memory_space<hbm>> -> memref<1x16x80xf32, #tpu.memory_space<hbm>>
        %dma_wait3A_688 = tpu.memref_squeeze %dma_wait3A_687 : memref<1x16x80xf32, #tpu.memory_space<hbm>> -> memref<16x80xf32, #tpu.memory_space<hbm>>
        %dma_wait3A_689 = arith.constant 9984 : i32
        %dma_wait3A_690 = arith.constant 0 : i32
        %dma_wait3A_691 = tpu.memref_slice %arg8[%dma_wait3A_689, %dma_wait3A_690] : memref<10000x80xf32, #tpu.memory_space<vmem_shared>> -> memref<16x80xf32, #tpu.memory_space<vmem_shared>>
        tpu.wait_dma2 semaphore(%run_scoped3A : memref<!tpu.dma_semaphore, #tpu.memory_space<semaphore_mem>>) src(%dma_wait3A_691 : memref<16x80xf32, #tpu.memory_space<vmem_shared>>) dst(%dma_wait3A_688 : memref<16x80xf32, #tpu.memory_space<hbm>>)
        tpu.yield
      }) : () -> ()
    } else {
    }
    return
  }
}

module attributes {stable_mosaic.version = 14 : i64} {
  func.func @_tc_pre_body(%arg0: i32, %arg1: memref<2000x128xf32, #tpu.memory_space<vmem>>, %arg2: memref<128x64xf32, #tpu.memory_space<vmem>>, %arg3: memref<64x8xf32, #tpu.memory_space<vmem>>, %arg4: memref<64x8xf32, #tpu.memory_space<vmem>>, %arg5: memref<2x2000x32xf32, #tpu.memory_space<vmem>>, %arg6: memref<2x2000x16xf32, #tpu.memory_space<vmem>>) attributes {dimension_semantics = [#tpu.dimension_semantics<arbitrary>], iteration_bounds = array<i64: 5>, scalar_prefetch = 0 : i64, scratch_operands = 0 : i64, tpu.core_type = #tpu.core_type<tc>, window_params = [{transform_indices = @transform_0, window_bounds = array<i64: 2000, 128>}, {pipeline_mode = #tpu.pipeline_mode<synchronous>, transform_indices = @transform_1, window_bounds = array<i64: 128, 64>}, {pipeline_mode = #tpu.pipeline_mode<synchronous>, transform_indices = @transform_2, window_bounds = array<i64: 64, 8>}, {pipeline_mode = #tpu.pipeline_mode<synchronous>, transform_indices = @transform_3, window_bounds = array<i64: 64, 8>}, {transform_indices = @transform_4, window_bounds = array<i64: 2, 2000, 32>}, {transform_indices = @transform_5, window_bounds = array<i64: 2, 2000, 16>}]} {
    %get3A = arith.constant 0 : index
    %get3A_0 = arith.constant 0 : index
    %get3A_1 = vector.load %arg1[%get3A, %get3A_0] : memref<2000x128xf32, #tpu.memory_space<vmem>>, vector<2000x128xf32>
    %get3A_2 = arith.constant 0 : index
    %get3A_3 = arith.constant 0 : index
    %get3A_4 = vector.load %arg2[%get3A_2, %get3A_3] : memref<128x64xf32, #tpu.memory_space<vmem>>, vector<128x64xf32>
    %dot_general3A = arith.constant dense<0.000000e+00> : vector<2000x64xf32>
    %dot_general3A_5 = tpu.matmul %get3A_1, %get3A_4, %dot_general3A {dimension_numbers = #tpu.dot_dimension_numbers<[1], [0], [0], [1], [0, 0, 1, 1], [], []>, transpose_lhs_hint = false} : vector<2000x128xf32>, vector<128x64xf32>, vector<2000x64xf32> -> vector<2000x64xf32>
    %get3A_6 = arith.constant 0 : index
    %get3A_7 = arith.constant 0 : index
    %get3A_8 = vector.load %arg3[%get3A_6, %get3A_7] : memref<64x8xf32, #tpu.memory_space<vmem>>, vector<64x8xf32>
    %dot_general3A_9 = arith.constant dense<0.000000e+00> : vector<2000x8xf32>
    %dot_general3A_10 = tpu.matmul %dot_general3A_5, %get3A_8, %dot_general3A_9 {dimension_numbers = #tpu.dot_dimension_numbers<[1], [0], [0], [1], [0, 0, 1, 1], [], []>, transpose_lhs_hint = false} : vector<2000x64xf32>, vector<64x8xf32>, vector<2000x8xf32> -> vector<2000x8xf32>
    %get3A_11 = arith.constant 0 : index
    %get3A_12 = arith.constant 0 : index
    %get3A_13 = vector.load %arg4[%get3A_11, %get3A_12] : memref<64x8xf32, #tpu.memory_space<vmem>>, vector<64x8xf32>
    %dot_general3A_14 = arith.constant dense<0.000000e+00> : vector<2000x8xf32>
    %dot_general3A_15 = tpu.matmul %dot_general3A_5, %get3A_13, %dot_general3A_14 {dimension_numbers = #tpu.dot_dimension_numbers<[1], [0], [0], [1], [0, 0, 1, 1], [], []>, transpose_lhs_hint = false} : vector<2000x64xf32>, vector<64x8xf32>, vector<2000x8xf32> -> vector<2000x8xf32>
    %slice3A = vector.extract_strided_slice %dot_general3A_5 {offsets = [0, 0], sizes = [2000, 32], strides = [1, 1]} : vector<2000x64xf32> to vector<2000x32xf32>
    %slice3A_16 = vector.extract_strided_slice %dot_general3A_5 {offsets = [0, 32], sizes = [2000, 32], strides = [1, 1]} : vector<2000x64xf32> to vector<2000x32xf32>
    %stack3A = vector.shape_cast %slice3A : vector<2000x32xf32> to vector<1x2000x32xf32>
    %stack3A_17 = vector.shape_cast %slice3A_16 : vector<2000x32xf32> to vector<1x2000x32xf32>
    %stack3A_18 = tpu.concatenate %stack3A, %stack3A_17 in 0 : vector<1x2000x32xf32>, vector<1x2000x32xf32> -> vector<2x2000x32xf32>
    %swap3A = arith.constant 0 : index
    %swap3A_19 = arith.constant 0 : index
    %swap3A_20 = arith.constant 0 : index
    %swap3A_21 = vector.load %arg5[%swap3A, %swap3A_19, %swap3A_20] : memref<2x2000x32xf32, #tpu.memory_space<vmem>>, vector<2x2000x32xf32>
    tpu.vector_store %arg5[%swap3A, %swap3A_19, %swap3A_20], %stack3A_18 {strides = array<i32>} : memref<2x2000x32xf32, #tpu.memory_space<vmem>>, vector<2x2000x32xf32>,
    %slice3A_22 = vector.extract_strided_slice %dot_general3A_10 {offsets = [0, 0], sizes = [2000, 4], strides = [1, 1]} : vector<2000x8xf32> to vector<2000x4xf32>
    %slice3A_23 = vector.extract_strided_slice %dot_general3A_15 {offsets = [0, 0], sizes = [2000, 4], strides = [1, 1]} : vector<2000x8xf32> to vector<2000x4xf32>
    %broadcast_in_dim3A = arith.constant -1.000000e+30 : f32
    %broadcast_in_dim3A_24 = vector.broadcast %broadcast_in_dim3A : f32 to vector<2000x8xf32>
    %concatenate3A = tpu.concatenate %slice3A_22, %slice3A_23, %broadcast_in_dim3A_24 in 1 : vector<2000x4xf32>, vector<2000x4xf32>, vector<2000x8xf32> -> vector<2000x16xf32>
    %slice3A_25 = vector.extract_strided_slice %dot_general3A_10 {offsets = [0, 4], sizes = [2000, 4], strides = [1, 1]} : vector<2000x8xf32> to vector<2000x4xf32>
    %slice3A_26 = vector.extract_strided_slice %dot_general3A_15 {offsets = [0, 4], sizes = [2000, 4], strides = [1, 1]} : vector<2000x8xf32> to vector<2000x4xf32>
    %broadcast_in_dim3A_27 = arith.constant -1.000000e+30 : f32
    %broadcast_in_dim3A_28 = vector.broadcast %broadcast_in_dim3A_27 : f32 to vector<2000x8xf32>
    %concatenate3A_29 = tpu.concatenate %slice3A_25, %slice3A_26, %broadcast_in_dim3A_28 in 1 : vector<2000x4xf32>, vector<2000x4xf32>, vector<2000x8xf32> -> vector<2000x16xf32>
    %stack3A_30 = vector.shape_cast %concatenate3A : vector<2000x16xf32> to vector<1x2000x16xf32>
    %stack3A_31 = vector.shape_cast %concatenate3A_29 : vector<2000x16xf32> to vector<1x2000x16xf32>
    %stack3A_32 = tpu.concatenate %stack3A_30, %stack3A_31 in 0 : vector<1x2000x16xf32>, vector<1x2000x16xf32> -> vector<2x2000x16xf32>
    %swap3A_33 = arith.constant 0 : index
    %swap3A_34 = arith.constant 0 : index
    %swap3A_35 = arith.constant 0 : index
    %swap3A_36 = vector.load %arg6[%swap3A_33, %swap3A_34, %swap3A_35] : memref<2x2000x16xf32, #tpu.memory_space<vmem>>, vector<2x2000x16xf32>
    tpu.vector_store %arg6[%swap3A_33, %swap3A_34, %swap3A_35], %stack3A_32 {strides = array<i32>} : memref<2x2000x16xf32, #tpu.memory_space<vmem>>, vector<2x2000x16xf32>,
    return
  }
  func.func @transform_0(%arg0: i32) -> (i32, i32) {
    %c0_i32 = arith.constant 0 : i32
    %c0_i32_0 = arith.constant 0 : i32
    return %arg0, %c0_i32 : i32, i32
  }
  func.func @transform_1(%arg0: i32) -> (i32, i32) {
    %c0_i32 = arith.constant 0 : i32
    %c0_i32_0 = arith.constant 0 : i32
    %c0_i32_1 = arith.constant 0 : i32
    return %c0_i32, %c0_i32_0 : i32, i32
  }
  func.func @transform_2(%arg0: i32) -> (i32, i32) {
    %c0_i32 = arith.constant 0 : i32
    %c0_i32_0 = arith.constant 0 : i32
    %c0_i32_1 = arith.constant 0 : i32
    return %c0_i32, %c0_i32_0 : i32, i32
  }
  func.func @transform_3(%arg0: i32) -> (i32, i32) {
    %c0_i32 = arith.constant 0 : i32
    %c0_i32_0 = arith.constant 0 : i32
    %c0_i32_1 = arith.constant 0 : i32
    return %c0_i32, %c0_i32_0 : i32, i32
  }
  func.func @transform_4(%arg0: i32) -> (i32, i32, i32) {
    %c0_i32 = arith.constant 0 : i32
    %c0_i32_0 = arith.constant 0 : i32
    %c0_i32_1 = arith.constant 0 : i32
    return %c0_i32, %arg0, %c0_i32_0 : i32, i32, i32
  }
  func.func @transform_5(%arg0: i32) -> (i32, i32, i32) {
    %c0_i32 = arith.constant 0 : i32
    %c0_i32_0 = arith.constant 0 : i32
    %c0_i32_1 = arith.constant 0 : i32
    return %c0_i32, %arg0, %c0_i32_0 : i32, i32, i32
  }
}

module attributes {stable_mosaic.version = 14 : i64} {
  func.func @_tc_mid_body(%arg0: i32, %arg1: memref<2x2000x48xf32, #tpu.memory_space<vmem>>, %arg2: memref<64xf32, #tpu.memory_space<vmem>>, %arg3: memref<64x128xf32, #tpu.memory_space<vmem>>, %arg4: memref<128x1xf32, #tpu.memory_space<vmem>>, %arg5: memref<128x1xf32, #tpu.memory_space<vmem>>, %arg6: memref<2x2000x64xf32, #tpu.memory_space<vmem>>, %arg7: memref<2x2000x16xf32, #tpu.memory_space<vmem>>) attributes {dimension_semantics = [#tpu.dimension_semantics<arbitrary>], iteration_bounds = array<i64: 5>, scalar_prefetch = 0 : i64, scratch_operands = 0 : i64, tpu.core_type = #tpu.core_type<tc>, window_params = [{transform_indices = @transform_0, window_bounds = array<i64: 2, 2000, 48>}, {pipeline_mode = #tpu.pipeline_mode<synchronous>, transform_indices = @transform_1, window_bounds = array<i64: 64>}, {pipeline_mode = #tpu.pipeline_mode<synchronous>, transform_indices = @transform_2, window_bounds = array<i64: 64, 128>}, {pipeline_mode = #tpu.pipeline_mode<synchronous>, transform_indices = @transform_3, window_bounds = array<i64: 128, 1>}, {pipeline_mode = #tpu.pipeline_mode<synchronous>, transform_indices = @transform_4, window_bounds = array<i64: 128, 1>}, {transform_indices = @transform_5, window_bounds = array<i64: 2, 2000, 64>}, {transform_indices = @transform_6, window_bounds = array<i64: 2, 2000, 16>}]} {
    %get3A = arith.constant 0 : index
    %get3A_0 = arith.constant 0 : index
    %get3A_1 = arith.constant 0 : index
    %get3A_2 = vector.load %arg1[%get3A, %get3A_0, %get3A_1] : memref<2x2000x48xf32, #tpu.memory_space<vmem>>, vector<1x2000x32xf32>
    %get3A_3 = vector.shape_cast %get3A_2 : vector<1x2000x32xf32> to vector<2000x32xf32>
    %get3A_4 = arith.constant 0 : index
    %get3A_5 = arith.constant 0 : index
    %get3A_6 = arith.constant 32 : index
    %get3A_7 = vector.load %arg1[%get3A_4, %get3A_5, %get3A_6] : memref<2x2000x48xf32, #tpu.memory_space<vmem>>, vector<1x2000x4xf32>
    %get3A_8 = vector.shape_cast %get3A_7 : vector<1x2000x4xf32> to vector<2000x4xf32>
    %reshape3A = vector.shape_cast %get3A_3 : vector<2000x32xf32> to vector<2000x4x8xf32>
    %broadcast_in_dim3A = vector.shape_cast %get3A_8 : vector<2000x4xf32> to vector<2000x4x1xf32>
    %add3A = arith.constant 1.000000e-16 : f32
    %add3A_9 = vector.broadcast %add3A : f32 to vector<2000x4x1xf32>
    %add3A_10 = arith.addf %broadcast_in_dim3A, %add3A_9 : vector<2000x4x1xf32>
    %div3A = vector.broadcast %add3A_10 : vector<2000x4x1xf32> to vector<2000x4x8xf32>
    %div3A_11 = arith.divf %reshape3A, %div3A : vector<2000x4x8xf32>
    %reshape3A_12 = vector.shape_cast %div3A_11 : vector<2000x4x8xf32> to vector<2000x32xf32>
    %get3A_13 = arith.constant 1 : index
    %get3A_14 = arith.constant 0 : index
    %get3A_15 = arith.constant 0 : index
    %get3A_16 = vector.load %arg1[%get3A_13, %get3A_14, %get3A_15] : memref<2x2000x48xf32, #tpu.memory_space<vmem>>, vector<1x2000x32xf32>
    %get3A_17 = vector.shape_cast %get3A_16 : vector<1x2000x32xf32> to vector<2000x32xf32>
    %get3A_18 = arith.constant 1 : index
    %get3A_19 = arith.constant 0 : index
    %get3A_20 = arith.constant 32 : index
    %get3A_21 = vector.load %arg1[%get3A_18, %get3A_19, %get3A_20] : memref<2x2000x48xf32, #tpu.memory_space<vmem>>, vector<1x2000x4xf32>
    %get3A_22 = vector.shape_cast %get3A_21 : vector<1x2000x4xf32> to vector<2000x4xf32>
    %reshape3A_23 = vector.shape_cast %get3A_17 : vector<2000x32xf32> to vector<2000x4x8xf32>
    %broadcast_in_dim3A_24 = vector.shape_cast %get3A_22 : vector<2000x4xf32> to vector<2000x4x1xf32>
    %add3A_25 = arith.constant 1.000000e-16 : f32
    %add3A_26 = vector.broadcast %add3A_25 : f32 to vector<2000x4x1xf32>
    %add3A_27 = arith.addf %broadcast_in_dim3A_24, %add3A_26 : vector<2000x4x1xf32>
    %div3A_28 = vector.broadcast %add3A_27 : vector<2000x4x1xf32> to vector<2000x4x8xf32>
    %div3A_29 = arith.divf %reshape3A_23, %div3A_28 : vector<2000x4x8xf32>
    %reshape3A_30 = vector.shape_cast %div3A_29 : vector<2000x4x8xf32> to vector<2000x32xf32>
    %concatenate3A = tpu.concatenate %reshape3A_12, %reshape3A_30 in 1 : vector<2000x32xf32>, vector<2000x32xf32> -> vector<2000x64xf32>
    %get3A_31 = arith.constant 0 : index
    %get3A_32 = vector.load %arg2[%get3A_31] : memref<64xf32, #tpu.memory_space<vmem>>, vector<64xf32>
    %broadcast_in_dim3A_33 = vector.shape_cast %get3A_32 : vector<64xf32> to vector<1x64xf32>
    %add3A_34 = vector.broadcast %broadcast_in_dim3A_33 : vector<1x64xf32> to vector<2000x64xf32>
    %add3A_35 = arith.addf %concatenate3A, %add3A_34 : vector<2000x64xf32>
    %gt3A = arith.constant 0.000000e+00 : f32
    %gt3A_36 = vector.broadcast %gt3A : f32 to vector<2000x64xf32>
    %gt3A_37 = arith.cmpf ogt, %add3A_35, %gt3A_36 : vector<2000x64xf32>
    %min3A = arith.constant 0.000000e+00 : f32
    %min3A_38 = vector.broadcast %min3A : f32 to vector<2000x64xf32>
    %min3A_39 = arith.minimumf %add3A_35, %min3A_38 : vector<2000x64xf32>
    %exp3A = math.exp %min3A_39 : vector<2000x64xf32>
    %sub3A = arith.constant 1.000000e+00 : f32
    %sub3A_40 = vector.broadcast %sub3A : f32 to vector<2000x64xf32>
    %sub3A_41 = arith.subf %exp3A, %sub3A_40 : vector<2000x64xf32>
    %select_n3A = arith.select %gt3A_37, %add3A_35, %sub3A_41 : vector<2000x64xi1>, vector<2000x64xf32>
    %get3A_42 = arith.constant 0 : index
    %get3A_43 = arith.constant 0 : index
    %get3A_44 = vector.load %arg3[%get3A_42, %get3A_43] : memref<64x128xf32, #tpu.memory_space<vmem>>, vector<64x128xf32>
    %dot_general3A = arith.constant dense<0.000000e+00> : vector<2000x128xf32>
    %dot_general3A_45 = tpu.matmul %select_n3A, %get3A_44, %dot_general3A {dimension_numbers = #tpu.dot_dimension_numbers<[1], [0], [0], [1], [0, 0, 1, 1], [], []>, transpose_lhs_hint = false} : vector<2000x64xf32>, vector<64x128xf32>, vector<2000x128xf32> -> vector<2000x128xf32>
    %get3A_46 = arith.constant 0 : index
    %get3A_47 = arith.constant 0 : index
    %get3A_48 = vector.load %arg4[%get3A_46, %get3A_47] : memref<128x1xf32, #tpu.memory_space<vmem>>, vector<128x1xf32>
    %dot_general3A_49 = arith.constant dense<0.000000e+00> : vector<2000x1xf32>
    %dot_general3A_50 = tpu.matmul %dot_general3A_45, %get3A_48, %dot_general3A_49 {dimension_numbers = #tpu.dot_dimension_numbers<[1], [0], [0], [1], [0, 0, 1, 1], [], []>, transpose_lhs_hint = false} : vector<2000x128xf32>, vector<128x1xf32>, vector<2000x1xf32> -> vector<2000x1xf32>
    %get3A_51 = arith.constant 0 : index
    %get3A_52 = arith.constant 0 : index
    %get3A_53 = vector.load %arg5[%get3A_51, %get3A_52] : memref<128x1xf32, #tpu.memory_space<vmem>>, vector<128x1xf32>
    %dot_general3A_54 = arith.constant dense<0.000000e+00> : vector<2000x1xf32>
    %dot_general3A_55 = tpu.matmul %dot_general3A_45, %get3A_53, %dot_general3A_54 {dimension_numbers = #tpu.dot_dimension_numbers<[1], [0], [0], [1], [0, 0, 1, 1], [], []>, transpose_lhs_hint = false} : vector<2000x128xf32>, vector<128x1xf32>, vector<2000x1xf32> -> vector<2000x1xf32>
    %slice3A = vector.extract_strided_slice %dot_general3A_45 {offsets = [0, 0], sizes = [2000, 64], strides = [1, 1]} : vector<2000x128xf32> to vector<2000x64xf32>
    %slice3A_56 = vector.extract_strided_slice %dot_general3A_45 {offsets = [0, 64], sizes = [2000, 64], strides = [1, 1]} : vector<2000x128xf32> to vector<2000x64xf32>
    %stack3A = vector.shape_cast %slice3A : vector<2000x64xf32> to vector<1x2000x64xf32>
    %stack3A_57 = vector.shape_cast %slice3A_56 : vector<2000x64xf32> to vector<1x2000x64xf32>
    %stack3A_58 = tpu.concatenate %stack3A, %stack3A_57 in 0 : vector<1x2000x64xf32>, vector<1x2000x64xf32> -> vector<2x2000x64xf32>
    %swap3A = arith.constant 0 : index
    %swap3A_59 = arith.constant 0 : index
    %swap3A_60 = arith.constant 0 : index
    %swap3A_61 = vector.load %arg6[%swap3A, %swap3A_59, %swap3A_60] : memref<2x2000x64xf32, #tpu.memory_space<vmem>>, vector<2x2000x64xf32>
    tpu.vector_store %arg6[%swap3A, %swap3A_59, %swap3A_60], %stack3A_58 {strides = array<i32>} : memref<2x2000x64xf32, #tpu.memory_space<vmem>>, vector<2x2000x64xf32>,
    %broadcast_in_dim3A_62 = arith.constant -1.000000e+30 : f32
    %broadcast_in_dim3A_63 = vector.broadcast %broadcast_in_dim3A_62 : f32 to vector<2000x14xf32>
    %concatenate3A_64 = tpu.concatenate %dot_general3A_50, %dot_general3A_55, %broadcast_in_dim3A_63 in 1 : vector<2000x1xf32>, vector<2000x1xf32>, vector<2000x14xf32> -> vector<2000x16xf32>
    %stack3A_65 = vector.shape_cast %concatenate3A_64 : vector<2000x16xf32> to vector<1x2000x16xf32>
    %stack3A_66 = vector.shape_cast %concatenate3A_64 : vector<2000x16xf32> to vector<1x2000x16xf32>
    %stack3A_67 = tpu.concatenate %stack3A_65, %stack3A_66 in 0 : vector<1x2000x16xf32>, vector<1x2000x16xf32> -> vector<2x2000x16xf32>
    %swap3A_68 = arith.constant 0 : index
    %swap3A_69 = arith.constant 0 : index
    %swap3A_70 = arith.constant 0 : index
    %swap3A_71 = vector.load %arg7[%swap3A_68, %swap3A_69, %swap3A_70] : memref<2x2000x16xf32, #tpu.memory_space<vmem>>, vector<2x2000x16xf32>
    tpu.vector_store %arg7[%swap3A_68, %swap3A_69, %swap3A_70], %stack3A_67 {strides = array<i32>} : memref<2x2000x16xf32, #tpu.memory_space<vmem>>, vector<2x2000x16xf32>,
    return
  }
  func.func @transform_0(%arg0: i32) -> (i32, i32, i32) {
    %c0_i32 = arith.constant 0 : i32
    %c0_i32_0 = arith.constant 0 : i32
    %c0_i32_1 = arith.constant 0 : i32
    return %c0_i32, %arg0, %c0_i32_0 : i32, i32, i32
  }
  func.func @transform_1(%arg0: i32) -> i32 {
    %c0_i32 = arith.constant 0 : i32
    %c0_i32_0 = arith.constant 0 : i32
    return %c0_i32 : i32
  }
  func.func @transform_2(%arg0: i32) -> (i32, i32) {
    %c0_i32 = arith.constant 0 : i32
    %c0_i32_0 = arith.constant 0 : i32
    %c0_i32_1 = arith.constant 0 : i32
    return %c0_i32, %c0_i32_0 : i32, i32
  }
  func.func @transform_3(%arg0: i32) -> (i32, i32) {
    %c0_i32 = arith.constant 0 : i32
    %c0_i32_0 = arith.constant 0 : i32
    %c0_i32_1 = arith.constant 0 : i32
    return %c0_i32, %c0_i32_0 : i32, i32
  }
  func.func @transform_4(%arg0: i32) -> (i32, i32) {
    %c0_i32 = arith.constant 0 : i32
    %c0_i32_0 = arith.constant 0 : i32
    %c0_i32_1 = arith.constant 0 : i32
    return %c0_i32, %c0_i32_0 : i32, i32
  }
  func.func @transform_5(%arg0: i32) -> (i32, i32, i32) {
    %c0_i32 = arith.constant 0 : i32
    %c0_i32_0 = arith.constant 0 : i32
    %c0_i32_1 = arith.constant 0 : i32
    return %c0_i32, %arg0, %c0_i32_0 : i32, i32, i32
  }
  func.func @transform_6(%arg0: i32) -> (i32, i32, i32) {
    %c0_i32 = arith.constant 0 : i32
    %c0_i32_0 = arith.constant 0 : i32
    %c0_i32_1 = arith.constant 0 : i32
    return %c0_i32, %arg0, %c0_i32_0 : i32, i32, i32
  }
}

module attributes {stable_mosaic.version = 14 : i64} {
  func.func @_tc_fin_body(%arg0: i32, %arg1: memref<2x2000x80xf32, #tpu.memory_space<vmem>>, %arg2: memref<128xf32, #tpu.memory_space<vmem>>, %arg3: memref<2000x128xf32, #tpu.memory_space<vmem>>) attributes {dimension_semantics = [#tpu.dimension_semantics<arbitrary>], iteration_bounds = array<i64: 5>, scalar_prefetch = 0 : i64, scratch_operands = 0 : i64, tpu.core_type = #tpu.core_type<tc>, window_params = [{transform_indices = @transform_0, window_bounds = array<i64: 2, 2000, 80>}, {pipeline_mode = #tpu.pipeline_mode<synchronous>, transform_indices = @transform_1, window_bounds = array<i64: 128>}, {transform_indices = @transform_2, window_bounds = array<i64: 2000, 128>}]} {
    %get3A = arith.constant 0 : index
    %get3A_0 = arith.constant 0 : index
    %get3A_1 = arith.constant 0 : index
    %get3A_2 = vector.load %arg1[%get3A, %get3A_0, %get3A_1] : memref<2x2000x80xf32, #tpu.memory_space<vmem>>, vector<1x2000x64xf32>
    %get3A_3 = vector.shape_cast %get3A_2 : vector<1x2000x64xf32> to vector<2000x64xf32>
    %get3A_4 = arith.constant 0 : index
    %get3A_5 = arith.constant 0 : index
    %get3A_6 = arith.constant 64 : index
    %get3A_7 = vector.load %arg1[%get3A_4, %get3A_5, %get3A_6] : memref<2x2000x80xf32, #tpu.memory_space<vmem>>, vector<1x2000x1xf32>
    %get3A_8 = vector.shape_cast %get3A_7 : vector<1x2000x1xf32> to vector<2000x1xf32>
    %add3A = arith.constant 1.000000e-16 : f32
    %add3A_9 = vector.broadcast %add3A : f32 to vector<2000x1xf32>
    %add3A_10 = arith.addf %get3A_8, %add3A_9 : vector<2000x1xf32>
    %div3A = vector.broadcast %add3A_10 : vector<2000x1xf32> to vector<2000x64xf32>
    %div3A_11 = arith.divf %get3A_3, %div3A : vector<2000x64xf32>
    %get3A_12 = arith.constant 1 : index
    %get3A_13 = arith.constant 0 : index
    %get3A_14 = arith.constant 0 : index
    %get3A_15 = vector.load %arg1[%get3A_12, %get3A_13, %get3A_14] : memref<2x2000x80xf32, #tpu.memory_space<vmem>>, vector<1x2000x64xf32>
    %get3A_16 = vector.shape_cast %get3A_15 : vector<1x2000x64xf32> to vector<2000x64xf32>
    %get3A_17 = arith.constant 1 : index
    %get3A_18 = arith.constant 0 : index
    %get3A_19 = arith.constant 64 : index
    %get3A_20 = vector.load %arg1[%get3A_17, %get3A_18, %get3A_19] : memref<2x2000x80xf32, #tpu.memory_space<vmem>>, vector<1x2000x1xf32>
    %get3A_21 = vector.shape_cast %get3A_20 : vector<1x2000x1xf32> to vector<2000x1xf32>
    %add3A_22 = arith.constant 1.000000e-16 : f32
    %add3A_23 = vector.broadcast %add3A_22 : f32 to vector<2000x1xf32>
    %add3A_24 = arith.addf %get3A_21, %add3A_23 : vector<2000x1xf32>
    %div3A_25 = vector.broadcast %add3A_24 : vector<2000x1xf32> to vector<2000x64xf32>
    %div3A_26 = arith.divf %get3A_16, %div3A_25 : vector<2000x64xf32>
    %concatenate3A = tpu.concatenate %div3A_11, %div3A_26 in 1 : vector<2000x64xf32>, vector<2000x64xf32> -> vector<2000x128xf32>
    %get3A_27 = arith.constant 0 : index
    %get3A_28 = vector.load %arg2[%get3A_27] : memref<128xf32, #tpu.memory_space<vmem>>, vector<128xf32>
    %broadcast_in_dim3A = vector.shape_cast %get3A_28 : vector<128xf32> to vector<1x128xf32>
    %add3A_29 = vector.broadcast %broadcast_in_dim3A : vector<1x128xf32> to vector<2000x128xf32>
    %add3A_30 = arith.addf %concatenate3A, %add3A_29 : vector<2000x128xf32>
    %swap3A = arith.constant 0 : index
    %swap3A_31 = arith.constant 0 : index
    %swap3A_32 = vector.load %arg3[%swap3A, %swap3A_31] : memref<2000x128xf32, #tpu.memory_space<vmem>>, vector<2000x128xf32>
    tpu.vector_store %arg3[%swap3A, %swap3A_31], %add3A_30 {strides = array<i32>} : memref<2000x128xf32, #tpu.memory_space<vmem>>, vector<2000x128xf32>,
    return
  }
  func.func @transform_0(%arg0: i32) -> (i32, i32, i32) {
    %c0_i32 = arith.constant 0 : i32
    %c0_i32_0 = arith.constant 0 : i32
    %c0_i32_1 = arith.constant 0 : i32
    return %c0_i32, %arg0, %c0_i32_0 : i32, i32, i32
  }
  func.func @transform_1(%arg0: i32) -> i32 {
    %c0_i32 = arith.constant 0 : i32
    %c0_i32_0 = arith.constant 0 : i32
    return %c0_i32 : i32
  }
  func.func @transform_2(%arg0: i32) -> (i32, i32) {
    %c0_i32 = arith.constant 0 : i32
    %c0_i32_0 = arith.constant 0 : i32
    return %arg0, %c0_i32 : i32, i32
  }
}

</mosaic_0001>

<sc_bundles>
// kernel: kernel.10.cloned.1.call-start
scs
__scs_entry_jumppad:
0x0: {  	(pc) =	sbr.rel $0x88, $3  }
0x1: {  	(tag) =	ssettag $0x0;
	lr =	simm.s32 $0x1  }
0x2: {  	[smem:$0x3F97] =	sst lr;
	_ =	strace $0xD0000000  }
0x3: {  	_ = 	snop  }
0x4: {  	_ = 	snop  }
0x5: {  	_ = 	snop  }
0x6: {  	_ = 	snop  }
0x7: {  	_ = 	snop  }
__scs_overlays_trampoline_lowered:
0x8: {  	[smem:$0x3FA6] =	sst s0  }
0x9: {  	[smem:$0x3FA7] =	sst s1  }
0xa: {  	[smem:$0x3FA8] =	sst s2  }
0xb: {  	[smem:$0x3FA9] =	sst s3  }
0xc: {  	[smem:$0x3FAA] =	sst s4  }
0xd: {  	[smem:$0x3FAB] =	sst s5  }
0xe: {  	[smem:$0x3FAC] =	sst s6  }
0xf: {  	[smem:$0x3FAD] =	sst s7  }
0x10: {  	[smem:$0x3FAE] =	sst s8  }
0x11: {  	[smem:$0x3FAF] =	sst s9;
	s0 =	simm.s32 @!p0 $0x0  }
0x12: {  	s1 =	sld [smem:$0x3F95];
	s0 =	simm.s32 @p0 $0x1  }
0x13: {  	[smem:$0x3FB0] =	sst s0;
	s0 =	simm.s32 @!p1 $0x0  }
0x14: {  	s2 =	sld [smem:$0x3F94];
	s0 =	simm.s32 @p1 $0x1  }
0x15: {  	[smem:$0x3FB1] =	sst s0;
	s0 =	simm.s32 @!p2 $0x0  }
0x16: {  	s3 =	sld [smem:$0x3FDB];
	s0 =	simm.s32 @p2 $0x1  }
0x17: {  	s4 =	simm.s32 $0x1BF5;
	[smem:$0x3FB3] =	sst s0  }
0x18: {  	s0 =	sld [smem:$0x3F96];
	_ =	swait.ge [sflag:s4], $0x0  }
0x19: {  	s7 =	sld [smem:$0x3F97]  }
0x1a: {  	s8 =	sadd.s32 $0xFFFFE003, lr  }
0x1b: {  	s9 =	sadd.s32 $0xFFFFFEF7, lr;
	s5 =	simm.s32 $0xFFFFFFFF;
	p2 =	slt.u32 s8, $0xFFFFF086  }
0x1c: {  	p1 =	slt.u32 s9, $0xF7A;
	s5 =	simm.s32 @!p2 $0x0  }
0x1d: {  	s5 =	simm.s32 @p1 $0x1;
	p0 =	seq.s32 s7, s2  }
0x1e: {  	s7 =	smul.u32 @!p0 $0xF7A, s2;
	p2 =	seq.s32 @!p0 s5, $0x0  }
0x1f: {  	s9 =	smul.u32 $0xF7A, s1;
	s8 =	simm.s32 @!p0 $0x1BF5;
	p2 =	por !p2, p0  }
0x20: {  	[sflag:s8] =	ssyncset.s32 @!p0 $0xFFFFF086;
	s6 =	sadd.s32 @!p0 s3, s7;
	s7 =	simm.s32 @!p0 $0x108  }
0x21: {  	s3 =	sadd.s32 s3, s9;
	s6 =	sadd.s32 @!p0 $0x88, s6;
	s7 =	simm.s32 @p2 $0x1082  }
0x22: {  	[simem:s7], [sflag:s8] =	dma.local @!p0 [hbm:s6], $0xF7A  }
0x23: {  	s9 =	sor.u32 $0xD0000000, s2;
	s6 =	simm.s32 $0x108;
	_ =	swait.ge @!p0 [sflag:s8], $0x0  }
0x24: {  	s3 =	sadd.s32 $0x88, s3;
	s6 =	simm.s32 @!p1 $0x1082;
	[sflag:s4] =	ssyncset.s32 $0xFFFFF086  }
0x25: {  	[simem:s6], [sflag:s4] =	dma.local [hbm:s3], $0xF7A  }
0x26: {  	[smem:$0x3F97] =	sst s1;
	(tag) =	ssettag s2;
	_ =	strace s9  }
0x27: {  	s1 =	sld [smem:$0x3FA7]  }
0x28: {  	s2 =	sld [smem:$0x3FA8]  }
0x29: {  	s4 =	sld [smem:$0x3FAA]  }
0x2a: {  	p0 =	seq.s32 s5, $0x0;
	s5 =	sld [smem:$0x3FAB]  }
0x2b: {  	s6 =	sld [smem:$0x3FAC]  }
0x2c: {  	s7 =	sld [smem:$0x3FAD]  }
0x2d: {  	s3 =	simm.s32 $0x108;
	s8 =	sld [smem:$0x3FAE]  }
0x2e: {  	s3 =	simm.s32 @!p0 $0x1082;
	s9 =	sld [smem:$0x3FAF]  }
0x2f: {  	lr =	sadd.s32 s0, s3;
	s0 =	sld [smem:$0x3FA6]  }
0x30: {  	s3 =	sld [smem:$0x3FA9]  }
0x31: {  	[smem:$0x3FB2] =	sst s10  }
0x32: {  	s10 =	sld [smem:$0x3FB0];
	_ =	sdelay $0x3  }
0x33: {  	p0 =	seq.s32 s10, $0x1;
	s10 =	sld [smem:$0x3FB2];
	_ =	sdelay $0x3  }
0x34: {  	[smem:$0x3FB2] =	sst s10  }
0x35: {  	s10 =	sld [smem:$0x3FB1];
	_ =	sdelay $0x3  }
0x36: {  	p1 =	seq.s32 s10, $0x1;
	s10 =	sld [smem:$0x3FB2];
	_ =	sdelay $0x3  }
0x37: {  	[smem:$0x3FB2] =	sst s10  }
0x38: {  	s10 =	sld [smem:$0x3FB3]  }
0x39: {  	_ = 	snop;
	(pc) =	sbr.ind lr, $3  }
0x3a: {  	_ = 	snop  }
0x3b: {  	_ = 	snop  }
0x3c: {  	p2 =	seq.s32 s10, $0x1;
	s10 =	sld [smem:$0x3FB2]  }
0x3d: {  	_ =	shalt  }
0x3e: {  	_ =	shalt  }
0x3f: {  	_ =	shalt  }
0x40: {  	_ =	shalt  }
0x41: {  	_ =	shalt  }
0x42: {  	_ =	shalt  }
0x43: {  	_ =	shalt  }
0x44: {  	_ =	shalt  }
0x45: {  	_ =	shalt  }
0x46: {  	_ =	shalt  }
0x47: {  	_ =	shalt  }
0x48: {  	_ =	shalt  }
0x49: {  	_ =	shalt  }
0x4a: {  	_ =	shalt  }
0x4b: {  	_ =	shalt  }
0x4c: {  	_ =	shalt  }
0x4d: {  	_ =	shalt  }
0x4e: {  	_ =	shalt  }
0x4f: {  	_ =	shalt  }
0x50: {  	_ =	shalt  }
0x51: {  	_ =	shalt  }
0x52: {  	_ =	shalt  }
0x53: {  	_ =	shalt  }
0x54: {  	_ =	shalt  }
0x55: {  	_ =	shalt  }
0x56: {  	_ =	shalt  }
0x57: {  	_ =	shalt  }
0x58: {  	_ =	shalt  }
0x59: {  	_ =	shalt  }
0x5a: {  	_ =	shalt  }
0x5b: {  	_ =	shalt  }
0x5c: {  	_ =	shalt  }
0x5d: {  	_ =	shalt  }
0x5e: {  	_ =	shalt  }
0x5f: {  	_ =	shalt  }
0x60: {  	_ =	shalt  }
0x61: {  	_ =	shalt  }
0x62: {  	_ =	shalt  }
0x63: {  	_ =	shalt  }
0x64: {  	_ =	shalt  }
0x65: {  	_ =	shalt  }
0x66: {  	_ =	shalt  }
0x67: {  	_ =	shalt  }
0x68: {  	_ =	shalt  }
0x69: {  	_ =	shalt  }
0x6a: {  	_ =	shalt  }
0x6b: {  	_ =	shalt  }
0x6c: {  	_ =	shalt  }
0x6d: {  	_ =	shalt  }
0x6e: {  	_ =	shalt  }
0x6f: {  	_ =	shalt  }
0x70: {  	_ =	shalt  }
0x71: {  	_ =	shalt  }
0x72: {  	_ =	shalt  }
0x73: {  	_ =	shalt  }
0x74: {  	_ =	shalt  }
0x75: {  	_ =	shalt  }
0x76: {  	_ =	shalt  }
0x77: {  	_ =	shalt  }
0x78: {  	_ =	shalt  }
0x79: {  	_ =	shalt  }
0x7a: {  	_ =	shalt  }
0x7b: {  	_ =	shalt  }
0x7c: {  	_ =	shalt  }
0x7d: {  	_ =	shalt  }
0x7e: {  	_ =	shalt  }
0x7f: {  	_ =	shalt  }
0x80: {  	_ =	shalt  }
0x81: {  	_ =	shalt  }
0x82: {  	_ =	shalt  }
0x83: {  	_ =	shalt  }
0x84: {  	_ =	shalt  }
0x85: {  	_ =	shalt  }
0x86: {  	_ =	shalt  }
0x87: {  	_ =	shalt  }
.Lfunc_end0:
.L_simem_size_0:
called_computation.1_lowered:
.L_overlay_start_0:
0x88: {  	s2 =	sld [smem:$0x3FD9]  }
0x89: {  	s3 =	sld [smem:$0x3FFE];
	_ =	sdelay $0x1  }
0x8a: {  	s1 =	srdreg.scid  }
0x8b: {  	s0 =	sand.u32 $0x1, s1  }
0x8c: {  	s17 =	sshll.u32 s0, $0xA;
	s2 =	sadd.s32 s3, s2  }
0x8d: {  	s2 =	sadd.s32 s2, s17  }
0x8e: {  	[smem:$0x3FBE] =	sst s2  }
0x8f: {  	_ = 	snop  }
0x90: {  	s2 =	sld [smem:$0x3FD0];
	(tm) =	ssettm $0x1  }
0x91: {  	s18 =	sld [smem:$0x3FFB];
	_ =	sdelay $0x3  }
0x92: {  	_ =	strace s18  }
0x93: {  	s3 =	sld [smem:$0x3FFC];
	_ =	sdelay $0x3  }
0x94: {  	_ =	strace s3  }
0x95: {  	s3 =	sld [smem:$0x3FFD];
	_ =	sdelay $0x3  }
0x96: {  	_ =	strace s3  }
0x97: {  	_ =	strace $0x8FFFFFFF  }
0x98: {  	s19 =	sld [smem:$0x3FDB];
	_ =	sdelay $0x1  }
0x99: {  	s4 =	simm.s32 $_scs_section_size  }
0x9a: {  	s5 =	simm.s32 $_size__tile_overlayer_lowered;
	s6 =	simm.s32 $_tile_overlayer_lowered  }
0x9b: {  	s22 =	simm.s32 $0x1BFF;
	s21 =	sshll.u32 s6, $0x1;
	s3 =	sadd.s32 s4, s19  }
0x9c: {  	s7 =	simm.s32 $0x0;
	s20 =	sshll.u32 s5, $0x1;
	s5 =	sadd.s32 s21, s3  }
0x9d: {  	[timem:s7], [sflag:s22] =	dma.local [hbm:s5], s20  }
0x9e: {  	_ =	swait.ge [sflag:s22], s20  }
0x9f: {  	s4 =	ssub.s32 $0x0, s20;
	[sflag:s22] =	ssyncset.done $0x0  }
0xa0: {  	[sflag:s22] =	ssyncadd.s32 s4;
	_ =	sdelay $0x1  }
0xa1: {  	s23 =	simm.s32 $0x1B8B  }
0xa2: {  	_ =	swait.ge [sflag:s23], $0x1  }
0xa3: {  	[sflag:s23] =	ssyncset.done $0x0  }
0xa4: {  	s25 =	simm.s32 $0x1B8E;
	s24 =	sld [smem:$0x3FFE];
	[sflag:s23] =	ssyncadd.s32 $0xFFFFFFFF  }
0xa5: {  	s26 =	simm.s32 $execute0_lowered;
	[smem:$0x3FD2] =	sst s25  }
0xa6: {  	s5 =	sshll.u32 s26, $0x1;
	_ =	strace $0x80000049;
	[dreg:$0x1] =	wrdreg $0xFFFFFFFF  }
0xa7: {  	s28 =	simm.s32 $_size_execute0_lowered;
	s3 =	sadd.s32 s3, s5;
	[dreg:$0x0] =	wrdreg $0x0  }
0xa8: {  	s5 =	sshll.u32 s28, $0x1;
	[dreg:$0x2] =	wrdreg s3  }
0xa9: {  	[dreg:$0x3] =	wrdreg s5  }
0xaa: {  	[dreg:$0x4] =	wrdreg $0xC0  }
0xab: {  	_ =	task [dreg:s7], $0x5FFFF  }
0xac: {  	[dreg:$0x1] =	wrdreg $0xFFFFFFFF  }
0xad: {  	[dreg:$0x0] =	wrdreg $0x60  }
0xae: {  	[dreg:$0x2] =	wrdreg s2  }
0xaf: {  	[dreg:$0x3] =	wrdreg s24  }
0xb0: {  	[dreg:$0x4] =	wrdreg $0x9C400  }
0xb1: {  	[dreg:$0x5] =	wrdreg $0x0  }
0xb2: {  	[dreg:$0x6] =	wrdreg $0x15F900  }
0xb3: {  	[dreg:$0x7] =	wrdreg $0x9  }
0xb4: {  	_ =	task.clear_ibuf [dreg:s7], $0x8FFFF;
	_ =	strace $0x90000049  }
0xb5: {  	s29 =	simm.s32 $0x9;
	_ =	strace $0x8000004B  }
0xb6: {  	_ =	swait.ge [sflag:s29], $0x1  }
0xb7: {  	[sflag:s29] =	ssyncadd.s32 $0xFFFFFFFF  }
0xb8: {  	_ =	strace $0x9000004B  }
0xb9: {  	_ =	sfence  }
0xba: {  	s30 =	sld [smem:$0x0];
	_ =	sdelay $0x2  }
0xbb: {  	s31 =	sshll.u32 s1, $0xD;
	s1 =	sshrl.u32 s1, $0x2  }
0xbc: {  	s3 =	sand.u32 $0x4000, s31;
	s1 =	sadd.s32 s1, s30  }
0xbd: {  	s0 =	sor.u32 s3, s0;
	s1 =	sshll.u32 s1, $0x11  }
0xbe: {  	s0 =	sor.u32 s1, s0  }
0xbf: {  	s0 =	sadd.s32 $0x8F2B, s0  }
0xc0: {  	[sflag:s0] =	ssyncadd.remote.s32 $0x1  }
0xc1: {  	_ =	sfence.sel $0xFFFF  }
0xc2: {  	[dreg:$0x0] =	wrdreg $0xFFFFFFFF;
	(pc) =	sbr.abs _section_cstart, $3  }
0xc3: {  	[dreg:$0x1] =	wrdreg $0xFFFFFFFF  }
0xc4: {  	_ =	task.clear_ibuf [dreg:s7], $0x2FFFF;
	_ =	strace $0x9FFFFFFF  }
0xc5: {  	(tm) =	ssettm $0x7FFFFFFF  }
tec
execute0_lowered:
.L_overlay_start_1:
0x0: {  	(tag) =	ssettag $0x1  }
0x1: {  	s0 =	rddreg [dreg:$0x0]  }
0x2: {  	s5 =	rddreg [dreg:$0x1]  }
0x3: {  	s1 =	rddreg [dreg:$0x2]  }
0x4: {  	s2 =	rddreg [dreg:$0x3]  }
0x5: {  	s3 =	rddreg [dreg:$0x4];
	s4 =	simm.s32 $0x0;
	s22 =	stileid.u32  }
0x6: {  	s8 =	srdreg.scid;
	s28 =	simm.s32 $0x50;
	s29 =	simm.s32 $0x18740  }
0x7: {  	s30 =	simm.s32 $0x18C40;
	s31 =	simm.s32 $0x19140;
	[smem:$0x7FF] =	sst s4  }
0x8: {  	s9 =	sadd.s32 $0x15000, s5;
	s6 =	sadd.s32 $0xB200, s5;
	s10 =	smul.u32 $0x30C00, s22  }
0x9: {  	s7 =	sadd.s32 $0x1400, s5;
	s5 =	sadd.s32 $0x1EE00, s5;
	s12 =	smul.u32 $0xC300, s22  }
0xa: {  	s11 =	sand.u32 $0x1, s8;
	s15 =	smul.u32 $0x9C00, s22;
	p0 =	sne.s32 s22, $0xF  }
0xb: {  	_ =	strace $0x8000004A;
	s13 =	smul.u32 $0x9C400, s11;
	s10 =	sshrl.u32 s10, $0x2  }
0xc: {  	s8 =	ssub.s32 $0x2, s11;
	s17 =	smul.u32 $0x27100, s11;
	s10 =	sadd.s32 s10, s1  }
0xd: {  	s11 =	smul.u32 $0xC3500, s11;
	s14 =	sshrl.u32 s8, $0x1;
	s18 =	sadd.s32 $0x780, s10  }
0xe: {  	s16 =	ssub.s32 s8, s14;
	s19 =	sadd.s32 $0xF00, s10;
	[dreg:$0x6] =	wrdreg s18  }
0xf: {  	s8 =	sadd.s32 s12, s1;
	s23 =	sadd.s32 $0x2580, s10;
	[dreg:$0x7] =	wrdreg s19  }
0x10: {  	s20 =	sadd.s32 s15, s13;
	s26 =	sadd.s32 $0x2D00, s10;
	[dreg:$0xb] =	wrdreg s23  }
0x11: {  	s14 =	sshrl.u32 s20, $0x3;
	s20 =	sadd.s32 $0x4B00, s10;
	[dreg:$0xd] =	wrdreg s26  }
0x12: {  	s13 =	sshrl.u32 s13, $0x3;
	s18 =	sadd.s32 $0x1680, s10;
	[dreg:$0x12] =	wrdreg s20  }
0x13: {  	s12 =	sadd.s32 s12, s11;
	s19 =	sadd.s32 $0x1E00, s10;
	[dreg:$0x8] =	wrdreg s18  }
0x14: {  	s12 =	sshrl.u32 s12, $0x3;
	s14 =	sadd.s32 s0, s14;
	[dreg:$0x9] =	wrdreg s19  }
0x15: {  	s25 =	sshrl.u32 s17, $0x3;
	s12 =	sadd.s32 s5, s12;
	[dreg:$0xa] =	wrdreg s14  }
0x16: {  	s11 =	sshrl.u32 s11, $0x3;
	s23 =	sadd.s32 $0x5A00, s10;
	[dreg:$0xe] =	wrdreg s12  }
0x17: {  	s16 =	smax.u32 s16, $0x1;
	s26 =	sadd.s32 $0x7080, s10;
	[dreg:$0x14] =	wrdreg s23  }
0x18: {  	s0 =	sadd.s32 s0, s13;
	s20 =	sadd.s32 $0x9D80, s10;
	[dreg:$0x17] =	wrdreg s26  }
0x19: {  	s5 =	sadd.s32 s5, s11;
	s14 =	sadd.s32 $0x3480, s10;
	[dreg:$0x1d] =	wrdreg s20  }
0x1a: {  	s18 =	smul.u32 $0x2700, s22;
	s19 =	sadd.s32 $0x4380, s10;
	[dreg:$0xf] =	wrdreg s14  }
0x1b: {  	s12 =	sadd.s32 $0x7800, s10;
	s23 =	sadd.s32 $0xAC80, s10;
	[dreg:$0x11] =	wrdreg s19  }
0x1c: {  	s0 =	sadd.s32 $0x13800, s0;
	s22 =	smul.u32 $0x4E20, s22;
	[dreg:$0x18] =	wrdreg s12  }
0x1d: {  	s14 =	sadd.s32 $0x8700, s10;
	s19 =	sadd.s32 $0x9600, s10;
	[dreg:$0x1f] =	wrdreg s23  }
0x1e: {  	[smem:$0x7FD] =	sst s0;
	s0 =	sadd.s32 $0x9C000, s2;
	s23 =	simm.s32 $0x1BE40  }
0x1f: {  	s21 =	sadd.s32 s18, s17;
	s17 =	sadd.s32 $0x3C00, s10;
	[dreg:$0x1a] =	wrdreg s14  }
0x20: {  	[dreg:$0x1c] =	wrdreg s19;
	s26 =	sadd.s32 s18, s3;
	s19 =	sshrl.u32 @!p0 s0, $0x3  }
0x21: {  	s24 =	sshrl.u32 s21, $0x3;
	[dreg:$0x10] =	wrdreg s17;
	s21 =	sadd.s32 $0x5280, s10  }
0x22: {  	s0 =	sadd.s32 $0x27000, s3;
	s17 =	sadd.s32 $0x8E80, s10;
	[dreg:$0x13] =	wrdreg s21  }
0x23: {  	s18 =	sshrl.u32 s26, $0x3;
	s13 =	sadd.s32 s9, s24;
	[dreg:$0x1b] =	wrdreg s17  }
0x24: {  	s20 =	sshrl.u32 @!p0 s0, $0x3;
	s24 =	sadd.s32 $0x6180, s10;
	[dreg:$0xc] =	wrdreg s13  }
0x25: {  	s9 =	sadd.s32 s9, s25;
	s25 =	sadd.s32 $0x6900, s10;
	[dreg:$0x15] =	wrdreg s24  }
0x26: {  	v0 =	vimm.s32 $0xFFEDCBA9;
	v1 =	vimm.s32 $0x87654321;
	s26 =	simm.s32 $0x186F0;
	s21 =	sadd.s32 $0xA500, s10;
	[dreg:$0x16] =	wrdreg s25  }
0x27: {  	v0 =	vunpack.c.l.s4.s8 v0;
	v1 =	vunpack.c.l.s4.s8 v1;
	s0 =	simm.s32 $0x1A540;
	s13 =	sadd.s32 $0x7F80, s10;
	[dreg:$0x1e] =	wrdreg s21  }
0x28: {  	s24 =	sadd.s32 $0xB400, s10;
	s10 =	sadd.s32 $0xBB80, s10;
	[dreg:$0x19] =	wrdreg s13  }
0x29: {  	v2 =	vunpack.c.0.s8.s32 v0;
	v1 =	vunpack.c.0.s8.s32 v1;
	s25 =	sadd.s32 s15, s2;
	s14 =	sadd.s32 $0x4E00, s9;
	[smem:$0x7FB] =	sst s24  }
0x2a: {  	s15 =	sadd.s32 $0x18600, s5;
	s21 =	sadd.s32 $0xC3000, s1;
	[smem:$0x7FC] =	sst s10  }
0x2b: {  	v0 =	vimm.f32 $0.0e+00;
	v1 =	vcombine.low v1, v2;
	v2 =	vimm.s32 $0x0;
	s17 =	sshrl.u32 s25, $0x3;
	s24 =	simm.s32 $0x1;
	s25 =	simm.s32 $0x186A0  }
.LBB2_1:
0x2c: {  	[tilespmem:$0x1BE40] =	vst v0  }
0x2d: {  	[tilespmem:$0x1BE50] =	vst v0  }
0x2e: {  	[tilespmem:$0x1BE60] =	vst v0  }
0x2f: {  	[tilespmem:$0x1BE70] =	vst v0  }
0x30: {  	[tilespmem:$0x1BE80] =	vst v0  }
0x31: {  	[tilespmem:$0x1BE90] =	vst v0  }
0x32: {  	[tilespmem:$0x1BEA0] =	vst v0  }
0x33: {  	[tilespmem:$0x1BEB0] =	vst v0  }
0x34: {  	[tilespmem:$0x1BEC0] =	vst v0  }
0x35: {  	[tilespmem:$0x1BED0] =	vst v0  }
0x36: {  	[tilespmem:$0x1BEE0] =	vst v0  }
0x37: {  	[tilespmem:$0x1BEF0] =	vst v0  }
0x38: {  	[tilespmem:$0x1BF00] =	vst v0  }
0x39: {  	[tilespmem:$0x1BF10] =	vst v0  }
0x3a: {  	[tilespmem:$0x1BF20] =	vst v0  }
0x3b: {  	[tilespmem:$0x1BF30] =	vst v0  }
0x3c: {  	[tilespmem:$0x1BF40] =	vst v0  }
0x3d: {  	[tilespmem:$0x1BF50] =	vst v0  }
0x3e: {  	[tilespmem:$0x1BF60] =	vst v0  }
0x3f: {  	[tilespmem:$0x1BF70] =	vst v0  }
0x40: {  	[tilespmem:$0x1BF80] =	vst v0  }
0x41: {  	[tilespmem:$0x1BF90] =	vst v0  }
0x42: {  	[tilespmem:$0x1BFA0] =	vst v0  }
0x43: {  	[tilespmem:$0x1BFB0] =	vst v0  }
0x44: {  	[tilespmem:$0x1BFC0] =	vst v0  }
0x45: {  	[tilespmem:$0x1BFD0] =	vst v0  }
0x46: {  	[tilespmem:$0x1BFE0] =	vst v0  }
0x47: {  	[tilespmem:$0x1BFF0] =	vst v0  }
0x48: {  	[tilespmem:$0x1C000] =	vst v0  }
0x49: {  	[tilespmem:$0x1C010] =	vst v0  }
0x4a: {  	[tilespmem:$0x1C020] =	vst v0  }
0x4b: {  	[tilespmem:$0x1C030] =	vst v0  }
0x4c: {  	[tilespmem:$0x1C040] =	vst v0  }
0x4d: {  	[tilespmem:$0x1C050] =	vst v0  }
0x4e: {  	[tilespmem:$0x1C060] =	vst v0  }
0x4f: {  	[tilespmem:$0x1C070] =	vst v0  }
0x50: {  	[tilespmem:$0x1C080] =	vst v0  }
0x51: {  	[tilespmem:$0x1C090] =	vst v0  }
0x52: {  	[tilespmem:$0x1C0A0] =	vst v0  }
0x53: {  	[tilespmem:$0x1C0B0] =	vst v0  }
0x54: {  	[tilespmem:$0x1C0C0] =	vst v0  }
0x55: {  	[tilespmem:$0x1C0D0] =	vst v0  }
0x56: {  	[tilespmem:$0x1C0E0] =	vst v0  }
0x57: {  	[tilespmem:$0x1C0F0] =	vst v0  }
0x58: {  	[tilespmem:$0x1C100] =	vst v0  }
0x59: {  	[tilespmem:$0x1C110] =	vst v0  }
0x5a: {  	[tilespmem:$0x1C120] =	vst v0  }
0x5b: {  	[tilespmem:$0x1C130] =	vst v0  }
0x5c: {  	[tilespmem:$0x1C140] =	vst v0  }
0x5d: {  	[tilespmem:$0x1C150] =	vst v0  }
0x5e: {  	[tilespmem:$0x1C160] =	vst v0  }
0x5f: {  	[tilespmem:$0x1C170] =	vst v0  }
0x60: {  	[tilespmem:$0x1C180] =	vst v0  }
0x61: {  	[tilespmem:$0x1C190] =	vst v0  }
0x62: {  	[tilespmem:$0x1C1A0] =	vst v0  }
0x63: {  	[tilespmem:$0x1C1B0] =	vst v0  }
0x64: {  	[tilespmem:$0x1C1C0] =	vst v0  }
0x65: {  	[tilespmem:$0x1C1D0] =	vst v0  }
0x66: {  	[tilespmem:$0x1C1E0] =	vst v0  }
0x67: {  	[tilespmem:$0x1C1F0] =	vst v0  }
0x68: {  	[tilespmem:$0x1C200] =	vst v0  }
0x69: {  	[tilespmem:$0x1C210] =	vst v0  }
0x6a: {  	[tilespmem:$0x1C220] =	vst v0  }
0x6b: {  	[tilespmem:$0x1C230] =	vst v0  }
0x6c: {  	[tilespmem:$0x1C240] =	vst v0  }
0x6d: {  	[tilespmem:$0x1C250] =	vst v0  }
0x6e: {  	[tilespmem:$0x1C260] =	vst v0  }
0x6f: {  	[tilespmem:$0x1C270] =	vst v0  }
0x70: {  	[tilespmem:$0x1C280] =	vst v0  }
0x71: {  	[tilespmem:$0x1C290] =	vst v0  }
0x72: {  	[tilespmem:$0x1C2A0] =	vst v0  }
0x73: {  	[tilespmem:$0x1C2B0] =	vst v0  }
0x74: {  	[tilespmem:$0x1C2C0] =	vst v0  }
0x75: {  	[tilespmem:$0x1C2D0] =	vst v0  }
0x76: {  	[tilespmem:$0x1C2E0] =	vst v0  }
0x77: {  	[tilespmem:$0x1C2F0] =	vst v0  }
0x78: {  	[tilespmem:$0x1C300] =	vst v0  }
0x79: {  	[tilespmem:$0x1C310] =	vst v0  }
0x7a: {  	[tilespmem:$0x1C320] =	vst v0  }
0x7b: {  	[tilespmem:$0x1C330] =	vst v0  }
0x7c: {  	[tilespmem:$0x1C340] =	vst v0  }
0x7d: {  	[tilespmem:$0x1C350] =	vst v0  }
0x7e: {  	[tilespmem:$0x1C360] =	vst v0  }
0x7f: {  	[tilespmem:$0x1C370] =	vst v0  }
0x80: {  	[tilespmem:$0x1C380] =	vst v0  }
0x81: {  	[tilespmem:$0x1C390] =	vst v0  }
0x82: {  	[tilespmem:$0x1C3A0] =	vst v0  }
0x83: {  	[tilespmem:$0x1C3B0] =	vst v0  }
0x84: {  	[tilespmem:$0x1C3C0] =	vst v0  }
0x85: {  	[tilespmem:$0x1C3D0] =	vst v0  }
0x86: {  	[tilespmem:$0x1C3E0] =	vst v0  }
0x87: {  	[tilespmem:$0x1C3F0] =	vst v0  }
0x88: {  	[tilespmem:$0x1C400] =	vst v0  }
0x89: {  	[tilespmem:$0x1C410] =	vst v0  }
0x8a: {  	[tilespmem:$0x1C420] =	vst v0  }
0x8b: {  	[tilespmem:$0x1C430] =	vst v0  }
0x8c: {  	[tilespmem:$0x1C440] =	vst v0  }
0x8d: {  	[tilespmem:$0x1C450] =	vst v0  }
0x8e: {  	[tilespmem:$0x1C460] =	vst v0  }
0x8f: {  	[tilespmem:$0x1C470] =	vst v0  }
0x90: {  	[tilespmem:$0x1C480] =	vst v0  }
0x91: {  	[tilespmem:$0x1C490] =	vst v0  }
0x92: {  	[tilespmem:$0x1C4A0] =	vst v0  }
0x93: {  	[tilespmem:$0x1C4B0] =	vst v0  }
0x94: {  	[tilespmem:$0x1C4C0] =	vst v0  }
0x95: {  	[tilespmem:$0x1C4D0] =	vst v0  }
0x96: {  	[tilespmem:$0x1C4E0] =	vst v0  }
0x97: {  	[tilespmem:$0x1C4F0] =	vst v0  }
0x98: {  	[tilespmem:$0x1C500] =	vst v0  }
0x99: {  	[tilespmem:$0x1C510] =	vst v0  }
0x9a: {  	[tilespmem:$0x1C520] =	vst v0  }
0x9b: {  	[tilespmem:$0x1C530] =	vst v0  }
0x9c: {  	[tilespmem:$0x1C540] =	vst v0  }
0x9d: {  	[tilespmem:$0x1C550] =	vst v0  }
0x9e: {  	[tilespmem:$0x1C560] =	vst v0  }
0x9f: {  	[tilespmem:$0x1C570] =	vst v0  }
0xa0: {  	[tilespmem:$0x1C580] =	vst v0  }
0xa1: {  	[tilespmem:$0x1C590] =	vst v0  }
0xa2: {  	[tilespmem:$0x1C5A0] =	vst v0  }
0xa3: {  	[tilespmem:$0x1C5B0] =	vst v0  }
0xa4: {  	[spmem:s8] =	stream.linear.scatter [tilespmem:s23], [sflag:$0x1], $0x780, $0x38;
	[tilespmem:$0x1C5C0] =	vst v63  }
0xa5: {  	_ =	swait.ge [sflag:s24], $0x780  }
0xa6: {  	[sflag:s24] =	ssyncset.done $0x0  }
0xa7: {  	s5 =	rddreg [dreg:$0x6];
	[sflag:s24] =	ssyncadd.s32 $0xFFFFF880  }
0xa8: {  	[spmem:s5] =	stream.linear.scatter [tilespmem:s23], [sflag:$0x1], $0x780, $0x38;
	[tilespmem:$0x1C5C0] =	vst v63  }
0xa9: {  	_ =	swait.ge [sflag:s24], $0x780  }
0xaa: {  	[sflag:s24] =	ssyncset.done $0x0  }
0xab: {  	s13 =	rddreg [dreg:$0x7];
	[sflag:s24] =	ssyncadd.s32 $0xFFFFF880  }
0xac: {  	[spmem:s13] =	stream.linear.scatter [tilespmem:s23], [sflag:$0x1], $0x780, $0x38;
	[tilespmem:$0x1C5C0] =	vst v63  }
0xad: {  	_ =	swait.ge [sflag:s24], $0x780  }
0xae: {  	[sflag:s24] =	ssyncset.done $0x0  }
0xaf: {  	s9 =	rddreg [dreg:$0x8];
	[sflag:s24] =	ssyncadd.s32 $0xFFFFF880  }
0xb0: {  	[spmem:s9] =	stream.linear.scatter [tilespmem:s23], [sflag:$0x1], $0x780, $0x38;
	[tilespmem:$0x1C5C0] =	vst v63  }
0xb1: {  	_ =	swait.ge [sflag:s24], $0x780  }
0xb2: {  	[sflag:s24] =	ssyncset.done $0x0  }
0xb3: {  	s10 =	rddreg [dreg:$0x9];
	[sflag:s24] =	ssyncadd.s32 $0xFFFFF880  }
0xb4: {  	[spmem:s10] =	stream.linear.scatter [tilespmem:s23], [sflag:$0x1], $0x780, $0x38;
	[tilespmem:$0x1C5C0] =	vst v63  }
0xb5: {  	_ =	swait.ge [sflag:s24], $0x780  }
0xb6: {  	[sflag:s24] =	ssyncset.done $0x0  }
0xb7: {  	s11 =	rddreg [dreg:$0xb];
	[sflag:s24] =	ssyncadd.s32 $0xFFFFF880  }
0xb8: {  	[spmem:s11] =	stream.linear.scatter [tilespmem:s23], [sflag:$0x1], $0x780, $0x38;
	[tilespmem:$0x1C5C0] =	vst v63  }
0xb9: {  	_ =	swait.ge [sflag:s24], $0x780  }
0xba: {  	[sflag:s24] =	ssyncset.done $0x0  }
0xbb: {  	s12 =	rddreg [dreg:$0xd];
	[sflag:s24] =	ssyncadd.s32 $0xFFFFF880  }
0xbc: {  	[spmem:s12] =	stream.linear.scatter [tilespmem:s23], [sflag:$0x1], $0x780, $0x38;
	[tilespmem:$0x1C5C0] =	vst v63  }
0xbd: {  	_ =	swait.ge [sflag:s24], $0x780  }
0xbe: {  	[sflag:s24] =	ssyncset.done $0x0  }
0xbf: {  	s13 =	rddreg [dreg:$0xf];
	[sflag:s24] =	ssyncadd.s32 $0xFFFFF880  }
0xc0: {  	[spmem:s13] =	stream.linear.scatter [tilespmem:s23], [sflag:$0x1], $0x780, $0x38;
	[tilespmem:$0x1C5C0] =	vst v63  }
0xc1: {  	_ =	swait.ge [sflag:s24], $0x780  }
0xc2: {  	[sflag:s24] =	ssyncset.done $0x0  }
0xc3: {  	s9 =	rddreg [dreg:$0x10];
	[sflag:s24] =	ssyncadd.s32 $0xFFFFF880  }
0xc4: {  	[spmem:s9] =	stream.linear.scatter [tilespmem:s23], [sflag:$0x1], $0x780, $0x38;
	[tilespmem:$0x1C5C0] =	vst v63  }
0xc5: {  	_ =	swait.ge [sflag:s24], $0x780  }
0xc6: {  	[sflag:s24] =	ssyncset.done $0x0  }
0xc7: {  	s10 =	rddreg [dreg:$0x11];
	[sflag:s24] =	ssyncadd.s32 $0xFFFFF880  }
0xc8: {  	[spmem:s10] =	stream.linear.scatter [tilespmem:s23], [sflag:$0x1], $0x780, $0x38;
	[tilespmem:$0x1C5C0] =	vst v63  }
0xc9: {  	_ =	swait.ge [sflag:s24], $0x780  }
0xca: {  	[sflag:s24] =	ssyncset.done $0x0  }
0xcb: {  	s11 =	rddreg [dreg:$0x12];
	[sflag:s24] =	ssyncadd.s32 $0xFFFFF880  }
0xcc: {  	[spmem:s11] =	stream.linear.scatter [tilespmem:s23], [sflag:$0x1], $0x780, $0x38;
	[tilespmem:$0x1C5C0] =	vst v63  }
0xcd: {  	_ =	swait.ge [sflag:s24], $0x780  }
0xce: {  	[sflag:s24] =	ssyncset.done $0x0  }
0xcf: {  	s12 =	rddreg [dreg:$0x13];
	[sflag:s24] =	ssyncadd.s32 $0xFFFFF880  }
0xd0: {  	[spmem:s12] =	stream.linear.scatter [tilespmem:s23], [sflag:$0x1], $0x780, $0x38;
	[tilespmem:$0x1C5C0] =	vst v63  }
0xd1: {  	_ =	swait.ge [sflag:s24], $0x780  }
0xd2: {  	[sflag:s24] =	ssyncset.done $0x0  }
0xd3: {  	s13 =	rddreg [dreg:$0x14];
	[sflag:s24] =	ssyncadd.s32 $0xFFFFF880  }
0xd4: {  	[spmem:s13] =	stream.linear.scatter [tilespmem:s23], [sflag:$0x1], $0x780, $0x38;
	[tilespmem:$0x1C5C0] =	vst v63  }
0xd5: {  	_ =	swait.ge [sflag:s24], $0x780  }
0xd6: {  	[sflag:s24] =	ssyncset.done $0x0  }
0xd7: {  	s9 =	rddreg [dreg:$0x15];
	[sflag:s24] =	ssyncadd.s32 $0xFFFFF880  }
0xd8: {  	[spmem:s9] =	stream.linear.scatter [tilespmem:s23], [sflag:$0x1], $0x780, $0x38;
	[tilespmem:$0x1C5C0] =	vst v63  }
0xd9: {  	_ =	swait.ge [sflag:s24], $0x780  }
0xda: {  	[sflag:s24] =	ssyncset.done $0x0  }
0xdb: {  	s10 =	rddreg [dreg:$0x16];
	[sflag:s24] =	ssyncadd.s32 $0xFFFFF880  }
0xdc: {  	[spmem:s10] =	stream.linear.scatter [tilespmem:s23], [sflag:$0x1], $0x780, $0x38;
	[tilespmem:$0x1C5C0] =	vst v63  }
0xdd: {  	_ =	swait.ge [sflag:s24], $0x780  }
0xde: {  	[sflag:s24] =	ssyncset.done $0x0  }
0xdf: {  	s11 =	rddreg [dreg:$0x17];
	[sflag:s24] =	ssyncadd.s32 $0xFFFFF880  }
0xe0: {  	[spmem:s11] =	stream.linear.scatter [tilespmem:s23], [sflag:$0x1], $0x780, $0x38;
	[tilespmem:$0x1C5C0] =	vst v63  }
0xe1: {  	_ =	swait.ge [sflag:s24], $0x780  }
0xe2: {  	[sflag:s24] =	ssyncset.done $0x0  }
0xe3: {  	s12 =	rddreg [dreg:$0x18];
	[sflag:s24] =	ssyncadd.s32 $0xFFFFF880  }
0xe4: {  	[spmem:s12] =	stream.linear.scatter [tilespmem:s23], [sflag:$0x1], $0x780, $0x38;
	[tilespmem:$0x1C5C0] =	vst v63  }
0xe5: {  	_ =	swait.ge [sflag:s24], $0x780  }
0xe6: {  	[sflag:s24] =	ssyncset.done $0x0  }
0xe7: {  	s13 =	rddreg [dreg:$0x19];
	[sflag:s24] =	ssyncadd.s32 $0xFFFFF880  }
0xe8: {  	[spmem:s13] =	stream.linear.scatter [tilespmem:s23], [sflag:$0x1], $0x780, $0x38;
	[tilespmem:$0x1C5C0] =	vst v63  }
0xe9: {  	_ =	swait.ge [sflag:s24], $0x780  }
0xea: {  	[sflag:s24] =	ssyncset.done $0x0  }
0xeb: {  	s9 =	rddreg [dreg:$0x1a];
	[sflag:s24] =	ssyncadd.s32 $0xFFFFF880  }
0xec: {  	[spmem:s9] =	stream.linear.scatter [tilespmem:s23], [sflag:$0x1], $0x780, $0x38;
	[tilespmem:$0x1C5C0] =	vst v63  }
0xed: {  	_ =	swait.ge [sflag:s24], $0x780  }
0xee: {  	[sflag:s24] =	ssyncset.done $0x0  }
0xef: {  	s10 =	rddreg [dreg:$0x1b];
	[sflag:s24] =	ssyncadd.s32 $0xFFFFF880  }
0xf0: {  	[spmem:s10] =	stream.linear.scatter [tilespmem:s23], [sflag:$0x1], $0x780, $0x38;
	[tilespmem:$0x1C5C0] =	vst v63  }
0xf1: {  	_ =	swait.ge [sflag:s24], $0x780  }
0xf2: {  	[sflag:s24] =	ssyncset.done $0x0  }
0xf3: {  	s11 =	rddreg [dreg:$0x1c];
	[sflag:s24] =	ssyncadd.s32 $0xFFFFF880  }
0xf4: {  	[spmem:s11] =	stream.linear.scatter [tilespmem:s23], [sflag:$0x1], $0x780, $0x38;
	[tilespmem:$0x1C5C0] =	vst v63  }
0xf5: {  	_ =	swait.ge [sflag:s24], $0x780  }
0xf6: {  	[sflag:s24] =	ssyncset.done $0x0  }
0xf7: {  	s12 =	rddreg [dreg:$0x1d];
	[sflag:s24] =	ssyncadd.s32 $0xFFFFF880  }
0xf8: {  	[spmem:s12] =	stream.linear.scatter [tilespmem:s23], [sflag:$0x1], $0x780, $0x38;
	[tilespmem:$0x1C5C0] =	vst v63  }
0xf9: {  	_ =	swait.ge [sflag:s24], $0x780  }
0xfa: {  	[sflag:s24] =	ssyncset.done $0x0  }
0xfb: {  	s13 =	rddreg [dreg:$0x1e];
	[sflag:s24] =	ssyncadd.s32 $0xFFFFF880  }
0xfc: {  	[spmem:s13] =	stream.linear.scatter [tilespmem:s23], [sflag:$0x1], $0x780, $0x38;
	[tilespmem:$0x1C5C0] =	vst v63  }
0xfd: {  	_ =	swait.ge [sflag:s24], $0x780  }
0xfe: {  	[sflag:s24] =	ssyncset.done $0x0  }
0xff: {  	s9 =	rddreg [dreg:$0x1f];
	[sflag:s24] =	ssyncadd.s32 $0xFFFFF880  }
0x100: {  	[spmem:s9] =	stream.linear.scatter [tilespmem:s23], [sflag:$0x1], $0x780, $0x38;
	[tilespmem:$0x1C5C0] =	vst v63  }
0x101: {  	_ =	swait.ge [sflag:s24], $0x780  }
0x102: {  	s10 =	sld [smem:$0x7FB]  }
0x103: {  	[sflag:s24] =	ssyncset.done $0x0  }
0x104: {  	[sflag:s24] =	ssyncadd.s32 $0xFFFFF880  }
0x105: {  	[spmem:s10] =	stream.linear.scatter [tilespmem:s23], [sflag:$0x1], $0x780, $0x38;
	[tilespmem:$0x1C5C0] =	vst v63  }
0x106: {  	_ =	swait.ge [sflag:s24], $0x780  }
0x107: {  	s11 =	sld [smem:$0x7FC]  }
0x108: {  	[sflag:s24] =	ssyncset.done $0x0  }
0x109: {  	[sflag:s24] =	ssyncadd.s32 $0xFFFFF880  }
0x10a: {  	[spmem:s11] =	stream.linear.scatter [tilespmem:s23], [sflag:$0x1], $0x780, $0x38;
	[tilespmem:$0x1C5C0] =	vst v63  }
0x10b: {  	s12 =	stileid.u32;
	_ =	swait.ge [sflag:s24], $0x780  }
0x10c: {  	s5 =	sshll.u32 s12, $0x6;
	[sflag:s24] =	ssyncset.done $0x0  }
0x10d: {  	s5 =	sor.u32 $0x1C01, s5;
	s9 =	rddreg [dreg:$0xa];
	[sflag:s24] =	ssyncadd.s32 $0xFFFFF880  }
0x10e: {  	[spmem:s17], [sflag:s5] =	dma.local [hbm:s9], $0x1380  }
0x10f: {  	_ =	swait.ge [sflag:s24], $0x1380  }
0x110: {  	[sflag:s24] =	ssyncset.done $0x0  }
0x111: {  	s13 =	rddreg [dreg:$0xc];
	[sflag:s24] =	ssyncadd.s32 $0xFFFFEC80  }
0x112: {  	[spmem:s18], [sflag:s5] =	dma.local [hbm:s13], $0x4E0  }
0x113: {  	_ =	swait.ge [sflag:s24], $0x4E0  }
0x114: {  	[sflag:s24] =	ssyncset.done $0x0  }
0x115: {  	s9 =	simm.s32 @!p0 $0x1BE40;
	[sflag:s24] =	ssyncadd.s32 $0xFFFFFB20  }
0x116: {  	[spmem:s21] =	stream.linear.scatter @!p0 [tilespmem:s9], [sflag:$0x1], $0x500, $0x38;
	[tilespmem:$0x1C5C0] =	vst v63  }
0x117: {  	s9 =	simm.s32 @!p0 $0x1  }
0x118: {  	_ =	swait.ge @!p0 [sflag:s9], $0x500  }
0x119: {  	s10 =	sld [smem:$0x7FD]  }
0x11a: {  	[sflag:s9] =	ssyncset.done @!p0 $0x0  }
0x11b: {  	[sflag:s9] =	ssyncadd.s32 @!p0 $0xFFFFFB00  }
0x11c: {  	[spmem:s19], [sflag:s5] =	dma.local @!p0 [hbm:s10], $0x80  }
0x11d: {  	_ =	swait.ge @!p0 [sflag:s9], $0x80  }
0x11e: {  	[sflag:s9] =	ssyncset.done @!p0 $0x0  }
0x11f: {  	[sflag:s9] =	ssyncadd.s32 @!p0 $0xFFFFFF80  }
0x120: {  	[spmem:s20], [sflag:s5] =	dma.local @!p0 [hbm:s14], $0x20  }
0x121: {  	_ =	swait.ge @!p0 [sflag:s9], $0x20  }
0x122: {  	[sflag:s9] =	ssyncset.done @!p0 $0x0  }
0x123: {  	[sflag:s9] =	ssyncadd.s32 @!p0 $0xFFFFFFE0  }
0x124: {  	s9 =	simm.s32 $0x0;
	[bflag:$0x0] =	sbarrier.arrive $0xFFFF  }
.LBB2_2:
0x125: {  	s10 =	smul.u32 $0x50, s9;
	_ =	sdelay $0x1  }
0x126: {  	s10 =	sadd.s32 s22, s10  }
0x127: {  	s10 =	sshrl.u32 s10, $0x3  }
0x128: {  	s12 =	simm.s32 $0x0;
	s11 =	sadd.s32 s6, s10  }
0x129: {  	[tilespmem:s25], [sflag:$0x1] =	stream.linear.gather [hbm4b:s11+s12], $0x50, $0x38;
	[tilespmem:$0x1C5C0] =	vst v63  }
0x12a: {  	_ =	swait.ge [sflag:s24], $0x50  }
0x12b: {  	[sflag:s24] =	ssyncset.done $0x0  }
0x12c: {  	s10 =	sadd.s32 s7, s10;
	[sflag:s24] =	ssyncadd.s32 $0xFFFFFFB0  }
0x12d: {  	[tilespmem:s26], [sflag:$0x1] =	stream.linear.gather [hbm4b:s10+s12], $0x50, $0x38;
	[tilespmem:$0x1C5C0] =	vst v63  }
0x12e: {  	_ =	swait.ge [sflag:s24], $0x50  }
0x12f: {  	[sflag:s24] =	ssyncset.done $0x0  }
0x130: {  	[sflag:s24] =	ssyncadd.s32 $0xFFFFFFB0  }
0x131: {  	[tilespmem:s29], [sflag:$0x1] =	stream.indirect.gather [spmem:s3], $0x10, s25, s28, $0xb8;
	[tilespmem:$0x1C5C0] =	vst v63  }
0x132: {  	_ =	swait.ge [sflag:s24], $0x500  }
0x133: {  	[sflag:s24] =	ssyncset.done $0x0  }
0x134: {  	[sflag:s24] =	ssyncadd.s32 $0xFFFFFB00  }
0x135: {  	[tilespmem:s30], [sflag:$0x1] =	stream.indirect.gather [spmem:s3], $0x10, s26, s28, $0xb8;
	[tilespmem:$0x1C5C0] =	vst v63  }
0x136: {  	_ =	swait.ge [sflag:s24], $0x500  }
0x137: {  	[sflag:s24] =	ssyncset.done $0x0  }
0x138: {  	[sflag:s24] =	ssyncadd.s32 $0xFFFFFB00  }
0x139: {  	[tilespmem:s31], [sflag:$0x1] =	stream.indirect.gather [spmem:s2], $0x40, s25, s28, $0xb8;
	[tilespmem:$0x1C5C0] =	vst v63  }
0x13a: {  	_ =	swait.ge [sflag:s24], $0x1400  }
0x13b: {  	[sflag:s24] =	ssyncset.done $0x0  }
0x13c: {  	s13 =	simm.s32 $0x0;
	[sflag:s24] =	ssyncadd.s32 $0xFFFFEC00  }
0x13d: {  	v3 =	vld [tilespmem:s13+$0x18C40];
	_ =	sdelay $0x1  }
0x13e: {  	v4 =	vld [tilespmem:s13+$0x18740];
	_ =	sdelay $0x2  }
0x13f: {  	v3 =	vperm.xlane v3, v1;
	_ =	sdelay $0x1  }
0x140: {  	v3 =	vadd.f32 v3, v4;
	_ =	sdelay $0x1  }
0x141: {  	v4 =	vmul.f32 $2.000000030e-01, v3  }
0x142: {  	vm0 =	vgt.f32 v3, $0.0e+00  }
0x143: {  	v3 =	vsel vm0, v3, v4  }
0x144: {  	v3 =	vmul.f32 $1.442695020e+00, v3;
	_ =	sdelay $0x1  }
0x145: {  	(erf) = vpow2.f32 v3;
	_ =	sdelay $0x8  }
0x146: {  	s10 =	simm.s32 $0x1A560;
	v3 =	vpop (erf)  }
0x147: {  	s11 =	simm.s32 $0x19160;
	[tilespmem:s10+$0x20] =	vst v3  }
0x148: {  	v63 =	vld [tilespmem:s11+$0xFFFFFFE0];
	_ =	sdelay $0x2  }
0x149: {  	v3 =	vperm.xlane v3, v2;
	_ =	sdelay $0x1  }
0x14a: {  	v4 =	vmul.f32 v63, v3;
	_ =	sdelay $0x1  }
0x14b: {  	[tilespmem:s10+$0xFFFFFFE0] =	vst v4  }
0x14c: {  	v4 =	vld [tilespmem:s11+$0xFFFFFFF0];
	_ =	sdelay $0x4  }
0x14d: {  	v4 =	vmul.f32 v4, v3;
	_ =	sdelay $0x1  }
0x14e: {  	[tilespmem:s10+$0xFFFFFFF0] =	vst v4  }
0x14f: {  	v4 =	vld [tilespmem:s11+$0x0];
	_ =	sdelay $0x4  }
0x150: {  	v4 =	vmul.f32 v4, v3;
	_ =	sdelay $0x1  }
0x151: {  	[tilespmem:s10+$0x0] =	vst v4  }
0x152: {  	v4 =	vld [tilespmem:s11+$0x10];
	_ =	sdelay $0x4  }
0x153: {  	v3 =	vmul.f32 v4, v3;
	_ =	sdelay $0x1  }
0x154: {  	s12 =	simm.s32 $0x80;
	s13 =	simm.s32 $0x10;
	[tilespmem:s10+$0x10] =	vst v3  }
.LBB2_3:
0x155: {  	p1 =	sne.s32 s12, $0x13C0;
	v3 =	vld [tilespmem:s13+$0x18C40]  }
0x156: {  	v4 =	vld [tilespmem:s13+$0x18740];
	_ =	sdelay $0x3  }
0x157: {  	v3 =	vperm.xlane v3, v1;
	_ =	sdelay $0x1  }
0x158: {  	v3 =	vadd.f32 v3, v4;
	_ =	sdelay $0x1  }
0x159: {  	v4 =	vmul.f32 $2.000000030e-01, v3  }
0x15a: {  	vm0 =	vgt.f32 v3, $0.0e+00  }
0x15b: {  	v3 =	vsel vm0, v3, v4  }
0x15c: {  	v3 =	vmul.f32 $1.442695020e+00, v3;
	_ =	sdelay $0x1  }
0x15d: {  	(erf) = vpow2.f32 v3;
	_ =	sdelay $0x8  }
0x15e: {  	s10 =	sadd.s32 $0x50, s10;
	v3 =	vpop (erf)  }
0x15f: {  	s11 =	sadd.s32 $0x40, s11;
	[tilespmem:s10+$0x20] =	vst v3  }
0x160: {  	v4 =	vld [tilespmem:s11+$0xFFFFFFE0];
	_ =	sdelay $0x2  }
0x161: {  	v3 =	vperm.xlane v3, v2;
	_ =	sdelay $0x1  }
0x162: {  	v4 =	vmul.f32 v4, v3;
	_ =	sdelay $0x1  }
0x163: {  	[tilespmem:s10+$0xFFFFFFE0] =	vst v4  }
0x164: {  	v4 =	vld [tilespmem:s11+$0xFFFFFFF0];
	_ =	sdelay $0x4  }
0x165: {  	v4 =	vmul.f32 v4, v3;
	_ =	sdelay $0x1  }
0x166: {  	[tilespmem:s10+$0xFFFFFFF0] =	vst v4  }
0x167: {  	v4 =	vld [tilespmem:s11+$0x0];
	_ =	sdelay $0x4  }
0x168: {  	v4 =	vmul.f32 v4, v3;
	_ =	sdelay $0x1  }
0x169: {  	[tilespmem:s10+$0x0] =	vst v4  }
0x16a: {  	v4 =	vld [tilespmem:s11+$0x10];
	_ =	sdelay $0x2  }
.Ltmp0:
0x16b: {  	(pc) =	sbr.rel @p1 .LBB2_3-.Ltmp0, $3  }
0x16c: {  	_ = 	snop  }
0x16d: {  	v3 =	vmul.f32 v4, v3;
	_ =	sdelay $0x1  }
0x16e: {  	s13 =	sshra.s32 s12, $0x2;
	s12 =	sadd.s32 $0x40, s12;
	[tilespmem:s10+$0x10] =	vst v3  }
0x16f: {  	v3 =	vld [tilespmem:s13+$0x18C40];
	_ =	sdelay $0x1  }
0x170: {  	v4 =	vld [tilespmem:s13+$0x18740];
	_ =	sdelay $0x2  }
0x171: {  	v3 =	vperm.xlane v3, v1;
	_ =	sdelay $0x1  }
0x172: {  	v3 =	vadd.f32 v3, v4;
	_ =	sdelay $0x1  }
0x173: {  	v4 =	vmul.f32 $2.000000030e-01, v3  }
0x174: {  	vm0 =	vgt.f32 v3, $0.0e+00  }
0x175: {  	v3 =	vsel vm0, v3, v4  }
0x176: {  	v3 =	vmul.f32 $1.442695020e+00, v3;
	_ =	sdelay $0x1  }
0x177: {  	(erf) = vpow2.f32 v3;
	_ =	sdelay $0x8  }
0x178: {  	s10 =	sadd.s32 $0x50, s10;
	v3 =	vpop (erf)  }
0x179: {  	s11 =	sadd.s32 $0x40, s11;
	[tilespmem:s10+$0x20] =	vst v3  }
0x17a: {  	v63 =	vld [tilespmem:s11+$0xFFFFFFE0];
	_ =	sdelay $0x2  }
0x17b: {  	v3 =	vperm.xlane v3, v2;
	_ =	sdelay $0x1  }
0x17c: {  	v4 =	vmul.f32 v63, v3;
	_ =	sdelay $0x1  }
0x17d: {  	[tilespmem:s10+$0xFFFFFFE0] =	vst v4  }
0x17e: {  	v4 =	vld [tilespmem:s11+$0xFFFFFFF0];
	_ =	sdelay $0x4  }
0x17f: {  	v4 =	vmul.f32 v4, v3;
	_ =	sdelay $0x1  }
0x180: {  	[tilespmem:s10+$0xFFFFFFF0] =	vst v4  }
0x181: {  	v4 =	vld [tilespmem:s11+$0x0];
	_ =	sdelay $0x4  }
0x182: {  	v4 =	vmul.f32 v4, v3;
	_ =	sdelay $0x1  }
0x183: {  	[tilespmem:s10+$0x0] =	vst v4  }
0x184: {  	v4 =	vld [tilespmem:s11+$0x10];
	_ =	sdelay $0x4  }
0x185: {  	s9 =	sadd.s32 $0x1, s9;
	v3 =	vmul.f32 v4, v3  }
0x186: {  	p1 =	sne.s32 s9, $0xFA  }
.Ltmp1:
0x187: {  	[tilespmem:s10+$0x10] =	vst v3;
	(pc) =	sbr.rel @p1 .LBB2_2-.Ltmp1, $4  }
0x188: {  	[spmem:s1] =	stream.indirect.scatter.add.f32 [tilespmem:s0], [sflag:$0x1], $0x50, s26, s28, $0xb8;
	[tilespmem:$0x1C5C0] =	vst v63  }
0x189: {  	_ =	swait.ge [sflag:s24], $0x1900  }
0x18a: {  	[sflag:s24] =	ssyncset.done $0x0  }
0x18b: {  	[sflag:s24] =	ssyncadd.s32 $0xFFFFE700  }
0x18c: {  	[bflag:$0x0] =	sbarrier.arrive $0xFFFF  }
0x18d: {  	s9 =	sshrl.u32 s8, $0x3;
	s10 =	rddreg [dreg:$0xe]  }
0x18e: {  	[hbm:s10], [sflag:s5] =	dma.local [spmem:s9], $0x1860  }
0x18f: {  	_ =	swait.ge [sflag:s24], $0x1860  }
0x190: {  	s4 =	sadd.s32 $0x1, s4;
	[sflag:s24] =	ssyncset.done $0x0  }
0x191: {  	p1 =	sne.s32 s4, s16;
	s9 =	sshrl.u32 @!p0 s21, $0x3;
	[sflag:s24] =	ssyncadd.s32 $0xFFFFE7A0  }
0x192: {  	[hbm:s15], [sflag:s5] =	dma.local @!p0 [spmem:s9], $0xA0  }
.Ltmp2:
0x193: {  	_ = 	snop;
	(pc) =	sbr.rel @p1 .LBB2_1-.Ltmp2, $4  }
0x194: {  	s5 =	simm.s32 @!p0 $0x1  }
0x195: {  	_ =	swait.ge @!p0 [sflag:s5], $0xA0  }
0x196: {  	[sflag:s5] =	ssyncset.done @!p0 $0x0  }
0x197: {  	[sflag:s5] =	ssyncadd.s32 @!p0 $0xFFFFFF60  }
0x198: {  	_ =	sfence.sel $0x180000  }
0x199: {  	[bflag:$0x0] =	sbarrier.arrive $0xFFFF  }
0x19a: {  	_ =	strace $0x9000004A  }
0x19b: {  	s0 =	stileid.u32;
	[bflag:$0x2] =	sbarrier.arrive $0xFFFF  }
0x19c: {  	p0 =	sne.s32 s0, $0x0;
	s0 =	rddreg [dreg:$0x5]  }
0x19d: {  	s0 =	sadd.s32 @!p0 $0x100000, s0  }
0x19e: {  	[sflag:s0] =	ssyncadd.tile.s32 @!p0 $0x1;
	_ =	shalt  }
.Lfunc_end2:
_tile_overlayer_lowered:
.L_overlay_start_2:
0x19f: {  	(tag) =	ssettag $0x2  }
0x1a0: {  	s0 =	rddreg [dreg:$0x0];
	s2 =	stileid.u32  }
0x1a1: {  	s1 =	rddreg [dreg:$0x1];
	p0 =	sne.s32 s2, $0x0  }
0x1a2: {  	s3 =	rddreg [dreg:$0x2];
	[bflag:$0x3] =	sbarrier.arrive $0xFFFF;
	s2 =	simm.s32 @!p0 $0x1C01  }
0x1a3: {  	[timem:s3], [sflag:s2] =	dma.local @!p0 [hbm:s0], s1  }
0x1a4: {  	s0 =	simm.s32 @!p0 $0x1  }
0x1a5: {  	_ =	swait.ge @!p0 [sflag:s0], s1  }
0x1a6: {  	s1 =	ssub.s32 @!p0 $0x0, s1;
	[sflag:s0] =	ssyncset.done @!p0 $0x0  }
0x1a7: {  	[sflag:s0] =	ssyncadd.s32 @!p0 s1  }
0x1a8: {  	[bflag:$0x3] =	sbarrier.arrive $0xFFFF  }
0x1a9: {  	_ =	shalt  }

// kernel: kernel.7.cloned.1.call-start
scs
__scs_entry_jumppad:
0x0: {  	(pc) =	sbr.rel $0x88, $3  }
0x1: {  	(tag) =	ssettag $0x0;
	lr =	simm.s32 $0x1  }
0x2: {  	[smem:$0x3F97] =	sst lr;
	_ =	strace $0xD0000000  }
0x3: {  	_ = 	snop  }
0x4: {  	_ = 	snop  }
0x5: {  	_ = 	snop  }
0x6: {  	_ = 	snop  }
0x7: {  	_ = 	snop  }
__scs_overlays_trampoline_lowered:
0x8: {  	[smem:$0x3FA6] =	sst s0  }
0x9: {  	[smem:$0x3FA7] =	sst s1  }
0xa: {  	[smem:$0x3FA8] =	sst s2  }
0xb: {  	[smem:$0x3FA9] =	sst s3  }
0xc: {  	[smem:$0x3FAA] =	sst s4  }
0xd: {  	[smem:$0x3FAB] =	sst s5  }
0xe: {  	[smem:$0x3FAC] =	sst s6  }
0xf: {  	[smem:$0x3FAD] =	sst s7  }
0x10: {  	[smem:$0x3FAE] =	sst s8  }
0x11: {  	[smem:$0x3FAF] =	sst s9;
	s0 =	simm.s32 @!p0 $0x0  }
0x12: {  	s1 =	sld [smem:$0x3F95];
	s0 =	simm.s32 @p0 $0x1  }
0x13: {  	[smem:$0x3FB0] =	sst s0;
	s0 =	simm.s32 @!p1 $0x0  }
0x14: {  	s2 =	sld [smem:$0x3F94];
	s0 =	simm.s32 @p1 $0x1  }
0x15: {  	[smem:$0x3FB1] =	sst s0;
	s0 =	simm.s32 @!p2 $0x0  }
0x16: {  	s3 =	sld [smem:$0x3FDB];
	s0 =	simm.s32 @p2 $0x1  }
0x17: {  	s4 =	simm.s32 $0x1BF5;
	[smem:$0x3FB3] =	sst s0  }
0x18: {  	s0 =	sld [smem:$0x3F96];
	_ =	swait.ge [sflag:s4], $0x0  }
0x19: {  	s7 =	sld [smem:$0x3F97]  }
0x1a: {  	s8 =	sadd.s32 $0xFFFFE003, lr  }
0x1b: {  	s9 =	sadd.s32 $0xFFFFFEF7, lr;
	s5 =	simm.s32 $0xFFFFFFFF;
	p2 =	slt.u32 s8, $0xFFFFF086  }
0x1c: {  	p1 =	slt.u32 s9, $0xF7A;
	s5 =	simm.s32 @!p2 $0x0  }
0x1d: {  	s5 =	simm.s32 @p1 $0x1;
	p0 =	seq.s32 s7, s2  }
0x1e: {  	s7 =	smul.u32 @!p0 $0xF7A, s2;
	p2 =	seq.s32 @!p0 s5, $0x0  }
0x1f: {  	s9 =	smul.u32 $0xF7A, s1;
	s8 =	simm.s32 @!p0 $0x1BF5;
	p2 =	por !p2, p0  }
0x20: {  	[sflag:s8] =	ssyncset.s32 @!p0 $0xFFFFF086;
	s6 =	sadd.s32 @!p0 s3, s7;
	s7 =	simm.s32 @!p0 $0x108  }
0x21: {  	s3 =	sadd.s32 s3, s9;
	s6 =	sadd.s32 @!p0 $0x88, s6;
	s7 =	simm.s32 @p2 $0x1082  }
0x22: {  	[simem:s7], [sflag:s8] =	dma.local @!p0 [hbm:s6], $0xF7A  }
0x23: {  	s9 =	sor.u32 $0xD0000000, s2;
	s6 =	simm.s32 $0x108;
	_ =	swait.ge @!p0 [sflag:s8], $0x0  }
0x24: {  	s3 =	sadd.s32 $0x88, s3;
	s6 =	simm.s32 @!p1 $0x1082;
	[sflag:s4] =	ssyncset.s32 $0xFFFFF086  }
0x25: {  	[simem:s6], [sflag:s4] =	dma.local [hbm:s3], $0xF7A  }
0x26: {  	[smem:$0x3F97] =	sst s1;
	(tag) =	ssettag s2;
	_ =	strace s9  }
0x27: {  	s1 =	sld [smem:$0x3FA7]  }
0x28: {  	s2 =	sld [smem:$0x3FA8]  }
0x29: {  	s4 =	sld [smem:$0x3FAA]  }
0x2a: {  	p0 =	seq.s32 s5, $0x0;
	s5 =	sld [smem:$0x3FAB]  }
0x2b: {  	s6 =	sld [smem:$0x3FAC]  }
0x2c: {  	s7 =	sld [smem:$0x3FAD]  }
0x2d: {  	s3 =	simm.s32 $0x108;
	s8 =	sld [smem:$0x3FAE]  }
0x2e: {  	s3 =	simm.s32 @!p0 $0x1082;
	s9 =	sld [smem:$0x3FAF]  }
0x2f: {  	lr =	sadd.s32 s0, s3;
	s0 =	sld [smem:$0x3FA6]  }
0x30: {  	s3 =	sld [smem:$0x3FA9]  }
0x31: {  	[smem:$0x3FB2] =	sst s10  }
0x32: {  	s10 =	sld [smem:$0x3FB0];
	_ =	sdelay $0x3  }
0x33: {  	p0 =	seq.s32 s10, $0x1;
	s10 =	sld [smem:$0x3FB2];
	_ =	sdelay $0x3  }
0x34: {  	[smem:$0x3FB2] =	sst s10  }
0x35: {  	s10 =	sld [smem:$0x3FB1];
	_ =	sdelay $0x3  }
0x36: {  	p1 =	seq.s32 s10, $0x1;
	s10 =	sld [smem:$0x3FB2];
	_ =	sdelay $0x3  }
0x37: {  	[smem:$0x3FB2] =	sst s10  }
0x38: {  	s10 =	sld [smem:$0x3FB3]  }
0x39: {  	_ = 	snop;
	(pc) =	sbr.ind lr, $3  }
0x3a: {  	_ = 	snop  }
0x3b: {  	_ = 	snop  }
0x3c: {  	p2 =	seq.s32 s10, $0x1;
	s10 =	sld [smem:$0x3FB2]  }
0x3d: {  	_ =	shalt  }
0x3e: {  	_ =	shalt  }
0x3f: {  	_ =	shalt  }
0x40: {  	_ =	shalt  }
0x41: {  	_ =	shalt  }
0x42: {  	_ =	shalt  }
0x43: {  	_ =	shalt  }
0x44: {  	_ =	shalt  }
0x45: {  	_ =	shalt  }
0x46: {  	_ =	shalt  }
0x47: {  	_ =	shalt  }
0x48: {  	_ =	shalt  }
0x49: {  	_ =	shalt  }
0x4a: {  	_ =	shalt  }
0x4b: {  	_ =	shalt  }
0x4c: {  	_ =	shalt  }
0x4d: {  	_ =	shalt  }
0x4e: {  	_ =	shalt  }
0x4f: {  	_ =	shalt  }
0x50: {  	_ =	shalt  }
0x51: {  	_ =	shalt  }
0x52: {  	_ =	shalt  }
0x53: {  	_ =	shalt  }
0x54: {  	_ =	shalt  }
0x55: {  	_ =	shalt  }
0x56: {  	_ =	shalt  }
0x57: {  	_ =	shalt  }
0x58: {  	_ =	shalt  }
0x59: {  	_ =	shalt  }
0x5a: {  	_ =	shalt  }
0x5b: {  	_ =	shalt  }
0x5c: {  	_ =	shalt  }
0x5d: {  	_ =	shalt  }
0x5e: {  	_ =	shalt  }
0x5f: {  	_ =	shalt  }
0x60: {  	_ =	shalt  }
0x61: {  	_ =	shalt  }
0x62: {  	_ =	shalt  }
0x63: {  	_ =	shalt  }
0x64: {  	_ =	shalt  }
0x65: {  	_ =	shalt  }
0x66: {  	_ =	shalt  }
0x67: {  	_ =	shalt  }
0x68: {  	_ =	shalt  }
0x69: {  	_ =	shalt  }
0x6a: {  	_ =	shalt  }
0x6b: {  	_ =	shalt  }
0x6c: {  	_ =	shalt  }
0x6d: {  	_ =	shalt  }
0x6e: {  	_ =	shalt  }
0x6f: {  	_ =	shalt  }
0x70: {  	_ =	shalt  }
0x71: {  	_ =	shalt  }
0x72: {  	_ =	shalt  }
0x73: {  	_ =	shalt  }
0x74: {  	_ =	shalt  }
0x75: {  	_ =	shalt  }
0x76: {  	_ =	shalt  }
0x77: {  	_ =	shalt  }
0x78: {  	_ =	shalt  }
0x79: {  	_ =	shalt  }
0x7a: {  	_ =	shalt  }
0x7b: {  	_ =	shalt  }
0x7c: {  	_ =	shalt  }
0x7d: {  	_ =	shalt  }
0x7e: {  	_ =	shalt  }
0x7f: {  	_ =	shalt  }
0x80: {  	_ =	shalt  }
0x81: {  	_ =	shalt  }
0x82: {  	_ =	shalt  }
0x83: {  	_ =	shalt  }
0x84: {  	_ =	shalt  }
0x85: {  	_ =	shalt  }
0x86: {  	_ =	shalt  }
0x87: {  	_ =	shalt  }
.Lfunc_end0:
.L_simem_size_0:
called_computation_lowered:
.L_overlay_start_0:
0x88: {  	s2 =	sld [smem:$0x3FD9]  }
0x89: {  	s3 =	sld [smem:$0x3FFE];
	_ =	sdelay $0x1  }
0x8a: {  	s1 =	srdreg.scid  }
0x8b: {  	s0 =	sand.u32 $0x1, s1  }
0x8c: {  	s17 =	sshll.u32 s0, $0xA;
	s2 =	sadd.s32 s3, s2  }
0x8d: {  	s2 =	sadd.s32 s2, s17  }
0x8e: {  	[smem:$0x3FBE] =	sst s2  }
0x8f: {  	_ = 	snop  }
0x90: {  	s2 =	sld [smem:$0x3FD0];
	(tm) =	ssettm $0x1  }
0x91: {  	s18 =	sld [smem:$0x3FFB];
	_ =	sdelay $0x3  }
0x92: {  	_ =	strace s18  }
0x93: {  	s3 =	sld [smem:$0x3FFC];
	_ =	sdelay $0x3  }
0x94: {  	_ =	strace s3  }
0x95: {  	s3 =	sld [smem:$0x3FFD];
	_ =	sdelay $0x3  }
0x96: {  	_ =	strace s3  }
0x97: {  	_ =	strace $0x8FFFFFFF  }
0x98: {  	s19 =	sld [smem:$0x3FDB];
	_ =	sdelay $0x1  }
0x99: {  	s4 =	simm.s32 $_scs_section_size  }
0x9a: {  	s5 =	simm.s32 $_size__tile_overlayer_lowered;
	s6 =	simm.s32 $_tile_overlayer_lowered  }
0x9b: {  	s22 =	simm.s32 $0x1BFF;
	s21 =	sshll.u32 s6, $0x1;
	s3 =	sadd.s32 s4, s19  }
0x9c: {  	s7 =	simm.s32 $0x0;
	s20 =	sshll.u32 s5, $0x1;
	s5 =	sadd.s32 s21, s3  }
0x9d: {  	[timem:s7], [sflag:s22] =	dma.local [hbm:s5], s20  }
0x9e: {  	_ =	swait.ge [sflag:s22], s20  }
0x9f: {  	s4 =	ssub.s32 $0x0, s20;
	[sflag:s22] =	ssyncset.done $0x0  }
0xa0: {  	[sflag:s22] =	ssyncadd.s32 s4;
	_ =	sdelay $0x1  }
0xa1: {  	s23 =	simm.s32 $0x1B8B  }
0xa2: {  	_ =	swait.ge [sflag:s23], $0x1  }
0xa3: {  	[sflag:s23] =	ssyncset.done $0x0  }
0xa4: {  	s25 =	simm.s32 $0x1B8E;
	s24 =	sld [smem:$0x3FFE];
	[sflag:s23] =	ssyncadd.s32 $0xFFFFFFFF  }
0xa5: {  	s26 =	simm.s32 $execute0_lowered;
	[smem:$0x3FD2] =	sst s25  }
0xa6: {  	s5 =	sshll.u32 s26, $0x1;
	_ =	strace $0x80000046;
	[dreg:$0x1] =	wrdreg $0xFFFFFFFF  }
0xa7: {  	s28 =	simm.s32 $_size_execute0_lowered;
	s3 =	sadd.s32 s3, s5;
	[dreg:$0x0] =	wrdreg $0x0  }
0xa8: {  	s5 =	sshll.u32 s28, $0x1;
	[dreg:$0x2] =	wrdreg s3  }
0xa9: {  	[dreg:$0x3] =	wrdreg s5  }
0xaa: {  	[dreg:$0x4] =	wrdreg $0xC0  }
0xab: {  	_ =	task [dreg:s7], $0x5FFFF  }
0xac: {  	[dreg:$0x1] =	wrdreg $0xFFFFFFFF  }
0xad: {  	[dreg:$0x0] =	wrdreg $0x60  }
0xae: {  	[dreg:$0x2] =	wrdreg s24  }
0xaf: {  	[dreg:$0x3] =	wrdreg s2  }
0xb0: {  	[dreg:$0x4] =	wrdreg $0x4E200  }
0xb1: {  	[dreg:$0x5] =	wrdreg $0x0  }
0xb2: {  	[dreg:$0x6] =	wrdreg $0xC3500  }
0xb3: {  	[dreg:$0x7] =	wrdreg $0x9  }
0xb4: {  	_ =	task.clear_ibuf [dreg:s7], $0x8FFFF;
	_ =	strace $0x90000046  }
0xb5: {  	s29 =	simm.s32 $0x9;
	_ =	strace $0x80000048  }
0xb6: {  	_ =	swait.ge [sflag:s29], $0x1  }
0xb7: {  	[sflag:s29] =	ssyncadd.s32 $0xFFFFFFFF  }
0xb8: {  	_ =	strace $0x90000048  }
0xb9: {  	_ =	sfence  }
0xba: {  	s30 =	sld [smem:$0x0];
	_ =	sdelay $0x2  }
0xbb: {  	s31 =	sshll.u32 s1, $0xD;
	s1 =	sshrl.u32 s1, $0x2  }
0xbc: {  	s3 =	sand.u32 $0x4000, s31;
	s1 =	sadd.s32 s1, s30  }
0xbd: {  	s0 =	sor.u32 s3, s0;
	s1 =	sshll.u32 s1, $0x11  }
0xbe: {  	s0 =	sor.u32 s1, s0  }
0xbf: {  	s0 =	sadd.s32 $0x8F2B, s0  }
0xc0: {  	[sflag:s0] =	ssyncadd.remote.s32 $0x1  }
0xc1: {  	_ =	sfence.sel $0xFFFF  }
0xc2: {  	[dreg:$0x0] =	wrdreg $0xFFFFFFFF;
	(pc) =	sbr.abs _section_cstart, $3  }
0xc3: {  	[dreg:$0x1] =	wrdreg $0xFFFFFFFF  }
0xc4: {  	_ =	task.clear_ibuf [dreg:s7], $0x2FFFF;
	_ =	strace $0x9FFFFFFF  }
0xc5: {  	(tm) =	ssettm $0x7FFFFFFF  }
tec
execute0_lowered:
.L_overlay_start_1:
0x0: {  	(tag) =	ssettag $0x1  }
0x1: {  	s0 =	rddreg [dreg:$0x0]  }
0x2: {  	s5 =	rddreg [dreg:$0x1]  }
0x3: {  	s1 =	rddreg [dreg:$0x2]  }
0x4: {  	s2 =	rddreg [dreg:$0x3]  }
0x5: {  	s3 =	rddreg [dreg:$0x4];
	s4 =	simm.s32 $0x0;
	s22 =	stileid.u32  }
0x6: {  	s8 =	srdreg.scid;
	s28 =	simm.s32 $0xA0;
	s29 =	simm.s32 $0xEBA0  }
0x7: {  	s30 =	simm.s32 $0xF5A0;
	[smem:$0x7FF] =	sst s4;
	s11 =	smul.u32 $0x1D400, s22  }
0x8: {  	s9 =	sadd.s32 $0x63200, s0;
	s10 =	sadd.s32 $0x15000, s0;
	s12 =	smul.u32 $0x7500, s22  }
0x9: {  	s6 =	sadd.s32 $0xB200, s0;
	s26 =	sand.u32 $0x1, s8;
	s15 =	smul.u32 $0x4E00, s22  }
0xa: {  	s7 =	sadd.s32 $0x1400, s0;
	s13 =	smul.u32 $0x4E200, s26;
	s11 =	sshrl.u32 s11, $0x2  }
0xb: {  	_ =	strace $0x80000047;
	s17 =	smul.u32 $0x27100, s26;
	s11 =	sadd.s32 s11, s1  }
0xc: {  	s8 =	ssub.s32 $0x2, s26;
	s0 =	smul.u32 $0x75300, s26;
	s18 =	sadd.s32 $0x480, s11  }
0xd: {  	s14 =	sshrl.u32 s8, $0x1;
	s19 =	sadd.s32 $0x900, s11;
	[dreg:$0x6] =	wrdreg s18  }
0xe: {  	s16 =	ssub.s32 s8, s14;
	s23 =	sadd.s32 $0x1680, s11;
	[dreg:$0x7] =	wrdreg s19  }
0xf: {  	s20 =	sadd.s32 s15, s13;
	s26 =	sadd.s32 $0x1B00, s11;
	[dreg:$0xb] =	wrdreg s23  }
0x10: {  	s14 =	sshrl.u32 s20, $0x3;
	s20 =	sadd.s32 $0x3180, s11;
	[dreg:$0xd] =	wrdreg s26  }
0x11: {  	s8 =	sadd.s32 s12, s1;
	s18 =	sadd.s32 $0xD80, s11;
	[dreg:$0x13] =	wrdreg s20  }
0x12: {  	s12 =	sadd.s32 s12, s0;
	s19 =	sadd.s32 $0x1200, s11;
	[dreg:$0x8] =	wrdreg s18  }
0x13: {  	s12 =	sshrl.u32 s12, $0x3;
	s14 =	sadd.s32 s9, s14;
	[dreg:$0x9] =	wrdreg s19  }
0x14: {  	s31 =	simm.s32 $0xFFA0;
	s12 =	sadd.s32 s5, s12;
	[dreg:$0xa] =	wrdreg s14  }
0x15: {  	p0 =	sne.s32 s22, $0xF;
	s23 =	sadd.s32 $0x3A80, s11;
	[dreg:$0xe] =	wrdreg s12  }
0x16: {  	s13 =	sshrl.u32 s13, $0x3;
	s26 =	sadd.s32 $0x4800, s11;
	[dreg:$0x15] =	wrdreg s23  }
0x17: {  	s25 =	sshrl.u32 s17, $0x3;
	s20 =	sadd.s32 $0x6300, s11;
	[dreg:$0x18] =	wrdreg s26  }
0x18: {  	s0 =	sshrl.u32 s0, $0x3;
	s14 =	sadd.s32 $0x2400, s11;
	[dreg:$0x1e] =	wrdreg s20  }
0x19: {  	s0 =	sadd.s32 s5, s0;
	s19 =	sadd.s32 $0x2D00, s11;
	[dreg:$0x10] =	wrdreg s14  }
0x1a: {  	s16 =	smax.u32 s16, $0x1;
	s12 =	sadd.s32 $0x4C80, s11;
	[dreg:$0x12] =	wrdreg s19  }
0x1b: {  	s9 =	sadd.s32 s9, s13;
	s23 =	sadd.s32 $0x6C00, s11;
	[dreg:$0x19] =	wrdreg s12  }
0x1c: {  	s18 =	smul.u32 $0x2700, s22;
	s9 =	sadd.s32 $0x9C00, s9;
	[smem:$0x7FB] =	sst s23  }
0x1d: {  	s22 =	smul.u32 $0x4E20, s22;
	s14 =	sadd.s32 $0x5580, s11;
	[smem:$0x7FD] =	sst s9  }
0x1e: {  	s19 =	sadd.s32 $0x5E80, s11;
	s23 =	simm.s32 $0x131A0;
	[dreg:$0x1b] =	wrdreg s14  }
0x1f: {  	s21 =	sadd.s32 s18, s17;
	s17 =	sadd.s32 $0x2880, s11;
	[dreg:$0x1d] =	wrdreg s19  }
0x20: {  	s24 =	sshrl.u32 s21, $0x3;
	[dreg:$0x11] =	wrdreg s17;
	s21 =	sadd.s32 $0x3600, s11  }
0x21: {  	s26 =	sadd.s32 s18, s3;
	s17 =	sadd.s32 $0x5A00, s11;
	[dreg:$0x14] =	wrdreg s21  }
0x22: {  	s18 =	sshrl.u32 s26, $0x3;
	s13 =	sadd.s32 s10, s24;
	[dreg:$0x1c] =	wrdreg s17  }
0x23: {  	s26 =	simm.s32 $0xEB00;
	s24 =	sadd.s32 $0x3F00, s11;
	[dreg:$0xc] =	wrdreg s13  }
0x24: {  	s10 =	sadd.s32 s10, s25;
	s25 =	sadd.s32 $0x4380, s11;
	[dreg:$0x16] =	wrdreg s24  }
0x25: {  	v0 =	vimm.s32 $0xBA987654;
	s21 =	sadd.s32 $0x6780, s11;
	s13 =	sadd.s32 $0x1F80, s11;
	[dreg:$0x17] =	wrdreg s25  }
0x26: {  	v0 =	vunpack.c.l.s4.s8 v0;
	[dreg:$0x1f] =	wrdreg s21;
	s24 =	sadd.s32 $0x7080, s11;
	s25 =	sadd.s32 s15, s2  }
0x27: {  	s14 =	sadd.s32 $0x4E00, s10;
	s15 =	sadd.s32 $0xEA00, s0;
	s0 =	sadd.s32 $0x4E000, s2  }
0x28: {  	v1 =	vimm.s32 $0xF0E0D0C;
	v0 =	vunpack.c.0.s8.s32 v0;
	s21 =	sadd.s32 $0x75000, s1;
	[dreg:$0xf] =	wrdreg s13;
	s13 =	sadd.s32 $0x5100, s11  }
0x29: {  	vm0 =	vcmask $0x1F00;
	v2 =	vlaneseq.u32;
	v1 =	vunpack.c.0.s8.s32 v1;
	[smem:$0x7FC] =	sst s24;
	s17 =	sshrl.u32 s25, $0x3;
	s19 =	sshrl.u32 @!p0 s0, $0x3  }
0x2a: {  	vm15 =	vcmask $0x2F20;
	v3 =	vnsel vm0, $0xF, v0;
	v0 =	vshrl.u32 v2, $0x3;
	s0 =	sadd.s32 $0x27000, s3;
	s24 =	simm.s32 $0x1;
	s25 =	simm.s32 $0xEA60  }
0x2b: {  	v2 =	vimm.f32 $0.0e+00;
	v1 =	vsel vm15, v1, v3;
	v3 =	vor.u32 $0x2, v0;
	[dreg:$0x1a] =	wrdreg s13;
	s20 =	sshrl.u32 @!p0 s0, $0x3;
	s0 =	simm.s32 $0x113A0  }
.LBB2_1:
0x2c: {  	[tilespmem:$0x131A0] =	vst v2  }
0x2d: {  	[tilespmem:$0x131B0] =	vst v2  }
0x2e: {  	[tilespmem:$0x131C0] =	vst v2  }
0x2f: {  	[tilespmem:$0x131D0] =	vst v2  }
0x30: {  	[tilespmem:$0x131E0] =	vst v2  }
0x31: {  	[tilespmem:$0x131F0] =	vst v2  }
0x32: {  	[tilespmem:$0x13200] =	vst v2  }
0x33: {  	[tilespmem:$0x13210] =	vst v2  }
0x34: {  	[tilespmem:$0x13220] =	vst v2  }
0x35: {  	[tilespmem:$0x13230] =	vst v2  }
0x36: {  	[tilespmem:$0x13240] =	vst v2  }
0x37: {  	[tilespmem:$0x13250] =	vst v2  }
0x38: {  	[tilespmem:$0x13260] =	vst v2  }
0x39: {  	[tilespmem:$0x13270] =	vst v2  }
0x3a: {  	[tilespmem:$0x13280] =	vst v2  }
0x3b: {  	[tilespmem:$0x13290] =	vst v2  }
0x3c: {  	[tilespmem:$0x132A0] =	vst v2  }
0x3d: {  	[tilespmem:$0x132B0] =	vst v2  }
0x3e: {  	[tilespmem:$0x132C0] =	vst v2  }
0x3f: {  	[tilespmem:$0x132D0] =	vst v2  }
0x40: {  	[tilespmem:$0x132E0] =	vst v2  }
0x41: {  	[tilespmem:$0x132F0] =	vst v2  }
0x42: {  	[tilespmem:$0x13300] =	vst v2  }
0x43: {  	[tilespmem:$0x13310] =	vst v2  }
0x44: {  	[tilespmem:$0x13320] =	vst v2  }
0x45: {  	[tilespmem:$0x13330] =	vst v2  }
0x46: {  	[tilespmem:$0x13340] =	vst v2  }
0x47: {  	[tilespmem:$0x13350] =	vst v2  }
0x48: {  	[tilespmem:$0x13360] =	vst v2  }
0x49: {  	[tilespmem:$0x13370] =	vst v2  }
0x4a: {  	[tilespmem:$0x13380] =	vst v2  }
0x4b: {  	[tilespmem:$0x13390] =	vst v2  }
0x4c: {  	[tilespmem:$0x133A0] =	vst v2  }
0x4d: {  	[tilespmem:$0x133B0] =	vst v2  }
0x4e: {  	[tilespmem:$0x133C0] =	vst v2  }
0x4f: {  	[tilespmem:$0x133D0] =	vst v2  }
0x50: {  	[tilespmem:$0x133E0] =	vst v2  }
0x51: {  	[tilespmem:$0x133F0] =	vst v2  }
0x52: {  	[tilespmem:$0x13400] =	vst v2  }
0x53: {  	[tilespmem:$0x13410] =	vst v2  }
0x54: {  	[tilespmem:$0x13420] =	vst v2  }
0x55: {  	[tilespmem:$0x13430] =	vst v2  }
0x56: {  	[tilespmem:$0x13440] =	vst v2  }
0x57: {  	[tilespmem:$0x13450] =	vst v2  }
0x58: {  	[tilespmem:$0x13460] =	vst v2  }
0x59: {  	[tilespmem:$0x13470] =	vst v2  }
0x5a: {  	[tilespmem:$0x13480] =	vst v2  }
0x5b: {  	[tilespmem:$0x13490] =	vst v2  }
0x5c: {  	[tilespmem:$0x134A0] =	vst v2  }
0x5d: {  	[tilespmem:$0x134B0] =	vst v2  }
0x5e: {  	[tilespmem:$0x134C0] =	vst v2  }
0x5f: {  	[tilespmem:$0x134D0] =	vst v2  }
0x60: {  	[tilespmem:$0x134E0] =	vst v2  }
0x61: {  	[tilespmem:$0x134F0] =	vst v2  }
0x62: {  	[tilespmem:$0x13500] =	vst v2  }
0x63: {  	[tilespmem:$0x13510] =	vst v2  }
0x64: {  	[tilespmem:$0x13520] =	vst v2  }
0x65: {  	[tilespmem:$0x13530] =	vst v2  }
0x66: {  	[tilespmem:$0x13540] =	vst v2  }
0x67: {  	[tilespmem:$0x13550] =	vst v2  }
0x68: {  	[tilespmem:$0x13560] =	vst v2  }
0x69: {  	[tilespmem:$0x13570] =	vst v2  }
0x6a: {  	[tilespmem:$0x13580] =	vst v2  }
0x6b: {  	[tilespmem:$0x13590] =	vst v2  }
0x6c: {  	[tilespmem:$0x135A0] =	vst v2  }
0x6d: {  	[tilespmem:$0x135B0] =	vst v2  }
0x6e: {  	[tilespmem:$0x135C0] =	vst v2  }
0x6f: {  	[tilespmem:$0x135D0] =	vst v2  }
0x70: {  	[tilespmem:$0x135E0] =	vst v2  }
0x71: {  	[tilespmem:$0x135F0] =	vst v2  }
0x72: {  	[tilespmem:$0x13600] =	vst v2  }
0x73: {  	[tilespmem:$0x13610] =	vst v2  }
0x74: {  	[spmem:s8] =	stream.linear.scatter [tilespmem:s23], [sflag:$0x1], $0x480, $0x38;
	[tilespmem:$0x13620] =	vst v63  }
0x75: {  	_ =	swait.ge [sflag:s24], $0x480  }
0x76: {  	[sflag:s24] =	ssyncset.done $0x0  }
0x77: {  	s5 =	rddreg [dreg:$0x6];
	[sflag:s24] =	ssyncadd.s32 $0xFFFFFB80  }
0x78: {  	[spmem:s5] =	stream.linear.scatter [tilespmem:s23], [sflag:$0x1], $0x480, $0x38;
	[tilespmem:$0x13620] =	vst v63  }
0x79: {  	_ =	swait.ge [sflag:s24], $0x480  }
0x7a: {  	[sflag:s24] =	ssyncset.done $0x0  }
0x7b: {  	s13 =	rddreg [dreg:$0x7];
	[sflag:s24] =	ssyncadd.s32 $0xFFFFFB80  }
0x7c: {  	[spmem:s13] =	stream.linear.scatter [tilespmem:s23], [sflag:$0x1], $0x480, $0x38;
	[tilespmem:$0x13620] =	vst v63  }
0x7d: {  	_ =	swait.ge [sflag:s24], $0x480  }
0x7e: {  	[sflag:s24] =	ssyncset.done $0x0  }
0x7f: {  	s9 =	rddreg [dreg:$0x8];
	[sflag:s24] =	ssyncadd.s32 $0xFFFFFB80  }
0x80: {  	[spmem:s9] =	stream.linear.scatter [tilespmem:s23], [sflag:$0x1], $0x480, $0x38;
	[tilespmem:$0x13620] =	vst v63  }
0x81: {  	_ =	swait.ge [sflag:s24], $0x480  }
0x82: {  	[sflag:s24] =	ssyncset.done $0x0  }
0x83: {  	s10 =	rddreg [dreg:$0x9];
	[sflag:s24] =	ssyncadd.s32 $0xFFFFFB80  }
0x84: {  	[spmem:s10] =	stream.linear.scatter [tilespmem:s23], [sflag:$0x1], $0x480, $0x38;
	[tilespmem:$0x13620] =	vst v63  }
0x85: {  	_ =	swait.ge [sflag:s24], $0x480  }
0x86: {  	[sflag:s24] =	ssyncset.done $0x0  }
0x87: {  	s11 =	rddreg [dreg:$0xb];
	[sflag:s24] =	ssyncadd.s32 $0xFFFFFB80  }
0x88: {  	[spmem:s11] =	stream.linear.scatter [tilespmem:s23], [sflag:$0x1], $0x480, $0x38;
	[tilespmem:$0x13620] =	vst v63  }
0x89: {  	_ =	swait.ge [sflag:s24], $0x480  }
0x8a: {  	[sflag:s24] =	ssyncset.done $0x0  }
0x8b: {  	s12 =	rddreg [dreg:$0xd];
	[sflag:s24] =	ssyncadd.s32 $0xFFFFFB80  }
0x8c: {  	[spmem:s12] =	stream.linear.scatter [tilespmem:s23], [sflag:$0x1], $0x480, $0x38;
	[tilespmem:$0x13620] =	vst v63  }
0x8d: {  	_ =	swait.ge [sflag:s24], $0x480  }
0x8e: {  	[sflag:s24] =	ssyncset.done $0x0  }
0x8f: {  	s13 =	rddreg [dreg:$0xf];
	[sflag:s24] =	ssyncadd.s32 $0xFFFFFB80  }
0x90: {  	[spmem:s13] =	stream.linear.scatter [tilespmem:s23], [sflag:$0x1], $0x480, $0x38;
	[tilespmem:$0x13620] =	vst v63  }
0x91: {  	_ =	swait.ge [sflag:s24], $0x480  }
0x92: {  	[sflag:s24] =	ssyncset.done $0x0  }
0x93: {  	s9 =	rddreg [dreg:$0x10];
	[sflag:s24] =	ssyncadd.s32 $0xFFFFFB80  }
0x94: {  	[spmem:s9] =	stream.linear.scatter [tilespmem:s23], [sflag:$0x1], $0x480, $0x38;
	[tilespmem:$0x13620] =	vst v63  }
0x95: {  	_ =	swait.ge [sflag:s24], $0x480  }
0x96: {  	[sflag:s24] =	ssyncset.done $0x0  }
0x97: {  	s10 =	rddreg [dreg:$0x11];
	[sflag:s24] =	ssyncadd.s32 $0xFFFFFB80  }
0x98: {  	[spmem:s10] =	stream.linear.scatter [tilespmem:s23], [sflag:$0x1], $0x480, $0x38;
	[tilespmem:$0x13620] =	vst v63  }
0x99: {  	_ =	swait.ge [sflag:s24], $0x480  }
0x9a: {  	[sflag:s24] =	ssyncset.done $0x0  }
0x9b: {  	s11 =	rddreg [dreg:$0x12];
	[sflag:s24] =	ssyncadd.s32 $0xFFFFFB80  }
0x9c: {  	[spmem:s11] =	stream.linear.scatter [tilespmem:s23], [sflag:$0x1], $0x480, $0x38;
	[tilespmem:$0x13620] =	vst v63  }
0x9d: {  	_ =	swait.ge [sflag:s24], $0x480  }
0x9e: {  	[sflag:s24] =	ssyncset.done $0x0  }
0x9f: {  	s12 =	rddreg [dreg:$0x13];
	[sflag:s24] =	ssyncadd.s32 $0xFFFFFB80  }
0xa0: {  	[spmem:s12] =	stream.linear.scatter [tilespmem:s23], [sflag:$0x1], $0x480, $0x38;
	[tilespmem:$0x13620] =	vst v63  }
0xa1: {  	_ =	swait.ge [sflag:s24], $0x480  }
0xa2: {  	[sflag:s24] =	ssyncset.done $0x0  }
0xa3: {  	s13 =	rddreg [dreg:$0x14];
	[sflag:s24] =	ssyncadd.s32 $0xFFFFFB80  }
0xa4: {  	[spmem:s13] =	stream.linear.scatter [tilespmem:s23], [sflag:$0x1], $0x480, $0x38;
	[tilespmem:$0x13620] =	vst v63  }
0xa5: {  	_ =	swait.ge [sflag:s24], $0x480  }
0xa6: {  	[sflag:s24] =	ssyncset.done $0x0  }
0xa7: {  	s9 =	rddreg [dreg:$0x15];
	[sflag:s24] =	ssyncadd.s32 $0xFFFFFB80  }
0xa8: {  	[spmem:s9] =	stream.linear.scatter [tilespmem:s23], [sflag:$0x1], $0x480, $0x38;
	[tilespmem:$0x13620] =	vst v63  }
0xa9: {  	_ =	swait.ge [sflag:s24], $0x480  }
0xaa: {  	[sflag:s24] =	ssyncset.done $0x0  }
0xab: {  	s10 =	rddreg [dreg:$0x16];
	[sflag:s24] =	ssyncadd.s32 $0xFFFFFB80  }
0xac: {  	[spmem:s10] =	stream.linear.scatter [tilespmem:s23], [sflag:$0x1], $0x480, $0x38;
	[tilespmem:$0x13620] =	vst v63  }
0xad: {  	_ =	swait.ge [sflag:s24], $0x480  }
0xae: {  	[sflag:s24] =	ssyncset.done $0x0  }
0xaf: {  	s11 =	rddreg [dreg:$0x17];
	[sflag:s24] =	ssyncadd.s32 $0xFFFFFB80  }
0xb0: {  	[spmem:s11] =	stream.linear.scatter [tilespmem:s23], [sflag:$0x1], $0x480, $0x38;
	[tilespmem:$0x13620] =	vst v63  }
0xb1: {  	_ =	swait.ge [sflag:s24], $0x480  }
0xb2: {  	[sflag:s24] =	ssyncset.done $0x0  }
0xb3: {  	s12 =	rddreg [dreg:$0x18];
	[sflag:s24] =	ssyncadd.s32 $0xFFFFFB80  }
0xb4: {  	[spmem:s12] =	stream.linear.scatter [tilespmem:s23], [sflag:$0x1], $0x480, $0x38;
	[tilespmem:$0x13620] =	vst v63  }
0xb5: {  	_ =	swait.ge [sflag:s24], $0x480  }
0xb6: {  	[sflag:s24] =	ssyncset.done $0x0  }
0xb7: {  	s13 =	rddreg [dreg:$0x19];
	[sflag:s24] =	ssyncadd.s32 $0xFFFFFB80  }
0xb8: {  	[spmem:s13] =	stream.linear.scatter [tilespmem:s23], [sflag:$0x1], $0x480, $0x38;
	[tilespmem:$0x13620] =	vst v63  }
0xb9: {  	_ =	swait.ge [sflag:s24], $0x480  }
0xba: {  	[sflag:s24] =	ssyncset.done $0x0  }
0xbb: {  	s9 =	rddreg [dreg:$0x1a];
	[sflag:s24] =	ssyncadd.s32 $0xFFFFFB80  }
0xbc: {  	[spmem:s9] =	stream.linear.scatter [tilespmem:s23], [sflag:$0x1], $0x480, $0x38;
	[tilespmem:$0x13620] =	vst v63  }
0xbd: {  	_ =	swait.ge [sflag:s24], $0x480  }
0xbe: {  	[sflag:s24] =	ssyncset.done $0x0  }
0xbf: {  	s10 =	rddreg [dreg:$0x1b];
	[sflag:s24] =	ssyncadd.s32 $0xFFFFFB80  }
0xc0: {  	[spmem:s10] =	stream.linear.scatter [tilespmem:s23], [sflag:$0x1], $0x480, $0x38;
	[tilespmem:$0x13620] =	vst v63  }
0xc1: {  	_ =	swait.ge [sflag:s24], $0x480  }
0xc2: {  	[sflag:s24] =	ssyncset.done $0x0  }
0xc3: {  	s11 =	rddreg [dreg:$0x1c];
	[sflag:s24] =	ssyncadd.s32 $0xFFFFFB80  }
0xc4: {  	[spmem:s11] =	stream.linear.scatter [tilespmem:s23], [sflag:$0x1], $0x480, $0x38;
	[tilespmem:$0x13620] =	vst v63  }
0xc5: {  	_ =	swait.ge [sflag:s24], $0x480  }
0xc6: {  	[sflag:s24] =	ssyncset.done $0x0  }
0xc7: {  	s12 =	rddreg [dreg:$0x1d];
	[sflag:s24] =	ssyncadd.s32 $0xFFFFFB80  }
0xc8: {  	[spmem:s12] =	stream.linear.scatter [tilespmem:s23], [sflag:$0x1], $0x480, $0x38;
	[tilespmem:$0x13620] =	vst v63  }
0xc9: {  	_ =	swait.ge [sflag:s24], $0x480  }
0xca: {  	[sflag:s24] =	ssyncset.done $0x0  }
0xcb: {  	s13 =	rddreg [dreg:$0x1e];
	[sflag:s24] =	ssyncadd.s32 $0xFFFFFB80  }
0xcc: {  	[spmem:s13] =	stream.linear.scatter [tilespmem:s23], [sflag:$0x1], $0x480, $0x38;
	[tilespmem:$0x13620] =	vst v63  }
0xcd: {  	_ =	swait.ge [sflag:s24], $0x480  }
0xce: {  	[sflag:s24] =	ssyncset.done $0x0  }
0xcf: {  	s9 =	rddreg [dreg:$0x1f];
	[sflag:s24] =	ssyncadd.s32 $0xFFFFFB80  }
0xd0: {  	[spmem:s9] =	stream.linear.scatter [tilespmem:s23], [sflag:$0x1], $0x480, $0x38;
	[tilespmem:$0x13620] =	vst v63  }
0xd1: {  	_ =	swait.ge [sflag:s24], $0x480  }
0xd2: {  	s10 =	sld [smem:$0x7FB]  }
0xd3: {  	[sflag:s24] =	ssyncset.done $0x0  }
0xd4: {  	[sflag:s24] =	ssyncadd.s32 $0xFFFFFB80  }
0xd5: {  	[spmem:s10] =	stream.linear.scatter [tilespmem:s23], [sflag:$0x1], $0x480, $0x38;
	[tilespmem:$0x13620] =	vst v63  }
0xd6: {  	_ =	swait.ge [sflag:s24], $0x480  }
0xd7: {  	s11 =	sld [smem:$0x7FC]  }
0xd8: {  	[sflag:s24] =	ssyncset.done $0x0  }
0xd9: {  	[sflag:s24] =	ssyncadd.s32 $0xFFFFFB80  }
0xda: {  	[spmem:s11] =	stream.linear.scatter [tilespmem:s23], [sflag:$0x1], $0x480, $0x38;
	[tilespmem:$0x13620] =	vst v63  }
0xdb: {  	s12 =	stileid.u32;
	_ =	swait.ge [sflag:s24], $0x480  }
0xdc: {  	s5 =	sshll.u32 s12, $0x6;
	[sflag:s24] =	ssyncset.done $0x0  }
0xdd: {  	s5 =	sor.u32 $0x1C01, s5;
	s9 =	rddreg [dreg:$0xa];
	[sflag:s24] =	ssyncadd.s32 $0xFFFFFB80  }
0xde: {  	[spmem:s17], [sflag:s5] =	dma.local [hbm:s9], $0x9C0  }
0xdf: {  	_ =	swait.ge [sflag:s24], $0x9C0  }
0xe0: {  	[sflag:s24] =	ssyncset.done $0x0  }
0xe1: {  	s13 =	rddreg [dreg:$0xc];
	[sflag:s24] =	ssyncadd.s32 $0xFFFFF640  }
0xe2: {  	[spmem:s18], [sflag:s5] =	dma.local [hbm:s13], $0x4E0  }
0xe3: {  	_ =	swait.ge [sflag:s24], $0x4E0  }
0xe4: {  	[sflag:s24] =	ssyncset.done $0x0  }
0xe5: {  	s9 =	simm.s32 @!p0 $0x131A0;
	[sflag:s24] =	ssyncadd.s32 $0xFFFFFB20  }
0xe6: {  	[spmem:s21] =	stream.linear.scatter @!p0 [tilespmem:s9], [sflag:$0x1], $0x300, $0x38;
	[tilespmem:$0x13620] =	vst v63  }
0xe7: {  	s9 =	simm.s32 @!p0 $0x1  }
0xe8: {  	_ =	swait.ge @!p0 [sflag:s9], $0x300  }
0xe9: {  	s10 =	sld [smem:$0x7FD]  }
0xea: {  	[sflag:s9] =	ssyncset.done @!p0 $0x0  }
0xeb: {  	[sflag:s9] =	ssyncadd.s32 @!p0 $0xFFFFFD00  }
0xec: {  	[spmem:s19], [sflag:s5] =	dma.local @!p0 [hbm:s10], $0x40  }
0xed: {  	_ =	swait.ge @!p0 [sflag:s9], $0x40  }
0xee: {  	[sflag:s9] =	ssyncset.done @!p0 $0x0  }
0xef: {  	[sflag:s9] =	ssyncadd.s32 @!p0 $0xFFFFFFC0  }
0xf0: {  	[spmem:s20], [sflag:s5] =	dma.local @!p0 [hbm:s14], $0x20  }
0xf1: {  	_ =	swait.ge @!p0 [sflag:s9], $0x20  }
0xf2: {  	[sflag:s9] =	ssyncset.done @!p0 $0x0  }
0xf3: {  	[sflag:s9] =	ssyncadd.s32 @!p0 $0xFFFFFFE0  }
0xf4: {  	s9 =	simm.s32 $0x0;
	[bflag:$0x0] =	sbarrier.arrive $0xFFFF  }
.LBB2_2:
0xf5: {  	s10 =	smul.u32 $0xA0, s9;
	_ =	sdelay $0x1  }
0xf6: {  	s10 =	sadd.s32 s22, s10  }
0xf7: {  	s10 =	sshrl.u32 s10, $0x3  }
0xf8: {  	s12 =	simm.s32 $0x0;
	s11 =	sadd.s32 s6, s10  }
0xf9: {  	[tilespmem:s25], [sflag:$0x1] =	stream.linear.gather [hbm4b:s11+s12], $0xA0, $0x38;
	[tilespmem:$0x13620] =	vst v63  }
0xfa: {  	_ =	swait.ge [sflag:s24], $0xA0  }
0xfb: {  	[sflag:s24] =	ssyncset.done $0x0  }
0xfc: {  	s10 =	sadd.s32 s7, s10;
	[sflag:s24] =	ssyncadd.s32 $0xFFFFFF60  }
0xfd: {  	[tilespmem:s26], [sflag:$0x1] =	stream.linear.gather [hbm4b:s10+s12], $0xA0, $0x38;
	[tilespmem:$0x13620] =	vst v63  }
0xfe: {  	_ =	swait.ge [sflag:s24], $0xA0  }
0xff: {  	[sflag:s24] =	ssyncset.done $0x0  }
0x100: {  	[sflag:s24] =	ssyncadd.s32 $0xFFFFFF60  }
0x101: {  	[tilespmem:s29], [sflag:$0x1] =	stream.indirect.gather [spmem:s3], $0x10, s25, s28, $0xb8;
	[tilespmem:$0x13620] =	vst v63  }
0x102: {  	_ =	swait.ge [sflag:s24], $0xA00  }
0x103: {  	[sflag:s24] =	ssyncset.done $0x0  }
0x104: {  	[sflag:s24] =	ssyncadd.s32 $0xFFFFF600  }
0x105: {  	[tilespmem:s30], [sflag:$0x1] =	stream.indirect.gather [spmem:s3], $0x10, s26, s28, $0xb8;
	[tilespmem:$0x13620] =	vst v63  }
0x106: {  	_ =	swait.ge [sflag:s24], $0xA00  }
0x107: {  	[sflag:s24] =	ssyncset.done $0x0  }
0x108: {  	[sflag:s24] =	ssyncadd.s32 $0xFFFFF600  }
0x109: {  	[tilespmem:s31], [sflag:$0x1] =	stream.indirect.gather [spmem:s2], $0x20, s25, s28, $0xb8;
	[tilespmem:$0x13620] =	vst v63  }
0x10a: {  	_ =	swait.ge [sflag:s24], $0x1400  }
0x10b: {  	[sflag:s24] =	ssyncset.done $0x0  }
0x10c: {  	s13 =	simm.s32 $0x0;
	[sflag:s24] =	ssyncadd.s32 $0xFFFFEC00  }
0x10d: {  	v4 =	vld [tilespmem:s13+$0xF5A0];
	_ =	sdelay $0x1  }
0x10e: {  	v5 =	vld [tilespmem:s13+$0xEBA0];
	_ =	sdelay $0x2  }
0x10f: {  	v4 =	vperm.xlane v4, v1;
	_ =	sdelay $0x1  }
0x110: {  	v4 =	vadd.f32 v4, v5;
	_ =	sdelay $0x1  }
0x111: {  	v5 =	vmul.f32 $2.000000030e-01, v4  }
0x112: {  	vm0 =	vgt.f32 v4, $0.0e+00  }
0x113: {  	v4 =	vsel vm0, v4, v5  }
0x114: {  	v4 =	vmul.f32 $1.442695020e+00, v4;
	_ =	sdelay $0x1  }
0x115: {  	(erf) = vpow2.f32 v4;
	_ =	sdelay $0x8  }
0x116: {  	s10 =	simm.s32 $0x113B0;
	v4 =	vpop (erf)  }
0x117: {  	s11 =	simm.s32 $0xFFB0;
	[tilespmem:s10+$0x10] =	vst v4  }
0x118: {  	v5 =	vld [tilespmem:s11+$0xFFFFFFF0];
	_ =	sdelay $0x2  }
0x119: {  	v6 =	vperm.xlane v4, v0;
	_ =	sdelay $0x1  }
0x11a: {  	v5 =	vmul.f32 v5, v6;
	_ =	sdelay $0x1  }
0x11b: {  	[tilespmem:s10+$0xFFFFFFF0] =	vst v5  }
0x11c: {  	v5 =	vld [tilespmem:s11+$0x0];
	_ =	sdelay $0x2  }
0x11d: {  	v4 =	vperm.xlane v4, v3;
	_ =	sdelay $0x1  }
0x11e: {  	v4 =	vmul.f32 v5, v4;
	_ =	sdelay $0x1  }
0x11f: {  	s12 =	simm.s32 $0x80;
	s13 =	simm.s32 $0x10;
	[tilespmem:s10+$0x0] =	vst v4  }
.LBB2_3:
0x120: {  	p1 =	sne.s32 s12, $0x27C0;
	v4 =	vld [tilespmem:s13+$0xF5A0]  }
0x121: {  	v5 =	vld [tilespmem:s13+$0xEBA0];
	_ =	sdelay $0x3  }
0x122: {  	v4 =	vperm.xlane v4, v1;
	_ =	sdelay $0x1  }
0x123: {  	v4 =	vadd.f32 v4, v5;
	_ =	sdelay $0x1  }
0x124: {  	v5 =	vmul.f32 $2.000000030e-01, v4  }
0x125: {  	vm0 =	vgt.f32 v4, $0.0e+00  }
0x126: {  	v4 =	vsel vm0, v4, v5  }
0x127: {  	v4 =	vmul.f32 $1.442695020e+00, v4;
	_ =	sdelay $0x1  }
0x128: {  	(erf) = vpow2.f32 v4;
	_ =	sdelay $0x8  }
0x129: {  	s10 =	sadd.s32 $0x30, s10;
	v4 =	vpop (erf)  }
0x12a: {  	s11 =	sadd.s32 $0x20, s11;
	[tilespmem:s10+$0x10] =	vst v4;
	v5 =	vperm.xlane v4, v3  }
0x12b: {  	v6 =	vld [tilespmem:s11+$0xFFFFFFF0];
	_ =	sdelay $0x2  }
0x12c: {  	v4 =	vperm.xlane v4, v0;
	_ =	sdelay $0x1  }
0x12d: {  	v4 =	vmul.f32 v6, v4;
	_ =	sdelay $0x1  }
0x12e: {  	[tilespmem:s10+$0xFFFFFFF0] =	vst v4  }
0x12f: {  	v4 =	vld [tilespmem:s11+$0x0];
	_ =	sdelay $0x2  }
.Ltmp0:
0x130: {  	(pc) =	sbr.rel @p1 .LBB2_3-.Ltmp0, $3  }
0x131: {  	_ = 	snop  }
0x132: {  	v4 =	vmul.f32 v4, v5;
	_ =	sdelay $0x1  }
0x133: {  	s13 =	sshra.s32 s12, $0x2;
	s12 =	sadd.s32 $0x40, s12;
	[tilespmem:s10+$0x0] =	vst v4  }
0x134: {  	v4 =	vld [tilespmem:s13+$0xF5A0];
	_ =	sdelay $0x1  }
0x135: {  	v5 =	vld [tilespmem:s13+$0xEBA0];
	_ =	sdelay $0x2  }
0x136: {  	v4 =	vperm.xlane v4, v1;
	_ =	sdelay $0x1  }
0x137: {  	v4 =	vadd.f32 v4, v5;
	_ =	sdelay $0x1  }
0x138: {  	v5 =	vmul.f32 $2.000000030e-01, v4  }
0x139: {  	vm0 =	vgt.f32 v4, $0.0e+00  }
0x13a: {  	v4 =	vsel vm0, v4, v5  }
0x13b: {  	v4 =	vmul.f32 $1.442695020e+00, v4;
	_ =	sdelay $0x1  }
0x13c: {  	(erf) = vpow2.f32 v4;
	_ =	sdelay $0x8  }
0x13d: {  	s10 =	sadd.s32 $0x30, s10;
	v4 =	vpop (erf)  }
0x13e: {  	s11 =	sadd.s32 $0x20, s11;
	[tilespmem:s10+$0x10] =	vst v4  }
0x13f: {  	v5 =	vld [tilespmem:s11+$0xFFFFFFF0];
	_ =	sdelay $0x2  }
0x140: {  	v6 =	vperm.xlane v4, v0;
	_ =	sdelay $0x1  }
0x141: {  	v5 =	vmul.f32 v5, v6;
	_ =	sdelay $0x1  }
0x142: {  	[tilespmem:s10+$0xFFFFFFF0] =	vst v5  }
0x143: {  	v5 =	vld [tilespmem:s11+$0x0];
	_ =	sdelay $0x2  }
0x144: {  	v4 =	vperm.xlane v4, v3;
	_ =	sdelay $0x1  }
0x145: {  	s9 =	sadd.s32 $0x1, s9;
	v4 =	vmul.f32 v5, v4  }
0x146: {  	p1 =	sne.s32 s9, $0x7D  }
.Ltmp1:
0x147: {  	[tilespmem:s10+$0x0] =	vst v4;
	(pc) =	sbr.rel @p1 .LBB2_2-.Ltmp1, $4  }
0x148: {  	[spmem:s1] =	stream.indirect.scatter.add.f32 [tilespmem:s0], [sflag:$0x1], $0x30, s26, s28, $0xb8;
	[tilespmem:$0x13620] =	vst v63  }
0x149: {  	_ =	swait.ge [sflag:s24], $0x1E00  }
0x14a: {  	[sflag:s24] =	ssyncset.done $0x0  }
0x14b: {  	[sflag:s24] =	ssyncadd.s32 $0xFFFFE200  }
0x14c: {  	[bflag:$0x0] =	sbarrier.arrive $0xFFFF  }
0x14d: {  	s9 =	sshrl.u32 s8, $0x3;
	s10 =	rddreg [dreg:$0xe]  }
0x14e: {  	[hbm:s10], [sflag:s5] =	dma.local [spmem:s9], $0xEA0  }
0x14f: {  	_ =	swait.ge [sflag:s24], $0xEA0  }
0x150: {  	s4 =	sadd.s32 $0x1, s4;
	[sflag:s24] =	ssyncset.done $0x0  }
0x151: {  	p1 =	sne.s32 s4, s16;
	s9 =	sshrl.u32 @!p0 s21, $0x3;
	[sflag:s24] =	ssyncadd.s32 $0xFFFFF160  }
0x152: {  	[hbm:s15], [sflag:s5] =	dma.local @!p0 [spmem:s9], $0x60  }
.Ltmp2:
0x153: {  	_ = 	snop;
	(pc) =	sbr.rel @p1 .LBB2_1-.Ltmp2, $4  }
0x154: {  	s5 =	simm.s32 @!p0 $0x1  }
0x155: {  	_ =	swait.ge @!p0 [sflag:s5], $0x60  }
0x156: {  	[sflag:s5] =	ssyncset.done @!p0 $0x0  }
0x157: {  	[sflag:s5] =	ssyncadd.s32 @!p0 $0xFFFFFFA0  }
0x158: {  	_ =	sfence.sel $0x180000  }
0x159: {  	[bflag:$0x0] =	sbarrier.arrive $0xFFFF  }
0x15a: {  	_ =	strace $0x90000047  }
0x15b: {  	s0 =	stileid.u32;
	[bflag:$0x2] =	sbarrier.arrive $0xFFFF  }
0x15c: {  	p0 =	sne.s32 s0, $0x0;
	s0 =	rddreg [dreg:$0x5]  }
0x15d: {  	s0 =	sadd.s32 @!p0 $0x100000, s0  }
0x15e: {  	[sflag:s0] =	ssyncadd.tile.s32 @!p0 $0x1;
	_ =	shalt  }
.Lfunc_end2:
_tile_overlayer_lowered:
.L_overlay_start_2:
0x15f: {  	(tag) =	ssettag $0x2  }
0x160: {  	s0 =	rddreg [dreg:$0x0];
	s2 =	stileid.u32  }
0x161: {  	s1 =	rddreg [dreg:$0x1];
	p0 =	sne.s32 s2, $0x0  }
0x162: {  	s3 =	rddreg [dreg:$0x2];
	[bflag:$0x3] =	sbarrier.arrive $0xFFFF;
	s2 =	simm.s32 @!p0 $0x1C01  }
0x163: {  	[timem:s3], [sflag:s2] =	dma.local @!p0 [hbm:s0], s1  }
0x164: {  	s0 =	simm.s32 @!p0 $0x1  }
0x165: {  	_ =	swait.ge @!p0 [sflag:s0], s1  }
0x166: {  	s1 =	ssub.s32 @!p0 $0x0, s1;
	[sflag:s0] =	ssyncset.done @!p0 $0x0  }
0x167: {  	[sflag:s0] =	ssyncadd.s32 @!p0 s1  }
0x168: {  	[bflag:$0x3] =	sbarrier.arrive $0xFFFF  }
0x169: {  	_ =	shalt  }

</sc_bundles>
